<compile_context>
chip_gen: v7x
topology: tpu7x:2x2x1
jax: 0.10.2.dev20260603
libtpu: 0.0.44.dev20260713+nightly
codegen_flags: <defaults>
</compile_context>

<pallas_src>
import functools

import jax
import jax.numpy as jnp
from jax import lax
from jax.experimental import pallas as pl
from jax.experimental.pallas import tpu as pltpu
from jax.experimental.pallas import tpu_sc as plsc

_B = 256
_A = 5
_MO = 995
_NNF = 8
_MN = 1000
_H = 8
_C = 16
_HID = 128
_OUT = 2

_N = _B * _MN
_EP = 1024
_NW = 32
_CH = 64
_NU = _B * _EP // _CH
_UPW = _NU // _NW
_DW = 256
_RB = 2000
_EPS = 1e-16



def _tc_pre_body(x_ref, w_ref, as_ref, ad_ref, xe_ref, ado_ref):
    xw = jnp.dot(x_ref[...], w_ref[...], preferred_element_type=jnp.float32)
    xe_ref[:, :_HID] = xw
    xe_ref[:, _HID:] = jnp.dot(xw, as_ref[...], preferred_element_type=jnp.float32)
    ado_ref[...] = jnp.dot(xw, ad_ref[...], preferred_element_type=jnp.float32)


def _tc_pre(x, w, as_e, ad_e):
    grid = _N // _RB
    full = lambda i: (0, 0)
    rows = lambda i: (i, 0)
    return pl.pallas_call(
        _tc_pre_body,
        grid=(grid,),
        in_specs=[pl.BlockSpec((_RB, _NNF), rows),
                  pl.BlockSpec((_NNF, _HID), full),
                  pl.BlockSpec((_HID, _HID), full),
                  pl.BlockSpec((_HID, _HID), full)],
        out_specs=[pl.BlockSpec((_RB, _DW), rows),
                   pl.BlockSpec((_RB, _HID), rows)],
        out_shape=[jax.ShapeDtypeStruct((_N, _DW), jnp.float32),
                   jax.ShapeDtypeStruct((_N, _HID), jnp.float32)],
    )(x, w, as_e, ad_e)



def _onehot_acc(dstl_ref, tw_ref):
    dstl = dstl_ref[0]
    io = lax.broadcasted_iota(jnp.int32, (_MN, _EP), 0)
    d2 = (io == dstl).astype(jnp.bfloat16)
    twb = tw_ref[0].astype(jnp.bfloat16)
    return jnp.dot(d2, twb, preferred_element_type=jnp.float32), d2


def _tc_agg1_body(tw_ref, dstl_ref, ea16_ref, b1_ref, w_ref, as_ref, ad_ref,
                  xe_ref, ado_ref, ls_ref):
    accden, d2 = _onehot_acc(dstl_ref, tw_ref)
    ls_ref[0] = jnp.dot(d2, ea16_ref[0].astype(jnp.bfloat16),
                        preferred_element_type=jnp.float32)
    acc = accden[:, :_HID]
    den = accden[:, _HID:]
    x = jnp.maximum(acc / (den + _EPS) + b1_ref[...], 0.0)
    xw = jnp.dot(x, w_ref[...], preferred_element_type=jnp.float32)
    xe_ref[0, :, :_HID] = xw
    xe_ref[0, :, _HID:] = jnp.dot(xw, as_ref[...], preferred_element_type=jnp.float32)
    ado_ref[0] = jnp.dot(xw, ad_ref[...], preferred_element_type=jnp.float32)


def _tc_agg1(tw, dstl, ea16, b1, w, as_e, ad_e):
    full = lambda g: (0, 0)
    g3 = lambda g: (g, 0, 0)
    return pl.pallas_call(
        _tc_agg1_body,
        grid=(_B,),
        in_specs=[pl.BlockSpec((1, _EP, _DW), g3),
                  pl.BlockSpec((1, 1, _EP), g3),
                  pl.BlockSpec((1, _EP, 16), g3),
                  pl.BlockSpec((1, _HID), full),
                  pl.BlockSpec((_HID, _HID), full),
                  pl.BlockSpec((_HID, _HID), full),
                  pl.BlockSpec((_HID, _HID), full)],
        out_specs=[pl.BlockSpec((1, _MN, _DW), g3),
                   pl.BlockSpec((1, _MN, _HID), g3),
                   pl.BlockSpec((1, _MN, 16), g3)],
        out_shape=[jax.ShapeDtypeStruct((_B, _MN, _DW), jnp.float32),
                   jax.ShapeDtypeStruct((_B, _MN, _HID), jnp.float32),
                   jax.ShapeDtypeStruct((_B, _MN, 16), jnp.float32)],
    )(tw, dstl, ea16, b1, w, as_e, ad_e)


def _tc_agg2_body(tw_ref, dstl_ref, xep_ref, adp_ref, ls_ref, we_ref, bp_ref,
                  w_ref, as_ref, ad_ref, xe_ref, ado_ref):
    accden, _ = _onehot_acc(dstl_ref, tw_ref)
    xwp = xep_ref[0, :, :_HID]
    asp = xep_ref[0, :, _HID:]
    adp = adp_ref[0]
    la = ls_ref[0, :, 0:1] / jnp.maximum(ls_ref[0, :, 1:2], 1.0)
    al = asp + adp + la * we_ref[...]
    sl = jnp.exp(jnp.maximum(al, 0.2 * al))
    acc = accden[:, :_HID] + xwp * sl
    den = accden[:, _HID:] + sl
    x = jnp.maximum(acc / (den + _EPS) + bp_ref[...], 0.0)
    xw = jnp.dot(x, w_ref[...], preferred_element_type=jnp.float32)
    xe_ref[0, :, :_HID] = xw
    xe_ref[0, :, _HID:] = jnp.dot(xw, as_ref[...], preferred_element_type=jnp.float32)
    ado_ref[0] = jnp.dot(xw, ad_ref[...], preferred_element_type=jnp.float32)


def _tc_agg2(tw, dstl, xep, adp, ls, we, bp, w, as_e, ad_e):
    full = lambda g: (0, 0)
    g3 = lambda g: (g, 0, 0)
    return pl.pallas_call(
        _tc_agg2_body,
        grid=(_B,),
        in_specs=[pl.BlockSpec((1, _EP, _DW), g3),
                  pl.BlockSpec((1, 1, _EP), g3),
                  pl.BlockSpec((1, _MN, _DW), g3),
                  pl.BlockSpec((1, _MN, _HID), g3),
                  pl.BlockSpec((1, _MN, 16), g3),
                  pl.BlockSpec((1, _HID), full),
                  pl.BlockSpec((1, _HID), full),
                  pl.BlockSpec((_HID, _HID), full),
                  pl.BlockSpec((_HID, _HID), full),
                  pl.BlockSpec((_HID, _HID), full)],
        out_specs=[pl.BlockSpec((1, _MN, _DW), g3),
                   pl.BlockSpec((1, _MN, _HID), g3)],
        out_shape=[jax.ShapeDtypeStruct((_B, _MN, _DW), jnp.float32),
                   jax.ShapeDtypeStruct((_B, _MN, _HID), jnp.float32)],
    )(tw, dstl, xep, adp, ls, we, bp, w, as_e, ad_e)


def _tc_head_body(tw_ref, dstl_ref, xep_ref, adp_ref, ls_ref, we_ref, bp_ref,
                  f1w_ref, f1b_ref, f2w_ref, f2b_ref, out_ref):
    accden, _ = _onehot_acc(dstl_ref, tw_ref)
    xwp = xep_ref[0, :, :_HID]
    asp = xep_ref[0, :, _HID:]
    adp = adp_ref[0]
    la = ls_ref[0, :, 0:1] / jnp.maximum(ls_ref[0, :, 1:2], 1.0)
    al = asp + adp + la * we_ref[...]
    sl = jnp.exp(jnp.maximum(al, 0.2 * al))
    acc = accden[:, :_HID] + xwp * sl
    den = accden[:, _HID:] + sl
    x3 = jnp.maximum(acc / (den + _EPS) + bp_ref[...], 0.0)
    emb = jnp.mean(x3, axis=0, keepdims=True)
    agent = x3[:8, :]
    comb = jnp.concatenate([agent, jnp.broadcast_to(emb, (8, _HID))], axis=1)
    h = jnp.dot(comb, f1w_ref[...], preferred_element_type=jnp.float32) + f1b_ref[...]
    h = jnp.maximum(h, 0.0)
    out_ref[0] = jnp.dot(h, f2w_ref[...], preferred_element_type=jnp.float32) + f2b_ref[...]


def _tc_head(tw, dstl, xep, adp, ls, we, bp, f1w, f1b, f2w, f2b):
    full = lambda g: (0, 0)
    g3 = lambda g: (g, 0, 0)
    return pl.pallas_call(
        _tc_head_body,
        grid=(_B,),
        in_specs=[pl.BlockSpec((1, _EP, _DW), g3),
                  pl.BlockSpec((1, 1, _EP), g3),
                  pl.BlockSpec((1, _MN, _DW), g3),
                  pl.BlockSpec((1, _MN, _HID), g3),
                  pl.BlockSpec((1, _MN, 16), g3),
                  pl.BlockSpec((1, _HID), full),
                  pl.BlockSpec((1, _HID), full),
                  pl.BlockSpec((2 * _HID, _HID), full),
                  pl.BlockSpec((1, _HID), full),
                  pl.BlockSpec((_HID, _HID), full),
                  pl.BlockSpec((1, _HID), full)],
        out_specs=pl.BlockSpec((1, 8, _HID), g3),
        out_shape=jax.ShapeDtypeStruct((_B, 8, _HID), jnp.float32),
    )(tw, dstl, xep, adp, ls, we, bp, f1w, f1b, f2w, f2b)



_MB = 8
_NM = _NU // _MB
_MPW = _NM // _NW


@functools.cache
def _sc_edges():
    mesh = plsc.VectorSubcoreMesh(core_axis_name="c", subcore_axis_name="s")
    scratch = [
        pltpu.VMEM((_MB, 2, _CH), jnp.int32),
        pltpu.VMEM((_MB, _CH, 16), jnp.float32),
        pltpu.VMEM((2, _CH, _DW), jnp.float32),
        pltpu.VMEM((2, _CH, _HID), jnp.float32),
        pltpu.VMEM((_HID,), jnp.float32),
        pltpu.SemaphoreType.DMA,
        pltpu.SemaphoreType.DMA,
    ]

    @functools.partial(
        pl.kernel,
        out_type=jax.ShapeDtypeStruct((_NU, _CH, _DW), jnp.float32),
        mesh=mesh,
        scratch_types=scratch,
    )
    def sc(xe, ad, idxp, ea16, we, tw_out,
           idxb, eab, gsrc, gdst, wev, sems, semd):
        c = lax.axis_index("c")
        s = lax.axis_index("s")
        w = s * 2 + c
        pltpu.sync_copy(we, wev)

        def start(jj, b):
            pltpu.async_copy(xe.at[idxb.at[jj, 0]], gsrc.at[b], sems)
            pltpu.async_copy(ad.at[idxb.at[jj, 1]], gdst.at[b], semd)

        def drain(jj, b):
            pltpu.make_async_copy(xe.at[idxb.at[jj, 0]], gsrc.at[b], sems).wait()
            pltpu.make_async_copy(ad.at[idxb.at[jj, 1]], gdst.at[b], semd).wait()

        @pl.loop(0, _MPW)
        def _macros(mm):
            m = w * _MPW + mm
            pltpu.sync_copy(idxp.at[m], idxb)
            pltpu.sync_copy(ea16.at[m], eab)
            start(0, 0)
            for jj in range(_MB):
                b = jj % 2
                if jj + 1 < _MB:
                    start(jj + 1, 1 - b)
                drain(jj, b)

                pass

                pltpu.sync_copy(gsrc.at[b], tw_out.at[m * _MB + jj])

    return sc



def _expanders(att_src, att_dst):
    r = jnp.repeat(jnp.eye(_H, dtype=jnp.float32), _C, axis=0)
    headmask = r @ r.T
    as_e = att_src.reshape(_HID)[:, None] * headmask
    ad_e = att_dst.reshape(_HID)[:, None] * headmask
    return as_e, ad_e


def _we_expand(we, att_e):
    wv = (we.reshape(_H, _C) * att_e).sum(-1)
    return jnp.repeat(wv, _C).reshape(1, _HID)


def kernel(tensor, conv1_W, conv1_att_src, conv1_att_dst, conv1_We, conv1_att_e, conv1_b,
           conv2_W, conv2_att_src, conv2_att_dst, conv2_We, conv2_att_e, conv2_b,
           conv3_W, conv3_att_src, conv3_att_dst, conv3_We, conv3_att_e, conv3_b,
           fc1_W, fc1_b, fc2_W, fc2_b):
    s0 = _MN * _NNF
    s1 = s0 + _MO * 2
    s2 = s1 + _MO
    x0 = tensor[:, :s0].reshape(_N, _NNF)
    ei = tensor[:, s0:s1].reshape(_B, _MO, 2).astype(jnp.int32)
    ea = tensor[:, s1:s2].reshape(_B, _MO)

    src_l = jnp.pad(ei[:, :, 0], ((0, 0), (0, _EP - _MO)))
    dst_l = jnp.pad(ei[:, :, 1], ((0, 0), (0, _EP - _MO)),
                    constant_values=_MN)
    ea_p = jnp.pad(ea, ((0, 0), (0, _EP - _MO)))
    off = (jnp.arange(_B, dtype=jnp.int32) * _MN)[:, None]
    src_g = (src_l + off).reshape(_NU, _CH)
    dst_g = (jnp.minimum(dst_l, _MN - 1) + off).reshape(_NU, _CH)
    idxp = jnp.stack([src_g, dst_g], axis=1).reshape(_NM, _MB, 2, _CH)
    ea16 = jnp.broadcast_to(ea_p.reshape(_NU, _CH, 1),
                            (_NU, _CH, 16)).reshape(_NM, _MB, _CH, 16)
    dstl3 = dst_l.reshape(_B, 1, _EP)
    lane16 = jnp.arange(16)
    eacols = (ea_p[:, :, None] * (lane16 == 0) +
              1.0 * (lane16 == 1)).reshape(_B, _EP, 16).astype(jnp.float32)

    as1, ad1 = _expanders(conv1_att_src, conv1_att_dst)
    as2, ad2 = _expanders(conv2_att_src, conv2_att_dst)
    as3, ad3 = _expanders(conv3_att_src, conv3_att_dst)
    we1 = _we_expand(conv1_We, conv1_att_e)
    we2 = _we_expand(conv2_We, conv2_att_e)
    we3 = _we_expand(conv3_We, conv3_att_e)

    sc = _sc_edges()

    xe1, adx1 = _tc_pre(x0, conv1_W, as1, ad1)
    tw1 = sc(xe1, adx1, idxp, ea16, we1.reshape(_HID))
    xe2, adx2, ls = _tc_agg1(tw1.reshape(_B, _EP, _DW), dstl3, eacols,
                             conv1_b.reshape(1, _HID), conv2_W, as2, ad2)

    tw2 = sc(xe2.reshape(_N, _DW), adx2.reshape(_N, _HID), idxp,
             ea16, we2.reshape(_HID))
    xe3, adx3 = _tc_agg2(tw2.reshape(_B, _EP, _DW), dstl3, xe2, adx2, ls,
                         we2, conv2_b.reshape(1, _HID), conv3_W, as3, ad3)

    tw3 = sc(xe3.reshape(_N, _DW), adx3.reshape(_N, _HID), idxp,
             ea16, we3.reshape(_HID))

    f1w = jnp.pad(fc1_W, ((0, 0), (0, _HID - 64)))
    f1b = jnp.pad(fc1_b, (0, _HID - 64)).reshape(1, _HID)
    f2w = jnp.pad(fc2_W, ((0, _HID - 64), (0, _HID - _OUT)))
    f2b = jnp.pad(fc2_b, (0, _HID - _OUT)).reshape(1, _HID)

    outp = _tc_head(tw3.reshape(_B, _EP, _DW), dstl3, xe3, adx3, ls,
                    we3, conv3_b.reshape(1, _HID), f1w, f1b, f2w, f2b)
    return outp[:, :_A, :_OUT]

# --- scband reference (transcript-rebuilt; emitter-appended) ---
"""Pipeline reference for scband-gatmodel-26723286516177 (READ-ONLY COPY).

The authoritative reference and input builder live on the scoring server;
editing this copy changes nothing except your own understanding.
"""

import jax, jax.numpy as jnp
import numpy as np

B = 256
A = 5
MO = 995
NNF = 8
MN = 1000
H = 8
C = 16
HID = 128
OUT = 2


def setup_inputs(seed: int = 0) -> dict:
    key = jax.random.key(seed)
    ks = jax.random.split(key, 25)
    nf = jax.random.normal(ks[0], (B, MN, NNF), dtype=jnp.float32)
    ei = jax.random.randint(ks[1], (B, MO, 2), 0, MN).astype(jnp.float32)
    ea = jax.random.normal(ks[2], (B, MO, 1), dtype=jnp.float32)
    tensor = jnp.concatenate([nf.reshape(B, -1), ei.reshape(B, -1), ea.reshape(B, -1)], axis=1)

    def p(k, shape):
        return jax.random.normal(k, shape, dtype=jnp.float32) * 0.1

    inp = {"tensor": tensor}
    for i, name in enumerate(["conv1", "conv2", "conv3"]):
        fin = NNF if i == 0 else HID
        b0 = 3 + i * 6
        inp[name + "_W"] = p(ks[b0], (fin, HID))
        inp[name + "_att_src"] = p(ks[b0 + 1], (H, C))
        inp[name + "_att_dst"] = p(ks[b0 + 2], (H, C))
        inp[name + "_We"] = p(ks[b0 + 3], (1, HID))
        inp[name + "_att_e"] = p(ks[b0 + 4], (H, C))
        inp[name + "_b"] = p(ks[b0 + 5], (HID,))
    inp["fc1_W"] = p(ks[21], (2 * HID, 64))
    inp["fc1_b"] = p(ks[22], (64,))
    inp["fc2_W"] = p(ks[23], (64, OUT))
    inp["fc2_b"] = p(ks[24], (OUT,))
    return inp


def _gat(x, src, dst, eattr, W, a_s, a_d, We, a_e, b, N, add_loops):
    # faithful PyG GATConv (heads=H, concat=True, edge_dim=1, neg slope 0.2)
    if add_loops:
        ones = jnp.ones((dst.shape[0],), dtype=jnp.float32)
        cnt = jax.ops.segment_sum(ones, dst, num_segments=N)
        loop_attr = jax.ops.segment_sum(eattr, dst, num_segments=N) / jnp.maximum(cnt, 1.0)[:, None]
        ar = jnp.arange(N, dtype=src.dtype)
        src = jnp.concatenate([src, ar])
        dst = jnp.concatenate([dst, ar])
        eattr = jnp.concatenate([eattr, loop_attr], axis=0)
    xw = (x @ W).reshape(N, H, C)
    asrc = (xw * a_s[None]).sum(-1)
    adst = (xw * a_d[None]).sum(-1)
    ew = (eattr @ We).reshape(-1, H, C)
    ae = (ew * a_e[None]).sum(-1)
    alpha = jax.nn.leaky_relu(asrc[src] + adst[dst] + ae, 0.2)
    amax = jax.ops.segment_max(alpha, dst, num_segments=N)
    amax = jnp.where(jnp.isfinite(amax), amax, 0.0)
    ex = jnp.exp(alpha - amax[dst])
    den = jax.ops.segment_sum(ex, dst, num_segments=N)
    attn = ex / (den[dst] + 1e-16)
    out = jax.ops.segment_sum(xw[src] * attn[:, :, None], dst, num_segments=N)
    return out.reshape(N, H * C) + b


def reference(tensor, conv1_W, conv1_att_src, conv1_att_dst, conv1_We, conv1_att_e, conv1_b,
              conv2_W, conv2_att_src, conv2_att_dst, conv2_We, conv2_att_e, conv2_b,
              conv3_W, conv3_att_src, conv3_att_dst, conv3_We, conv3_att_e, conv3_b,
              fc1_W, fc1_b, fc2_W, fc2_b):
    Bt = tensor.shape[0]
    s0 = MN * NNF
    s1 = s0 + MO * 2
    s2 = s1 + MO * 1
    nf = tensor[:, :s0].reshape(Bt, MN, NNF)
    ei = jax.lax.stop_gradient(tensor[:, s0:s1]).reshape(Bt, MO, 2).astype(jnp.int32)
    ea = tensor[:, s1:s2].reshape(Bt, MO, 1)
    off = (jnp.arange(Bt, dtype=jnp.int32) * MN)[:, None, None]
    ei = (ei + off).reshape(Bt * MO, 2)
    src = ei[:, 0]
    dst = ei[:, 1]
    x = nf.reshape(Bt * MN, NNF)
    eattr = ea.reshape(Bt * MO, 1)
    N = Bt * MN
    x = jax.nn.relu(_gat(x, src, dst, eattr, conv1_W, conv1_att_src, conv1_att_dst, conv1_We, conv1_att_e, conv1_b, N, False))
    x = jax.nn.relu(_gat(x, src, dst, eattr, conv2_W, conv2_att_src, conv2_att_dst, conv2_We, conv2_att_e, conv2_b, N, True))
    x = jax.nn.relu(_gat(x, src, dst, eattr, conv3_W, conv3_att_src, conv3_att_dst, conv3_We, conv3_att_e, conv3_b, N, True))
    xg = x.reshape(Bt, MN, HID)
    graph_emb = xg.mean(axis=1)
    agent = xg[:, :A].reshape(Bt * A, HID)
    g_rep = jnp.repeat(graph_emb, A, axis=0)
    comb = jnp.concatenate([agent, g_rep], axis=1)
    comb = jax.nn.relu(comb @ fc1_W + fc1_b)
    comb = jax.nn.relu(comb)
    out = comb @ fc2_W + fc2_b
    return out.reshape(Bt, A, OUT)

if __name__ == "__main__":
    import jax
    _d = setup_inputs()
    print(jax.jit(kernel)(*tuple(_d.values())))

</pallas_src>

<mosaic_0001>
#map = affine_map<(d0, d1) -> (0, 0)>
#map1 = affine_map<(d0, d1) -> (0, 0, 0, 0)>
#map2 = affine_map<(d0, d1) -> (0)>
#map3 = affine_map<(d0, d1) -> (0, 0, 0)>
module attributes {stable_mosaic.version = 14 : i64} {
  func.func @sc(%arg0: i32, %arg1: i32, %arg2: memref<256000x256xf32, #tpu.memory_space<hbm>>, %arg3: memref<256000x128xf32, #tpu.memory_space<hbm>>, %arg4: memref<512x8x2x64xi32, #tpu.memory_space<hbm>>, %arg5: memref<512x8x64x16xf32, #tpu.memory_space<hbm>>, %arg6: memref<128xf32, #tpu.memory_space<hbm>>, %arg7: memref<4096x64x256xf32, #tpu.memory_space<hbm>>, %arg8: memref<8x2x64xi32, #tpu.memory_space<vmem>>, %arg9: memref<8x64x16xf32, #tpu.memory_space<vmem>>, %arg10: memref<2x64x256xf32, #tpu.memory_space<vmem>>, %arg11: memref<2x64x128xf32, #tpu.memory_space<vmem>>, %arg12: memref<128xf32, #tpu.memory_space<vmem>>, %arg13: memref<!tpu.dma_semaphore, #tpu.memory_space<semaphore_mem>>, %arg14: memref<!tpu.dma_semaphore, #tpu.memory_space<semaphore_mem>>) attributes {dimension_semantics = [#tpu.dimension_semantics<core_parallel>, #tpu.dimension_semantics<subcore_parallel>], iteration_bounds = array<i64: 2, 16>, scalar_prefetch = 0 : i64, scratch_operands = 7 : i64, tpu.core_type = #tpu.core_type<sc_vector_subcore>, window_params = [{transform_indices = #map}, {transform_indices = #map}, {transform_indices = #map1}, {transform_indices = #map1}, {transform_indices = #map2}, {transform_indices = #map3}]} {
    %mul3A = arith.constant 2 : i32
    %mul3A_0 = arith.muli %arg1, %mul3A : i32
    %add3A = arith.addi %mul3A_0, %arg0 : i32
    "tpu.region"() ({
      %run_scoped3A = tpu.sem_alloc : memref<!tpu.dma_semaphore, #tpu.memory_space<semaphore_mem>>
      tpu.enqueue_dma source(%arg6 : memref<128xf32, #tpu.memory_space<hbm>>) target(%arg12 : memref<128xf32, #tpu.memory_space<vmem>>) target_semaphore(%run_scoped3A : memref<!tpu.dma_semaphore, #tpu.memory_space<semaphore_mem>>)
      tpu.wait_dma2 semaphore(%run_scoped3A : memref<!tpu.dma_semaphore, #tpu.memory_space<semaphore_mem>>) src(%arg6 : memref<128xf32, #tpu.memory_space<hbm>>) dst(%arg12 : memref<128xf32, #tpu.memory_space<vmem>>)
      tpu.yield
    }) : () -> ()
    %scan3A = arith.constant 0 : i32
    %scan3A_1 = arith.constant 16 : i32
    %scan3A_2 = arith.addi %scan3A, %scan3A_1 : i32
    %scan3A_3 = arith.constant 1 : i32
    scf.for %scan3A_5 = %scan3A to %scan3A_2 step %scan3A_3  : i32 {
      %mul3A_6 = arith.constant 1 : i32
      %mul3A_7 = arith.muli %scan3A_5, %mul3A_6 : i32
      %add3A_8 = arith.constant 0 : i32
      %add3A_9 = arith.addi %add3A_8, %mul3A_7 : i32
      %mul3A_10 = arith.constant 16 : i32
      %mul3A_11 = arith.muli %add3A, %mul3A_10 : i32
      %add3A_12 = arith.addi %mul3A_11, %add3A_9 : i32
      "tpu.region"() ({
        %run_scoped3A_466 = tpu.sem_alloc : memref<!tpu.dma_semaphore, #tpu.memory_space<semaphore_mem>>
        %dma_start3A_467 = arith.constant 0 : i32
        %dma_start3A_468 = arith.constant 0 : i32
        %dma_start3A_469 = arith.constant 0 : i32
        %dma_start3A_470 = tpu.memref_slice %arg4[%add3A_12, %dma_start3A_467, %dma_start3A_468, %dma_start3A_469] : memref<512x8x2x64xi32, #tpu.memory_space<hbm>> -> memref<1x8x2x64xi32, #tpu.memory_space<hbm>>
        %dma_start3A_471 = tpu.memref_squeeze %dma_start3A_470 : memref<1x8x2x64xi32, #tpu.memory_space<hbm>> -> memref<8x2x64xi32, #tpu.memory_space<hbm>>
        %dma_start3A_472 = arith.constant 0 : i32
        %dma_start3A_473 = arith.constant 0 : i32
        %dma_start3A_474 = arith.constant 0 : i32
        %dma_start3A_475 = tpu.memref_slice %arg4[%add3A_12, %dma_start3A_472, %dma_start3A_473, %dma_start3A_474] : memref<512x8x2x64xi32, #tpu.memory_space<hbm>> -> memref<1x8x2x64xi32, #tpu.memory_space<hbm>>
        %dma_start3A_476 = tpu.memref_squeeze %dma_start3A_475 : memref<1x8x2x64xi32, #tpu.memory_space<hbm>> -> memref<8x2x64xi32, #tpu.memory_space<hbm>>
        tpu.enqueue_dma source(%dma_start3A_476 : memref<8x2x64xi32, #tpu.memory_space<hbm>>) target(%arg8 : memref<8x2x64xi32, #tpu.memory_space<vmem>>) target_semaphore(%run_scoped3A_466 : memref<!tpu.dma_semaphore, #tpu.memory_space<semaphore_mem>>)
        %dma_wait3A_477 = arith.constant 0 : i32
        %dma_wait3A_478 = arith.constant 0 : i32
        %dma_wait3A_479 = arith.constant 0 : i32
        %dma_wait3A_480 = tpu.memref_slice %arg4[%add3A_12, %dma_wait3A_477, %dma_wait3A_478, %dma_wait3A_479] : memref<512x8x2x64xi32, #tpu.memory_space<hbm>> -> memref<1x8x2x64xi32, #tpu.memory_space<hbm>>
        %dma_wait3A_481 = tpu.memref_squeeze %dma_wait3A_480 : memref<1x8x2x64xi32, #tpu.memory_space<hbm>> -> memref<8x2x64xi32, #tpu.memory_space<hbm>>
        %dma_wait3A_482 = arith.constant 0 : i32
        %dma_wait3A_483 = arith.constant 0 : i32
        %dma_wait3A_484 = arith.constant 0 : i32
        %dma_wait3A_485 = tpu.memref_slice %arg4[%add3A_12, %dma_wait3A_482, %dma_wait3A_483, %dma_wait3A_484] : memref<512x8x2x64xi32, #tpu.memory_space<hbm>> -> memref<1x8x2x64xi32, #tpu.memory_space<hbm>>
        %dma_wait3A_486 = tpu.memref_squeeze %dma_wait3A_485 : memref<1x8x2x64xi32, #tpu.memory_space<hbm>> -> memref<8x2x64xi32, #tpu.memory_space<hbm>>
        tpu.wait_dma2 semaphore(%run_scoped3A_466 : memref<!tpu.dma_semaphore, #tpu.memory_space<semaphore_mem>>) src(%dma_wait3A_486 : memref<8x2x64xi32, #tpu.memory_space<hbm>>) dst(%arg8 : memref<8x2x64xi32, #tpu.memory_space<vmem>>)
        tpu.yield
      }) : () -> ()
      "tpu.region"() ({
        %run_scoped3A_466 = tpu.sem_alloc : memref<!tpu.dma_semaphore, #tpu.memory_space<semaphore_mem>>
        %dma_start3A_467 = arith.constant 0 : i32
        %dma_start3A_468 = arith.constant 0 : i32
        %dma_start3A_469 = arith.constant 0 : i32
        %dma_start3A_470 = tpu.memref_slice %arg5[%add3A_12, %dma_start3A_467, %dma_start3A_468, %dma_start3A_469] : memref<512x8x64x16xf32, #tpu.memory_space<hbm>> -> memref<1x8x64x16xf32, #tpu.memory_space<hbm>>
        %dma_start3A_471 = tpu.memref_squeeze %dma_start3A_470 : memref<1x8x64x16xf32, #tpu.memory_space<hbm>> -> memref<8x64x16xf32, #tpu.memory_space<hbm>>
        %dma_start3A_472 = arith.constant 0 : i32
        %dma_start3A_473 = arith.constant 0 : i32
        %dma_start3A_474 = arith.constant 0 : i32
        %dma_start3A_475 = tpu.memref_slice %arg5[%add3A_12, %dma_start3A_472, %dma_start3A_473, %dma_start3A_474] : memref<512x8x64x16xf32, #tpu.memory_space<hbm>> -> memref<1x8x64x16xf32, #tpu.memory_space<hbm>>
        %dma_start3A_476 = tpu.memref_squeeze %dma_start3A_475 : memref<1x8x64x16xf32, #tpu.memory_space<hbm>> -> memref<8x64x16xf32, #tpu.memory_space<hbm>>
        tpu.enqueue_dma source(%dma_start3A_476 : memref<8x64x16xf32, #tpu.memory_space<hbm>>) target(%arg9 : memref<8x64x16xf32, #tpu.memory_space<vmem>>) target_semaphore(%run_scoped3A_466 : memref<!tpu.dma_semaphore, #tpu.memory_space<semaphore_mem>>)
        %dma_wait3A_477 = arith.constant 0 : i32
        %dma_wait3A_478 = arith.constant 0 : i32
        %dma_wait3A_479 = arith.constant 0 : i32
        %dma_wait3A_480 = tpu.memref_slice %arg5[%add3A_12, %dma_wait3A_477, %dma_wait3A_478, %dma_wait3A_479] : memref<512x8x64x16xf32, #tpu.memory_space<hbm>> -> memref<1x8x64x16xf32, #tpu.memory_space<hbm>>
        %dma_wait3A_481 = tpu.memref_squeeze %dma_wait3A_480 : memref<1x8x64x16xf32, #tpu.memory_space<hbm>> -> memref<8x64x16xf32, #tpu.memory_space<hbm>>
        %dma_wait3A_482 = arith.constant 0 : i32
        %dma_wait3A_483 = arith.constant 0 : i32
        %dma_wait3A_484 = arith.constant 0 : i32
        %dma_wait3A_485 = tpu.memref_slice %arg5[%add3A_12, %dma_wait3A_482, %dma_wait3A_483, %dma_wait3A_484] : memref<512x8x64x16xf32, #tpu.memory_space<hbm>> -> memref<1x8x64x16xf32, #tpu.memory_space<hbm>>
        %dma_wait3A_486 = tpu.memref_squeeze %dma_wait3A_485 : memref<1x8x64x16xf32, #tpu.memory_space<hbm>> -> memref<8x64x16xf32, #tpu.memory_space<hbm>>
        tpu.wait_dma2 semaphore(%run_scoped3A_466 : memref<!tpu.dma_semaphore, #tpu.memory_space<semaphore_mem>>) src(%dma_wait3A_486 : memref<8x64x16xf32, #tpu.memory_space<hbm>>) dst(%arg9 : memref<8x64x16xf32, #tpu.memory_space<vmem>>)
        tpu.yield
      }) : () -> ()
      %dma_start3A = arith.constant 0 : i32
      %dma_start3A_13 = arith.constant 0 : i32
      %dma_start3A_14 = arith.constant 0 : i32
      %dma_start3A_15 = arith.constant 0 : i32
      %dma_start3A_16 = arith.constant 0 : i32
      %dma_start3A_17 = tpu.memref_slice %arg10[%dma_start3A_14, %dma_start3A_15, %dma_start3A_16] : memref<2x64x256xf32, #tpu.memory_space<vmem>> -> memref<1x64x256xf32, #tpu.memory_space<vmem>>
      %dma_start3A_18 = tpu.memref_squeeze %dma_start3A_17 : memref<1x64x256xf32, #tpu.memory_space<vmem>> -> memref<64x256xf32, #tpu.memory_space<vmem>>
      %dma_start3A_19 = arith.constant 0 : i32
      %dma_start3A_20 = tpu.memref_slice %arg8[%dma_start3A, %dma_start3A_13, %dma_start3A_19] : memref<8x2x64xi32, #tpu.memory_space<vmem>> -> memref<1x1x64xi32, #tpu.memory_space<vmem>>
      %dma_start3A_21 = tpu.memref_squeeze %dma_start3A_20 : memref<1x1x64xi32, #tpu.memory_space<vmem>> -> memref<64xi32, #tpu.memory_space<vmem>>
      %dma_start3A_22 = arith.constant 0 : i32
      %dma_start3A_23 = arith.constant 0 : i32
      %dma_start3A_24 = tpu.memref_slice %arg2[%dma_start3A_22, %dma_start3A_23] : memref<256000x256xf32, #tpu.memory_space<hbm>> -> memref<256000x256xf32, #tpu.memory_space<hbm>>
      tpu.enqueue_indirect_dma source(%dma_start3A_24 : memref<256000x256xf32, #tpu.memory_space<hbm>>) target(%dma_start3A_18 : memref<64x256xf32, #tpu.memory_space<vmem>>) offsets(%dma_start3A_21 : memref<64xi32, #tpu.memory_space<vmem>>) semaphore(%arg13 : memref<!tpu.dma_semaphore, #tpu.memory_space<semaphore_mem>>)
      %dma_start3A_25 = arith.constant 0 : i32
      %dma_start3A_26 = arith.constant 1 : i32
      %dma_start3A_27 = arith.constant 0 : i32
      %dma_start3A_28 = arith.constant 0 : i32
      %dma_start3A_29 = arith.constant 0 : i32
      %dma_start3A_30 = tpu.memref_slice %arg11[%dma_start3A_27, %dma_start3A_28, %dma_start3A_29] : memref<2x64x128xf32, #tpu.memory_space<vmem>> -> memref<1x64x128xf32, #tpu.memory_space<vmem>>
      %dma_start3A_31 = tpu.memref_squeeze %dma_start3A_30 : memref<1x64x128xf32, #tpu.memory_space<vmem>> -> memref<64x128xf32, #tpu.memory_space<vmem>>
      %dma_start3A_32 = arith.constant 0 : i32
      %dma_start3A_33 = tpu.memref_slice %arg8[%dma_start3A_25, %dma_start3A_26, %dma_start3A_32] : memref<8x2x64xi32, #tpu.memory_space<vmem>> -> memref<1x1x64xi32, #tpu.memory_space<vmem>>
      %dma_start3A_34 = tpu.memref_squeeze %dma_start3A_33 : memref<1x1x64xi32, #tpu.memory_space<vmem>> -> memref<64xi32, #tpu.memory_space<vmem>>
      %dma_start3A_35 = arith.constant 0 : i32
      %dma_start3A_36 = arith.constant 0 : i32
      %dma_start3A_37 = tpu.memref_slice %arg3[%dma_start3A_35, %dma_start3A_36] : memref<256000x128xf32, #tpu.memory_space<hbm>> -> memref<256000x128xf32, #tpu.memory_space<hbm>>
      tpu.enqueue_indirect_dma source(%dma_start3A_37 : memref<256000x128xf32, #tpu.memory_space<hbm>>) target(%dma_start3A_31 : memref<64x128xf32, #tpu.memory_space<vmem>>) offsets(%dma_start3A_34 : memref<64xi32, #tpu.memory_space<vmem>>) semaphore(%arg14 : memref<!tpu.dma_semaphore, #tpu.memory_space<semaphore_mem>>)
      %dma_start3A_38 = arith.constant 1 : i32
      %dma_start3A_39 = arith.constant 0 : i32
      %dma_start3A_40 = arith.constant 1 : i32
      %dma_start3A_41 = arith.constant 0 : i32
      %dma_start3A_42 = arith.constant 0 : i32
      %dma_start3A_43 = tpu.memref_slice %arg10[%dma_start3A_40, %dma_start3A_41, %dma_start3A_42] : memref<2x64x256xf32, #tpu.memory_space<vmem>> -> memref<1x64x256xf32, #tpu.memory_space<vmem>>
      %dma_start3A_44 = tpu.memref_squeeze %dma_start3A_43 : memref<1x64x256xf32, #tpu.memory_space<vmem>> -> memref<64x256xf32, #tpu.memory_space<vmem>>
      %dma_start3A_45 = arith.constant 0 : i32
      %dma_start3A_46 = tpu.memref_slice %arg8[%dma_start3A_38, %dma_start3A_39, %dma_start3A_45] : memref<8x2x64xi32, #tpu.memory_space<vmem>> -> memref<1x1x64xi32, #tpu.memory_space<vmem>>
      %dma_start3A_47 = tpu.memref_squeeze %dma_start3A_46 : memref<1x1x64xi32, #tpu.memory_space<vmem>> -> memref<64xi32, #tpu.memory_space<vmem>>
      %dma_start3A_48 = arith.constant 0 : i32
      %dma_start3A_49 = arith.constant 0 : i32
      %dma_start3A_50 = tpu.memref_slice %arg2[%dma_start3A_48, %dma_start3A_49] : memref<256000x256xf32, #tpu.memory_space<hbm>> -> memref<256000x256xf32, #tpu.memory_space<hbm>>
      tpu.enqueue_indirect_dma source(%dma_start3A_50 : memref<256000x256xf32, #tpu.memory_space<hbm>>) target(%dma_start3A_44 : memref<64x256xf32, #tpu.memory_space<vmem>>) offsets(%dma_start3A_47 : memref<64xi32, #tpu.memory_space<vmem>>) semaphore(%arg13 : memref<!tpu.dma_semaphore, #tpu.memory_space<semaphore_mem>>)
      %dma_start3A_51 = arith.constant 1 : i32
      %dma_start3A_52 = arith.constant 1 : i32
      %dma_start3A_53 = arith.constant 1 : i32
      %dma_start3A_54 = arith.constant 0 : i32
      %dma_start3A_55 = arith.constant 0 : i32
      %dma_start3A_56 = tpu.memref_slice %arg11[%dma_start3A_53, %dma_start3A_54, %dma_start3A_55] : memref<2x64x128xf32, #tpu.memory_space<vmem>> -> memref<1x64x128xf32, #tpu.memory_space<vmem>>
      %dma_start3A_57 = tpu.memref_squeeze %dma_start3A_56 : memref<1x64x128xf32, #tpu.memory_space<vmem>> -> memref<64x128xf32, #tpu.memory_space<vmem>>
      %dma_start3A_58 = arith.constant 0 : i32
      %dma_start3A_59 = tpu.memref_slice %arg8[%dma_start3A_51, %dma_start3A_52, %dma_start3A_58] : memref<8x2x64xi32, #tpu.memory_space<vmem>> -> memref<1x1x64xi32, #tpu.memory_space<vmem>>
      %dma_start3A_60 = tpu.memref_squeeze %dma_start3A_59 : memref<1x1x64xi32, #tpu.memory_space<vmem>> -> memref<64xi32, #tpu.memory_space<vmem>>
      %dma_start3A_61 = arith.constant 0 : i32
      %dma_start3A_62 = arith.constant 0 : i32
      %dma_start3A_63 = tpu.memref_slice %arg3[%dma_start3A_61, %dma_start3A_62] : memref<256000x128xf32, #tpu.memory_space<hbm>> -> memref<256000x128xf32, #tpu.memory_space<hbm>>
      tpu.enqueue_indirect_dma source(%dma_start3A_63 : memref<256000x128xf32, #tpu.memory_space<hbm>>) target(%dma_start3A_57 : memref<64x128xf32, #tpu.memory_space<vmem>>) offsets(%dma_start3A_60 : memref<64xi32, #tpu.memory_space<vmem>>) semaphore(%arg14 : memref<!tpu.dma_semaphore, #tpu.memory_space<semaphore_mem>>)
      %dma_wait3A = arith.constant 0 : i32
      %dma_wait3A_64 = arith.constant 0 : i32
      %dma_wait3A_65 = arith.constant 0 : i32
      %dma_wait3A_66 = arith.constant 0 : i32
      %dma_wait3A_67 = arith.constant 0 : i32
      %dma_wait3A_68 = tpu.memref_slice %arg10[%dma_wait3A_65, %dma_wait3A_66, %dma_wait3A_67] : memref<2x64x256xf32, #tpu.memory_space<vmem>> -> memref<1x64x256xf32, #tpu.memory_space<vmem>>
      %dma_wait3A_69 = tpu.memref_squeeze %dma_wait3A_68 : memref<1x64x256xf32, #tpu.memory_space<vmem>> -> memref<64x256xf32, #tpu.memory_space<vmem>>
      %dma_wait3A_70 = arith.constant 0 : i32
      %dma_wait3A_71 = tpu.memref_slice %arg8[%dma_wait3A, %dma_wait3A_64, %dma_wait3A_70] : memref<8x2x64xi32, #tpu.memory_space<vmem>> -> memref<1x1x64xi32, #tpu.memory_space<vmem>>
      %dma_wait3A_72 = tpu.memref_squeeze %dma_wait3A_71 : memref<1x1x64xi32, #tpu.memory_space<vmem>> -> memref<64xi32, #tpu.memory_space<vmem>>
      %dma_wait3A_73 = arith.constant 0 : i32
      %dma_wait3A_74 = arith.constant 0 : i32
      %dma_wait3A_75 = tpu.memref_slice %arg2[%dma_wait3A_73, %dma_wait3A_74] : memref<256000x256xf32, #tpu.memory_space<hbm>> -> memref<256000x256xf32, #tpu.memory_space<hbm>>
      tpu.wait_indirect_dma semaphore(%arg13 : memref<!tpu.dma_semaphore, #tpu.memory_space<semaphore_mem>>) src(%dma_wait3A_75 : memref<256000x256xf32, #tpu.memory_space<hbm>>) dst(%dma_wait3A_69 : memref<64x256xf32, #tpu.memory_space<vmem>>)
      %dma_wait3A_76 = arith.constant 0 : i32
      %dma_wait3A_77 = arith.constant 1 : i32
      %dma_wait3A_78 = arith.constant 0 : i32
      %dma_wait3A_79 = arith.constant 0 : i32
      %dma_wait3A_80 = arith.constant 0 : i32
      %dma_wait3A_81 = tpu.memref_slice %arg11[%dma_wait3A_78, %dma_wait3A_79, %dma_wait3A_80] : memref<2x64x128xf32, #tpu.memory_space<vmem>> -> memref<1x64x128xf32, #tpu.memory_space<vmem>>
      %dma_wait3A_82 = tpu.memref_squeeze %dma_wait3A_81 : memref<1x64x128xf32, #tpu.memory_space<vmem>> -> memref<64x128xf32, #tpu.memory_space<vmem>>
      %dma_wait3A_83 = arith.constant 0 : i32
      %dma_wait3A_84 = tpu.memref_slice %arg8[%dma_wait3A_76, %dma_wait3A_77, %dma_wait3A_83] : memref<8x2x64xi32, #tpu.memory_space<vmem>> -> memref<1x1x64xi32, #tpu.memory_space<vmem>>
      %dma_wait3A_85 = tpu.memref_squeeze %dma_wait3A_84 : memref<1x1x64xi32, #tpu.memory_space<vmem>> -> memref<64xi32, #tpu.memory_space<vmem>>
      %dma_wait3A_86 = arith.constant 0 : i32
      %dma_wait3A_87 = arith.constant 0 : i32
      %dma_wait3A_88 = tpu.memref_slice %arg3[%dma_wait3A_86, %dma_wait3A_87] : memref<256000x128xf32, #tpu.memory_space<hbm>> -> memref<256000x128xf32, #tpu.memory_space<hbm>>
      tpu.wait_indirect_dma semaphore(%arg14 : memref<!tpu.dma_semaphore, #tpu.memory_space<semaphore_mem>>) src(%dma_wait3A_88 : memref<256000x128xf32, #tpu.memory_space<hbm>>) dst(%dma_wait3A_82 : memref<64x128xf32, #tpu.memory_space<vmem>>)
      %mul3A_89 = arith.constant 8 : i32
      %mul3A_90 = arith.muli %add3A_12, %mul3A_89 : i32
      %add3A_91 = arith.constant 0 : i32
      %add3A_92 = arith.addi %mul3A_90, %add3A_91 : i32
      %run_scoped3A = arith.constant 0 : i32
      "tpu.region"() ({
        %run_scoped3A_466 = tpu.sem_alloc : memref<!tpu.dma_semaphore, #tpu.memory_space<semaphore_mem>>
        %dma_start3A_467 = arith.constant 0 : i32
        %dma_start3A_468 = arith.constant 0 : i32
        %dma_start3A_469 = tpu.memref_slice %arg10[%run_scoped3A, %dma_start3A_467, %dma_start3A_468] : memref<2x64x256xf32, #tpu.memory_space<vmem>> -> memref<1x64x256xf32, #tpu.memory_space<vmem>>
        %dma_start3A_470 = tpu.memref_squeeze %dma_start3A_469 : memref<1x64x256xf32, #tpu.memory_space<vmem>> -> memref<64x256xf32, #tpu.memory_space<vmem>>
        %dma_start3A_471 = arith.constant 0 : i32
        %dma_start3A_472 = arith.constant 0 : i32
        %dma_start3A_473 = tpu.memref_slice %arg7[%add3A_92, %dma_start3A_471, %dma_start3A_472] : memref<4096x64x256xf32, #tpu.memory_space<hbm>> -> memref<1x64x256xf32, #tpu.memory_space<hbm>>
        %dma_start3A_474 = tpu.memref_squeeze %dma_start3A_473 : memref<1x64x256xf32, #tpu.memory_space<hbm>> -> memref<64x256xf32, #tpu.memory_space<hbm>>
        %dma_start3A_475 = arith.constant 0 : i32
        %dma_start3A_476 = arith.constant 0 : i32
        %dma_start3A_477 = tpu.memref_slice %arg7[%add3A_92, %dma_start3A_475, %dma_start3A_476] : memref<4096x64x256xf32, #tpu.memory_space<hbm>> -> memref<1x64x256xf32, #tpu.memory_space<hbm>>
        %dma_start3A_478 = tpu.memref_squeeze %dma_start3A_477 : memref<1x64x256xf32, #tpu.memory_space<hbm>> -> memref<64x256xf32, #tpu.memory_space<hbm>>
        %dma_start3A_479 = arith.constant 0 : i32
        %dma_start3A_480 = arith.constant 0 : i32
        %dma_start3A_481 = tpu.memref_slice %arg10[%run_scoped3A, %dma_start3A_479, %dma_start3A_480] : memref<2x64x256xf32, #tpu.memory_space<vmem>> -> memref<1x64x256xf32, #tpu.memory_space<vmem>>
        %dma_start3A_482 = tpu.memref_squeeze %dma_start3A_481 : memref<1x64x256xf32, #tpu.memory_space<vmem>> -> memref<64x256xf32, #tpu.memory_space<vmem>>
        tpu.enqueue_dma source(%dma_start3A_482 : memref<64x256xf32, #tpu.memory_space<vmem>>) target(%dma_start3A_478 : memref<64x256xf32, #tpu.memory_space<hbm>>) target_semaphore(%run_scoped3A_466 : memref<!tpu.dma_semaphore, #tpu.memory_space<semaphore_mem>>)
        %dma_wait3A_483 = arith.constant 0 : i32
        %dma_wait3A_484 = arith.constant 0 : i32
        %dma_wait3A_485 = tpu.memref_slice %arg10[%run_scoped3A, %dma_wait3A_483, %dma_wait3A_484] : memref<2x64x256xf32, #tpu.memory_space<vmem>> -> memref<1x64x256xf32, #tpu.memory_space<vmem>>
        %dma_wait3A_486 = tpu.memref_squeeze %dma_wait3A_485 : memref<1x64x256xf32, #tpu.memory_space<vmem>> -> memref<64x256xf32, #tpu.memory_space<vmem>>
        %dma_wait3A_487 = arith.constant 0 : i32
        %dma_wait3A_488 = arith.constant 0 : i32
        %dma_wait3A_489 = tpu.memref_slice %arg7[%add3A_92, %dma_wait3A_487, %dma_wait3A_488] : memref<4096x64x256xf32, #tpu.memory_space<hbm>> -> memref<1x64x256xf32, #tpu.memory_space<hbm>>
        %dma_wait3A_490 = tpu.memref_squeeze %dma_wait3A_489 : memref<1x64x256xf32, #tpu.memory_space<hbm>> -> memref<64x256xf32, #tpu.memory_space<hbm>>
        %dma_wait3A_491 = arith.constant 0 : i32
        %dma_wait3A_492 = arith.constant 0 : i32
        %dma_wait3A_493 = tpu.memref_slice %arg7[%add3A_92, %dma_wait3A_491, %dma_wait3A_492] : memref<4096x64x256xf32, #tpu.memory_space<hbm>> -> memref<1x64x256xf32, #tpu.memory_space<hbm>>
        %dma_wait3A_494 = tpu.memref_squeeze %dma_wait3A_493 : memref<1x64x256xf32, #tpu.memory_space<hbm>> -> memref<64x256xf32, #tpu.memory_space<hbm>>
        %dma_wait3A_495 = arith.constant 0 : i32
        %dma_wait3A_496 = arith.constant 0 : i32
        %dma_wait3A_497 = tpu.memref_slice %arg10[%run_scoped3A, %dma_wait3A_495, %dma_wait3A_496] : memref<2x64x256xf32, #tpu.memory_space<vmem>> -> memref<1x64x256xf32, #tpu.memory_space<vmem>>
        %dma_wait3A_498 = tpu.memref_squeeze %dma_wait3A_497 : memref<1x64x256xf32, #tpu.memory_space<vmem>> -> memref<64x256xf32, #tpu.memory_space<vmem>>
        tpu.wait_dma2 semaphore(%run_scoped3A_466 : memref<!tpu.dma_semaphore, #tpu.memory_space<semaphore_mem>>) src(%dma_wait3A_498 : memref<64x256xf32, #tpu.memory_space<vmem>>) dst(%dma_wait3A_494 : memref<64x256xf32, #tpu.memory_space<hbm>>)
        tpu.yield
      }) : () -> ()
      %dma_start3A_93 = arith.constant 2 : i32
      %dma_start3A_94 = arith.constant 0 : i32
      %dma_start3A_95 = arith.constant 0 : i32
      %dma_start3A_96 = arith.constant 0 : i32
      %dma_start3A_97 = arith.constant 0 : i32
      %dma_start3A_98 = tpu.memref_slice %arg10[%dma_start3A_95, %dma_start3A_96, %dma_start3A_97] : memref<2x64x256xf32, #tpu.memory_space<vmem>> -> memref<1x64x256xf32, #tpu.memory_space<vmem>>
      %dma_start3A_99 = tpu.memref_squeeze %dma_start3A_98 : memref<1x64x256xf32, #tpu.memory_space<vmem>> -> memref<64x256xf32, #tpu.memory_space<vmem>>
      %dma_start3A_100 = arith.constant 0 : i32
      %dma_start3A_101 = tpu.memref_slice %arg8[%dma_start3A_93, %dma_start3A_94, %dma_start3A_100] : memref<8x2x64xi32, #tpu.memory_space<vmem>> -> memref<1x1x64xi32, #tpu.memory_space<vmem>>
      %dma_start3A_102 = tpu.memref_squeeze %dma_start3A_101 : memref<1x1x64xi32, #tpu.memory_space<vmem>> -> memref<64xi32, #tpu.memory_space<vmem>>
      %dma_start3A_103 = arith.constant 0 : i32
      %dma_start3A_104 = arith.constant 0 : i32
      %dma_start3A_105 = tpu.memref_slice %arg2[%dma_start3A_103, %dma_start3A_104] : memref<256000x256xf32, #tpu.memory_space<hbm>> -> memref<256000x256xf32, #tpu.memory_space<hbm>>
      tpu.enqueue_indirect_dma source(%dma_start3A_105 : memref<256000x256xf32, #tpu.memory_space<hbm>>) target(%dma_start3A_99 : memref<64x256xf32, #tpu.memory_space<vmem>>) offsets(%dma_start3A_102 : memref<64xi32, #tpu.memory_space<vmem>>) semaphore(%arg13 : memref<!tpu.dma_semaphore, #tpu.memory_space<semaphore_mem>>)
      %dma_start3A_106 = arith.constant 2 : i32
      %dma_start3A_107 = arith.constant 1 : i32
      %dma_start3A_108 = arith.constant 0 : i32
      %dma_start3A_109 = arith.constant 0 : i32
      %dma_start3A_110 = arith.constant 0 : i32
      %dma_start3A_111 = tpu.memref_slice %arg11[%dma_start3A_108, %dma_start3A_109, %dma_start3A_110] : memref<2x64x128xf32, #tpu.memory_space<vmem>> -> memref<1x64x128xf32, #tpu.memory_space<vmem>>
      %dma_start3A_112 = tpu.memref_squeeze %dma_start3A_111 : memref<1x64x128xf32, #tpu.memory_space<vmem>> -> memref<64x128xf32, #tpu.memory_space<vmem>>
      %dma_start3A_113 = arith.constant 0 : i32
      %dma_start3A_114 = tpu.memref_slice %arg8[%dma_start3A_106, %dma_start3A_107, %dma_start3A_113] : memref<8x2x64xi32, #tpu.memory_space<vmem>> -> memref<1x1x64xi32, #tpu.memory_space<vmem>>
      %dma_start3A_115 = tpu.memref_squeeze %dma_start3A_114 : memref<1x1x64xi32, #tpu.memory_space<vmem>> -> memref<64xi32, #tpu.memory_space<vmem>>
      %dma_start3A_116 = arith.constant 0 : i32
      %dma_start3A_117 = arith.constant 0 : i32
      %dma_start3A_118 = tpu.memref_slice %arg3[%dma_start3A_116, %dma_start3A_117] : memref<256000x128xf32, #tpu.memory_space<hbm>> -> memref<256000x128xf32, #tpu.memory_space<hbm>>
      tpu.enqueue_indirect_dma source(%dma_start3A_118 : memref<256000x128xf32, #tpu.memory_space<hbm>>) target(%dma_start3A_112 : memref<64x128xf32, #tpu.memory_space<vmem>>) offsets(%dma_start3A_115 : memref<64xi32, #tpu.memory_space<vmem>>) semaphore(%arg14 : memref<!tpu.dma_semaphore, #tpu.memory_space<semaphore_mem>>)
      %dma_wait3A_119 = arith.constant 1 : i32
      %dma_wait3A_120 = arith.constant 0 : i32
      %dma_wait3A_121 = arith.constant 1 : i32
      %dma_wait3A_122 = arith.constant 0 : i32
      %dma_wait3A_123 = arith.constant 0 : i32
      %dma_wait3A_124 = tpu.memref_slice %arg10[%dma_wait3A_121, %dma_wait3A_122, %dma_wait3A_123] : memref<2x64x256xf32, #tpu.memory_space<vmem>> -> memref<1x64x256xf32, #tpu.memory_space<vmem>>
      %dma_wait3A_125 = tpu.memref_squeeze %dma_wait3A_124 : memref<1x64x256xf32, #tpu.memory_space<vmem>> -> memref<64x256xf32, #tpu.memory_space<vmem>>
      %dma_wait3A_126 = arith.constant 0 : i32
      %dma_wait3A_127 = tpu.memref_slice %arg8[%dma_wait3A_119, %dma_wait3A_120, %dma_wait3A_126] : memref<8x2x64xi32, #tpu.memory_space<vmem>> -> memref<1x1x64xi32, #tpu.memory_space<vmem>>
      %dma_wait3A_128 = tpu.memref_squeeze %dma_wait3A_127 : memref<1x1x64xi32, #tpu.memory_space<vmem>> -> memref<64xi32, #tpu.memory_space<vmem>>
      %dma_wait3A_129 = arith.constant 0 : i32
      %dma_wait3A_130 = arith.constant 0 : i32
      %dma_wait3A_131 = tpu.memref_slice %arg2[%dma_wait3A_129, %dma_wait3A_130] : memref<256000x256xf32, #tpu.memory_space<hbm>> -> memref<256000x256xf32, #tpu.memory_space<hbm>>
      tpu.wait_indirect_dma semaphore(%arg13 : memref<!tpu.dma_semaphore, #tpu.memory_space<semaphore_mem>>) src(%dma_wait3A_131 : memref<256000x256xf32, #tpu.memory_space<hbm>>) dst(%dma_wait3A_125 : memref<64x256xf32, #tpu.memory_space<vmem>>)
      %dma_wait3A_132 = arith.constant 1 : i32
      %dma_wait3A_133 = arith.constant 1 : i32
      %dma_wait3A_134 = arith.constant 1 : i32
      %dma_wait3A_135 = arith.constant 0 : i32
      %dma_wait3A_136 = arith.constant 0 : i32
      %dma_wait3A_137 = tpu.memref_slice %arg11[%dma_wait3A_134, %dma_wait3A_135, %dma_wait3A_136] : memref<2x64x128xf32, #tpu.memory_space<vmem>> -> memref<1x64x128xf32, #tpu.memory_space<vmem>>
      %dma_wait3A_138 = tpu.memref_squeeze %dma_wait3A_137 : memref<1x64x128xf32, #tpu.memory_space<vmem>> -> memref<64x128xf32, #tpu.memory_space<vmem>>
      %dma_wait3A_139 = arith.constant 0 : i32
      %dma_wait3A_140 = tpu.memref_slice %arg8[%dma_wait3A_132, %dma_wait3A_133, %dma_wait3A_139] : memref<8x2x64xi32, #tpu.memory_space<vmem>> -> memref<1x1x64xi32, #tpu.memory_space<vmem>>
      %dma_wait3A_141 = tpu.memref_squeeze %dma_wait3A_140 : memref<1x1x64xi32, #tpu.memory_space<vmem>> -> memref<64xi32, #tpu.memory_space<vmem>>
      %dma_wait3A_142 = arith.constant 0 : i32
      %dma_wait3A_143 = arith.constant 0 : i32
      %dma_wait3A_144 = tpu.memref_slice %arg3[%dma_wait3A_142, %dma_wait3A_143] : memref<256000x128xf32, #tpu.memory_space<hbm>> -> memref<256000x128xf32, #tpu.memory_space<hbm>>
      tpu.wait_indirect_dma semaphore(%arg14 : memref<!tpu.dma_semaphore, #tpu.memory_space<semaphore_mem>>) src(%dma_wait3A_144 : memref<256000x128xf32, #tpu.memory_space<hbm>>) dst(%dma_wait3A_138 : memref<64x128xf32, #tpu.memory_space<vmem>>)
      %mul3A_145 = arith.constant 8 : i32
      %mul3A_146 = arith.muli %add3A_12, %mul3A_145 : i32
      %add3A_147 = arith.constant 1 : i32
      %add3A_148 = arith.addi %mul3A_146, %add3A_147 : i32
      %run_scoped3A_149 = arith.constant 1 : i32
      "tpu.region"() ({
        %run_scoped3A_466 = tpu.sem_alloc : memref<!tpu.dma_semaphore, #tpu.memory_space<semaphore_mem>>
        %dma_start3A_467 = arith.constant 0 : i32
        %dma_start3A_468 = arith.constant 0 : i32
        %dma_start3A_469 = tpu.memref_slice %arg10[%run_scoped3A_149, %dma_start3A_467, %dma_start3A_468] : memref<2x64x256xf32, #tpu.memory_space<vmem>> -> memref<1x64x256xf32, #tpu.memory_space<vmem>>
        %dma_start3A_470 = tpu.memref_squeeze %dma_start3A_469 : memref<1x64x256xf32, #tpu.memory_space<vmem>> -> memref<64x256xf32, #tpu.memory_space<vmem>>
        %dma_start3A_471 = arith.constant 0 : i32
        %dma_start3A_472 = arith.constant 0 : i32
        %dma_start3A_473 = tpu.memref_slice %arg7[%add3A_148, %dma_start3A_471, %dma_start3A_472] : memref<4096x64x256xf32, #tpu.memory_space<hbm>> -> memref<1x64x256xf32, #tpu.memory_space<hbm>>
        %dma_start3A_474 = tpu.memref_squeeze %dma_start3A_473 : memref<1x64x256xf32, #tpu.memory_space<hbm>> -> memref<64x256xf32, #tpu.memory_space<hbm>>
        %dma_start3A_475 = arith.constant 0 : i32
        %dma_start3A_476 = arith.constant 0 : i32
        %dma_start3A_477 = tpu.memref_slice %arg7[%add3A_148, %dma_start3A_475, %dma_start3A_476] : memref<4096x64x256xf32, #tpu.memory_space<hbm>> -> memref<1x64x256xf32, #tpu.memory_space<hbm>>
        %dma_start3A_478 = tpu.memref_squeeze %dma_start3A_477 : memref<1x64x256xf32, #tpu.memory_space<hbm>> -> memref<64x256xf32, #tpu.memory_space<hbm>>
        %dma_start3A_479 = arith.constant 0 : i32
        %dma_start3A_480 = arith.constant 0 : i32
        %dma_start3A_481 = tpu.memref_slice %arg10[%run_scoped3A_149, %dma_start3A_479, %dma_start3A_480] : memref<2x64x256xf32, #tpu.memory_space<vmem>> -> memref<1x64x256xf32, #tpu.memory_space<vmem>>
        %dma_start3A_482 = tpu.memref_squeeze %dma_start3A_481 : memref<1x64x256xf32, #tpu.memory_space<vmem>> -> memref<64x256xf32, #tpu.memory_space<vmem>>
        tpu.enqueue_dma source(%dma_start3A_482 : memref<64x256xf32, #tpu.memory_space<vmem>>) target(%dma_start3A_478 : memref<64x256xf32, #tpu.memory_space<hbm>>) target_semaphore(%run_scoped3A_466 : memref<!tpu.dma_semaphore, #tpu.memory_space<semaphore_mem>>)
        %dma_wait3A_483 = arith.constant 0 : i32
        %dma_wait3A_484 = arith.constant 0 : i32
        %dma_wait3A_485 = tpu.memref_slice %arg10[%run_scoped3A_149, %dma_wait3A_483, %dma_wait3A_484] : memref<2x64x256xf32, #tpu.memory_space<vmem>> -> memref<1x64x256xf32, #tpu.memory_space<vmem>>
        %dma_wait3A_486 = tpu.memref_squeeze %dma_wait3A_485 : memref<1x64x256xf32, #tpu.memory_space<vmem>> -> memref<64x256xf32, #tpu.memory_space<vmem>>
        %dma_wait3A_487 = arith.constant 0 : i32
        %dma_wait3A_488 = arith.constant 0 : i32
        %dma_wait3A_489 = tpu.memref_slice %arg7[%add3A_148, %dma_wait3A_487, %dma_wait3A_488] : memref<4096x64x256xf32, #tpu.memory_space<hbm>> -> memref<1x64x256xf32, #tpu.memory_space<hbm>>
        %dma_wait3A_490 = tpu.memref_squeeze %dma_wait3A_489 : memref<1x64x256xf32, #tpu.memory_space<hbm>> -> memref<64x256xf32, #tpu.memory_space<hbm>>
        %dma_wait3A_491 = arith.constant 0 : i32
        %dma_wait3A_492 = arith.constant 0 : i32
        %dma_wait3A_493 = tpu.memref_slice %arg7[%add3A_148, %dma_wait3A_491, %dma_wait3A_492] : memref<4096x64x256xf32, #tpu.memory_space<hbm>> -> memref<1x64x256xf32, #tpu.memory_space<hbm>>
        %dma_wait3A_494 = tpu.memref_squeeze %dma_wait3A_493 : memref<1x64x256xf32, #tpu.memory_space<hbm>> -> memref<64x256xf32, #tpu.memory_space<hbm>>
        %dma_wait3A_495 = arith.constant 0 : i32
        %dma_wait3A_496 = arith.constant 0 : i32
        %dma_wait3A_497 = tpu.memref_slice %arg10[%run_scoped3A_149, %dma_wait3A_495, %dma_wait3A_496] : memref<2x64x256xf32, #tpu.memory_space<vmem>> -> memref<1x64x256xf32, #tpu.memory_space<vmem>>
        %dma_wait3A_498 = tpu.memref_squeeze %dma_wait3A_497 : memref<1x64x256xf32, #tpu.memory_space<vmem>> -> memref<64x256xf32, #tpu.memory_space<vmem>>
        tpu.wait_dma2 semaphore(%run_scoped3A_466 : memref<!tpu.dma_semaphore, #tpu.memory_space<semaphore_mem>>) src(%dma_wait3A_498 : memref<64x256xf32, #tpu.memory_space<vmem>>) dst(%dma_wait3A_494 : memref<64x256xf32, #tpu.memory_space<hbm>>)
        tpu.yield
      }) : () -> ()
      %dma_start3A_150 = arith.constant 3 : i32
      %dma_start3A_151 = arith.constant 0 : i32
      %dma_start3A_152 = arith.constant 1 : i32
      %dma_start3A_153 = arith.constant 0 : i32
      %dma_start3A_154 = arith.constant 0 : i32
      %dma_start3A_155 = tpu.memref_slice %arg10[%dma_start3A_152, %dma_start3A_153, %dma_start3A_154] : memref<2x64x256xf32, #tpu.memory_space<vmem>> -> memref<1x64x256xf32, #tpu.memory_space<vmem>>
      %dma_start3A_156 = tpu.memref_squeeze %dma_start3A_155 : memref<1x64x256xf32, #tpu.memory_space<vmem>> -> memref<64x256xf32, #tpu.memory_space<vmem>>
      %dma_start3A_157 = arith.constant 0 : i32
      %dma_start3A_158 = tpu.memref_slice %arg8[%dma_start3A_150, %dma_start3A_151, %dma_start3A_157] : memref<8x2x64xi32, #tpu.memory_space<vmem>> -> memref<1x1x64xi32, #tpu.memory_space<vmem>>
      %dma_start3A_159 = tpu.memref_squeeze %dma_start3A_158 : memref<1x1x64xi32, #tpu.memory_space<vmem>> -> memref<64xi32, #tpu.memory_space<vmem>>
      %dma_start3A_160 = arith.constant 0 : i32
      %dma_start3A_161 = arith.constant 0 : i32
      %dma_start3A_162 = tpu.memref_slice %arg2[%dma_start3A_160, %dma_start3A_161] : memref<256000x256xf32, #tpu.memory_space<hbm>> -> memref<256000x256xf32, #tpu.memory_space<hbm>>
      tpu.enqueue_indirect_dma source(%dma_start3A_162 : memref<256000x256xf32, #tpu.memory_space<hbm>>) target(%dma_start3A_156 : memref<64x256xf32, #tpu.memory_space<vmem>>) offsets(%dma_start3A_159 : memref<64xi32, #tpu.memory_space<vmem>>) semaphore(%arg13 : memref<!tpu.dma_semaphore, #tpu.memory_space<semaphore_mem>>)
      %dma_start3A_163 = arith.constant 3 : i32
      %dma_start3A_164 = arith.constant 1 : i32
      %dma_start3A_165 = arith.constant 1 : i32
      %dma_start3A_166 = arith.constant 0 : i32
      %dma_start3A_167 = arith.constant 0 : i32
      %dma_start3A_168 = tpu.memref_slice %arg11[%dma_start3A_165, %dma_start3A_166, %dma_start3A_167] : memref<2x64x128xf32, #tpu.memory_space<vmem>> -> memref<1x64x128xf32, #tpu.memory_space<vmem>>
      %dma_start3A_169 = tpu.memref_squeeze %dma_start3A_168 : memref<1x64x128xf32, #tpu.memory_space<vmem>> -> memref<64x128xf32, #tpu.memory_space<vmem>>
      %dma_start3A_170 = arith.constant 0 : i32
      %dma_start3A_171 = tpu.memref_slice %arg8[%dma_start3A_163, %dma_start3A_164, %dma_start3A_170] : memref<8x2x64xi32, #tpu.memory_space<vmem>> -> memref<1x1x64xi32, #tpu.memory_space<vmem>>
      %dma_start3A_172 = tpu.memref_squeeze %dma_start3A_171 : memref<1x1x64xi32, #tpu.memory_space<vmem>> -> memref<64xi32, #tpu.memory_space<vmem>>
      %dma_start3A_173 = arith.constant 0 : i32
      %dma_start3A_174 = arith.constant 0 : i32
      %dma_start3A_175 = tpu.memref_slice %arg3[%dma_start3A_173, %dma_start3A_174] : memref<256000x128xf32, #tpu.memory_space<hbm>> -> memref<256000x128xf32, #tpu.memory_space<hbm>>
      tpu.enqueue_indirect_dma source(%dma_start3A_175 : memref<256000x128xf32, #tpu.memory_space<hbm>>) target(%dma_start3A_169 : memref<64x128xf32, #tpu.memory_space<vmem>>) offsets(%dma_start3A_172 : memref<64xi32, #tpu.memory_space<vmem>>) semaphore(%arg14 : memref<!tpu.dma_semaphore, #tpu.memory_space<semaphore_mem>>)
      %dma_wait3A_176 = arith.constant 2 : i32
      %dma_wait3A_177 = arith.constant 0 : i32
      %dma_wait3A_178 = arith.constant 0 : i32
      %dma_wait3A_179 = arith.constant 0 : i32
      %dma_wait3A_180 = arith.constant 0 : i32
      %dma_wait3A_181 = tpu.memref_slice %arg10[%dma_wait3A_178, %dma_wait3A_179, %dma_wait3A_180] : memref<2x64x256xf32, #tpu.memory_space<vmem>> -> memref<1x64x256xf32, #tpu.memory_space<vmem>>
      %dma_wait3A_182 = tpu.memref_squeeze %dma_wait3A_181 : memref<1x64x256xf32, #tpu.memory_space<vmem>> -> memref<64x256xf32, #tpu.memory_space<vmem>>
      %dma_wait3A_183 = arith.constant 0 : i32
      %dma_wait3A_184 = tpu.memref_slice %arg8[%dma_wait3A_176, %dma_wait3A_177, %dma_wait3A_183] : memref<8x2x64xi32, #tpu.memory_space<vmem>> -> memref<1x1x64xi32, #tpu.memory_space<vmem>>
      %dma_wait3A_185 = tpu.memref_squeeze %dma_wait3A_184 : memref<1x1x64xi32, #tpu.memory_space<vmem>> -> memref<64xi32, #tpu.memory_space<vmem>>
      %dma_wait3A_186 = arith.constant 0 : i32
      %dma_wait3A_187 = arith.constant 0 : i32
      %dma_wait3A_188 = tpu.memref_slice %arg2[%dma_wait3A_186, %dma_wait3A_187] : memref<256000x256xf32, #tpu.memory_space<hbm>> -> memref<256000x256xf32, #tpu.memory_space<hbm>>
      tpu.wait_indirect_dma semaphore(%arg13 : memref<!tpu.dma_semaphore, #tpu.memory_space<semaphore_mem>>) src(%dma_wait3A_188 : memref<256000x256xf32, #tpu.memory_space<hbm>>) dst(%dma_wait3A_182 : memref<64x256xf32, #tpu.memory_space<vmem>>)
      %dma_wait3A_189 = arith.constant 2 : i32
      %dma_wait3A_190 = arith.constant 1 : i32
      %dma_wait3A_191 = arith.constant 0 : i32
      %dma_wait3A_192 = arith.constant 0 : i32
      %dma_wait3A_193 = arith.constant 0 : i32
      %dma_wait3A_194 = tpu.memref_slice %arg11[%dma_wait3A_191, %dma_wait3A_192, %dma_wait3A_193] : memref<2x64x128xf32, #tpu.memory_space<vmem>> -> memref<1x64x128xf32, #tpu.memory_space<vmem>>
      %dma_wait3A_195 = tpu.memref_squeeze %dma_wait3A_194 : memref<1x64x128xf32, #tpu.memory_space<vmem>> -> memref<64x128xf32, #tpu.memory_space<vmem>>
      %dma_wait3A_196 = arith.constant 0 : i32
      %dma_wait3A_197 = tpu.memref_slice %arg8[%dma_wait3A_189, %dma_wait3A_190, %dma_wait3A_196] : memref<8x2x64xi32, #tpu.memory_space<vmem>> -> memref<1x1x64xi32, #tpu.memory_space<vmem>>
      %dma_wait3A_198 = tpu.memref_squeeze %dma_wait3A_197 : memref<1x1x64xi32, #tpu.memory_space<vmem>> -> memref<64xi32, #tpu.memory_space<vmem>>
      %dma_wait3A_199 = arith.constant 0 : i32
      %dma_wait3A_200 = arith.constant 0 : i32
      %dma_wait3A_201 = tpu.memref_slice %arg3[%dma_wait3A_199, %dma_wait3A_200] : memref<256000x128xf32, #tpu.memory_space<hbm>> -> memref<256000x128xf32, #tpu.memory_space<hbm>>
      tpu.wait_indirect_dma semaphore(%arg14 : memref<!tpu.dma_semaphore, #tpu.memory_space<semaphore_mem>>) src(%dma_wait3A_201 : memref<256000x128xf32, #tpu.memory_space<hbm>>) dst(%dma_wait3A_195 : memref<64x128xf32, #tpu.memory_space<vmem>>)
      %mul3A_202 = arith.constant 8 : i32
      %mul3A_203 = arith.muli %add3A_12, %mul3A_202 : i32
      %add3A_204 = arith.constant 2 : i32
      %add3A_205 = arith.addi %mul3A_203, %add3A_204 : i32
      %run_scoped3A_206 = arith.constant 0 : i32
      "tpu.region"() ({
        %run_scoped3A_466 = tpu.sem_alloc : memref<!tpu.dma_semaphore, #tpu.memory_space<semaphore_mem>>
        %dma_start3A_467 = arith.constant 0 : i32
        %dma_start3A_468 = arith.constant 0 : i32
        %dma_start3A_469 = tpu.memref_slice %arg10[%run_scoped3A_206, %dma_start3A_467, %dma_start3A_468] : memref<2x64x256xf32, #tpu.memory_space<vmem>> -> memref<1x64x256xf32, #tpu.memory_space<vmem>>
        %dma_start3A_470 = tpu.memref_squeeze %dma_start3A_469 : memref<1x64x256xf32, #tpu.memory_space<vmem>> -> memref<64x256xf32, #tpu.memory_space<vmem>>
        %dma_start3A_471 = arith.constant 0 : i32
        %dma_start3A_472 = arith.constant 0 : i32
        %dma_start3A_473 = tpu.memref_slice %arg7[%add3A_205, %dma_start3A_471, %dma_start3A_472] : memref<4096x64x256xf32, #tpu.memory_space<hbm>> -> memref<1x64x256xf32, #tpu.memory_space<hbm>>
        %dma_start3A_474 = tpu.memref_squeeze %dma_start3A_473 : memref<1x64x256xf32, #tpu.memory_space<hbm>> -> memref<64x256xf32, #tpu.memory_space<hbm>>
        %dma_start3A_475 = arith.constant 0 : i32
        %dma_start3A_476 = arith.constant 0 : i32
        %dma_start3A_477 = tpu.memref_slice %arg7[%add3A_205, %dma_start3A_475, %dma_start3A_476] : memref<4096x64x256xf32, #tpu.memory_space<hbm>> -> memref<1x64x256xf32, #tpu.memory_space<hbm>>
        %dma_start3A_478 = tpu.memref_squeeze %dma_start3A_477 : memref<1x64x256xf32, #tpu.memory_space<hbm>> -> memref<64x256xf32, #tpu.memory_space<hbm>>
        %dma_start3A_479 = arith.constant 0 : i32
        %dma_start3A_480 = arith.constant 0 : i32
        %dma_start3A_481 = tpu.memref_slice %arg10[%run_scoped3A_206, %dma_start3A_479, %dma_start3A_480] : memref<2x64x256xf32, #tpu.memory_space<vmem>> -> memref<1x64x256xf32, #tpu.memory_space<vmem>>
        %dma_start3A_482 = tpu.memref_squeeze %dma_start3A_481 : memref<1x64x256xf32, #tpu.memory_space<vmem>> -> memref<64x256xf32, #tpu.memory_space<vmem>>
        tpu.enqueue_dma source(%dma_start3A_482 : memref<64x256xf32, #tpu.memory_space<vmem>>) target(%dma_start3A_478 : memref<64x256xf32, #tpu.memory_space<hbm>>) target_semaphore(%run_scoped3A_466 : memref<!tpu.dma_semaphore, #tpu.memory_space<semaphore_mem>>)
        %dma_wait3A_483 = arith.constant 0 : i32
        %dma_wait3A_484 = arith.constant 0 : i32
        %dma_wait3A_485 = tpu.memref_slice %arg10[%run_scoped3A_206, %dma_wait3A_483, %dma_wait3A_484] : memref<2x64x256xf32, #tpu.memory_space<vmem>> -> memref<1x64x256xf32, #tpu.memory_space<vmem>>
        %dma_wait3A_486 = tpu.memref_squeeze %dma_wait3A_485 : memref<1x64x256xf32, #tpu.memory_space<vmem>> -> memref<64x256xf32, #tpu.memory_space<vmem>>
        %dma_wait3A_487 = arith.constant 0 : i32
        %dma_wait3A_488 = arith.constant 0 : i32
        %dma_wait3A_489 = tpu.memref_slice %arg7[%add3A_205, %dma_wait3A_487, %dma_wait3A_488] : memref<4096x64x256xf32, #tpu.memory_space<hbm>> -> memref<1x64x256xf32, #tpu.memory_space<hbm>>
        %dma_wait3A_490 = tpu.memref_squeeze %dma_wait3A_489 : memref<1x64x256xf32, #tpu.memory_space<hbm>> -> memref<64x256xf32, #tpu.memory_space<hbm>>
        %dma_wait3A_491 = arith.constant 0 : i32
        %dma_wait3A_492 = arith.constant 0 : i32
        %dma_wait3A_493 = tpu.memref_slice %arg7[%add3A_205, %dma_wait3A_491, %dma_wait3A_492] : memref<4096x64x256xf32, #tpu.memory_space<hbm>> -> memref<1x64x256xf32, #tpu.memory_space<hbm>>
        %dma_wait3A_494 = tpu.memref_squeeze %dma_wait3A_493 : memref<1x64x256xf32, #tpu.memory_space<hbm>> -> memref<64x256xf32, #tpu.memory_space<hbm>>
        %dma_wait3A_495 = arith.constant 0 : i32
        %dma_wait3A_496 = arith.constant 0 : i32
        %dma_wait3A_497 = tpu.memref_slice %arg10[%run_scoped3A_206, %dma_wait3A_495, %dma_wait3A_496] : memref<2x64x256xf32, #tpu.memory_space<vmem>> -> memref<1x64x256xf32, #tpu.memory_space<vmem>>
        %dma_wait3A_498 = tpu.memref_squeeze %dma_wait3A_497 : memref<1x64x256xf32, #tpu.memory_space<vmem>> -> memref<64x256xf32, #tpu.memory_space<vmem>>
        tpu.wait_dma2 semaphore(%run_scoped3A_466 : memref<!tpu.dma_semaphore, #tpu.memory_space<semaphore_mem>>) src(%dma_wait3A_498 : memref<64x256xf32, #tpu.memory_space<vmem>>) dst(%dma_wait3A_494 : memref<64x256xf32, #tpu.memory_space<hbm>>)
        tpu.yield
      }) : () -> ()
      %dma_start3A_207 = arith.constant 4 : i32
      %dma_start3A_208 = arith.constant 0 : i32
      %dma_start3A_209 = arith.constant 0 : i32
      %dma_start3A_210 = arith.constant 0 : i32
      %dma_start3A_211 = arith.constant 0 : i32
      %dma_start3A_212 = tpu.memref_slice %arg10[%dma_start3A_209, %dma_start3A_210, %dma_start3A_211] : memref<2x64x256xf32, #tpu.memory_space<vmem>> -> memref<1x64x256xf32, #tpu.memory_space<vmem>>
      %dma_start3A_213 = tpu.memref_squeeze %dma_start3A_212 : memref<1x64x256xf32, #tpu.memory_space<vmem>> -> memref<64x256xf32, #tpu.memory_space<vmem>>
      %dma_start3A_214 = arith.constant 0 : i32
      %dma_start3A_215 = tpu.memref_slice %arg8[%dma_start3A_207, %dma_start3A_208, %dma_start3A_214] : memref<8x2x64xi32, #tpu.memory_space<vmem>> -> memref<1x1x64xi32, #tpu.memory_space<vmem>>
      %dma_start3A_216 = tpu.memref_squeeze %dma_start3A_215 : memref<1x1x64xi32, #tpu.memory_space<vmem>> -> memref<64xi32, #tpu.memory_space<vmem>>
      %dma_start3A_217 = arith.constant 0 : i32
      %dma_start3A_218 = arith.constant 0 : i32
      %dma_start3A_219 = tpu.memref_slice %arg2[%dma_start3A_217, %dma_start3A_218] : memref<256000x256xf32, #tpu.memory_space<hbm>> -> memref<256000x256xf32, #tpu.memory_space<hbm>>
      tpu.enqueue_indirect_dma source(%dma_start3A_219 : memref<256000x256xf32, #tpu.memory_space<hbm>>) target(%dma_start3A_213 : memref<64x256xf32, #tpu.memory_space<vmem>>) offsets(%dma_start3A_216 : memref<64xi32, #tpu.memory_space<vmem>>) semaphore(%arg13 : memref<!tpu.dma_semaphore, #tpu.memory_space<semaphore_mem>>)
      %dma_start3A_220 = arith.constant 4 : i32
      %dma_start3A_221 = arith.constant 1 : i32
      %dma_start3A_222 = arith.constant 0 : i32
      %dma_start3A_223 = arith.constant 0 : i32
      %dma_start3A_224 = arith.constant 0 : i32
      %dma_start3A_225 = tpu.memref_slice %arg11[%dma_start3A_222, %dma_start3A_223, %dma_start3A_224] : memref<2x64x128xf32, #tpu.memory_space<vmem>> -> memref<1x64x128xf32, #tpu.memory_space<vmem>>
      %dma_start3A_226 = tpu.memref_squeeze %dma_start3A_225 : memref<1x64x128xf32, #tpu.memory_space<vmem>> -> memref<64x128xf32, #tpu.memory_space<vmem>>
      %dma_start3A_227 = arith.constant 0 : i32
      %dma_start3A_228 = tpu.memref_slice %arg8[%dma_start3A_220, %dma_start3A_221, %dma_start3A_227] : memref<8x2x64xi32, #tpu.memory_space<vmem>> -> memref<1x1x64xi32, #tpu.memory_space<vmem>>
      %dma_start3A_229 = tpu.memref_squeeze %dma_start3A_228 : memref<1x1x64xi32, #tpu.memory_space<vmem>> -> memref<64xi32, #tpu.memory_space<vmem>>
      %dma_start3A_230 = arith.constant 0 : i32
      %dma_start3A_231 = arith.constant 0 : i32
      %dma_start3A_232 = tpu.memref_slice %arg3[%dma_start3A_230, %dma_start3A_231] : memref<256000x128xf32, #tpu.memory_space<hbm>> -> memref<256000x128xf32, #tpu.memory_space<hbm>>
      tpu.enqueue_indirect_dma source(%dma_start3A_232 : memref<256000x128xf32, #tpu.memory_space<hbm>>) target(%dma_start3A_226 : memref<64x128xf32, #tpu.memory_space<vmem>>) offsets(%dma_start3A_229 : memref<64xi32, #tpu.memory_space<vmem>>) semaphore(%arg14 : memref<!tpu.dma_semaphore, #tpu.memory_space<semaphore_mem>>)
      %dma_wait3A_233 = arith.constant 3 : i32
      %dma_wait3A_234 = arith.constant 0 : i32
      %dma_wait3A_235 = arith.constant 1 : i32
      %dma_wait3A_236 = arith.constant 0 : i32
      %dma_wait3A_237 = arith.constant 0 : i32
      %dma_wait3A_238 = tpu.memref_slice %arg10[%dma_wait3A_235, %dma_wait3A_236, %dma_wait3A_237] : memref<2x64x256xf32, #tpu.memory_space<vmem>> -> memref<1x64x256xf32, #tpu.memory_space<vmem>>
      %dma_wait3A_239 = tpu.memref_squeeze %dma_wait3A_238 : memref<1x64x256xf32, #tpu.memory_space<vmem>> -> memref<64x256xf32, #tpu.memory_space<vmem>>
      %dma_wait3A_240 = arith.constant 0 : i32
      %dma_wait3A_241 = tpu.memref_slice %arg8[%dma_wait3A_233, %dma_wait3A_234, %dma_wait3A_240] : memref<8x2x64xi32, #tpu.memory_space<vmem>> -> memref<1x1x64xi32, #tpu.memory_space<vmem>>
      %dma_wait3A_242 = tpu.memref_squeeze %dma_wait3A_241 : memref<1x1x64xi32, #tpu.memory_space<vmem>> -> memref<64xi32, #tpu.memory_space<vmem>>
      %dma_wait3A_243 = arith.constant 0 : i32
      %dma_wait3A_244 = arith.constant 0 : i32
      %dma_wait3A_245 = tpu.memref_slice %arg2[%dma_wait3A_243, %dma_wait3A_244] : memref<256000x256xf32, #tpu.memory_space<hbm>> -> memref<256000x256xf32, #tpu.memory_space<hbm>>
      tpu.wait_indirect_dma semaphore(%arg13 : memref<!tpu.dma_semaphore, #tpu.memory_space<semaphore_mem>>) src(%dma_wait3A_245 : memref<256000x256xf32, #tpu.memory_space<hbm>>) dst(%dma_wait3A_239 : memref<64x256xf32, #tpu.memory_space<vmem>>)
      %dma_wait3A_246 = arith.constant 3 : i32
      %dma_wait3A_247 = arith.constant 1 : i32
      %dma_wait3A_248 = arith.constant 1 : i32
      %dma_wait3A_249 = arith.constant 0 : i32
      %dma_wait3A_250 = arith.constant 0 : i32
      %dma_wait3A_251 = tpu.memref_slice %arg11[%dma_wait3A_248, %dma_wait3A_249, %dma_wait3A_250] : memref<2x64x128xf32, #tpu.memory_space<vmem>> -> memref<1x64x128xf32, #tpu.memory_space<vmem>>
      %dma_wait3A_252 = tpu.memref_squeeze %dma_wait3A_251 : memref<1x64x128xf32, #tpu.memory_space<vmem>> -> memref<64x128xf32, #tpu.memory_space<vmem>>
      %dma_wait3A_253 = arith.constant 0 : i32
      %dma_wait3A_254 = tpu.memref_slice %arg8[%dma_wait3A_246, %dma_wait3A_247, %dma_wait3A_253] : memref<8x2x64xi32, #tpu.memory_space<vmem>> -> memref<1x1x64xi32, #tpu.memory_space<vmem>>
      %dma_wait3A_255 = tpu.memref_squeeze %dma_wait3A_254 : memref<1x1x64xi32, #tpu.memory_space<vmem>> -> memref<64xi32, #tpu.memory_space<vmem>>
      %dma_wait3A_256 = arith.constant 0 : i32
      %dma_wait3A_257 = arith.constant 0 : i32
      %dma_wait3A_258 = tpu.memref_slice %arg3[%dma_wait3A_256, %dma_wait3A_257] : memref<256000x128xf32, #tpu.memory_space<hbm>> -> memref<256000x128xf32, #tpu.memory_space<hbm>>
      tpu.wait_indirect_dma semaphore(%arg14 : memref<!tpu.dma_semaphore, #tpu.memory_space<semaphore_mem>>) src(%dma_wait3A_258 : memref<256000x128xf32, #tpu.memory_space<hbm>>) dst(%dma_wait3A_252 : memref<64x128xf32, #tpu.memory_space<vmem>>)
      %mul3A_259 = arith.constant 8 : i32
      %mul3A_260 = arith.muli %add3A_12, %mul3A_259 : i32
      %add3A_261 = arith.constant 3 : i32
      %add3A_262 = arith.addi %mul3A_260, %add3A_261 : i32
      %run_scoped3A_263 = arith.constant 1 : i32
      "tpu.region"() ({
        %run_scoped3A_466 = tpu.sem_alloc : memref<!tpu.dma_semaphore, #tpu.memory_space<semaphore_mem>>
        %dma_start3A_467 = arith.constant 0 : i32
        %dma_start3A_468 = arith.constant 0 : i32
        %dma_start3A_469 = tpu.memref_slice %arg10[%run_scoped3A_263, %dma_start3A_467, %dma_start3A_468] : memref<2x64x256xf32, #tpu.memory_space<vmem>> -> memref<1x64x256xf32, #tpu.memory_space<vmem>>
        %dma_start3A_470 = tpu.memref_squeeze %dma_start3A_469 : memref<1x64x256xf32, #tpu.memory_space<vmem>> -> memref<64x256xf32, #tpu.memory_space<vmem>>
        %dma_start3A_471 = arith.constant 0 : i32
        %dma_start3A_472 = arith.constant 0 : i32
        %dma_start3A_473 = tpu.memref_slice %arg7[%add3A_262, %dma_start3A_471, %dma_start3A_472] : memref<4096x64x256xf32, #tpu.memory_space<hbm>> -> memref<1x64x256xf32, #tpu.memory_space<hbm>>
        %dma_start3A_474 = tpu.memref_squeeze %dma_start3A_473 : memref<1x64x256xf32, #tpu.memory_space<hbm>> -> memref<64x256xf32, #tpu.memory_space<hbm>>
        %dma_start3A_475 = arith.constant 0 : i32
        %dma_start3A_476 = arith.constant 0 : i32
        %dma_start3A_477 = tpu.memref_slice %arg7[%add3A_262, %dma_start3A_475, %dma_start3A_476] : memref<4096x64x256xf32, #tpu.memory_space<hbm>> -> memref<1x64x256xf32, #tpu.memory_space<hbm>>
        %dma_start3A_478 = tpu.memref_squeeze %dma_start3A_477 : memref<1x64x256xf32, #tpu.memory_space<hbm>> -> memref<64x256xf32, #tpu.memory_space<hbm>>
        %dma_start3A_479 = arith.constant 0 : i32
        %dma_start3A_480 = arith.constant 0 : i32
        %dma_start3A_481 = tpu.memref_slice %arg10[%run_scoped3A_263, %dma_start3A_479, %dma_start3A_480] : memref<2x64x256xf32, #tpu.memory_space<vmem>> -> memref<1x64x256xf32, #tpu.memory_space<vmem>>
        %dma_start3A_482 = tpu.memref_squeeze %dma_start3A_481 : memref<1x64x256xf32, #tpu.memory_space<vmem>> -> memref<64x256xf32, #tpu.memory_space<vmem>>
        tpu.enqueue_dma source(%dma_start3A_482 : memref<64x256xf32, #tpu.memory_space<vmem>>) target(%dma_start3A_478 : memref<64x256xf32, #tpu.memory_space<hbm>>) target_semaphore(%run_scoped3A_466 : memref<!tpu.dma_semaphore, #tpu.memory_space<semaphore_mem>>)
        %dma_wait3A_483 = arith.constant 0 : i32
        %dma_wait3A_484 = arith.constant 0 : i32
        %dma_wait3A_485 = tpu.memref_slice %arg10[%run_scoped3A_263, %dma_wait3A_483, %dma_wait3A_484] : memref<2x64x256xf32, #tpu.memory_space<vmem>> -> memref<1x64x256xf32, #tpu.memory_space<vmem>>
        %dma_wait3A_486 = tpu.memref_squeeze %dma_wait3A_485 : memref<1x64x256xf32, #tpu.memory_space<vmem>> -> memref<64x256xf32, #tpu.memory_space<vmem>>
        %dma_wait3A_487 = arith.constant 0 : i32
        %dma_wait3A_488 = arith.constant 0 : i32
        %dma_wait3A_489 = tpu.memref_slice %arg7[%add3A_262, %dma_wait3A_487, %dma_wait3A_488] : memref<4096x64x256xf32, #tpu.memory_space<hbm>> -> memref<1x64x256xf32, #tpu.memory_space<hbm>>
        %dma_wait3A_490 = tpu.memref_squeeze %dma_wait3A_489 : memref<1x64x256xf32, #tpu.memory_space<hbm>> -> memref<64x256xf32, #tpu.memory_space<hbm>>
        %dma_wait3A_491 = arith.constant 0 : i32
        %dma_wait3A_492 = arith.constant 0 : i32
        %dma_wait3A_493 = tpu.memref_slice %arg7[%add3A_262, %dma_wait3A_491, %dma_wait3A_492] : memref<4096x64x256xf32, #tpu.memory_space<hbm>> -> memref<1x64x256xf32, #tpu.memory_space<hbm>>
        %dma_wait3A_494 = tpu.memref_squeeze %dma_wait3A_493 : memref<1x64x256xf32, #tpu.memory_space<hbm>> -> memref<64x256xf32, #tpu.memory_space<hbm>>
        %dma_wait3A_495 = arith.constant 0 : i32
        %dma_wait3A_496 = arith.constant 0 : i32
        %dma_wait3A_497 = tpu.memref_slice %arg10[%run_scoped3A_263, %dma_wait3A_495, %dma_wait3A_496] : memref<2x64x256xf32, #tpu.memory_space<vmem>> -> memref<1x64x256xf32, #tpu.memory_space<vmem>>
        %dma_wait3A_498 = tpu.memref_squeeze %dma_wait3A_497 : memref<1x64x256xf32, #tpu.memory_space<vmem>> -> memref<64x256xf32, #tpu.memory_space<vmem>>
        tpu.wait_dma2 semaphore(%run_scoped3A_466 : memref<!tpu.dma_semaphore, #tpu.memory_space<semaphore_mem>>) src(%dma_wait3A_498 : memref<64x256xf32, #tpu.memory_space<vmem>>) dst(%dma_wait3A_494 : memref<64x256xf32, #tpu.memory_space<hbm>>)
        tpu.yield
      }) : () -> ()
      %dma_start3A_264 = arith.constant 5 : i32
      %dma_start3A_265 = arith.constant 0 : i32
      %dma_start3A_266 = arith.constant 1 : i32
      %dma_start3A_267 = arith.constant 0 : i32
      %dma_start3A_268 = arith.constant 0 : i32
      %dma_start3A_269 = tpu.memref_slice %arg10[%dma_start3A_266, %dma_start3A_267, %dma_start3A_268] : memref<2x64x256xf32, #tpu.memory_space<vmem>> -> memref<1x64x256xf32, #tpu.memory_space<vmem>>
      %dma_start3A_270 = tpu.memref_squeeze %dma_start3A_269 : memref<1x64x256xf32, #tpu.memory_space<vmem>> -> memref<64x256xf32, #tpu.memory_space<vmem>>
      %dma_start3A_271 = arith.constant 0 : i32
      %dma_start3A_272 = tpu.memref_slice %arg8[%dma_start3A_264, %dma_start3A_265, %dma_start3A_271] : memref<8x2x64xi32, #tpu.memory_space<vmem>> -> memref<1x1x64xi32, #tpu.memory_space<vmem>>
      %dma_start3A_273 = tpu.memref_squeeze %dma_start3A_272 : memref<1x1x64xi32, #tpu.memory_space<vmem>> -> memref<64xi32, #tpu.memory_space<vmem>>
      %dma_start3A_274 = arith.constant 0 : i32
      %dma_start3A_275 = arith.constant 0 : i32
      %dma_start3A_276 = tpu.memref_slice %arg2[%dma_start3A_274, %dma_start3A_275] : memref<256000x256xf32, #tpu.memory_space<hbm>> -> memref<256000x256xf32, #tpu.memory_space<hbm>>
      tpu.enqueue_indirect_dma source(%dma_start3A_276 : memref<256000x256xf32, #tpu.memory_space<hbm>>) target(%dma_start3A_270 : memref<64x256xf32, #tpu.memory_space<vmem>>) offsets(%dma_start3A_273 : memref<64xi32, #tpu.memory_space<vmem>>) semaphore(%arg13 : memref<!tpu.dma_semaphore, #tpu.memory_space<semaphore_mem>>)
      %dma_start3A_277 = arith.constant 5 : i32
      %dma_start3A_278 = arith.constant 1 : i32
      %dma_start3A_279 = arith.constant 1 : i32
      %dma_start3A_280 = arith.constant 0 : i32
      %dma_start3A_281 = arith.constant 0 : i32
      %dma_start3A_282 = tpu.memref_slice %arg11[%dma_start3A_279, %dma_start3A_280, %dma_start3A_281] : memref<2x64x128xf32, #tpu.memory_space<vmem>> -> memref<1x64x128xf32, #tpu.memory_space<vmem>>
      %dma_start3A_283 = tpu.memref_squeeze %dma_start3A_282 : memref<1x64x128xf32, #tpu.memory_space<vmem>> -> memref<64x128xf32, #tpu.memory_space<vmem>>
      %dma_start3A_284 = arith.constant 0 : i32
      %dma_start3A_285 = tpu.memref_slice %arg8[%dma_start3A_277, %dma_start3A_278, %dma_start3A_284] : memref<8x2x64xi32, #tpu.memory_space<vmem>> -> memref<1x1x64xi32, #tpu.memory_space<vmem>>
      %dma_start3A_286 = tpu.memref_squeeze %dma_start3A_285 : memref<1x1x64xi32, #tpu.memory_space<vmem>> -> memref<64xi32, #tpu.memory_space<vmem>>
      %dma_start3A_287 = arith.constant 0 : i32
      %dma_start3A_288 = arith.constant 0 : i32
      %dma_start3A_289 = tpu.memref_slice %arg3[%dma_start3A_287, %dma_start3A_288] : memref<256000x128xf32, #tpu.memory_space<hbm>> -> memref<256000x128xf32, #tpu.memory_space<hbm>>
      tpu.enqueue_indirect_dma source(%dma_start3A_289 : memref<256000x128xf32, #tpu.memory_space<hbm>>) target(%dma_start3A_283 : memref<64x128xf32, #tpu.memory_space<vmem>>) offsets(%dma_start3A_286 : memref<64xi32, #tpu.memory_space<vmem>>) semaphore(%arg14 : memref<!tpu.dma_semaphore, #tpu.memory_space<semaphore_mem>>)
      %dma_wait3A_290 = arith.constant 4 : i32
      %dma_wait3A_291 = arith.constant 0 : i32
      %dma_wait3A_292 = arith.constant 0 : i32
      %dma_wait3A_293 = arith.constant 0 : i32
      %dma_wait3A_294 = arith.constant 0 : i32
      %dma_wait3A_295 = tpu.memref_slice %arg10[%dma_wait3A_292, %dma_wait3A_293, %dma_wait3A_294] : memref<2x64x256xf32, #tpu.memory_space<vmem>> -> memref<1x64x256xf32, #tpu.memory_space<vmem>>
      %dma_wait3A_296 = tpu.memref_squeeze %dma_wait3A_295 : memref<1x64x256xf32, #tpu.memory_space<vmem>> -> memref<64x256xf32, #tpu.memory_space<vmem>>
      %dma_wait3A_297 = arith.constant 0 : i32
      %dma_wait3A_298 = tpu.memref_slice %arg8[%dma_wait3A_290, %dma_wait3A_291, %dma_wait3A_297] : memref<8x2x64xi32, #tpu.memory_space<vmem>> -> memref<1x1x64xi32, #tpu.memory_space<vmem>>
      %dma_wait3A_299 = tpu.memref_squeeze %dma_wait3A_298 : memref<1x1x64xi32, #tpu.memory_space<vmem>> -> memref<64xi32, #tpu.memory_space<vmem>>
      %dma_wait3A_300 = arith.constant 0 : i32
      %dma_wait3A_301 = arith.constant 0 : i32
      %dma_wait3A_302 = tpu.memref_slice %arg2[%dma_wait3A_300, %dma_wait3A_301] : memref<256000x256xf32, #tpu.memory_space<hbm>> -> memref<256000x256xf32, #tpu.memory_space<hbm>>
      tpu.wait_indirect_dma semaphore(%arg13 : memref<!tpu.dma_semaphore, #tpu.memory_space<semaphore_mem>>) src(%dma_wait3A_302 : memref<256000x256xf32, #tpu.memory_space<hbm>>) dst(%dma_wait3A_296 : memref<64x256xf32, #tpu.memory_space<vmem>>)
      %dma_wait3A_303 = arith.constant 4 : i32
      %dma_wait3A_304 = arith.constant 1 : i32
      %dma_wait3A_305 = arith.constant 0 : i32
      %dma_wait3A_306 = arith.constant 0 : i32
      %dma_wait3A_307 = arith.constant 0 : i32
      %dma_wait3A_308 = tpu.memref_slice %arg11[%dma_wait3A_305, %dma_wait3A_306, %dma_wait3A_307] : memref<2x64x128xf32, #tpu.memory_space<vmem>> -> memref<1x64x128xf32, #tpu.memory_space<vmem>>
      %dma_wait3A_309 = tpu.memref_squeeze %dma_wait3A_308 : memref<1x64x128xf32, #tpu.memory_space<vmem>> -> memref<64x128xf32, #tpu.memory_space<vmem>>
      %dma_wait3A_310 = arith.constant 0 : i32
      %dma_wait3A_311 = tpu.memref_slice %arg8[%dma_wait3A_303, %dma_wait3A_304, %dma_wait3A_310] : memref<8x2x64xi32, #tpu.memory_space<vmem>> -> memref<1x1x64xi32, #tpu.memory_space<vmem>>
      %dma_wait3A_312 = tpu.memref_squeeze %dma_wait3A_311 : memref<1x1x64xi32, #tpu.memory_space<vmem>> -> memref<64xi32, #tpu.memory_space<vmem>>
      %dma_wait3A_313 = arith.constant 0 : i32
      %dma_wait3A_314 = arith.constant 0 : i32
      %dma_wait3A_315 = tpu.memref_slice %arg3[%dma_wait3A_313, %dma_wait3A_314] : memref<256000x128xf32, #tpu.memory_space<hbm>> -> memref<256000x128xf32, #tpu.memory_space<hbm>>
      tpu.wait_indirect_dma semaphore(%arg14 : memref<!tpu.dma_semaphore, #tpu.memory_space<semaphore_mem>>) src(%dma_wait3A_315 : memref<256000x128xf32, #tpu.memory_space<hbm>>) dst(%dma_wait3A_309 : memref<64x128xf32, #tpu.memory_space<vmem>>)
      %mul3A_316 = arith.constant 8 : i32
      %mul3A_317 = arith.muli %add3A_12, %mul3A_316 : i32
      %add3A_318 = arith.constant 4 : i32
      %add3A_319 = arith.addi %mul3A_317, %add3A_318 : i32
      %run_scoped3A_320 = arith.constant 0 : i32
      "tpu.region"() ({
        %run_scoped3A_466 = tpu.sem_alloc : memref<!tpu.dma_semaphore, #tpu.memory_space<semaphore_mem>>
        %dma_start3A_467 = arith.constant 0 : i32
        %dma_start3A_468 = arith.constant 0 : i32
        %dma_start3A_469 = tpu.memref_slice %arg10[%run_scoped3A_320, %dma_start3A_467, %dma_start3A_468] : memref<2x64x256xf32, #tpu.memory_space<vmem>> -> memref<1x64x256xf32, #tpu.memory_space<vmem>>
        %dma_start3A_470 = tpu.memref_squeeze %dma_start3A_469 : memref<1x64x256xf32, #tpu.memory_space<vmem>> -> memref<64x256xf32, #tpu.memory_space<vmem>>
        %dma_start3A_471 = arith.constant 0 : i32
        %dma_start3A_472 = arith.constant 0 : i32
        %dma_start3A_473 = tpu.memref_slice %arg7[%add3A_319, %dma_start3A_471, %dma_start3A_472] : memref<4096x64x256xf32, #tpu.memory_space<hbm>> -> memref<1x64x256xf32, #tpu.memory_space<hbm>>
        %dma_start3A_474 = tpu.memref_squeeze %dma_start3A_473 : memref<1x64x256xf32, #tpu.memory_space<hbm>> -> memref<64x256xf32, #tpu.memory_space<hbm>>
        %dma_start3A_475 = arith.constant 0 : i32
        %dma_start3A_476 = arith.constant 0 : i32
        %dma_start3A_477 = tpu.memref_slice %arg7[%add3A_319, %dma_start3A_475, %dma_start3A_476] : memref<4096x64x256xf32, #tpu.memory_space<hbm>> -> memref<1x64x256xf32, #tpu.memory_space<hbm>>
        %dma_start3A_478 = tpu.memref_squeeze %dma_start3A_477 : memref<1x64x256xf32, #tpu.memory_space<hbm>> -> memref<64x256xf32, #tpu.memory_space<hbm>>
        %dma_start3A_479 = arith.constant 0 : i32
        %dma_start3A_480 = arith.constant 0 : i32
        %dma_start3A_481 = tpu.memref_slice %arg10[%run_scoped3A_320, %dma_start3A_479, %dma_start3A_480] : memref<2x64x256xf32, #tpu.memory_space<vmem>> -> memref<1x64x256xf32, #tpu.memory_space<vmem>>
        %dma_start3A_482 = tpu.memref_squeeze %dma_start3A_481 : memref<1x64x256xf32, #tpu.memory_space<vmem>> -> memref<64x256xf32, #tpu.memory_space<vmem>>
        tpu.enqueue_dma source(%dma_start3A_482 : memref<64x256xf32, #tpu.memory_space<vmem>>) target(%dma_start3A_478 : memref<64x256xf32, #tpu.memory_space<hbm>>) target_semaphore(%run_scoped3A_466 : memref<!tpu.dma_semaphore, #tpu.memory_space<semaphore_mem>>)
        %dma_wait3A_483 = arith.constant 0 : i32
        %dma_wait3A_484 = arith.constant 0 : i32
        %dma_wait3A_485 = tpu.memref_slice %arg10[%run_scoped3A_320, %dma_wait3A_483, %dma_wait3A_484] : memref<2x64x256xf32, #tpu.memory_space<vmem>> -> memref<1x64x256xf32, #tpu.memory_space<vmem>>
        %dma_wait3A_486 = tpu.memref_squeeze %dma_wait3A_485 : memref<1x64x256xf32, #tpu.memory_space<vmem>> -> memref<64x256xf32, #tpu.memory_space<vmem>>
        %dma_wait3A_487 = arith.constant 0 : i32
        %dma_wait3A_488 = arith.constant 0 : i32
        %dma_wait3A_489 = tpu.memref_slice %arg7[%add3A_319, %dma_wait3A_487, %dma_wait3A_488] : memref<4096x64x256xf32, #tpu.memory_space<hbm>> -> memref<1x64x256xf32, #tpu.memory_space<hbm>>
        %dma_wait3A_490 = tpu.memref_squeeze %dma_wait3A_489 : memref<1x64x256xf32, #tpu.memory_space<hbm>> -> memref<64x256xf32, #tpu.memory_space<hbm>>
        %dma_wait3A_491 = arith.constant 0 : i32
        %dma_wait3A_492 = arith.constant 0 : i32
        %dma_wait3A_493 = tpu.memref_slice %arg7[%add3A_319, %dma_wait3A_491, %dma_wait3A_492] : memref<4096x64x256xf32, #tpu.memory_space<hbm>> -> memref<1x64x256xf32, #tpu.memory_space<hbm>>
        %dma_wait3A_494 = tpu.memref_squeeze %dma_wait3A_493 : memref<1x64x256xf32, #tpu.memory_space<hbm>> -> memref<64x256xf32, #tpu.memory_space<hbm>>
        %dma_wait3A_495 = arith.constant 0 : i32
        %dma_wait3A_496 = arith.constant 0 : i32
        %dma_wait3A_497 = tpu.memref_slice %arg10[%run_scoped3A_320, %dma_wait3A_495, %dma_wait3A_496] : memref<2x64x256xf32, #tpu.memory_space<vmem>> -> memref<1x64x256xf32, #tpu.memory_space<vmem>>
        %dma_wait3A_498 = tpu.memref_squeeze %dma_wait3A_497 : memref<1x64x256xf32, #tpu.memory_space<vmem>> -> memref<64x256xf32, #tpu.memory_space<vmem>>
        tpu.wait_dma2 semaphore(%run_scoped3A_466 : memref<!tpu.dma_semaphore, #tpu.memory_space<semaphore_mem>>) src(%dma_wait3A_498 : memref<64x256xf32, #tpu.memory_space<vmem>>) dst(%dma_wait3A_494 : memref<64x256xf32, #tpu.memory_space<hbm>>)
        tpu.yield
      }) : () -> ()
      %dma_start3A_321 = arith.constant 6 : i32
      %dma_start3A_322 = arith.constant 0 : i32
      %dma_start3A_323 = arith.constant 0 : i32
      %dma_start3A_324 = arith.constant 0 : i32
      %dma_start3A_325 = arith.constant 0 : i32
      %dma_start3A_326 = tpu.memref_slice %arg10[%dma_start3A_323, %dma_start3A_324, %dma_start3A_325] : memref<2x64x256xf32, #tpu.memory_space<vmem>> -> memref<1x64x256xf32, #tpu.memory_space<vmem>>
      %dma_start3A_327 = tpu.memref_squeeze %dma_start3A_326 : memref<1x64x256xf32, #tpu.memory_space<vmem>> -> memref<64x256xf32, #tpu.memory_space<vmem>>
      %dma_start3A_328 = arith.constant 0 : i32
      %dma_start3A_329 = tpu.memref_slice %arg8[%dma_start3A_321, %dma_start3A_322, %dma_start3A_328] : memref<8x2x64xi32, #tpu.memory_space<vmem>> -> memref<1x1x64xi32, #tpu.memory_space<vmem>>
      %dma_start3A_330 = tpu.memref_squeeze %dma_start3A_329 : memref<1x1x64xi32, #tpu.memory_space<vmem>> -> memref<64xi32, #tpu.memory_space<vmem>>
      %dma_start3A_331 = arith.constant 0 : i32
      %dma_start3A_332 = arith.constant 0 : i32
      %dma_start3A_333 = tpu.memref_slice %arg2[%dma_start3A_331, %dma_start3A_332] : memref<256000x256xf32, #tpu.memory_space<hbm>> -> memref<256000x256xf32, #tpu.memory_space<hbm>>
      tpu.enqueue_indirect_dma source(%dma_start3A_333 : memref<256000x256xf32, #tpu.memory_space<hbm>>) target(%dma_start3A_327 : memref<64x256xf32, #tpu.memory_space<vmem>>) offsets(%dma_start3A_330 : memref<64xi32, #tpu.memory_space<vmem>>) semaphore(%arg13 : memref<!tpu.dma_semaphore, #tpu.memory_space<semaphore_mem>>)
      %dma_start3A_334 = arith.constant 6 : i32
      %dma_start3A_335 = arith.constant 1 : i32
      %dma_start3A_336 = arith.constant 0 : i32
      %dma_start3A_337 = arith.constant 0 : i32
      %dma_start3A_338 = arith.constant 0 : i32
      %dma_start3A_339 = tpu.memref_slice %arg11[%dma_start3A_336, %dma_start3A_337, %dma_start3A_338] : memref<2x64x128xf32, #tpu.memory_space<vmem>> -> memref<1x64x128xf32, #tpu.memory_space<vmem>>
      %dma_start3A_340 = tpu.memref_squeeze %dma_start3A_339 : memref<1x64x128xf32, #tpu.memory_space<vmem>> -> memref<64x128xf32, #tpu.memory_space<vmem>>
      %dma_start3A_341 = arith.constant 0 : i32
      %dma_start3A_342 = tpu.memref_slice %arg8[%dma_start3A_334, %dma_start3A_335, %dma_start3A_341] : memref<8x2x64xi32, #tpu.memory_space<vmem>> -> memref<1x1x64xi32, #tpu.memory_space<vmem>>
      %dma_start3A_343 = tpu.memref_squeeze %dma_start3A_342 : memref<1x1x64xi32, #tpu.memory_space<vmem>> -> memref<64xi32, #tpu.memory_space<vmem>>
      %dma_start3A_344 = arith.constant 0 : i32
      %dma_start3A_345 = arith.constant 0 : i32
      %dma_start3A_346 = tpu.memref_slice %arg3[%dma_start3A_344, %dma_start3A_345] : memref<256000x128xf32, #tpu.memory_space<hbm>> -> memref<256000x128xf32, #tpu.memory_space<hbm>>
      tpu.enqueue_indirect_dma source(%dma_start3A_346 : memref<256000x128xf32, #tpu.memory_space<hbm>>) target(%dma_start3A_340 : memref<64x128xf32, #tpu.memory_space<vmem>>) offsets(%dma_start3A_343 : memref<64xi32, #tpu.memory_space<vmem>>) semaphore(%arg14 : memref<!tpu.dma_semaphore, #tpu.memory_space<semaphore_mem>>)
      %dma_wait3A_347 = arith.constant 5 : i32
      %dma_wait3A_348 = arith.constant 0 : i32
      %dma_wait3A_349 = arith.constant 1 : i32
      %dma_wait3A_350 = arith.constant 0 : i32
      %dma_wait3A_351 = arith.constant 0 : i32
      %dma_wait3A_352 = tpu.memref_slice %arg10[%dma_wait3A_349, %dma_wait3A_350, %dma_wait3A_351] : memref<2x64x256xf32, #tpu.memory_space<vmem>> -> memref<1x64x256xf32, #tpu.memory_space<vmem>>
      %dma_wait3A_353 = tpu.memref_squeeze %dma_wait3A_352 : memref<1x64x256xf32, #tpu.memory_space<vmem>> -> memref<64x256xf32, #tpu.memory_space<vmem>>
      %dma_wait3A_354 = arith.constant 0 : i32
      %dma_wait3A_355 = tpu.memref_slice %arg8[%dma_wait3A_347, %dma_wait3A_348, %dma_wait3A_354] : memref<8x2x64xi32, #tpu.memory_space<vmem>> -> memref<1x1x64xi32, #tpu.memory_space<vmem>>
      %dma_wait3A_356 = tpu.memref_squeeze %dma_wait3A_355 : memref<1x1x64xi32, #tpu.memory_space<vmem>> -> memref<64xi32, #tpu.memory_space<vmem>>
      %dma_wait3A_357 = arith.constant 0 : i32
      %dma_wait3A_358 = arith.constant 0 : i32
      %dma_wait3A_359 = tpu.memref_slice %arg2[%dma_wait3A_357, %dma_wait3A_358] : memref<256000x256xf32, #tpu.memory_space<hbm>> -> memref<256000x256xf32, #tpu.memory_space<hbm>>
      tpu.wait_indirect_dma semaphore(%arg13 : memref<!tpu.dma_semaphore, #tpu.memory_space<semaphore_mem>>) src(%dma_wait3A_359 : memref<256000x256xf32, #tpu.memory_space<hbm>>) dst(%dma_wait3A_353 : memref<64x256xf32, #tpu.memory_space<vmem>>)
      %dma_wait3A_360 = arith.constant 5 : i32
      %dma_wait3A_361 = arith.constant 1 : i32
      %dma_wait3A_362 = arith.constant 1 : i32
      %dma_wait3A_363 = arith.constant 0 : i32
      %dma_wait3A_364 = arith.constant 0 : i32
      %dma_wait3A_365 = tpu.memref_slice %arg11[%dma_wait3A_362, %dma_wait3A_363, %dma_wait3A_364] : memref<2x64x128xf32, #tpu.memory_space<vmem>> -> memref<1x64x128xf32, #tpu.memory_space<vmem>>
      %dma_wait3A_366 = tpu.memref_squeeze %dma_wait3A_365 : memref<1x64x128xf32, #tpu.memory_space<vmem>> -> memref<64x128xf32, #tpu.memory_space<vmem>>
      %dma_wait3A_367 = arith.constant 0 : i32
      %dma_wait3A_368 = tpu.memref_slice %arg8[%dma_wait3A_360, %dma_wait3A_361, %dma_wait3A_367] : memref<8x2x64xi32, #tpu.memory_space<vmem>> -> memref<1x1x64xi32, #tpu.memory_space<vmem>>
      %dma_wait3A_369 = tpu.memref_squeeze %dma_wait3A_368 : memref<1x1x64xi32, #tpu.memory_space<vmem>> -> memref<64xi32, #tpu.memory_space<vmem>>
      %dma_wait3A_370 = arith.constant 0 : i32
      %dma_wait3A_371 = arith.constant 0 : i32
      %dma_wait3A_372 = tpu.memref_slice %arg3[%dma_wait3A_370, %dma_wait3A_371] : memref<256000x128xf32, #tpu.memory_space<hbm>> -> memref<256000x128xf32, #tpu.memory_space<hbm>>
      tpu.wait_indirect_dma semaphore(%arg14 : memref<!tpu.dma_semaphore, #tpu.memory_space<semaphore_mem>>) src(%dma_wait3A_372 : memref<256000x128xf32, #tpu.memory_space<hbm>>) dst(%dma_wait3A_366 : memref<64x128xf32, #tpu.memory_space<vmem>>)
      %mul3A_373 = arith.constant 8 : i32
      %mul3A_374 = arith.muli %add3A_12, %mul3A_373 : i32
      %add3A_375 = arith.constant 5 : i32
      %add3A_376 = arith.addi %mul3A_374, %add3A_375 : i32
      %run_scoped3A_377 = arith.constant 1 : i32
      "tpu.region"() ({
        %run_scoped3A_466 = tpu.sem_alloc : memref<!tpu.dma_semaphore, #tpu.memory_space<semaphore_mem>>
        %dma_start3A_467 = arith.constant 0 : i32
        %dma_start3A_468 = arith.constant 0 : i32
        %dma_start3A_469 = tpu.memref_slice %arg10[%run_scoped3A_377, %dma_start3A_467, %dma_start3A_468] : memref<2x64x256xf32, #tpu.memory_space<vmem>> -> memref<1x64x256xf32, #tpu.memory_space<vmem>>
        %dma_start3A_470 = tpu.memref_squeeze %dma_start3A_469 : memref<1x64x256xf32, #tpu.memory_space<vmem>> -> memref<64x256xf32, #tpu.memory_space<vmem>>
        %dma_start3A_471 = arith.constant 0 : i32
        %dma_start3A_472 = arith.constant 0 : i32
        %dma_start3A_473 = tpu.memref_slice %arg7[%add3A_376, %dma_start3A_471, %dma_start3A_472] : memref<4096x64x256xf32, #tpu.memory_space<hbm>> -> memref<1x64x256xf32, #tpu.memory_space<hbm>>
        %dma_start3A_474 = tpu.memref_squeeze %dma_start3A_473 : memref<1x64x256xf32, #tpu.memory_space<hbm>> -> memref<64x256xf32, #tpu.memory_space<hbm>>
        %dma_start3A_475 = arith.constant 0 : i32
        %dma_start3A_476 = arith.constant 0 : i32
        %dma_start3A_477 = tpu.memref_slice %arg7[%add3A_376, %dma_start3A_475, %dma_start3A_476] : memref<4096x64x256xf32, #tpu.memory_space<hbm>> -> memref<1x64x256xf32, #tpu.memory_space<hbm>>
        %dma_start3A_478 = tpu.memref_squeeze %dma_start3A_477 : memref<1x64x256xf32, #tpu.memory_space<hbm>> -> memref<64x256xf32, #tpu.memory_space<hbm>>
        %dma_start3A_479 = arith.constant 0 : i32
        %dma_start3A_480 = arith.constant 0 : i32
        %dma_start3A_481 = tpu.memref_slice %arg10[%run_scoped3A_377, %dma_start3A_479, %dma_start3A_480] : memref<2x64x256xf32, #tpu.memory_space<vmem>> -> memref<1x64x256xf32, #tpu.memory_space<vmem>>
        %dma_start3A_482 = tpu.memref_squeeze %dma_start3A_481 : memref<1x64x256xf32, #tpu.memory_space<vmem>> -> memref<64x256xf32, #tpu.memory_space<vmem>>
        tpu.enqueue_dma source(%dma_start3A_482 : memref<64x256xf32, #tpu.memory_space<vmem>>) target(%dma_start3A_478 : memref<64x256xf32, #tpu.memory_space<hbm>>) target_semaphore(%run_scoped3A_466 : memref<!tpu.dma_semaphore, #tpu.memory_space<semaphore_mem>>)
        %dma_wait3A_483 = arith.constant 0 : i32
        %dma_wait3A_484 = arith.constant 0 : i32
        %dma_wait3A_485 = tpu.memref_slice %arg10[%run_scoped3A_377, %dma_wait3A_483, %dma_wait3A_484] : memref<2x64x256xf32, #tpu.memory_space<vmem>> -> memref<1x64x256xf32, #tpu.memory_space<vmem>>
        %dma_wait3A_486 = tpu.memref_squeeze %dma_wait3A_485 : memref<1x64x256xf32, #tpu.memory_space<vmem>> -> memref<64x256xf32, #tpu.memory_space<vmem>>
        %dma_wait3A_487 = arith.constant 0 : i32
        %dma_wait3A_488 = arith.constant 0 : i32
        %dma_wait3A_489 = tpu.memref_slice %arg7[%add3A_376, %dma_wait3A_487, %dma_wait3A_488] : memref<4096x64x256xf32, #tpu.memory_space<hbm>> -> memref<1x64x256xf32, #tpu.memory_space<hbm>>
        %dma_wait3A_490 = tpu.memref_squeeze %dma_wait3A_489 : memref<1x64x256xf32, #tpu.memory_space<hbm>> -> memref<64x256xf32, #tpu.memory_space<hbm>>
        %dma_wait3A_491 = arith.constant 0 : i32
        %dma_wait3A_492 = arith.constant 0 : i32
        %dma_wait3A_493 = tpu.memref_slice %arg7[%add3A_376, %dma_wait3A_491, %dma_wait3A_492] : memref<4096x64x256xf32, #tpu.memory_space<hbm>> -> memref<1x64x256xf32, #tpu.memory_space<hbm>>
        %dma_wait3A_494 = tpu.memref_squeeze %dma_wait3A_493 : memref<1x64x256xf32, #tpu.memory_space<hbm>> -> memref<64x256xf32, #tpu.memory_space<hbm>>
        %dma_wait3A_495 = arith.constant 0 : i32
        %dma_wait3A_496 = arith.constant 0 : i32
        %dma_wait3A_497 = tpu.memref_slice %arg10[%run_scoped3A_377, %dma_wait3A_495, %dma_wait3A_496] : memref<2x64x256xf32, #tpu.memory_space<vmem>> -> memref<1x64x256xf32, #tpu.memory_space<vmem>>
        %dma_wait3A_498 = tpu.memref_squeeze %dma_wait3A_497 : memref<1x64x256xf32, #tpu.memory_space<vmem>> -> memref<64x256xf32, #tpu.memory_space<vmem>>
        tpu.wait_dma2 semaphore(%run_scoped3A_466 : memref<!tpu.dma_semaphore, #tpu.memory_space<semaphore_mem>>) src(%dma_wait3A_498 : memref<64x256xf32, #tpu.memory_space<vmem>>) dst(%dma_wait3A_494 : memref<64x256xf32, #tpu.memory_space<hbm>>)
        tpu.yield
      }) : () -> ()
      %dma_start3A_378 = arith.constant 7 : i32
      %dma_start3A_379 = arith.constant 0 : i32
      %dma_start3A_380 = arith.constant 1 : i32
      %dma_start3A_381 = arith.constant 0 : i32
      %dma_start3A_382 = arith.constant 0 : i32
      %dma_start3A_383 = tpu.memref_slice %arg10[%dma_start3A_380, %dma_start3A_381, %dma_start3A_382] : memref<2x64x256xf32, #tpu.memory_space<vmem>> -> memref<1x64x256xf32, #tpu.memory_space<vmem>>
      %dma_start3A_384 = tpu.memref_squeeze %dma_start3A_383 : memref<1x64x256xf32, #tpu.memory_space<vmem>> -> memref<64x256xf32, #tpu.memory_space<vmem>>
      %dma_start3A_385 = arith.constant 0 : i32
      %dma_start3A_386 = tpu.memref_slice %arg8[%dma_start3A_378, %dma_start3A_379, %dma_start3A_385] : memref<8x2x64xi32, #tpu.memory_space<vmem>> -> memref<1x1x64xi32, #tpu.memory_space<vmem>>
      %dma_start3A_387 = tpu.memref_squeeze %dma_start3A_386 : memref<1x1x64xi32, #tpu.memory_space<vmem>> -> memref<64xi32, #tpu.memory_space<vmem>>
      %dma_start3A_388 = arith.constant 0 : i32
      %dma_start3A_389 = arith.constant 0 : i32
      %dma_start3A_390 = tpu.memref_slice %arg2[%dma_start3A_388, %dma_start3A_389] : memref<256000x256xf32, #tpu.memory_space<hbm>> -> memref<256000x256xf32, #tpu.memory_space<hbm>>
      tpu.enqueue_indirect_dma source(%dma_start3A_390 : memref<256000x256xf32, #tpu.memory_space<hbm>>) target(%dma_start3A_384 : memref<64x256xf32, #tpu.memory_space<vmem>>) offsets(%dma_start3A_387 : memref<64xi32, #tpu.memory_space<vmem>>) semaphore(%arg13 : memref<!tpu.dma_semaphore, #tpu.memory_space<semaphore_mem>>)
      %dma_start3A_391 = arith.constant 7 : i32
      %dma_start3A_392 = arith.constant 1 : i32
      %dma_start3A_393 = arith.constant 1 : i32
      %dma_start3A_394 = arith.constant 0 : i32
      %dma_start3A_395 = arith.constant 0 : i32
      %dma_start3A_396 = tpu.memref_slice %arg11[%dma_start3A_393, %dma_start3A_394, %dma_start3A_395] : memref<2x64x128xf32, #tpu.memory_space<vmem>> -> memref<1x64x128xf32, #tpu.memory_space<vmem>>
      %dma_start3A_397 = tpu.memref_squeeze %dma_start3A_396 : memref<1x64x128xf32, #tpu.memory_space<vmem>> -> memref<64x128xf32, #tpu.memory_space<vmem>>
      %dma_start3A_398 = arith.constant 0 : i32
      %dma_start3A_399 = tpu.memref_slice %arg8[%dma_start3A_391, %dma_start3A_392, %dma_start3A_398] : memref<8x2x64xi32, #tpu.memory_space<vmem>> -> memref<1x1x64xi32, #tpu.memory_space<vmem>>
      %dma_start3A_400 = tpu.memref_squeeze %dma_start3A_399 : memref<1x1x64xi32, #tpu.memory_space<vmem>> -> memref<64xi32, #tpu.memory_space<vmem>>
      %dma_start3A_401 = arith.constant 0 : i32
      %dma_start3A_402 = arith.constant 0 : i32
      %dma_start3A_403 = tpu.memref_slice %arg3[%dma_start3A_401, %dma_start3A_402] : memref<256000x128xf32, #tpu.memory_space<hbm>> -> memref<256000x128xf32, #tpu.memory_space<hbm>>
      tpu.enqueue_indirect_dma source(%dma_start3A_403 : memref<256000x128xf32, #tpu.memory_space<hbm>>) target(%dma_start3A_397 : memref<64x128xf32, #tpu.memory_space<vmem>>) offsets(%dma_start3A_400 : memref<64xi32, #tpu.memory_space<vmem>>) semaphore(%arg14 : memref<!tpu.dma_semaphore, #tpu.memory_space<semaphore_mem>>)
      %dma_wait3A_404 = arith.constant 6 : i32
      %dma_wait3A_405 = arith.constant 0 : i32
      %dma_wait3A_406 = arith.constant 0 : i32
      %dma_wait3A_407 = arith.constant 0 : i32
      %dma_wait3A_408 = arith.constant 0 : i32
      %dma_wait3A_409 = tpu.memref_slice %arg10[%dma_wait3A_406, %dma_wait3A_407, %dma_wait3A_408] : memref<2x64x256xf32, #tpu.memory_space<vmem>> -> memref<1x64x256xf32, #tpu.memory_space<vmem>>
      %dma_wait3A_410 = tpu.memref_squeeze %dma_wait3A_409 : memref<1x64x256xf32, #tpu.memory_space<vmem>> -> memref<64x256xf32, #tpu.memory_space<vmem>>
      %dma_wait3A_411 = arith.constant 0 : i32
      %dma_wait3A_412 = tpu.memref_slice %arg8[%dma_wait3A_404, %dma_wait3A_405, %dma_wait3A_411] : memref<8x2x64xi32, #tpu.memory_space<vmem>> -> memref<1x1x64xi32, #tpu.memory_space<vmem>>
      %dma_wait3A_413 = tpu.memref_squeeze %dma_wait3A_412 : memref<1x1x64xi32, #tpu.memory_space<vmem>> -> memref<64xi32, #tpu.memory_space<vmem>>
      %dma_wait3A_414 = arith.constant 0 : i32
      %dma_wait3A_415 = arith.constant 0 : i32
      %dma_wait3A_416 = tpu.memref_slice %arg2[%dma_wait3A_414, %dma_wait3A_415] : memref<256000x256xf32, #tpu.memory_space<hbm>> -> memref<256000x256xf32, #tpu.memory_space<hbm>>
      tpu.wait_indirect_dma semaphore(%arg13 : memref<!tpu.dma_semaphore, #tpu.memory_space<semaphore_mem>>) src(%dma_wait3A_416 : memref<256000x256xf32, #tpu.memory_space<hbm>>) dst(%dma_wait3A_410 : memref<64x256xf32, #tpu.memory_space<vmem>>)
      %dma_wait3A_417 = arith.constant 6 : i32
      %dma_wait3A_418 = arith.constant 1 : i32
      %dma_wait3A_419 = arith.constant 0 : i32
      %dma_wait3A_420 = arith.constant 0 : i32
      %dma_wait3A_421 = arith.constant 0 : i32
      %dma_wait3A_422 = tpu.memref_slice %arg11[%dma_wait3A_419, %dma_wait3A_420, %dma_wait3A_421] : memref<2x64x128xf32, #tpu.memory_space<vmem>> -> memref<1x64x128xf32, #tpu.memory_space<vmem>>
      %dma_wait3A_423 = tpu.memref_squeeze %dma_wait3A_422 : memref<1x64x128xf32, #tpu.memory_space<vmem>> -> memref<64x128xf32, #tpu.memory_space<vmem>>
      %dma_wait3A_424 = arith.constant 0 : i32
      %dma_wait3A_425 = tpu.memref_slice %arg8[%dma_wait3A_417, %dma_wait3A_418, %dma_wait3A_424] : memref<8x2x64xi32, #tpu.memory_space<vmem>> -> memref<1x1x64xi32, #tpu.memory_space<vmem>>
      %dma_wait3A_426 = tpu.memref_squeeze %dma_wait3A_425 : memref<1x1x64xi32, #tpu.memory_space<vmem>> -> memref<64xi32, #tpu.memory_space<vmem>>
      %dma_wait3A_427 = arith.constant 0 : i32
      %dma_wait3A_428 = arith.constant 0 : i32
      %dma_wait3A_429 = tpu.memref_slice %arg3[%dma_wait3A_427, %dma_wait3A_428] : memref<256000x128xf32, #tpu.memory_space<hbm>> -> memref<256000x128xf32, #tpu.memory_space<hbm>>
      tpu.wait_indirect_dma semaphore(%arg14 : memref<!tpu.dma_semaphore, #tpu.memory_space<semaphore_mem>>) src(%dma_wait3A_429 : memref<256000x128xf32, #tpu.memory_space<hbm>>) dst(%dma_wait3A_423 : memref<64x128xf32, #tpu.memory_space<vmem>>)
      %mul3A_430 = arith.constant 8 : i32
      %mul3A_431 = arith.muli %add3A_12, %mul3A_430 : i32
      %add3A_432 = arith.constant 6 : i32
      %add3A_433 = arith.addi %mul3A_431, %add3A_432 : i32
      %run_scoped3A_434 = arith.constant 0 : i32
      "tpu.region"() ({
        %run_scoped3A_466 = tpu.sem_alloc : memref<!tpu.dma_semaphore, #tpu.memory_space<semaphore_mem>>
        %dma_start3A_467 = arith.constant 0 : i32
        %dma_start3A_468 = arith.constant 0 : i32
        %dma_start3A_469 = tpu.memref_slice %arg10[%run_scoped3A_434, %dma_start3A_467, %dma_start3A_468] : memref<2x64x256xf32, #tpu.memory_space<vmem>> -> memref<1x64x256xf32, #tpu.memory_space<vmem>>
        %dma_start3A_470 = tpu.memref_squeeze %dma_start3A_469 : memref<1x64x256xf32, #tpu.memory_space<vmem>> -> memref<64x256xf32, #tpu.memory_space<vmem>>
        %dma_start3A_471 = arith.constant 0 : i32
        %dma_start3A_472 = arith.constant 0 : i32
        %dma_start3A_473 = tpu.memref_slice %arg7[%add3A_433, %dma_start3A_471, %dma_start3A_472] : memref<4096x64x256xf32, #tpu.memory_space<hbm>> -> memref<1x64x256xf32, #tpu.memory_space<hbm>>
        %dma_start3A_474 = tpu.memref_squeeze %dma_start3A_473 : memref<1x64x256xf32, #tpu.memory_space<hbm>> -> memref<64x256xf32, #tpu.memory_space<hbm>>
        %dma_start3A_475 = arith.constant 0 : i32
        %dma_start3A_476 = arith.constant 0 : i32
        %dma_start3A_477 = tpu.memref_slice %arg7[%add3A_433, %dma_start3A_475, %dma_start3A_476] : memref<4096x64x256xf32, #tpu.memory_space<hbm>> -> memref<1x64x256xf32, #tpu.memory_space<hbm>>
        %dma_start3A_478 = tpu.memref_squeeze %dma_start3A_477 : memref<1x64x256xf32, #tpu.memory_space<hbm>> -> memref<64x256xf32, #tpu.memory_space<hbm>>
        %dma_start3A_479 = arith.constant 0 : i32
        %dma_start3A_480 = arith.constant 0 : i32
        %dma_start3A_481 = tpu.memref_slice %arg10[%run_scoped3A_434, %dma_start3A_479, %dma_start3A_480] : memref<2x64x256xf32, #tpu.memory_space<vmem>> -> memref<1x64x256xf32, #tpu.memory_space<vmem>>
        %dma_start3A_482 = tpu.memref_squeeze %dma_start3A_481 : memref<1x64x256xf32, #tpu.memory_space<vmem>> -> memref<64x256xf32, #tpu.memory_space<vmem>>
        tpu.enqueue_dma source(%dma_start3A_482 : memref<64x256xf32, #tpu.memory_space<vmem>>) target(%dma_start3A_478 : memref<64x256xf32, #tpu.memory_space<hbm>>) target_semaphore(%run_scoped3A_466 : memref<!tpu.dma_semaphore, #tpu.memory_space<semaphore_mem>>)
        %dma_wait3A_483 = arith.constant 0 : i32
        %dma_wait3A_484 = arith.constant 0 : i32
        %dma_wait3A_485 = tpu.memref_slice %arg10[%run_scoped3A_434, %dma_wait3A_483, %dma_wait3A_484] : memref<2x64x256xf32, #tpu.memory_space<vmem>> -> memref<1x64x256xf32, #tpu.memory_space<vmem>>
        %dma_wait3A_486 = tpu.memref_squeeze %dma_wait3A_485 : memref<1x64x256xf32, #tpu.memory_space<vmem>> -> memref<64x256xf32, #tpu.memory_space<vmem>>
        %dma_wait3A_487 = arith.constant 0 : i32
        %dma_wait3A_488 = arith.constant 0 : i32
        %dma_wait3A_489 = tpu.memref_slice %arg7[%add3A_433, %dma_wait3A_487, %dma_wait3A_488] : memref<4096x64x256xf32, #tpu.memory_space<hbm>> -> memref<1x64x256xf32, #tpu.memory_space<hbm>>
        %dma_wait3A_490 = tpu.memref_squeeze %dma_wait3A_489 : memref<1x64x256xf32, #tpu.memory_space<hbm>> -> memref<64x256xf32, #tpu.memory_space<hbm>>
        %dma_wait3A_491 = arith.constant 0 : i32
        %dma_wait3A_492 = arith.constant 0 : i32
        %dma_wait3A_493 = tpu.memref_slice %arg7[%add3A_433, %dma_wait3A_491, %dma_wait3A_492] : memref<4096x64x256xf32, #tpu.memory_space<hbm>> -> memref<1x64x256xf32, #tpu.memory_space<hbm>>
        %dma_wait3A_494 = tpu.memref_squeeze %dma_wait3A_493 : memref<1x64x256xf32, #tpu.memory_space<hbm>> -> memref<64x256xf32, #tpu.memory_space<hbm>>
        %dma_wait3A_495 = arith.constant 0 : i32
        %dma_wait3A_496 = arith.constant 0 : i32
        %dma_wait3A_497 = tpu.memref_slice %arg10[%run_scoped3A_434, %dma_wait3A_495, %dma_wait3A_496] : memref<2x64x256xf32, #tpu.memory_space<vmem>> -> memref<1x64x256xf32, #tpu.memory_space<vmem>>
        %dma_wait3A_498 = tpu.memref_squeeze %dma_wait3A_497 : memref<1x64x256xf32, #tpu.memory_space<vmem>> -> memref<64x256xf32, #tpu.memory_space<vmem>>
        tpu.wait_dma2 semaphore(%run_scoped3A_466 : memref<!tpu.dma_semaphore, #tpu.memory_space<semaphore_mem>>) src(%dma_wait3A_498 : memref<64x256xf32, #tpu.memory_space<vmem>>) dst(%dma_wait3A_494 : memref<64x256xf32, #tpu.memory_space<hbm>>)
        tpu.yield
      }) : () -> ()
      %dma_wait3A_435 = arith.constant 7 : i32
      %dma_wait3A_436 = arith.constant 0 : i32
      %dma_wait3A_437 = arith.constant 1 : i32
      %dma_wait3A_438 = arith.constant 0 : i32
      %dma_wait3A_439 = arith.constant 0 : i32
      %dma_wait3A_440 = tpu.memref_slice %arg10[%dma_wait3A_437, %dma_wait3A_438, %dma_wait3A_439] : memref<2x64x256xf32, #tpu.memory_space<vmem>> -> memref<1x64x256xf32, #tpu.memory_space<vmem>>
      %dma_wait3A_441 = tpu.memref_squeeze %dma_wait3A_440 : memref<1x64x256xf32, #tpu.memory_space<vmem>> -> memref<64x256xf32, #tpu.memory_space<vmem>>
      %dma_wait3A_442 = arith.constant 0 : i32
      %dma_wait3A_443 = tpu.memref_slice %arg8[%dma_wait3A_435, %dma_wait3A_436, %dma_wait3A_442] : memref<8x2x64xi32, #tpu.memory_space<vmem>> -> memref<1x1x64xi32, #tpu.memory_space<vmem>>
      %dma_wait3A_444 = tpu.memref_squeeze %dma_wait3A_443 : memref<1x1x64xi32, #tpu.memory_space<vmem>> -> memref<64xi32, #tpu.memory_space<vmem>>
      %dma_wait3A_445 = arith.constant 0 : i32
      %dma_wait3A_446 = arith.constant 0 : i32
      %dma_wait3A_447 = tpu.memref_slice %arg2[%dma_wait3A_445, %dma_wait3A_446] : memref<256000x256xf32, #tpu.memory_space<hbm>> -> memref<256000x256xf32, #tpu.memory_space<hbm>>
      tpu.wait_indirect_dma semaphore(%arg13 : memref<!tpu.dma_semaphore, #tpu.memory_space<semaphore_mem>>) src(%dma_wait3A_447 : memref<256000x256xf32, #tpu.memory_space<hbm>>) dst(%dma_wait3A_441 : memref<64x256xf32, #tpu.memory_space<vmem>>)
      %dma_wait3A_448 = arith.constant 7 : i32
      %dma_wait3A_449 = arith.constant 1 : i32
      %dma_wait3A_450 = arith.constant 1 : i32
      %dma_wait3A_451 = arith.constant 0 : i32
      %dma_wait3A_452 = arith.constant 0 : i32
      %dma_wait3A_453 = tpu.memref_slice %arg11[%dma_wait3A_450, %dma_wait3A_451, %dma_wait3A_452] : memref<2x64x128xf32, #tpu.memory_space<vmem>> -> memref<1x64x128xf32, #tpu.memory_space<vmem>>
      %dma_wait3A_454 = tpu.memref_squeeze %dma_wait3A_453 : memref<1x64x128xf32, #tpu.memory_space<vmem>> -> memref<64x128xf32, #tpu.memory_space<vmem>>
      %dma_wait3A_455 = arith.constant 0 : i32
      %dma_wait3A_456 = tpu.memref_slice %arg8[%dma_wait3A_448, %dma_wait3A_449, %dma_wait3A_455] : memref<8x2x64xi32, #tpu.memory_space<vmem>> -> memref<1x1x64xi32, #tpu.memory_space<vmem>>
      %dma_wait3A_457 = tpu.memref_squeeze %dma_wait3A_456 : memref<1x1x64xi32, #tpu.memory_space<vmem>> -> memref<64xi32, #tpu.memory_space<vmem>>
      %dma_wait3A_458 = arith.constant 0 : i32
      %dma_wait3A_459 = arith.constant 0 : i32
      %dma_wait3A_460 = tpu.memref_slice %arg3[%dma_wait3A_458, %dma_wait3A_459] : memref<256000x128xf32, #tpu.memory_space<hbm>> -> memref<256000x128xf32, #tpu.memory_space<hbm>>
      tpu.wait_indirect_dma semaphore(%arg14 : memref<!tpu.dma_semaphore, #tpu.memory_space<semaphore_mem>>) src(%dma_wait3A_460 : memref<256000x128xf32, #tpu.memory_space<hbm>>) dst(%dma_wait3A_454 : memref<64x128xf32, #tpu.memory_space<vmem>>)
      %mul3A_461 = arith.constant 8 : i32
      %mul3A_462 = arith.muli %add3A_12, %mul3A_461 : i32
      %add3A_463 = arith.constant 7 : i32
      %add3A_464 = arith.addi %mul3A_462, %add3A_463 : i32
      %run_scoped3A_465 = arith.constant 1 : i32
      "tpu.region"() ({
        %run_scoped3A_466 = tpu.sem_alloc : memref<!tpu.dma_semaphore, #tpu.memory_space<semaphore_mem>>
        %dma_start3A_467 = arith.constant 0 : i32
        %dma_start3A_468 = arith.constant 0 : i32
        %dma_start3A_469 = tpu.memref_slice %arg10[%run_scoped3A_465, %dma_start3A_467, %dma_start3A_468] : memref<2x64x256xf32, #tpu.memory_space<vmem>> -> memref<1x64x256xf32, #tpu.memory_space<vmem>>
        %dma_start3A_470 = tpu.memref_squeeze %dma_start3A_469 : memref<1x64x256xf32, #tpu.memory_space<vmem>> -> memref<64x256xf32, #tpu.memory_space<vmem>>
        %dma_start3A_471 = arith.constant 0 : i32
        %dma_start3A_472 = arith.constant 0 : i32
        %dma_start3A_473 = tpu.memref_slice %arg7[%add3A_464, %dma_start3A_471, %dma_start3A_472] : memref<4096x64x256xf32, #tpu.memory_space<hbm>> -> memref<1x64x256xf32, #tpu.memory_space<hbm>>
        %dma_start3A_474 = tpu.memref_squeeze %dma_start3A_473 : memref<1x64x256xf32, #tpu.memory_space<hbm>> -> memref<64x256xf32, #tpu.memory_space<hbm>>
        %dma_start3A_475 = arith.constant 0 : i32
        %dma_start3A_476 = arith.constant 0 : i32
        %dma_start3A_477 = tpu.memref_slice %arg7[%add3A_464, %dma_start3A_475, %dma_start3A_476] : memref<4096x64x256xf32, #tpu.memory_space<hbm>> -> memref<1x64x256xf32, #tpu.memory_space<hbm>>
        %dma_start3A_478 = tpu.memref_squeeze %dma_start3A_477 : memref<1x64x256xf32, #tpu.memory_space<hbm>> -> memref<64x256xf32, #tpu.memory_space<hbm>>
        %dma_start3A_479 = arith.constant 0 : i32
        %dma_start3A_480 = arith.constant 0 : i32
        %dma_start3A_481 = tpu.memref_slice %arg10[%run_scoped3A_465, %dma_start3A_479, %dma_start3A_480] : memref<2x64x256xf32, #tpu.memory_space<vmem>> -> memref<1x64x256xf32, #tpu.memory_space<vmem>>
        %dma_start3A_482 = tpu.memref_squeeze %dma_start3A_481 : memref<1x64x256xf32, #tpu.memory_space<vmem>> -> memref<64x256xf32, #tpu.memory_space<vmem>>
        tpu.enqueue_dma source(%dma_start3A_482 : memref<64x256xf32, #tpu.memory_space<vmem>>) target(%dma_start3A_478 : memref<64x256xf32, #tpu.memory_space<hbm>>) target_semaphore(%run_scoped3A_466 : memref<!tpu.dma_semaphore, #tpu.memory_space<semaphore_mem>>)
        %dma_wait3A_483 = arith.constant 0 : i32
        %dma_wait3A_484 = arith.constant 0 : i32
        %dma_wait3A_485 = tpu.memref_slice %arg10[%run_scoped3A_465, %dma_wait3A_483, %dma_wait3A_484] : memref<2x64x256xf32, #tpu.memory_space<vmem>> -> memref<1x64x256xf32, #tpu.memory_space<vmem>>
        %dma_wait3A_486 = tpu.memref_squeeze %dma_wait3A_485 : memref<1x64x256xf32, #tpu.memory_space<vmem>> -> memref<64x256xf32, #tpu.memory_space<vmem>>
        %dma_wait3A_487 = arith.constant 0 : i32
        %dma_wait3A_488 = arith.constant 0 : i32
        %dma_wait3A_489 = tpu.memref_slice %arg7[%add3A_464, %dma_wait3A_487, %dma_wait3A_488] : memref<4096x64x256xf32, #tpu.memory_space<hbm>> -> memref<1x64x256xf32, #tpu.memory_space<hbm>>
        %dma_wait3A_490 = tpu.memref_squeeze %dma_wait3A_489 : memref<1x64x256xf32, #tpu.memory_space<hbm>> -> memref<64x256xf32, #tpu.memory_space<hbm>>
        %dma_wait3A_491 = arith.constant 0 : i32
        %dma_wait3A_492 = arith.constant 0 : i32
        %dma_wait3A_493 = tpu.memref_slice %arg7[%add3A_464, %dma_wait3A_491, %dma_wait3A_492] : memref<4096x64x256xf32, #tpu.memory_space<hbm>> -> memref<1x64x256xf32, #tpu.memory_space<hbm>>
        %dma_wait3A_494 = tpu.memref_squeeze %dma_wait3A_493 : memref<1x64x256xf32, #tpu.memory_space<hbm>> -> memref<64x256xf32, #tpu.memory_space<hbm>>
        %dma_wait3A_495 = arith.constant 0 : i32
        %dma_wait3A_496 = arith.constant 0 : i32
        %dma_wait3A_497 = tpu.memref_slice %arg10[%run_scoped3A_465, %dma_wait3A_495, %dma_wait3A_496] : memref<2x64x256xf32, #tpu.memory_space<vmem>> -> memref<1x64x256xf32, #tpu.memory_space<vmem>>
        %dma_wait3A_498 = tpu.memref_squeeze %dma_wait3A_497 : memref<1x64x256xf32, #tpu.memory_space<vmem>> -> memref<64x256xf32, #tpu.memory_space<vmem>>
        tpu.wait_dma2 semaphore(%run_scoped3A_466 : memref<!tpu.dma_semaphore, #tpu.memory_space<semaphore_mem>>) src(%dma_wait3A_498 : memref<64x256xf32, #tpu.memory_space<vmem>>) dst(%dma_wait3A_494 : memref<64x256xf32, #tpu.memory_space<hbm>>)
        tpu.yield
      }) : () -> ()
    }
    %scan3A_4 = arith.constant 16 : i32
    return
  }
}

#map = affine_map<(d0, d1) -> (0, 0)>
#map1 = affine_map<(d0, d1) -> (0, 0, 0, 0)>
#map2 = affine_map<(d0, d1) -> (0)>
#map3 = affine_map<(d0, d1) -> (0, 0, 0)>
module attributes {stable_mosaic.version = 14 : i64} {
  func.func @sc(%arg0: i32, %arg1: i32, %arg2: memref<256000x256xf32, #tpu.memory_space<hbm>>, %arg3: memref<256000x128xf32, #tpu.memory_space<hbm>>, %arg4: memref<512x8x2x64xi32, #tpu.memory_space<hbm>>, %arg5: memref<512x8x64x16xf32, #tpu.memory_space<hbm>>, %arg6: memref<128xf32, #tpu.memory_space<hbm>>, %arg7: memref<4096x64x256xf32, #tpu.memory_space<hbm>>, %arg8: memref<8x2x64xi32, #tpu.memory_space<vmem>>, %arg9: memref<8x64x16xf32, #tpu.memory_space<vmem>>, %arg10: memref<2x64x256xf32, #tpu.memory_space<vmem>>, %arg11: memref<2x64x128xf32, #tpu.memory_space<vmem>>, %arg12: memref<128xf32, #tpu.memory_space<vmem>>, %arg13: memref<!tpu.dma_semaphore, #tpu.memory_space<semaphore_mem>>, %arg14: memref<!tpu.dma_semaphore, #tpu.memory_space<semaphore_mem>>) attributes {dimension_semantics = [#tpu.dimension_semantics<core_parallel>, #tpu.dimension_semantics<subcore_parallel>], iteration_bounds = array<i64: 2, 16>, scalar_prefetch = 0 : i64, scratch_operands = 7 : i64, tpu.core_type = #tpu.core_type<sc_vector_subcore>, window_params = [{transform_indices = #map}, {transform_indices = #map}, {transform_indices = #map1}, {transform_indices = #map1}, {transform_indices = #map2}, {transform_indices = #map3}]} {
    %mul3A = arith.constant 2 : i32
    %mul3A_0 = arith.muli %arg1, %mul3A : i32
    %add3A = arith.addi %mul3A_0, %arg0 : i32
    "tpu.region"() ({
      %run_scoped3A = tpu.sem_alloc : memref<!tpu.dma_semaphore, #tpu.memory_space<semaphore_mem>>
      tpu.enqueue_dma source(%arg6 : memref<128xf32, #tpu.memory_space<hbm>>) target(%arg12 : memref<128xf32, #tpu.memory_space<vmem>>) target_semaphore(%run_scoped3A : memref<!tpu.dma_semaphore, #tpu.memory_space<semaphore_mem>>)
      tpu.wait_dma2 semaphore(%run_scoped3A : memref<!tpu.dma_semaphore, #tpu.memory_space<semaphore_mem>>) src(%arg6 : memref<128xf32, #tpu.memory_space<hbm>>) dst(%arg12 : memref<128xf32, #tpu.memory_space<vmem>>)
      tpu.yield
    }) : () -> ()
    %scan3A = arith.constant 0 : i32
    %scan3A_1 = arith.constant 16 : i32
    %scan3A_2 = arith.addi %scan3A, %scan3A_1 : i32
    %scan3A_3 = arith.constant 1 : i32
    scf.for %scan3A_5 = %scan3A to %scan3A_2 step %scan3A_3  : i32 {
      %mul3A_6 = arith.constant 1 : i32
      %mul3A_7 = arith.muli %scan3A_5, %mul3A_6 : i32
      %add3A_8 = arith.constant 0 : i32
      %add3A_9 = arith.addi %add3A_8, %mul3A_7 : i32
      %mul3A_10 = arith.constant 16 : i32
      %mul3A_11 = arith.muli %add3A, %mul3A_10 : i32
      %add3A_12 = arith.addi %mul3A_11, %add3A_9 : i32
      "tpu.region"() ({
        %run_scoped3A_466 = tpu.sem_alloc : memref<!tpu.dma_semaphore, #tpu.memory_space<semaphore_mem>>
        %dma_start3A_467 = arith.constant 0 : i32
        %dma_start3A_468 = arith.constant 0 : i32
        %dma_start3A_469 = arith.constant 0 : i32
        %dma_start3A_470 = tpu.memref_slice %arg4[%add3A_12, %dma_start3A_467, %dma_start3A_468, %dma_start3A_469] : memref<512x8x2x64xi32, #tpu.memory_space<hbm>> -> memref<1x8x2x64xi32, #tpu.memory_space<hbm>>
        %dma_start3A_471 = tpu.memref_squeeze %dma_start3A_470 : memref<1x8x2x64xi32, #tpu.memory_space<hbm>> -> memref<8x2x64xi32, #tpu.memory_space<hbm>>
        %dma_start3A_472 = arith.constant 0 : i32
        %dma_start3A_473 = arith.constant 0 : i32
        %dma_start3A_474 = arith.constant 0 : i32
        %dma_start3A_475 = tpu.memref_slice %arg4[%add3A_12, %dma_start3A_472, %dma_start3A_473, %dma_start3A_474] : memref<512x8x2x64xi32, #tpu.memory_space<hbm>> -> memref<1x8x2x64xi32, #tpu.memory_space<hbm>>
        %dma_start3A_476 = tpu.memref_squeeze %dma_start3A_475 : memref<1x8x2x64xi32, #tpu.memory_space<hbm>> -> memref<8x2x64xi32, #tpu.memory_space<hbm>>
        tpu.enqueue_dma source(%dma_start3A_476 : memref<8x2x64xi32, #tpu.memory_space<hbm>>) target(%arg8 : memref<8x2x64xi32, #tpu.memory_space<vmem>>) target_semaphore(%run_scoped3A_466 : memref<!tpu.dma_semaphore, #tpu.memory_space<semaphore_mem>>)
        %dma_wait3A_477 = arith.constant 0 : i32
        %dma_wait3A_478 = arith.constant 0 : i32
        %dma_wait3A_479 = arith.constant 0 : i32
        %dma_wait3A_480 = tpu.memref_slice %arg4[%add3A_12, %dma_wait3A_477, %dma_wait3A_478, %dma_wait3A_479] : memref<512x8x2x64xi32, #tpu.memory_space<hbm>> -> memref<1x8x2x64xi32, #tpu.memory_space<hbm>>
        %dma_wait3A_481 = tpu.memref_squeeze %dma_wait3A_480 : memref<1x8x2x64xi32, #tpu.memory_space<hbm>> -> memref<8x2x64xi32, #tpu.memory_space<hbm>>
        %dma_wait3A_482 = arith.constant 0 : i32
        %dma_wait3A_483 = arith.constant 0 : i32
        %dma_wait3A_484 = arith.constant 0 : i32
        %dma_wait3A_485 = tpu.memref_slice %arg4[%add3A_12, %dma_wait3A_482, %dma_wait3A_483, %dma_wait3A_484] : memref<512x8x2x64xi32, #tpu.memory_space<hbm>> -> memref<1x8x2x64xi32, #tpu.memory_space<hbm>>
        %dma_wait3A_486 = tpu.memref_squeeze %dma_wait3A_485 : memref<1x8x2x64xi32, #tpu.memory_space<hbm>> -> memref<8x2x64xi32, #tpu.memory_space<hbm>>
        tpu.wait_dma2 semaphore(%run_scoped3A_466 : memref<!tpu.dma_semaphore, #tpu.memory_space<semaphore_mem>>) src(%dma_wait3A_486 : memref<8x2x64xi32, #tpu.memory_space<hbm>>) dst(%arg8 : memref<8x2x64xi32, #tpu.memory_space<vmem>>)
        tpu.yield
      }) : () -> ()
      "tpu.region"() ({
        %run_scoped3A_466 = tpu.sem_alloc : memref<!tpu.dma_semaphore, #tpu.memory_space<semaphore_mem>>
        %dma_start3A_467 = arith.constant 0 : i32
        %dma_start3A_468 = arith.constant 0 : i32
        %dma_start3A_469 = arith.constant 0 : i32
        %dma_start3A_470 = tpu.memref_slice %arg5[%add3A_12, %dma_start3A_467, %dma_start3A_468, %dma_start3A_469] : memref<512x8x64x16xf32, #tpu.memory_space<hbm>> -> memref<1x8x64x16xf32, #tpu.memory_space<hbm>>
        %dma_start3A_471 = tpu.memref_squeeze %dma_start3A_470 : memref<1x8x64x16xf32, #tpu.memory_space<hbm>> -> memref<8x64x16xf32, #tpu.memory_space<hbm>>
        %dma_start3A_472 = arith.constant 0 : i32
        %dma_start3A_473 = arith.constant 0 : i32
        %dma_start3A_474 = arith.constant 0 : i32
        %dma_start3A_475 = tpu.memref_slice %arg5[%add3A_12, %dma_start3A_472, %dma_start3A_473, %dma_start3A_474] : memref<512x8x64x16xf32, #tpu.memory_space<hbm>> -> memref<1x8x64x16xf32, #tpu.memory_space<hbm>>
        %dma_start3A_476 = tpu.memref_squeeze %dma_start3A_475 : memref<1x8x64x16xf32, #tpu.memory_space<hbm>> -> memref<8x64x16xf32, #tpu.memory_space<hbm>>
        tpu.enqueue_dma source(%dma_start3A_476 : memref<8x64x16xf32, #tpu.memory_space<hbm>>) target(%arg9 : memref<8x64x16xf32, #tpu.memory_space<vmem>>) target_semaphore(%run_scoped3A_466 : memref<!tpu.dma_semaphore, #tpu.memory_space<semaphore_mem>>)
        %dma_wait3A_477 = arith.constant 0 : i32
        %dma_wait3A_478 = arith.constant 0 : i32
        %dma_wait3A_479 = arith.constant 0 : i32
        %dma_wait3A_480 = tpu.memref_slice %arg5[%add3A_12, %dma_wait3A_477, %dma_wait3A_478, %dma_wait3A_479] : memref<512x8x64x16xf32, #tpu.memory_space<hbm>> -> memref<1x8x64x16xf32, #tpu.memory_space<hbm>>
        %dma_wait3A_481 = tpu.memref_squeeze %dma_wait3A_480 : memref<1x8x64x16xf32, #tpu.memory_space<hbm>> -> memref<8x64x16xf32, #tpu.memory_space<hbm>>
        %dma_wait3A_482 = arith.constant 0 : i32
        %dma_wait3A_483 = arith.constant 0 : i32
        %dma_wait3A_484 = arith.constant 0 : i32
        %dma_wait3A_485 = tpu.memref_slice %arg5[%add3A_12, %dma_wait3A_482, %dma_wait3A_483, %dma_wait3A_484] : memref<512x8x64x16xf32, #tpu.memory_space<hbm>> -> memref<1x8x64x16xf32, #tpu.memory_space<hbm>>
        %dma_wait3A_486 = tpu.memref_squeeze %dma_wait3A_485 : memref<1x8x64x16xf32, #tpu.memory_space<hbm>> -> memref<8x64x16xf32, #tpu.memory_space<hbm>>
        tpu.wait_dma2 semaphore(%run_scoped3A_466 : memref<!tpu.dma_semaphore, #tpu.memory_space<semaphore_mem>>) src(%dma_wait3A_486 : memref<8x64x16xf32, #tpu.memory_space<hbm>>) dst(%arg9 : memref<8x64x16xf32, #tpu.memory_space<vmem>>)
        tpu.yield
      }) : () -> ()
      %dma_start3A = arith.constant 0 : i32
      %dma_start3A_13 = arith.constant 0 : i32
      %dma_start3A_14 = arith.constant 0 : i32
      %dma_start3A_15 = arith.constant 0 : i32
      %dma_start3A_16 = arith.constant 0 : i32
      %dma_start3A_17 = tpu.memref_slice %arg10[%dma_start3A_14, %dma_start3A_15, %dma_start3A_16] : memref<2x64x256xf32, #tpu.memory_space<vmem>> -> memref<1x64x256xf32, #tpu.memory_space<vmem>>
      %dma_start3A_18 = tpu.memref_squeeze %dma_start3A_17 : memref<1x64x256xf32, #tpu.memory_space<vmem>> -> memref<64x256xf32, #tpu.memory_space<vmem>>
      %dma_start3A_19 = arith.constant 0 : i32
      %dma_start3A_20 = tpu.memref_slice %arg8[%dma_start3A, %dma_start3A_13, %dma_start3A_19] : memref<8x2x64xi32, #tpu.memory_space<vmem>> -> memref<1x1x64xi32, #tpu.memory_space<vmem>>
      %dma_start3A_21 = tpu.memref_squeeze %dma_start3A_20 : memref<1x1x64xi32, #tpu.memory_space<vmem>> -> memref<64xi32, #tpu.memory_space<vmem>>
      %dma_start3A_22 = arith.constant 0 : i32
      %dma_start3A_23 = arith.constant 0 : i32
      %dma_start3A_24 = tpu.memref_slice %arg2[%dma_start3A_22, %dma_start3A_23] : memref<256000x256xf32, #tpu.memory_space<hbm>> -> memref<256000x256xf32, #tpu.memory_space<hbm>>
      tpu.enqueue_indirect_dma source(%dma_start3A_24 : memref<256000x256xf32, #tpu.memory_space<hbm>>) target(%dma_start3A_18 : memref<64x256xf32, #tpu.memory_space<vmem>>) offsets(%dma_start3A_21 : memref<64xi32, #tpu.memory_space<vmem>>) semaphore(%arg13 : memref<!tpu.dma_semaphore, #tpu.memory_space<semaphore_mem>>)
      %dma_start3A_25 = arith.constant 0 : i32
      %dma_start3A_26 = arith.constant 1 : i32
      %dma_start3A_27 = arith.constant 0 : i32
      %dma_start3A_28 = arith.constant 0 : i32
      %dma_start3A_29 = arith.constant 0 : i32
      %dma_start3A_30 = tpu.memref_slice %arg11[%dma_start3A_27, %dma_start3A_28, %dma_start3A_29] : memref<2x64x128xf32, #tpu.memory_space<vmem>> -> memref<1x64x128xf32, #tpu.memory_space<vmem>>
      %dma_start3A_31 = tpu.memref_squeeze %dma_start3A_30 : memref<1x64x128xf32, #tpu.memory_space<vmem>> -> memref<64x128xf32, #tpu.memory_space<vmem>>
      %dma_start3A_32 = arith.constant 0 : i32
      %dma_start3A_33 = tpu.memref_slice %arg8[%dma_start3A_25, %dma_start3A_26, %dma_start3A_32] : memref<8x2x64xi32, #tpu.memory_space<vmem>> -> memref<1x1x64xi32, #tpu.memory_space<vmem>>
      %dma_start3A_34 = tpu.memref_squeeze %dma_start3A_33 : memref<1x1x64xi32, #tpu.memory_space<vmem>> -> memref<64xi32, #tpu.memory_space<vmem>>
      %dma_start3A_35 = arith.constant 0 : i32
      %dma_start3A_36 = arith.constant 0 : i32
      %dma_start3A_37 = tpu.memref_slice %arg3[%dma_start3A_35, %dma_start3A_36] : memref<256000x128xf32, #tpu.memory_space<hbm>> -> memref<256000x128xf32, #tpu.memory_space<hbm>>
      tpu.enqueue_indirect_dma source(%dma_start3A_37 : memref<256000x128xf32, #tpu.memory_space<hbm>>) target(%dma_start3A_31 : memref<64x128xf32, #tpu.memory_space<vmem>>) offsets(%dma_start3A_34 : memref<64xi32, #tpu.memory_space<vmem>>) semaphore(%arg14 : memref<!tpu.dma_semaphore, #tpu.memory_space<semaphore_mem>>)
      %dma_start3A_38 = arith.constant 1 : i32
      %dma_start3A_39 = arith.constant 0 : i32
      %dma_start3A_40 = arith.constant 1 : i32
      %dma_start3A_41 = arith.constant 0 : i32
      %dma_start3A_42 = arith.constant 0 : i32
      %dma_start3A_43 = tpu.memref_slice %arg10[%dma_start3A_40, %dma_start3A_41, %dma_start3A_42] : memref<2x64x256xf32, #tpu.memory_space<vmem>> -> memref<1x64x256xf32, #tpu.memory_space<vmem>>
      %dma_start3A_44 = tpu.memref_squeeze %dma_start3A_43 : memref<1x64x256xf32, #tpu.memory_space<vmem>> -> memref<64x256xf32, #tpu.memory_space<vmem>>
      %dma_start3A_45 = arith.constant 0 : i32
      %dma_start3A_46 = tpu.memref_slice %arg8[%dma_start3A_38, %dma_start3A_39, %dma_start3A_45] : memref<8x2x64xi32, #tpu.memory_space<vmem>> -> memref<1x1x64xi32, #tpu.memory_space<vmem>>
      %dma_start3A_47 = tpu.memref_squeeze %dma_start3A_46 : memref<1x1x64xi32, #tpu.memory_space<vmem>> -> memref<64xi32, #tpu.memory_space<vmem>>
      %dma_start3A_48 = arith.constant 0 : i32
      %dma_start3A_49 = arith.constant 0 : i32
      %dma_start3A_50 = tpu.memref_slice %arg2[%dma_start3A_48, %dma_start3A_49] : memref<256000x256xf32, #tpu.memory_space<hbm>> -> memref<256000x256xf32, #tpu.memory_space<hbm>>
      tpu.enqueue_indirect_dma source(%dma_start3A_50 : memref<256000x256xf32, #tpu.memory_space<hbm>>) target(%dma_start3A_44 : memref<64x256xf32, #tpu.memory_space<vmem>>) offsets(%dma_start3A_47 : memref<64xi32, #tpu.memory_space<vmem>>) semaphore(%arg13 : memref<!tpu.dma_semaphore, #tpu.memory_space<semaphore_mem>>)
      %dma_start3A_51 = arith.constant 1 : i32
      %dma_start3A_52 = arith.constant 1 : i32
      %dma_start3A_53 = arith.constant 1 : i32
      %dma_start3A_54 = arith.constant 0 : i32
      %dma_start3A_55 = arith.constant 0 : i32
      %dma_start3A_56 = tpu.memref_slice %arg11[%dma_start3A_53, %dma_start3A_54, %dma_start3A_55] : memref<2x64x128xf32, #tpu.memory_space<vmem>> -> memref<1x64x128xf32, #tpu.memory_space<vmem>>
      %dma_start3A_57 = tpu.memref_squeeze %dma_start3A_56 : memref<1x64x128xf32, #tpu.memory_space<vmem>> -> memref<64x128xf32, #tpu.memory_space<vmem>>
      %dma_start3A_58 = arith.constant 0 : i32
      %dma_start3A_59 = tpu.memref_slice %arg8[%dma_start3A_51, %dma_start3A_52, %dma_start3A_58] : memref<8x2x64xi32, #tpu.memory_space<vmem>> -> memref<1x1x64xi32, #tpu.memory_space<vmem>>
      %dma_start3A_60 = tpu.memref_squeeze %dma_start3A_59 : memref<1x1x64xi32, #tpu.memory_space<vmem>> -> memref<64xi32, #tpu.memory_space<vmem>>
      %dma_start3A_61 = arith.constant 0 : i32
      %dma_start3A_62 = arith.constant 0 : i32
      %dma_start3A_63 = tpu.memref_slice %arg3[%dma_start3A_61, %dma_start3A_62] : memref<256000x128xf32, #tpu.memory_space<hbm>> -> memref<256000x128xf32, #tpu.memory_space<hbm>>
      tpu.enqueue_indirect_dma source(%dma_start3A_63 : memref<256000x128xf32, #tpu.memory_space<hbm>>) target(%dma_start3A_57 : memref<64x128xf32, #tpu.memory_space<vmem>>) offsets(%dma_start3A_60 : memref<64xi32, #tpu.memory_space<vmem>>) semaphore(%arg14 : memref<!tpu.dma_semaphore, #tpu.memory_space<semaphore_mem>>)
      %dma_wait3A = arith.constant 0 : i32
      %dma_wait3A_64 = arith.constant 0 : i32
      %dma_wait3A_65 = arith.constant 0 : i32
      %dma_wait3A_66 = arith.constant 0 : i32
      %dma_wait3A_67 = arith.constant 0 : i32
      %dma_wait3A_68 = tpu.memref_slice %arg10[%dma_wait3A_65, %dma_wait3A_66, %dma_wait3A_67] : memref<2x64x256xf32, #tpu.memory_space<vmem>> -> memref<1x64x256xf32, #tpu.memory_space<vmem>>
      %dma_wait3A_69 = tpu.memref_squeeze %dma_wait3A_68 : memref<1x64x256xf32, #tpu.memory_space<vmem>> -> memref<64x256xf32, #tpu.memory_space<vmem>>
      %dma_wait3A_70 = arith.constant 0 : i32
      %dma_wait3A_71 = tpu.memref_slice %arg8[%dma_wait3A, %dma_wait3A_64, %dma_wait3A_70] : memref<8x2x64xi32, #tpu.memory_space<vmem>> -> memref<1x1x64xi32, #tpu.memory_space<vmem>>
      %dma_wait3A_72 = tpu.memref_squeeze %dma_wait3A_71 : memref<1x1x64xi32, #tpu.memory_space<vmem>> -> memref<64xi32, #tpu.memory_space<vmem>>
      %dma_wait3A_73 = arith.constant 0 : i32
      %dma_wait3A_74 = arith.constant 0 : i32
      %dma_wait3A_75 = tpu.memref_slice %arg2[%dma_wait3A_73, %dma_wait3A_74] : memref<256000x256xf32, #tpu.memory_space<hbm>> -> memref<256000x256xf32, #tpu.memory_space<hbm>>
      tpu.wait_indirect_dma semaphore(%arg13 : memref<!tpu.dma_semaphore, #tpu.memory_space<semaphore_mem>>) src(%dma_wait3A_75 : memref<256000x256xf32, #tpu.memory_space<hbm>>) dst(%dma_wait3A_69 : memref<64x256xf32, #tpu.memory_space<vmem>>)
      %dma_wait3A_76 = arith.constant 0 : i32
      %dma_wait3A_77 = arith.constant 1 : i32
      %dma_wait3A_78 = arith.constant 0 : i32
      %dma_wait3A_79 = arith.constant 0 : i32
      %dma_wait3A_80 = arith.constant 0 : i32
      %dma_wait3A_81 = tpu.memref_slice %arg11[%dma_wait3A_78, %dma_wait3A_79, %dma_wait3A_80] : memref<2x64x128xf32, #tpu.memory_space<vmem>> -> memref<1x64x128xf32, #tpu.memory_space<vmem>>
      %dma_wait3A_82 = tpu.memref_squeeze %dma_wait3A_81 : memref<1x64x128xf32, #tpu.memory_space<vmem>> -> memref<64x128xf32, #tpu.memory_space<vmem>>
      %dma_wait3A_83 = arith.constant 0 : i32
      %dma_wait3A_84 = tpu.memref_slice %arg8[%dma_wait3A_76, %dma_wait3A_77, %dma_wait3A_83] : memref<8x2x64xi32, #tpu.memory_space<vmem>> -> memref<1x1x64xi32, #tpu.memory_space<vmem>>
      %dma_wait3A_85 = tpu.memref_squeeze %dma_wait3A_84 : memref<1x1x64xi32, #tpu.memory_space<vmem>> -> memref<64xi32, #tpu.memory_space<vmem>>
      %dma_wait3A_86 = arith.constant 0 : i32
      %dma_wait3A_87 = arith.constant 0 : i32
      %dma_wait3A_88 = tpu.memref_slice %arg3[%dma_wait3A_86, %dma_wait3A_87] : memref<256000x128xf32, #tpu.memory_space<hbm>> -> memref<256000x128xf32, #tpu.memory_space<hbm>>
      tpu.wait_indirect_dma semaphore(%arg14 : memref<!tpu.dma_semaphore, #tpu.memory_space<semaphore_mem>>) src(%dma_wait3A_88 : memref<256000x128xf32, #tpu.memory_space<hbm>>) dst(%dma_wait3A_82 : memref<64x128xf32, #tpu.memory_space<vmem>>)
      %mul3A_89 = arith.constant 8 : i32
      %mul3A_90 = arith.muli %add3A_12, %mul3A_89 : i32
      %add3A_91 = arith.constant 0 : i32
      %add3A_92 = arith.addi %mul3A_90, %add3A_91 : i32
      %run_scoped3A = arith.constant 0 : i32
      "tpu.region"() ({
        %run_scoped3A_466 = tpu.sem_alloc : memref<!tpu.dma_semaphore, #tpu.memory_space<semaphore_mem>>
        %dma_start3A_467 = arith.constant 0 : i32
        %dma_start3A_468 = arith.constant 0 : i32
        %dma_start3A_469 = tpu.memref_slice %arg10[%run_scoped3A, %dma_start3A_467, %dma_start3A_468] : memref<2x64x256xf32, #tpu.memory_space<vmem>> -> memref<1x64x256xf32, #tpu.memory_space<vmem>>
        %dma_start3A_470 = tpu.memref_squeeze %dma_start3A_469 : memref<1x64x256xf32, #tpu.memory_space<vmem>> -> memref<64x256xf32, #tpu.memory_space<vmem>>
        %dma_start3A_471 = arith.constant 0 : i32
        %dma_start3A_472 = arith.constant 0 : i32
        %dma_start3A_473 = tpu.memref_slice %arg7[%add3A_92, %dma_start3A_471, %dma_start3A_472] : memref<4096x64x256xf32, #tpu.memory_space<hbm>> -> memref<1x64x256xf32, #tpu.memory_space<hbm>>
        %dma_start3A_474 = tpu.memref_squeeze %dma_start3A_473 : memref<1x64x256xf32, #tpu.memory_space<hbm>> -> memref<64x256xf32, #tpu.memory_space<hbm>>
        %dma_start3A_475 = arith.constant 0 : i32
        %dma_start3A_476 = arith.constant 0 : i32
        %dma_start3A_477 = tpu.memref_slice %arg7[%add3A_92, %dma_start3A_475, %dma_start3A_476] : memref<4096x64x256xf32, #tpu.memory_space<hbm>> -> memref<1x64x256xf32, #tpu.memory_space<hbm>>
        %dma_start3A_478 = tpu.memref_squeeze %dma_start3A_477 : memref<1x64x256xf32, #tpu.memory_space<hbm>> -> memref<64x256xf32, #tpu.memory_space<hbm>>
        %dma_start3A_479 = arith.constant 0 : i32
        %dma_start3A_480 = arith.constant 0 : i32
        %dma_start3A_481 = tpu.memref_slice %arg10[%run_scoped3A, %dma_start3A_479, %dma_start3A_480] : memref<2x64x256xf32, #tpu.memory_space<vmem>> -> memref<1x64x256xf32, #tpu.memory_space<vmem>>
        %dma_start3A_482 = tpu.memref_squeeze %dma_start3A_481 : memref<1x64x256xf32, #tpu.memory_space<vmem>> -> memref<64x256xf32, #tpu.memory_space<vmem>>
        tpu.enqueue_dma source(%dma_start3A_482 : memref<64x256xf32, #tpu.memory_space<vmem>>) target(%dma_start3A_478 : memref<64x256xf32, #tpu.memory_space<hbm>>) target_semaphore(%run_scoped3A_466 : memref<!tpu.dma_semaphore, #tpu.memory_space<semaphore_mem>>)
        %dma_wait3A_483 = arith.constant 0 : i32
        %dma_wait3A_484 = arith.constant 0 : i32
        %dma_wait3A_485 = tpu.memref_slice %arg10[%run_scoped3A, %dma_wait3A_483, %dma_wait3A_484] : memref<2x64x256xf32, #tpu.memory_space<vmem>> -> memref<1x64x256xf32, #tpu.memory_space<vmem>>
        %dma_wait3A_486 = tpu.memref_squeeze %dma_wait3A_485 : memref<1x64x256xf32, #tpu.memory_space<vmem>> -> memref<64x256xf32, #tpu.memory_space<vmem>>
        %dma_wait3A_487 = arith.constant 0 : i32
        %dma_wait3A_488 = arith.constant 0 : i32
        %dma_wait3A_489 = tpu.memref_slice %arg7[%add3A_92, %dma_wait3A_487, %dma_wait3A_488] : memref<4096x64x256xf32, #tpu.memory_space<hbm>> -> memref<1x64x256xf32, #tpu.memory_space<hbm>>
        %dma_wait3A_490 = tpu.memref_squeeze %dma_wait3A_489 : memref<1x64x256xf32, #tpu.memory_space<hbm>> -> memref<64x256xf32, #tpu.memory_space<hbm>>
        %dma_wait3A_491 = arith.constant 0 : i32
        %dma_wait3A_492 = arith.constant 0 : i32
        %dma_wait3A_493 = tpu.memref_slice %arg7[%add3A_92, %dma_wait3A_491, %dma_wait3A_492] : memref<4096x64x256xf32, #tpu.memory_space<hbm>> -> memref<1x64x256xf32, #tpu.memory_space<hbm>>
        %dma_wait3A_494 = tpu.memref_squeeze %dma_wait3A_493 : memref<1x64x256xf32, #tpu.memory_space<hbm>> -> memref<64x256xf32, #tpu.memory_space<hbm>>
        %dma_wait3A_495 = arith.constant 0 : i32
        %dma_wait3A_496 = arith.constant 0 : i32
        %dma_wait3A_497 = tpu.memref_slice %arg10[%run_scoped3A, %dma_wait3A_495, %dma_wait3A_496] : memref<2x64x256xf32, #tpu.memory_space<vmem>> -> memref<1x64x256xf32, #tpu.memory_space<vmem>>
        %dma_wait3A_498 = tpu.memref_squeeze %dma_wait3A_497 : memref<1x64x256xf32, #tpu.memory_space<vmem>> -> memref<64x256xf32, #tpu.memory_space<vmem>>
        tpu.wait_dma2 semaphore(%run_scoped3A_466 : memref<!tpu.dma_semaphore, #tpu.memory_space<semaphore_mem>>) src(%dma_wait3A_498 : memref<64x256xf32, #tpu.memory_space<vmem>>) dst(%dma_wait3A_494 : memref<64x256xf32, #tpu.memory_space<hbm>>)
        tpu.yield
      }) : () -> ()
      %dma_start3A_93 = arith.constant 2 : i32
      %dma_start3A_94 = arith.constant 0 : i32
      %dma_start3A_95 = arith.constant 0 : i32
      %dma_start3A_96 = arith.constant 0 : i32
      %dma_start3A_97 = arith.constant 0 : i32
      %dma_start3A_98 = tpu.memref_slice %arg10[%dma_start3A_95, %dma_start3A_96, %dma_start3A_97] : memref<2x64x256xf32, #tpu.memory_space<vmem>> -> memref<1x64x256xf32, #tpu.memory_space<vmem>>
      %dma_start3A_99 = tpu.memref_squeeze %dma_start3A_98 : memref<1x64x256xf32, #tpu.memory_space<vmem>> -> memref<64x256xf32, #tpu.memory_space<vmem>>
      %dma_start3A_100 = arith.constant 0 : i32
      %dma_start3A_101 = tpu.memref_slice %arg8[%dma_start3A_93, %dma_start3A_94, %dma_start3A_100] : memref<8x2x64xi32, #tpu.memory_space<vmem>> -> memref<1x1x64xi32, #tpu.memory_space<vmem>>
      %dma_start3A_102 = tpu.memref_squeeze %dma_start3A_101 : memref<1x1x64xi32, #tpu.memory_space<vmem>> -> memref<64xi32, #tpu.memory_space<vmem>>
      %dma_start3A_103 = arith.constant 0 : i32
      %dma_start3A_104 = arith.constant 0 : i32
      %dma_start3A_105 = tpu.memref_slice %arg2[%dma_start3A_103, %dma_start3A_104] : memref<256000x256xf32, #tpu.memory_space<hbm>> -> memref<256000x256xf32, #tpu.memory_space<hbm>>
      tpu.enqueue_indirect_dma source(%dma_start3A_105 : memref<256000x256xf32, #tpu.memory_space<hbm>>) target(%dma_start3A_99 : memref<64x256xf32, #tpu.memory_space<vmem>>) offsets(%dma_start3A_102 : memref<64xi32, #tpu.memory_space<vmem>>) semaphore(%arg13 : memref<!tpu.dma_semaphore, #tpu.memory_space<semaphore_mem>>)
      %dma_start3A_106 = arith.constant 2 : i32
      %dma_start3A_107 = arith.constant 1 : i32
      %dma_start3A_108 = arith.constant 0 : i32
      %dma_start3A_109 = arith.constant 0 : i32
      %dma_start3A_110 = arith.constant 0 : i32
      %dma_start3A_111 = tpu.memref_slice %arg11[%dma_start3A_108, %dma_start3A_109, %dma_start3A_110] : memref<2x64x128xf32, #tpu.memory_space<vmem>> -> memref<1x64x128xf32, #tpu.memory_space<vmem>>
      %dma_start3A_112 = tpu.memref_squeeze %dma_start3A_111 : memref<1x64x128xf32, #tpu.memory_space<vmem>> -> memref<64x128xf32, #tpu.memory_space<vmem>>
      %dma_start3A_113 = arith.constant 0 : i32
      %dma_start3A_114 = tpu.memref_slice %arg8[%dma_start3A_106, %dma_start3A_107, %dma_start3A_113] : memref<8x2x64xi32, #tpu.memory_space<vmem>> -> memref<1x1x64xi32, #tpu.memory_space<vmem>>
      %dma_start3A_115 = tpu.memref_squeeze %dma_start3A_114 : memref<1x1x64xi32, #tpu.memory_space<vmem>> -> memref<64xi32, #tpu.memory_space<vmem>>
      %dma_start3A_116 = arith.constant 0 : i32
      %dma_start3A_117 = arith.constant 0 : i32
      %dma_start3A_118 = tpu.memref_slice %arg3[%dma_start3A_116, %dma_start3A_117] : memref<256000x128xf32, #tpu.memory_space<hbm>> -> memref<256000x128xf32, #tpu.memory_space<hbm>>
      tpu.enqueue_indirect_dma source(%dma_start3A_118 : memref<256000x128xf32, #tpu.memory_space<hbm>>) target(%dma_start3A_112 : memref<64x128xf32, #tpu.memory_space<vmem>>) offsets(%dma_start3A_115 : memref<64xi32, #tpu.memory_space<vmem>>) semaphore(%arg14 : memref<!tpu.dma_semaphore, #tpu.memory_space<semaphore_mem>>)
      %dma_wait3A_119 = arith.constant 1 : i32
      %dma_wait3A_120 = arith.constant 0 : i32
      %dma_wait3A_121 = arith.constant 1 : i32
      %dma_wait3A_122 = arith.constant 0 : i32
      %dma_wait3A_123 = arith.constant 0 : i32
      %dma_wait3A_124 = tpu.memref_slice %arg10[%dma_wait3A_121, %dma_wait3A_122, %dma_wait3A_123] : memref<2x64x256xf32, #tpu.memory_space<vmem>> -> memref<1x64x256xf32, #tpu.memory_space<vmem>>
      %dma_wait3A_125 = tpu.memref_squeeze %dma_wait3A_124 : memref<1x64x256xf32, #tpu.memory_space<vmem>> -> memref<64x256xf32, #tpu.memory_space<vmem>>
      %dma_wait3A_126 = arith.constant 0 : i32
      %dma_wait3A_127 = tpu.memref_slice %arg8[%dma_wait3A_119, %dma_wait3A_120, %dma_wait3A_126] : memref<8x2x64xi32, #tpu.memory_space<vmem>> -> memref<1x1x64xi32, #tpu.memory_space<vmem>>
      %dma_wait3A_128 = tpu.memref_squeeze %dma_wait3A_127 : memref<1x1x64xi32, #tpu.memory_space<vmem>> -> memref<64xi32, #tpu.memory_space<vmem>>
      %dma_wait3A_129 = arith.constant 0 : i32
      %dma_wait3A_130 = arith.constant 0 : i32
      %dma_wait3A_131 = tpu.memref_slice %arg2[%dma_wait3A_129, %dma_wait3A_130] : memref<256000x256xf32, #tpu.memory_space<hbm>> -> memref<256000x256xf32, #tpu.memory_space<hbm>>
      tpu.wait_indirect_dma semaphore(%arg13 : memref<!tpu.dma_semaphore, #tpu.memory_space<semaphore_mem>>) src(%dma_wait3A_131 : memref<256000x256xf32, #tpu.memory_space<hbm>>) dst(%dma_wait3A_125 : memref<64x256xf32, #tpu.memory_space<vmem>>)
      %dma_wait3A_132 = arith.constant 1 : i32
      %dma_wait3A_133 = arith.constant 1 : i32
      %dma_wait3A_134 = arith.constant 1 : i32
      %dma_wait3A_135 = arith.constant 0 : i32
      %dma_wait3A_136 = arith.constant 0 : i32
      %dma_wait3A_137 = tpu.memref_slice %arg11[%dma_wait3A_134, %dma_wait3A_135, %dma_wait3A_136] : memref<2x64x128xf32, #tpu.memory_space<vmem>> -> memref<1x64x128xf32, #tpu.memory_space<vmem>>
      %dma_wait3A_138 = tpu.memref_squeeze %dma_wait3A_137 : memref<1x64x128xf32, #tpu.memory_space<vmem>> -> memref<64x128xf32, #tpu.memory_space<vmem>>
      %dma_wait3A_139 = arith.constant 0 : i32
      %dma_wait3A_140 = tpu.memref_slice %arg8[%dma_wait3A_132, %dma_wait3A_133, %dma_wait3A_139] : memref<8x2x64xi32, #tpu.memory_space<vmem>> -> memref<1x1x64xi32, #tpu.memory_space<vmem>>
      %dma_wait3A_141 = tpu.memref_squeeze %dma_wait3A_140 : memref<1x1x64xi32, #tpu.memory_space<vmem>> -> memref<64xi32, #tpu.memory_space<vmem>>
      %dma_wait3A_142 = arith.constant 0 : i32
      %dma_wait3A_143 = arith.constant 0 : i32
      %dma_wait3A_144 = tpu.memref_slice %arg3[%dma_wait3A_142, %dma_wait3A_143] : memref<256000x128xf32, #tpu.memory_space<hbm>> -> memref<256000x128xf32, #tpu.memory_space<hbm>>
      tpu.wait_indirect_dma semaphore(%arg14 : memref<!tpu.dma_semaphore, #tpu.memory_space<semaphore_mem>>) src(%dma_wait3A_144 : memref<256000x128xf32, #tpu.memory_space<hbm>>) dst(%dma_wait3A_138 : memref<64x128xf32, #tpu.memory_space<vmem>>)
      %mul3A_145 = arith.constant 8 : i32
      %mul3A_146 = arith.muli %add3A_12, %mul3A_145 : i32
      %add3A_147 = arith.constant 1 : i32
      %add3A_148 = arith.addi %mul3A_146, %add3A_147 : i32
      %run_scoped3A_149 = arith.constant 1 : i32
      "tpu.region"() ({
        %run_scoped3A_466 = tpu.sem_alloc : memref<!tpu.dma_semaphore, #tpu.memory_space<semaphore_mem>>
        %dma_start3A_467 = arith.constant 0 : i32
        %dma_start3A_468 = arith.constant 0 : i32
        %dma_start3A_469 = tpu.memref_slice %arg10[%run_scoped3A_149, %dma_start3A_467, %dma_start3A_468] : memref<2x64x256xf32, #tpu.memory_space<vmem>> -> memref<1x64x256xf32, #tpu.memory_space<vmem>>
        %dma_start3A_470 = tpu.memref_squeeze %dma_start3A_469 : memref<1x64x256xf32, #tpu.memory_space<vmem>> -> memref<64x256xf32, #tpu.memory_space<vmem>>
        %dma_start3A_471 = arith.constant 0 : i32
        %dma_start3A_472 = arith.constant 0 : i32
        %dma_start3A_473 = tpu.memref_slice %arg7[%add3A_148, %dma_start3A_471, %dma_start3A_472] : memref<4096x64x256xf32, #tpu.memory_space<hbm>> -> memref<1x64x256xf32, #tpu.memory_space<hbm>>
        %dma_start3A_474 = tpu.memref_squeeze %dma_start3A_473 : memref<1x64x256xf32, #tpu.memory_space<hbm>> -> memref<64x256xf32, #tpu.memory_space<hbm>>
        %dma_start3A_475 = arith.constant 0 : i32
        %dma_start3A_476 = arith.constant 0 : i32
        %dma_start3A_477 = tpu.memref_slice %arg7[%add3A_148, %dma_start3A_475, %dma_start3A_476] : memref<4096x64x256xf32, #tpu.memory_space<hbm>> -> memref<1x64x256xf32, #tpu.memory_space<hbm>>
        %dma_start3A_478 = tpu.memref_squeeze %dma_start3A_477 : memref<1x64x256xf32, #tpu.memory_space<hbm>> -> memref<64x256xf32, #tpu.memory_space<hbm>>
        %dma_start3A_479 = arith.constant 0 : i32
        %dma_start3A_480 = arith.constant 0 : i32
        %dma_start3A_481 = tpu.memref_slice %arg10[%run_scoped3A_149, %dma_start3A_479, %dma_start3A_480] : memref<2x64x256xf32, #tpu.memory_space<vmem>> -> memref<1x64x256xf32, #tpu.memory_space<vmem>>
        %dma_start3A_482 = tpu.memref_squeeze %dma_start3A_481 : memref<1x64x256xf32, #tpu.memory_space<vmem>> -> memref<64x256xf32, #tpu.memory_space<vmem>>
        tpu.enqueue_dma source(%dma_start3A_482 : memref<64x256xf32, #tpu.memory_space<vmem>>) target(%dma_start3A_478 : memref<64x256xf32, #tpu.memory_space<hbm>>) target_semaphore(%run_scoped3A_466 : memref<!tpu.dma_semaphore, #tpu.memory_space<semaphore_mem>>)
        %dma_wait3A_483 = arith.constant 0 : i32
        %dma_wait3A_484 = arith.constant 0 : i32
        %dma_wait3A_485 = tpu.memref_slice %arg10[%run_scoped3A_149, %dma_wait3A_483, %dma_wait3A_484] : memref<2x64x256xf32, #tpu.memory_space<vmem>> -> memref<1x64x256xf32, #tpu.memory_space<vmem>>
        %dma_wait3A_486 = tpu.memref_squeeze %dma_wait3A_485 : memref<1x64x256xf32, #tpu.memory_space<vmem>> -> memref<64x256xf32, #tpu.memory_space<vmem>>
        %dma_wait3A_487 = arith.constant 0 : i32
        %dma_wait3A_488 = arith.constant 0 : i32
        %dma_wait3A_489 = tpu.memref_slice %arg7[%add3A_148, %dma_wait3A_487, %dma_wait3A_488] : memref<4096x64x256xf32, #tpu.memory_space<hbm>> -> memref<1x64x256xf32, #tpu.memory_space<hbm>>
        %dma_wait3A_490 = tpu.memref_squeeze %dma_wait3A_489 : memref<1x64x256xf32, #tpu.memory_space<hbm>> -> memref<64x256xf32, #tpu.memory_space<hbm>>
        %dma_wait3A_491 = arith.constant 0 : i32
        %dma_wait3A_492 = arith.constant 0 : i32
        %dma_wait3A_493 = tpu.memref_slice %arg7[%add3A_148, %dma_wait3A_491, %dma_wait3A_492] : memref<4096x64x256xf32, #tpu.memory_space<hbm>> -> memref<1x64x256xf32, #tpu.memory_space<hbm>>
        %dma_wait3A_494 = tpu.memref_squeeze %dma_wait3A_493 : memref<1x64x256xf32, #tpu.memory_space<hbm>> -> memref<64x256xf32, #tpu.memory_space<hbm>>
        %dma_wait3A_495 = arith.constant 0 : i32
        %dma_wait3A_496 = arith.constant 0 : i32
        %dma_wait3A_497 = tpu.memref_slice %arg10[%run_scoped3A_149, %dma_wait3A_495, %dma_wait3A_496] : memref<2x64x256xf32, #tpu.memory_space<vmem>> -> memref<1x64x256xf32, #tpu.memory_space<vmem>>
        %dma_wait3A_498 = tpu.memref_squeeze %dma_wait3A_497 : memref<1x64x256xf32, #tpu.memory_space<vmem>> -> memref<64x256xf32, #tpu.memory_space<vmem>>
        tpu.wait_dma2 semaphore(%run_scoped3A_466 : memref<!tpu.dma_semaphore, #tpu.memory_space<semaphore_mem>>) src(%dma_wait3A_498 : memref<64x256xf32, #tpu.memory_space<vmem>>) dst(%dma_wait3A_494 : memref<64x256xf32, #tpu.memory_space<hbm>>)
        tpu.yield
      }) : () -> ()
      %dma_start3A_150 = arith.constant 3 : i32
      %dma_start3A_151 = arith.constant 0 : i32
      %dma_start3A_152 = arith.constant 1 : i32
      %dma_start3A_153 = arith.constant 0 : i32
      %dma_start3A_154 = arith.constant 0 : i32
      %dma_start3A_155 = tpu.memref_slice %arg10[%dma_start3A_152, %dma_start3A_153, %dma_start3A_154] : memref<2x64x256xf32, #tpu.memory_space<vmem>> -> memref<1x64x256xf32, #tpu.memory_space<vmem>>
      %dma_start3A_156 = tpu.memref_squeeze %dma_start3A_155 : memref<1x64x256xf32, #tpu.memory_space<vmem>> -> memref<64x256xf32, #tpu.memory_space<vmem>>
      %dma_start3A_157 = arith.constant 0 : i32
      %dma_start3A_158 = tpu.memref_slice %arg8[%dma_start3A_150, %dma_start3A_151, %dma_start3A_157] : memref<8x2x64xi32, #tpu.memory_space<vmem>> -> memref<1x1x64xi32, #tpu.memory_space<vmem>>
      %dma_start3A_159 = tpu.memref_squeeze %dma_start3A_158 : memref<1x1x64xi32, #tpu.memory_space<vmem>> -> memref<64xi32, #tpu.memory_space<vmem>>
      %dma_start3A_160 = arith.constant 0 : i32
      %dma_start3A_161 = arith.constant 0 : i32
      %dma_start3A_162 = tpu.memref_slice %arg2[%dma_start3A_160, %dma_start3A_161] : memref<256000x256xf32, #tpu.memory_space<hbm>> -> memref<256000x256xf32, #tpu.memory_space<hbm>>
      tpu.enqueue_indirect_dma source(%dma_start3A_162 : memref<256000x256xf32, #tpu.memory_space<hbm>>) target(%dma_start3A_156 : memref<64x256xf32, #tpu.memory_space<vmem>>) offsets(%dma_start3A_159 : memref<64xi32, #tpu.memory_space<vmem>>) semaphore(%arg13 : memref<!tpu.dma_semaphore, #tpu.memory_space<semaphore_mem>>)
      %dma_start3A_163 = arith.constant 3 : i32
      %dma_start3A_164 = arith.constant 1 : i32
      %dma_start3A_165 = arith.constant 1 : i32
      %dma_start3A_166 = arith.constant 0 : i32
      %dma_start3A_167 = arith.constant 0 : i32
      %dma_start3A_168 = tpu.memref_slice %arg11[%dma_start3A_165, %dma_start3A_166, %dma_start3A_167] : memref<2x64x128xf32, #tpu.memory_space<vmem>> -> memref<1x64x128xf32, #tpu.memory_space<vmem>>
      %dma_start3A_169 = tpu.memref_squeeze %dma_start3A_168 : memref<1x64x128xf32, #tpu.memory_space<vmem>> -> memref<64x128xf32, #tpu.memory_space<vmem>>
      %dma_start3A_170 = arith.constant 0 : i32
      %dma_start3A_171 = tpu.memref_slice %arg8[%dma_start3A_163, %dma_start3A_164, %dma_start3A_170] : memref<8x2x64xi32, #tpu.memory_space<vmem>> -> memref<1x1x64xi32, #tpu.memory_space<vmem>>
      %dma_start3A_172 = tpu.memref_squeeze %dma_start3A_171 : memref<1x1x64xi32, #tpu.memory_space<vmem>> -> memref<64xi32, #tpu.memory_space<vmem>>
      %dma_start3A_173 = arith.constant 0 : i32
      %dma_start3A_174 = arith.constant 0 : i32
      %dma_start3A_175 = tpu.memref_slice %arg3[%dma_start3A_173, %dma_start3A_174] : memref<256000x128xf32, #tpu.memory_space<hbm>> -> memref<256000x128xf32, #tpu.memory_space<hbm>>
      tpu.enqueue_indirect_dma source(%dma_start3A_175 : memref<256000x128xf32, #tpu.memory_space<hbm>>) target(%dma_start3A_169 : memref<64x128xf32, #tpu.memory_space<vmem>>) offsets(%dma_start3A_172 : memref<64xi32, #tpu.memory_space<vmem>>) semaphore(%arg14 : memref<!tpu.dma_semaphore, #tpu.memory_space<semaphore_mem>>)
      %dma_wait3A_176 = arith.constant 2 : i32
      %dma_wait3A_177 = arith.constant 0 : i32
      %dma_wait3A_178 = arith.constant 0 : i32
      %dma_wait3A_179 = arith.constant 0 : i32
      %dma_wait3A_180 = arith.constant 0 : i32
      %dma_wait3A_181 = tpu.memref_slice %arg10[%dma_wait3A_178, %dma_wait3A_179, %dma_wait3A_180] : memref<2x64x256xf32, #tpu.memory_space<vmem>> -> memref<1x64x256xf32, #tpu.memory_space<vmem>>
      %dma_wait3A_182 = tpu.memref_squeeze %dma_wait3A_181 : memref<1x64x256xf32, #tpu.memory_space<vmem>> -> memref<64x256xf32, #tpu.memory_space<vmem>>
      %dma_wait3A_183 = arith.constant 0 : i32
      %dma_wait3A_184 = tpu.memref_slice %arg8[%dma_wait3A_176, %dma_wait3A_177, %dma_wait3A_183] : memref<8x2x64xi32, #tpu.memory_space<vmem>> -> memref<1x1x64xi32, #tpu.memory_space<vmem>>
      %dma_wait3A_185 = tpu.memref_squeeze %dma_wait3A_184 : memref<1x1x64xi32, #tpu.memory_space<vmem>> -> memref<64xi32, #tpu.memory_space<vmem>>
      %dma_wait3A_186 = arith.constant 0 : i32
      %dma_wait3A_187 = arith.constant 0 : i32
      %dma_wait3A_188 = tpu.memref_slice %arg2[%dma_wait3A_186, %dma_wait3A_187] : memref<256000x256xf32, #tpu.memory_space<hbm>> -> memref<256000x256xf32, #tpu.memory_space<hbm>>
      tpu.wait_indirect_dma semaphore(%arg13 : memref<!tpu.dma_semaphore, #tpu.memory_space<semaphore_mem>>) src(%dma_wait3A_188 : memref<256000x256xf32, #tpu.memory_space<hbm>>) dst(%dma_wait3A_182 : memref<64x256xf32, #tpu.memory_space<vmem>>)
      %dma_wait3A_189 = arith.constant 2 : i32
      %dma_wait3A_190 = arith.constant 1 : i32
      %dma_wait3A_191 = arith.constant 0 : i32
      %dma_wait3A_192 = arith.constant 0 : i32
      %dma_wait3A_193 = arith.constant 0 : i32
      %dma_wait3A_194 = tpu.memref_slice %arg11[%dma_wait3A_191, %dma_wait3A_192, %dma_wait3A_193] : memref<2x64x128xf32, #tpu.memory_space<vmem>> -> memref<1x64x128xf32, #tpu.memory_space<vmem>>
      %dma_wait3A_195 = tpu.memref_squeeze %dma_wait3A_194 : memref<1x64x128xf32, #tpu.memory_space<vmem>> -> memref<64x128xf32, #tpu.memory_space<vmem>>
      %dma_wait3A_196 = arith.constant 0 : i32
      %dma_wait3A_197 = tpu.memref_slice %arg8[%dma_wait3A_189, %dma_wait3A_190, %dma_wait3A_196] : memref<8x2x64xi32, #tpu.memory_space<vmem>> -> memref<1x1x64xi32, #tpu.memory_space<vmem>>
      %dma_wait3A_198 = tpu.memref_squeeze %dma_wait3A_197 : memref<1x1x64xi32, #tpu.memory_space<vmem>> -> memref<64xi32, #tpu.memory_space<vmem>>
      %dma_wait3A_199 = arith.constant 0 : i32
      %dma_wait3A_200 = arith.constant 0 : i32
      %dma_wait3A_201 = tpu.memref_slice %arg3[%dma_wait3A_199, %dma_wait3A_200] : memref<256000x128xf32, #tpu.memory_space<hbm>> -> memref<256000x128xf32, #tpu.memory_space<hbm>>
      tpu.wait_indirect_dma semaphore(%arg14 : memref<!tpu.dma_semaphore, #tpu.memory_space<semaphore_mem>>) src(%dma_wait3A_201 : memref<256000x128xf32, #tpu.memory_space<hbm>>) dst(%dma_wait3A_195 : memref<64x128xf32, #tpu.memory_space<vmem>>)
      %mul3A_202 = arith.constant 8 : i32
      %mul3A_203 = arith.muli %add3A_12, %mul3A_202 : i32
      %add3A_204 = arith.constant 2 : i32
      %add3A_205 = arith.addi %mul3A_203, %add3A_204 : i32
      %run_scoped3A_206 = arith.constant 0 : i32
      "tpu.region"() ({
        %run_scoped3A_466 = tpu.sem_alloc : memref<!tpu.dma_semaphore, #tpu.memory_space<semaphore_mem>>
        %dma_start3A_467 = arith.constant 0 : i32
        %dma_start3A_468 = arith.constant 0 : i32
        %dma_start3A_469 = tpu.memref_slice %arg10[%run_scoped3A_206, %dma_start3A_467, %dma_start3A_468] : memref<2x64x256xf32, #tpu.memory_space<vmem>> -> memref<1x64x256xf32, #tpu.memory_space<vmem>>
        %dma_start3A_470 = tpu.memref_squeeze %dma_start3A_469 : memref<1x64x256xf32, #tpu.memory_space<vmem>> -> memref<64x256xf32, #tpu.memory_space<vmem>>
        %dma_start3A_471 = arith.constant 0 : i32
        %dma_start3A_472 = arith.constant 0 : i32
        %dma_start3A_473 = tpu.memref_slice %arg7[%add3A_205, %dma_start3A_471, %dma_start3A_472] : memref<4096x64x256xf32, #tpu.memory_space<hbm>> -> memref<1x64x256xf32, #tpu.memory_space<hbm>>
        %dma_start3A_474 = tpu.memref_squeeze %dma_start3A_473 : memref<1x64x256xf32, #tpu.memory_space<hbm>> -> memref<64x256xf32, #tpu.memory_space<hbm>>
        %dma_start3A_475 = arith.constant 0 : i32
        %dma_start3A_476 = arith.constant 0 : i32
        %dma_start3A_477 = tpu.memref_slice %arg7[%add3A_205, %dma_start3A_475, %dma_start3A_476] : memref<4096x64x256xf32, #tpu.memory_space<hbm>> -> memref<1x64x256xf32, #tpu.memory_space<hbm>>
        %dma_start3A_478 = tpu.memref_squeeze %dma_start3A_477 : memref<1x64x256xf32, #tpu.memory_space<hbm>> -> memref<64x256xf32, #tpu.memory_space<hbm>>
        %dma_start3A_479 = arith.constant 0 : i32
        %dma_start3A_480 = arith.constant 0 : i32
        %dma_start3A_481 = tpu.memref_slice %arg10[%run_scoped3A_206, %dma_start3A_479, %dma_start3A_480] : memref<2x64x256xf32, #tpu.memory_space<vmem>> -> memref<1x64x256xf32, #tpu.memory_space<vmem>>
        %dma_start3A_482 = tpu.memref_squeeze %dma_start3A_481 : memref<1x64x256xf32, #tpu.memory_space<vmem>> -> memref<64x256xf32, #tpu.memory_space<vmem>>
        tpu.enqueue_dma source(%dma_start3A_482 : memref<64x256xf32, #tpu.memory_space<vmem>>) target(%dma_start3A_478 : memref<64x256xf32, #tpu.memory_space<hbm>>) target_semaphore(%run_scoped3A_466 : memref<!tpu.dma_semaphore, #tpu.memory_space<semaphore_mem>>)
        %dma_wait3A_483 = arith.constant 0 : i32
        %dma_wait3A_484 = arith.constant 0 : i32
        %dma_wait3A_485 = tpu.memref_slice %arg10[%run_scoped3A_206, %dma_wait3A_483, %dma_wait3A_484] : memref<2x64x256xf32, #tpu.memory_space<vmem>> -> memref<1x64x256xf32, #tpu.memory_space<vmem>>
        %dma_wait3A_486 = tpu.memref_squeeze %dma_wait3A_485 : memref<1x64x256xf32, #tpu.memory_space<vmem>> -> memref<64x256xf32, #tpu.memory_space<vmem>>
        %dma_wait3A_487 = arith.constant 0 : i32
        %dma_wait3A_488 = arith.constant 0 : i32
        %dma_wait3A_489 = tpu.memref_slice %arg7[%add3A_205, %dma_wait3A_487, %dma_wait3A_488] : memref<4096x64x256xf32, #tpu.memory_space<hbm>> -> memref<1x64x256xf32, #tpu.memory_space<hbm>>
        %dma_wait3A_490 = tpu.memref_squeeze %dma_wait3A_489 : memref<1x64x256xf32, #tpu.memory_space<hbm>> -> memref<64x256xf32, #tpu.memory_space<hbm>>
        %dma_wait3A_491 = arith.constant 0 : i32
        %dma_wait3A_492 = arith.constant 0 : i32
        %dma_wait3A_493 = tpu.memref_slice %arg7[%add3A_205, %dma_wait3A_491, %dma_wait3A_492] : memref<4096x64x256xf32, #tpu.memory_space<hbm>> -> memref<1x64x256xf32, #tpu.memory_space<hbm>>
        %dma_wait3A_494 = tpu.memref_squeeze %dma_wait3A_493 : memref<1x64x256xf32, #tpu.memory_space<hbm>> -> memref<64x256xf32, #tpu.memory_space<hbm>>
        %dma_wait3A_495 = arith.constant 0 : i32
        %dma_wait3A_496 = arith.constant 0 : i32
        %dma_wait3A_497 = tpu.memref_slice %arg10[%run_scoped3A_206, %dma_wait3A_495, %dma_wait3A_496] : memref<2x64x256xf32, #tpu.memory_space<vmem>> -> memref<1x64x256xf32, #tpu.memory_space<vmem>>
        %dma_wait3A_498 = tpu.memref_squeeze %dma_wait3A_497 : memref<1x64x256xf32, #tpu.memory_space<vmem>> -> memref<64x256xf32, #tpu.memory_space<vmem>>
        tpu.wait_dma2 semaphore(%run_scoped3A_466 : memref<!tpu.dma_semaphore, #tpu.memory_space<semaphore_mem>>) src(%dma_wait3A_498 : memref<64x256xf32, #tpu.memory_space<vmem>>) dst(%dma_wait3A_494 : memref<64x256xf32, #tpu.memory_space<hbm>>)
        tpu.yield
      }) : () -> ()
      %dma_start3A_207 = arith.constant 4 : i32
      %dma_start3A_208 = arith.constant 0 : i32
      %dma_start3A_209 = arith.constant 0 : i32
      %dma_start3A_210 = arith.constant 0 : i32
      %dma_start3A_211 = arith.constant 0 : i32
      %dma_start3A_212 = tpu.memref_slice %arg10[%dma_start3A_209, %dma_start3A_210, %dma_start3A_211] : memref<2x64x256xf32, #tpu.memory_space<vmem>> -> memref<1x64x256xf32, #tpu.memory_space<vmem>>
      %dma_start3A_213 = tpu.memref_squeeze %dma_start3A_212 : memref<1x64x256xf32, #tpu.memory_space<vmem>> -> memref<64x256xf32, #tpu.memory_space<vmem>>
      %dma_start3A_214 = arith.constant 0 : i32
      %dma_start3A_215 = tpu.memref_slice %arg8[%dma_start3A_207, %dma_start3A_208, %dma_start3A_214] : memref<8x2x64xi32, #tpu.memory_space<vmem>> -> memref<1x1x64xi32, #tpu.memory_space<vmem>>
      %dma_start3A_216 = tpu.memref_squeeze %dma_start3A_215 : memref<1x1x64xi32, #tpu.memory_space<vmem>> -> memref<64xi32, #tpu.memory_space<vmem>>
      %dma_start3A_217 = arith.constant 0 : i32
      %dma_start3A_218 = arith.constant 0 : i32
      %dma_start3A_219 = tpu.memref_slice %arg2[%dma_start3A_217, %dma_start3A_218] : memref<256000x256xf32, #tpu.memory_space<hbm>> -> memref<256000x256xf32, #tpu.memory_space<hbm>>
      tpu.enqueue_indirect_dma source(%dma_start3A_219 : memref<256000x256xf32, #tpu.memory_space<hbm>>) target(%dma_start3A_213 : memref<64x256xf32, #tpu.memory_space<vmem>>) offsets(%dma_start3A_216 : memref<64xi32, #tpu.memory_space<vmem>>) semaphore(%arg13 : memref<!tpu.dma_semaphore, #tpu.memory_space<semaphore_mem>>)
      %dma_start3A_220 = arith.constant 4 : i32
      %dma_start3A_221 = arith.constant 1 : i32
      %dma_start3A_222 = arith.constant 0 : i32
      %dma_start3A_223 = arith.constant 0 : i32
      %dma_start3A_224 = arith.constant 0 : i32
      %dma_start3A_225 = tpu.memref_slice %arg11[%dma_start3A_222, %dma_start3A_223, %dma_start3A_224] : memref<2x64x128xf32, #tpu.memory_space<vmem>> -> memref<1x64x128xf32, #tpu.memory_space<vmem>>
      %dma_start3A_226 = tpu.memref_squeeze %dma_start3A_225 : memref<1x64x128xf32, #tpu.memory_space<vmem>> -> memref<64x128xf32, #tpu.memory_space<vmem>>
      %dma_start3A_227 = arith.constant 0 : i32
      %dma_start3A_228 = tpu.memref_slice %arg8[%dma_start3A_220, %dma_start3A_221, %dma_start3A_227] : memref<8x2x64xi32, #tpu.memory_space<vmem>> -> memref<1x1x64xi32, #tpu.memory_space<vmem>>
      %dma_start3A_229 = tpu.memref_squeeze %dma_start3A_228 : memref<1x1x64xi32, #tpu.memory_space<vmem>> -> memref<64xi32, #tpu.memory_space<vmem>>
      %dma_start3A_230 = arith.constant 0 : i32
      %dma_start3A_231 = arith.constant 0 : i32
      %dma_start3A_232 = tpu.memref_slice %arg3[%dma_start3A_230, %dma_start3A_231] : memref<256000x128xf32, #tpu.memory_space<hbm>> -> memref<256000x128xf32, #tpu.memory_space<hbm>>
      tpu.enqueue_indirect_dma source(%dma_start3A_232 : memref<256000x128xf32, #tpu.memory_space<hbm>>) target(%dma_start3A_226 : memref<64x128xf32, #tpu.memory_space<vmem>>) offsets(%dma_start3A_229 : memref<64xi32, #tpu.memory_space<vmem>>) semaphore(%arg14 : memref<!tpu.dma_semaphore, #tpu.memory_space<semaphore_mem>>)
      %dma_wait3A_233 = arith.constant 3 : i32
      %dma_wait3A_234 = arith.constant 0 : i32
      %dma_wait3A_235 = arith.constant 1 : i32
      %dma_wait3A_236 = arith.constant 0 : i32
      %dma_wait3A_237 = arith.constant 0 : i32
      %dma_wait3A_238 = tpu.memref_slice %arg10[%dma_wait3A_235, %dma_wait3A_236, %dma_wait3A_237] : memref<2x64x256xf32, #tpu.memory_space<vmem>> -> memref<1x64x256xf32, #tpu.memory_space<vmem>>
      %dma_wait3A_239 = tpu.memref_squeeze %dma_wait3A_238 : memref<1x64x256xf32, #tpu.memory_space<vmem>> -> memref<64x256xf32, #tpu.memory_space<vmem>>
      %dma_wait3A_240 = arith.constant 0 : i32
      %dma_wait3A_241 = tpu.memref_slice %arg8[%dma_wait3A_233, %dma_wait3A_234, %dma_wait3A_240] : memref<8x2x64xi32, #tpu.memory_space<vmem>> -> memref<1x1x64xi32, #tpu.memory_space<vmem>>
      %dma_wait3A_242 = tpu.memref_squeeze %dma_wait3A_241 : memref<1x1x64xi32, #tpu.memory_space<vmem>> -> memref<64xi32, #tpu.memory_space<vmem>>
      %dma_wait3A_243 = arith.constant 0 : i32
      %dma_wait3A_244 = arith.constant 0 : i32
      %dma_wait3A_245 = tpu.memref_slice %arg2[%dma_wait3A_243, %dma_wait3A_244] : memref<256000x256xf32, #tpu.memory_space<hbm>> -> memref<256000x256xf32, #tpu.memory_space<hbm>>
      tpu.wait_indirect_dma semaphore(%arg13 : memref<!tpu.dma_semaphore, #tpu.memory_space<semaphore_mem>>) src(%dma_wait3A_245 : memref<256000x256xf32, #tpu.memory_space<hbm>>) dst(%dma_wait3A_239 : memref<64x256xf32, #tpu.memory_space<vmem>>)
      %dma_wait3A_246 = arith.constant 3 : i32
      %dma_wait3A_247 = arith.constant 1 : i32
      %dma_wait3A_248 = arith.constant 1 : i32
      %dma_wait3A_249 = arith.constant 0 : i32
      %dma_wait3A_250 = arith.constant 0 : i32
      %dma_wait3A_251 = tpu.memref_slice %arg11[%dma_wait3A_248, %dma_wait3A_249, %dma_wait3A_250] : memref<2x64x128xf32, #tpu.memory_space<vmem>> -> memref<1x64x128xf32, #tpu.memory_space<vmem>>
      %dma_wait3A_252 = tpu.memref_squeeze %dma_wait3A_251 : memref<1x64x128xf32, #tpu.memory_space<vmem>> -> memref<64x128xf32, #tpu.memory_space<vmem>>
      %dma_wait3A_253 = arith.constant 0 : i32
      %dma_wait3A_254 = tpu.memref_slice %arg8[%dma_wait3A_246, %dma_wait3A_247, %dma_wait3A_253] : memref<8x2x64xi32, #tpu.memory_space<vmem>> -> memref<1x1x64xi32, #tpu.memory_space<vmem>>
      %dma_wait3A_255 = tpu.memref_squeeze %dma_wait3A_254 : memref<1x1x64xi32, #tpu.memory_space<vmem>> -> memref<64xi32, #tpu.memory_space<vmem>>
      %dma_wait3A_256 = arith.constant 0 : i32
      %dma_wait3A_257 = arith.constant 0 : i32
      %dma_wait3A_258 = tpu.memref_slice %arg3[%dma_wait3A_256, %dma_wait3A_257] : memref<256000x128xf32, #tpu.memory_space<hbm>> -> memref<256000x128xf32, #tpu.memory_space<hbm>>
      tpu.wait_indirect_dma semaphore(%arg14 : memref<!tpu.dma_semaphore, #tpu.memory_space<semaphore_mem>>) src(%dma_wait3A_258 : memref<256000x128xf32, #tpu.memory_space<hbm>>) dst(%dma_wait3A_252 : memref<64x128xf32, #tpu.memory_space<vmem>>)
      %mul3A_259 = arith.constant 8 : i32
      %mul3A_260 = arith.muli %add3A_12, %mul3A_259 : i32
      %add3A_261 = arith.constant 3 : i32
      %add3A_262 = arith.addi %mul3A_260, %add3A_261 : i32
      %run_scoped3A_263 = arith.constant 1 : i32
      "tpu.region"() ({
        %run_scoped3A_466 = tpu.sem_alloc : memref<!tpu.dma_semaphore, #tpu.memory_space<semaphore_mem>>
        %dma_start3A_467 = arith.constant 0 : i32
        %dma_start3A_468 = arith.constant 0 : i32
        %dma_start3A_469 = tpu.memref_slice %arg10[%run_scoped3A_263, %dma_start3A_467, %dma_start3A_468] : memref<2x64x256xf32, #tpu.memory_space<vmem>> -> memref<1x64x256xf32, #tpu.memory_space<vmem>>
        %dma_start3A_470 = tpu.memref_squeeze %dma_start3A_469 : memref<1x64x256xf32, #tpu.memory_space<vmem>> -> memref<64x256xf32, #tpu.memory_space<vmem>>
        %dma_start3A_471 = arith.constant 0 : i32
        %dma_start3A_472 = arith.constant 0 : i32
        %dma_start3A_473 = tpu.memref_slice %arg7[%add3A_262, %dma_start3A_471, %dma_start3A_472] : memref<4096x64x256xf32, #tpu.memory_space<hbm>> -> memref<1x64x256xf32, #tpu.memory_space<hbm>>
        %dma_start3A_474 = tpu.memref_squeeze %dma_start3A_473 : memref<1x64x256xf32, #tpu.memory_space<hbm>> -> memref<64x256xf32, #tpu.memory_space<hbm>>
        %dma_start3A_475 = arith.constant 0 : i32
        %dma_start3A_476 = arith.constant 0 : i32
        %dma_start3A_477 = tpu.memref_slice %arg7[%add3A_262, %dma_start3A_475, %dma_start3A_476] : memref<4096x64x256xf32, #tpu.memory_space<hbm>> -> memref<1x64x256xf32, #tpu.memory_space<hbm>>
        %dma_start3A_478 = tpu.memref_squeeze %dma_start3A_477 : memref<1x64x256xf32, #tpu.memory_space<hbm>> -> memref<64x256xf32, #tpu.memory_space<hbm>>
        %dma_start3A_479 = arith.constant 0 : i32
        %dma_start3A_480 = arith.constant 0 : i32
        %dma_start3A_481 = tpu.memref_slice %arg10[%run_scoped3A_263, %dma_start3A_479, %dma_start3A_480] : memref<2x64x256xf32, #tpu.memory_space<vmem>> -> memref<1x64x256xf32, #tpu.memory_space<vmem>>
        %dma_start3A_482 = tpu.memref_squeeze %dma_start3A_481 : memref<1x64x256xf32, #tpu.memory_space<vmem>> -> memref<64x256xf32, #tpu.memory_space<vmem>>
        tpu.enqueue_dma source(%dma_start3A_482 : memref<64x256xf32, #tpu.memory_space<vmem>>) target(%dma_start3A_478 : memref<64x256xf32, #tpu.memory_space<hbm>>) target_semaphore(%run_scoped3A_466 : memref<!tpu.dma_semaphore, #tpu.memory_space<semaphore_mem>>)
        %dma_wait3A_483 = arith.constant 0 : i32
        %dma_wait3A_484 = arith.constant 0 : i32
        %dma_wait3A_485 = tpu.memref_slice %arg10[%run_scoped3A_263, %dma_wait3A_483, %dma_wait3A_484] : memref<2x64x256xf32, #tpu.memory_space<vmem>> -> memref<1x64x256xf32, #tpu.memory_space<vmem>>
        %dma_wait3A_486 = tpu.memref_squeeze %dma_wait3A_485 : memref<1x64x256xf32, #tpu.memory_space<vmem>> -> memref<64x256xf32, #tpu.memory_space<vmem>>
        %dma_wait3A_487 = arith.constant 0 : i32
        %dma_wait3A_488 = arith.constant 0 : i32
        %dma_wait3A_489 = tpu.memref_slice %arg7[%add3A_262, %dma_wait3A_487, %dma_wait3A_488] : memref<4096x64x256xf32, #tpu.memory_space<hbm>> -> memref<1x64x256xf32, #tpu.memory_space<hbm>>
        %dma_wait3A_490 = tpu.memref_squeeze %dma_wait3A_489 : memref<1x64x256xf32, #tpu.memory_space<hbm>> -> memref<64x256xf32, #tpu.memory_space<hbm>>
        %dma_wait3A_491 = arith.constant 0 : i32
        %dma_wait3A_492 = arith.constant 0 : i32
        %dma_wait3A_493 = tpu.memref_slice %arg7[%add3A_262, %dma_wait3A_491, %dma_wait3A_492] : memref<4096x64x256xf32, #tpu.memory_space<hbm>> -> memref<1x64x256xf32, #tpu.memory_space<hbm>>
        %dma_wait3A_494 = tpu.memref_squeeze %dma_wait3A_493 : memref<1x64x256xf32, #tpu.memory_space<hbm>> -> memref<64x256xf32, #tpu.memory_space<hbm>>
        %dma_wait3A_495 = arith.constant 0 : i32
        %dma_wait3A_496 = arith.constant 0 : i32
        %dma_wait3A_497 = tpu.memref_slice %arg10[%run_scoped3A_263, %dma_wait3A_495, %dma_wait3A_496] : memref<2x64x256xf32, #tpu.memory_space<vmem>> -> memref<1x64x256xf32, #tpu.memory_space<vmem>>
        %dma_wait3A_498 = tpu.memref_squeeze %dma_wait3A_497 : memref<1x64x256xf32, #tpu.memory_space<vmem>> -> memref<64x256xf32, #tpu.memory_space<vmem>>
        tpu.wait_dma2 semaphore(%run_scoped3A_466 : memref<!tpu.dma_semaphore, #tpu.memory_space<semaphore_mem>>) src(%dma_wait3A_498 : memref<64x256xf32, #tpu.memory_space<vmem>>) dst(%dma_wait3A_494 : memref<64x256xf32, #tpu.memory_space<hbm>>)
        tpu.yield
      }) : () -> ()
      %dma_start3A_264 = arith.constant 5 : i32
      %dma_start3A_265 = arith.constant 0 : i32
      %dma_start3A_266 = arith.constant 1 : i32
      %dma_start3A_267 = arith.constant 0 : i32
      %dma_start3A_268 = arith.constant 0 : i32
      %dma_start3A_269 = tpu.memref_slice %arg10[%dma_start3A_266, %dma_start3A_267, %dma_start3A_268] : memref<2x64x256xf32, #tpu.memory_space<vmem>> -> memref<1x64x256xf32, #tpu.memory_space<vmem>>
      %dma_start3A_270 = tpu.memref_squeeze %dma_start3A_269 : memref<1x64x256xf32, #tpu.memory_space<vmem>> -> memref<64x256xf32, #tpu.memory_space<vmem>>
      %dma_start3A_271 = arith.constant 0 : i32
      %dma_start3A_272 = tpu.memref_slice %arg8[%dma_start3A_264, %dma_start3A_265, %dma_start3A_271] : memref<8x2x64xi32, #tpu.memory_space<vmem>> -> memref<1x1x64xi32, #tpu.memory_space<vmem>>
      %dma_start3A_273 = tpu.memref_squeeze %dma_start3A_272 : memref<1x1x64xi32, #tpu.memory_space<vmem>> -> memref<64xi32, #tpu.memory_space<vmem>>
      %dma_start3A_274 = arith.constant 0 : i32
      %dma_start3A_275 = arith.constant 0 : i32
      %dma_start3A_276 = tpu.memref_slice %arg2[%dma_start3A_274, %dma_start3A_275] : memref<256000x256xf32, #tpu.memory_space<hbm>> -> memref<256000x256xf32, #tpu.memory_space<hbm>>
      tpu.enqueue_indirect_dma source(%dma_start3A_276 : memref<256000x256xf32, #tpu.memory_space<hbm>>) target(%dma_start3A_270 : memref<64x256xf32, #tpu.memory_space<vmem>>) offsets(%dma_start3A_273 : memref<64xi32, #tpu.memory_space<vmem>>) semaphore(%arg13 : memref<!tpu.dma_semaphore, #tpu.memory_space<semaphore_mem>>)
      %dma_start3A_277 = arith.constant 5 : i32
      %dma_start3A_278 = arith.constant 1 : i32
      %dma_start3A_279 = arith.constant 1 : i32
      %dma_start3A_280 = arith.constant 0 : i32
      %dma_start3A_281 = arith.constant 0 : i32
      %dma_start3A_282 = tpu.memref_slice %arg11[%dma_start3A_279, %dma_start3A_280, %dma_start3A_281] : memref<2x64x128xf32, #tpu.memory_space<vmem>> -> memref<1x64x128xf32, #tpu.memory_space<vmem>>
      %dma_start3A_283 = tpu.memref_squeeze %dma_start3A_282 : memref<1x64x128xf32, #tpu.memory_space<vmem>> -> memref<64x128xf32, #tpu.memory_space<vmem>>
      %dma_start3A_284 = arith.constant 0 : i32
      %dma_start3A_285 = tpu.memref_slice %arg8[%dma_start3A_277, %dma_start3A_278, %dma_start3A_284] : memref<8x2x64xi32, #tpu.memory_space<vmem>> -> memref<1x1x64xi32, #tpu.memory_space<vmem>>
      %dma_start3A_286 = tpu.memref_squeeze %dma_start3A_285 : memref<1x1x64xi32, #tpu.memory_space<vmem>> -> memref<64xi32, #tpu.memory_space<vmem>>
      %dma_start3A_287 = arith.constant 0 : i32
      %dma_start3A_288 = arith.constant 0 : i32
      %dma_start3A_289 = tpu.memref_slice %arg3[%dma_start3A_287, %dma_start3A_288] : memref<256000x128xf32, #tpu.memory_space<hbm>> -> memref<256000x128xf32, #tpu.memory_space<hbm>>
      tpu.enqueue_indirect_dma source(%dma_start3A_289 : memref<256000x128xf32, #tpu.memory_space<hbm>>) target(%dma_start3A_283 : memref<64x128xf32, #tpu.memory_space<vmem>>) offsets(%dma_start3A_286 : memref<64xi32, #tpu.memory_space<vmem>>) semaphore(%arg14 : memref<!tpu.dma_semaphore, #tpu.memory_space<semaphore_mem>>)
      %dma_wait3A_290 = arith.constant 4 : i32
      %dma_wait3A_291 = arith.constant 0 : i32
      %dma_wait3A_292 = arith.constant 0 : i32
      %dma_wait3A_293 = arith.constant 0 : i32
      %dma_wait3A_294 = arith.constant 0 : i32
      %dma_wait3A_295 = tpu.memref_slice %arg10[%dma_wait3A_292, %dma_wait3A_293, %dma_wait3A_294] : memref<2x64x256xf32, #tpu.memory_space<vmem>> -> memref<1x64x256xf32, #tpu.memory_space<vmem>>
      %dma_wait3A_296 = tpu.memref_squeeze %dma_wait3A_295 : memref<1x64x256xf32, #tpu.memory_space<vmem>> -> memref<64x256xf32, #tpu.memory_space<vmem>>
      %dma_wait3A_297 = arith.constant 0 : i32
      %dma_wait3A_298 = tpu.memref_slice %arg8[%dma_wait3A_290, %dma_wait3A_291, %dma_wait3A_297] : memref<8x2x64xi32, #tpu.memory_space<vmem>> -> memref<1x1x64xi32, #tpu.memory_space<vmem>>
      %dma_wait3A_299 = tpu.memref_squeeze %dma_wait3A_298 : memref<1x1x64xi32, #tpu.memory_space<vmem>> -> memref<64xi32, #tpu.memory_space<vmem>>
      %dma_wait3A_300 = arith.constant 0 : i32
      %dma_wait3A_301 = arith.constant 0 : i32
      %dma_wait3A_302 = tpu.memref_slice %arg2[%dma_wait3A_300, %dma_wait3A_301] : memref<256000x256xf32, #tpu.memory_space<hbm>> -> memref<256000x256xf32, #tpu.memory_space<hbm>>
      tpu.wait_indirect_dma semaphore(%arg13 : memref<!tpu.dma_semaphore, #tpu.memory_space<semaphore_mem>>) src(%dma_wait3A_302 : memref<256000x256xf32, #tpu.memory_space<hbm>>) dst(%dma_wait3A_296 : memref<64x256xf32, #tpu.memory_space<vmem>>)
      %dma_wait3A_303 = arith.constant 4 : i32
      %dma_wait3A_304 = arith.constant 1 : i32
      %dma_wait3A_305 = arith.constant 0 : i32
      %dma_wait3A_306 = arith.constant 0 : i32
      %dma_wait3A_307 = arith.constant 0 : i32
      %dma_wait3A_308 = tpu.memref_slice %arg11[%dma_wait3A_305, %dma_wait3A_306, %dma_wait3A_307] : memref<2x64x128xf32, #tpu.memory_space<vmem>> -> memref<1x64x128xf32, #tpu.memory_space<vmem>>
      %dma_wait3A_309 = tpu.memref_squeeze %dma_wait3A_308 : memref<1x64x128xf32, #tpu.memory_space<vmem>> -> memref<64x128xf32, #tpu.memory_space<vmem>>
      %dma_wait3A_310 = arith.constant 0 : i32
      %dma_wait3A_311 = tpu.memref_slice %arg8[%dma_wait3A_303, %dma_wait3A_304, %dma_wait3A_310] : memref<8x2x64xi32, #tpu.memory_space<vmem>> -> memref<1x1x64xi32, #tpu.memory_space<vmem>>
      %dma_wait3A_312 = tpu.memref_squeeze %dma_wait3A_311 : memref<1x1x64xi32, #tpu.memory_space<vmem>> -> memref<64xi32, #tpu.memory_space<vmem>>
      %dma_wait3A_313 = arith.constant 0 : i32
      %dma_wait3A_314 = arith.constant 0 : i32
      %dma_wait3A_315 = tpu.memref_slice %arg3[%dma_wait3A_313, %dma_wait3A_314] : memref<256000x128xf32, #tpu.memory_space<hbm>> -> memref<256000x128xf32, #tpu.memory_space<hbm>>
      tpu.wait_indirect_dma semaphore(%arg14 : memref<!tpu.dma_semaphore, #tpu.memory_space<semaphore_mem>>) src(%dma_wait3A_315 : memref<256000x128xf32, #tpu.memory_space<hbm>>) dst(%dma_wait3A_309 : memref<64x128xf32, #tpu.memory_space<vmem>>)
      %mul3A_316 = arith.constant 8 : i32
      %mul3A_317 = arith.muli %add3A_12, %mul3A_316 : i32
      %add3A_318 = arith.constant 4 : i32
      %add3A_319 = arith.addi %mul3A_317, %add3A_318 : i32
      %run_scoped3A_320 = arith.constant 0 : i32
      "tpu.region"() ({
        %run_scoped3A_466 = tpu.sem_alloc : memref<!tpu.dma_semaphore, #tpu.memory_space<semaphore_mem>>
        %dma_start3A_467 = arith.constant 0 : i32
        %dma_start3A_468 = arith.constant 0 : i32
        %dma_start3A_469 = tpu.memref_slice %arg10[%run_scoped3A_320, %dma_start3A_467, %dma_start3A_468] : memref<2x64x256xf32, #tpu.memory_space<vmem>> -> memref<1x64x256xf32, #tpu.memory_space<vmem>>
        %dma_start3A_470 = tpu.memref_squeeze %dma_start3A_469 : memref<1x64x256xf32, #tpu.memory_space<vmem>> -> memref<64x256xf32, #tpu.memory_space<vmem>>
        %dma_start3A_471 = arith.constant 0 : i32
        %dma_start3A_472 = arith.constant 0 : i32
        %dma_start3A_473 = tpu.memref_slice %arg7[%add3A_319, %dma_start3A_471, %dma_start3A_472] : memref<4096x64x256xf32, #tpu.memory_space<hbm>> -> memref<1x64x256xf32, #tpu.memory_space<hbm>>
        %dma_start3A_474 = tpu.memref_squeeze %dma_start3A_473 : memref<1x64x256xf32, #tpu.memory_space<hbm>> -> memref<64x256xf32, #tpu.memory_space<hbm>>
        %dma_start3A_475 = arith.constant 0 : i32
        %dma_start3A_476 = arith.constant 0 : i32
        %dma_start3A_477 = tpu.memref_slice %arg7[%add3A_319, %dma_start3A_475, %dma_start3A_476] : memref<4096x64x256xf32, #tpu.memory_space<hbm>> -> memref<1x64x256xf32, #tpu.memory_space<hbm>>
        %dma_start3A_478 = tpu.memref_squeeze %dma_start3A_477 : memref<1x64x256xf32, #tpu.memory_space<hbm>> -> memref<64x256xf32, #tpu.memory_space<hbm>>
        %dma_start3A_479 = arith.constant 0 : i32
        %dma_start3A_480 = arith.constant 0 : i32
        %dma_start3A_481 = tpu.memref_slice %arg10[%run_scoped3A_320, %dma_start3A_479, %dma_start3A_480] : memref<2x64x256xf32, #tpu.memory_space<vmem>> -> memref<1x64x256xf32, #tpu.memory_space<vmem>>
        %dma_start3A_482 = tpu.memref_squeeze %dma_start3A_481 : memref<1x64x256xf32, #tpu.memory_space<vmem>> -> memref<64x256xf32, #tpu.memory_space<vmem>>
        tpu.enqueue_dma source(%dma_start3A_482 : memref<64x256xf32, #tpu.memory_space<vmem>>) target(%dma_start3A_478 : memref<64x256xf32, #tpu.memory_space<hbm>>) target_semaphore(%run_scoped3A_466 : memref<!tpu.dma_semaphore, #tpu.memory_space<semaphore_mem>>)
        %dma_wait3A_483 = arith.constant 0 : i32
        %dma_wait3A_484 = arith.constant 0 : i32
        %dma_wait3A_485 = tpu.memref_slice %arg10[%run_scoped3A_320, %dma_wait3A_483, %dma_wait3A_484] : memref<2x64x256xf32, #tpu.memory_space<vmem>> -> memref<1x64x256xf32, #tpu.memory_space<vmem>>
        %dma_wait3A_486 = tpu.memref_squeeze %dma_wait3A_485 : memref<1x64x256xf32, #tpu.memory_space<vmem>> -> memref<64x256xf32, #tpu.memory_space<vmem>>
        %dma_wait3A_487 = arith.constant 0 : i32
        %dma_wait3A_488 = arith.constant 0 : i32
        %dma_wait3A_489 = tpu.memref_slice %arg7[%add3A_319, %dma_wait3A_487, %dma_wait3A_488] : memref<4096x64x256xf32, #tpu.memory_space<hbm>> -> memref<1x64x256xf32, #tpu.memory_space<hbm>>
        %dma_wait3A_490 = tpu.memref_squeeze %dma_wait3A_489 : memref<1x64x256xf32, #tpu.memory_space<hbm>> -> memref<64x256xf32, #tpu.memory_space<hbm>>
        %dma_wait3A_491 = arith.constant 0 : i32
        %dma_wait3A_492 = arith.constant 0 : i32
        %dma_wait3A_493 = tpu.memref_slice %arg7[%add3A_319, %dma_wait3A_491, %dma_wait3A_492] : memref<4096x64x256xf32, #tpu.memory_space<hbm>> -> memref<1x64x256xf32, #tpu.memory_space<hbm>>
        %dma_wait3A_494 = tpu.memref_squeeze %dma_wait3A_493 : memref<1x64x256xf32, #tpu.memory_space<hbm>> -> memref<64x256xf32, #tpu.memory_space<hbm>>
        %dma_wait3A_495 = arith.constant 0 : i32
        %dma_wait3A_496 = arith.constant 0 : i32
        %dma_wait3A_497 = tpu.memref_slice %arg10[%run_scoped3A_320, %dma_wait3A_495, %dma_wait3A_496] : memref<2x64x256xf32, #tpu.memory_space<vmem>> -> memref<1x64x256xf32, #tpu.memory_space<vmem>>
        %dma_wait3A_498 = tpu.memref_squeeze %dma_wait3A_497 : memref<1x64x256xf32, #tpu.memory_space<vmem>> -> memref<64x256xf32, #tpu.memory_space<vmem>>
        tpu.wait_dma2 semaphore(%run_scoped3A_466 : memref<!tpu.dma_semaphore, #tpu.memory_space<semaphore_mem>>) src(%dma_wait3A_498 : memref<64x256xf32, #tpu.memory_space<vmem>>) dst(%dma_wait3A_494 : memref<64x256xf32, #tpu.memory_space<hbm>>)
        tpu.yield
      }) : () -> ()
      %dma_start3A_321 = arith.constant 6 : i32
      %dma_start3A_322 = arith.constant 0 : i32
      %dma_start3A_323 = arith.constant 0 : i32
      %dma_start3A_324 = arith.constant 0 : i32
      %dma_start3A_325 = arith.constant 0 : i32
      %dma_start3A_326 = tpu.memref_slice %arg10[%dma_start3A_323, %dma_start3A_324, %dma_start3A_325] : memref<2x64x256xf32, #tpu.memory_space<vmem>> -> memref<1x64x256xf32, #tpu.memory_space<vmem>>
      %dma_start3A_327 = tpu.memref_squeeze %dma_start3A_326 : memref<1x64x256xf32, #tpu.memory_space<vmem>> -> memref<64x256xf32, #tpu.memory_space<vmem>>
      %dma_start3A_328 = arith.constant 0 : i32
      %dma_start3A_329 = tpu.memref_slice %arg8[%dma_start3A_321, %dma_start3A_322, %dma_start3A_328] : memref<8x2x64xi32, #tpu.memory_space<vmem>> -> memref<1x1x64xi32, #tpu.memory_space<vmem>>
      %dma_start3A_330 = tpu.memref_squeeze %dma_start3A_329 : memref<1x1x64xi32, #tpu.memory_space<vmem>> -> memref<64xi32, #tpu.memory_space<vmem>>
      %dma_start3A_331 = arith.constant 0 : i32
      %dma_start3A_332 = arith.constant 0 : i32
      %dma_start3A_333 = tpu.memref_slice %arg2[%dma_start3A_331, %dma_start3A_332] : memref<256000x256xf32, #tpu.memory_space<hbm>> -> memref<256000x256xf32, #tpu.memory_space<hbm>>
      tpu.enqueue_indirect_dma source(%dma_start3A_333 : memref<256000x256xf32, #tpu.memory_space<hbm>>) target(%dma_start3A_327 : memref<64x256xf32, #tpu.memory_space<vmem>>) offsets(%dma_start3A_330 : memref<64xi32, #tpu.memory_space<vmem>>) semaphore(%arg13 : memref<!tpu.dma_semaphore, #tpu.memory_space<semaphore_mem>>)
      %dma_start3A_334 = arith.constant 6 : i32
      %dma_start3A_335 = arith.constant 1 : i32
      %dma_start3A_336 = arith.constant 0 : i32
      %dma_start3A_337 = arith.constant 0 : i32
      %dma_start3A_338 = arith.constant 0 : i32
      %dma_start3A_339 = tpu.memref_slice %arg11[%dma_start3A_336, %dma_start3A_337, %dma_start3A_338] : memref<2x64x128xf32, #tpu.memory_space<vmem>> -> memref<1x64x128xf32, #tpu.memory_space<vmem>>
      %dma_start3A_340 = tpu.memref_squeeze %dma_start3A_339 : memref<1x64x128xf32, #tpu.memory_space<vmem>> -> memref<64x128xf32, #tpu.memory_space<vmem>>
      %dma_start3A_341 = arith.constant 0 : i32
      %dma_start3A_342 = tpu.memref_slice %arg8[%dma_start3A_334, %dma_start3A_335, %dma_start3A_341] : memref<8x2x64xi32, #tpu.memory_space<vmem>> -> memref<1x1x64xi32, #tpu.memory_space<vmem>>
      %dma_start3A_343 = tpu.memref_squeeze %dma_start3A_342 : memref<1x1x64xi32, #tpu.memory_space<vmem>> -> memref<64xi32, #tpu.memory_space<vmem>>
      %dma_start3A_344 = arith.constant 0 : i32
      %dma_start3A_345 = arith.constant 0 : i32
      %dma_start3A_346 = tpu.memref_slice %arg3[%dma_start3A_344, %dma_start3A_345] : memref<256000x128xf32, #tpu.memory_space<hbm>> -> memref<256000x128xf32, #tpu.memory_space<hbm>>
      tpu.enqueue_indirect_dma source(%dma_start3A_346 : memref<256000x128xf32, #tpu.memory_space<hbm>>) target(%dma_start3A_340 : memref<64x128xf32, #tpu.memory_space<vmem>>) offsets(%dma_start3A_343 : memref<64xi32, #tpu.memory_space<vmem>>) semaphore(%arg14 : memref<!tpu.dma_semaphore, #tpu.memory_space<semaphore_mem>>)
      %dma_wait3A_347 = arith.constant 5 : i32
      %dma_wait3A_348 = arith.constant 0 : i32
      %dma_wait3A_349 = arith.constant 1 : i32
      %dma_wait3A_350 = arith.constant 0 : i32
      %dma_wait3A_351 = arith.constant 0 : i32
      %dma_wait3A_352 = tpu.memref_slice %arg10[%dma_wait3A_349, %dma_wait3A_350, %dma_wait3A_351] : memref<2x64x256xf32, #tpu.memory_space<vmem>> -> memref<1x64x256xf32, #tpu.memory_space<vmem>>
      %dma_wait3A_353 = tpu.memref_squeeze %dma_wait3A_352 : memref<1x64x256xf32, #tpu.memory_space<vmem>> -> memref<64x256xf32, #tpu.memory_space<vmem>>
      %dma_wait3A_354 = arith.constant 0 : i32
      %dma_wait3A_355 = tpu.memref_slice %arg8[%dma_wait3A_347, %dma_wait3A_348, %dma_wait3A_354] : memref<8x2x64xi32, #tpu.memory_space<vmem>> -> memref<1x1x64xi32, #tpu.memory_space<vmem>>
      %dma_wait3A_356 = tpu.memref_squeeze %dma_wait3A_355 : memref<1x1x64xi32, #tpu.memory_space<vmem>> -> memref<64xi32, #tpu.memory_space<vmem>>
      %dma_wait3A_357 = arith.constant 0 : i32
      %dma_wait3A_358 = arith.constant 0 : i32
      %dma_wait3A_359 = tpu.memref_slice %arg2[%dma_wait3A_357, %dma_wait3A_358] : memref<256000x256xf32, #tpu.memory_space<hbm>> -> memref<256000x256xf32, #tpu.memory_space<hbm>>
      tpu.wait_indirect_dma semaphore(%arg13 : memref<!tpu.dma_semaphore, #tpu.memory_space<semaphore_mem>>) src(%dma_wait3A_359 : memref<256000x256xf32, #tpu.memory_space<hbm>>) dst(%dma_wait3A_353 : memref<64x256xf32, #tpu.memory_space<vmem>>)
      %dma_wait3A_360 = arith.constant 5 : i32
      %dma_wait3A_361 = arith.constant 1 : i32
      %dma_wait3A_362 = arith.constant 1 : i32
      %dma_wait3A_363 = arith.constant 0 : i32
      %dma_wait3A_364 = arith.constant 0 : i32
      %dma_wait3A_365 = tpu.memref_slice %arg11[%dma_wait3A_362, %dma_wait3A_363, %dma_wait3A_364] : memref<2x64x128xf32, #tpu.memory_space<vmem>> -> memref<1x64x128xf32, #tpu.memory_space<vmem>>
      %dma_wait3A_366 = tpu.memref_squeeze %dma_wait3A_365 : memref<1x64x128xf32, #tpu.memory_space<vmem>> -> memref<64x128xf32, #tpu.memory_space<vmem>>
      %dma_wait3A_367 = arith.constant 0 : i32
      %dma_wait3A_368 = tpu.memref_slice %arg8[%dma_wait3A_360, %dma_wait3A_361, %dma_wait3A_367] : memref<8x2x64xi32, #tpu.memory_space<vmem>> -> memref<1x1x64xi32, #tpu.memory_space<vmem>>
      %dma_wait3A_369 = tpu.memref_squeeze %dma_wait3A_368 : memref<1x1x64xi32, #tpu.memory_space<vmem>> -> memref<64xi32, #tpu.memory_space<vmem>>
      %dma_wait3A_370 = arith.constant 0 : i32
      %dma_wait3A_371 = arith.constant 0 : i32
      %dma_wait3A_372 = tpu.memref_slice %arg3[%dma_wait3A_370, %dma_wait3A_371] : memref<256000x128xf32, #tpu.memory_space<hbm>> -> memref<256000x128xf32, #tpu.memory_space<hbm>>
      tpu.wait_indirect_dma semaphore(%arg14 : memref<!tpu.dma_semaphore, #tpu.memory_space<semaphore_mem>>) src(%dma_wait3A_372 : memref<256000x128xf32, #tpu.memory_space<hbm>>) dst(%dma_wait3A_366 : memref<64x128xf32, #tpu.memory_space<vmem>>)
      %mul3A_373 = arith.constant 8 : i32
      %mul3A_374 = arith.muli %add3A_12, %mul3A_373 : i32
      %add3A_375 = arith.constant 5 : i32
      %add3A_376 = arith.addi %mul3A_374, %add3A_375 : i32
      %run_scoped3A_377 = arith.constant 1 : i32
      "tpu.region"() ({
        %run_scoped3A_466 = tpu.sem_alloc : memref<!tpu.dma_semaphore, #tpu.memory_space<semaphore_mem>>
        %dma_start3A_467 = arith.constant 0 : i32
        %dma_start3A_468 = arith.constant 0 : i32
        %dma_start3A_469 = tpu.memref_slice %arg10[%run_scoped3A_377, %dma_start3A_467, %dma_start3A_468] : memref<2x64x256xf32, #tpu.memory_space<vmem>> -> memref<1x64x256xf32, #tpu.memory_space<vmem>>
        %dma_start3A_470 = tpu.memref_squeeze %dma_start3A_469 : memref<1x64x256xf32, #tpu.memory_space<vmem>> -> memref<64x256xf32, #tpu.memory_space<vmem>>
        %dma_start3A_471 = arith.constant 0 : i32
        %dma_start3A_472 = arith.constant 0 : i32
        %dma_start3A_473 = tpu.memref_slice %arg7[%add3A_376, %dma_start3A_471, %dma_start3A_472] : memref<4096x64x256xf32, #tpu.memory_space<hbm>> -> memref<1x64x256xf32, #tpu.memory_space<hbm>>
        %dma_start3A_474 = tpu.memref_squeeze %dma_start3A_473 : memref<1x64x256xf32, #tpu.memory_space<hbm>> -> memref<64x256xf32, #tpu.memory_space<hbm>>
        %dma_start3A_475 = arith.constant 0 : i32
        %dma_start3A_476 = arith.constant 0 : i32
        %dma_start3A_477 = tpu.memref_slice %arg7[%add3A_376, %dma_start3A_475, %dma_start3A_476] : memref<4096x64x256xf32, #tpu.memory_space<hbm>> -> memref<1x64x256xf32, #tpu.memory_space<hbm>>
        %dma_start3A_478 = tpu.memref_squeeze %dma_start3A_477 : memref<1x64x256xf32, #tpu.memory_space<hbm>> -> memref<64x256xf32, #tpu.memory_space<hbm>>
        %dma_start3A_479 = arith.constant 0 : i32
        %dma_start3A_480 = arith.constant 0 : i32
        %dma_start3A_481 = tpu.memref_slice %arg10[%run_scoped3A_377, %dma_start3A_479, %dma_start3A_480] : memref<2x64x256xf32, #tpu.memory_space<vmem>> -> memref<1x64x256xf32, #tpu.memory_space<vmem>>
        %dma_start3A_482 = tpu.memref_squeeze %dma_start3A_481 : memref<1x64x256xf32, #tpu.memory_space<vmem>> -> memref<64x256xf32, #tpu.memory_space<vmem>>
        tpu.enqueue_dma source(%dma_start3A_482 : memref<64x256xf32, #tpu.memory_space<vmem>>) target(%dma_start3A_478 : memref<64x256xf32, #tpu.memory_space<hbm>>) target_semaphore(%run_scoped3A_466 : memref<!tpu.dma_semaphore, #tpu.memory_space<semaphore_mem>>)
        %dma_wait3A_483 = arith.constant 0 : i32
        %dma_wait3A_484 = arith.constant 0 : i32
        %dma_wait3A_485 = tpu.memref_slice %arg10[%run_scoped3A_377, %dma_wait3A_483, %dma_wait3A_484] : memref<2x64x256xf32, #tpu.memory_space<vmem>> -> memref<1x64x256xf32, #tpu.memory_space<vmem>>
        %dma_wait3A_486 = tpu.memref_squeeze %dma_wait3A_485 : memref<1x64x256xf32, #tpu.memory_space<vmem>> -> memref<64x256xf32, #tpu.memory_space<vmem>>
        %dma_wait3A_487 = arith.constant 0 : i32
        %dma_wait3A_488 = arith.constant 0 : i32
        %dma_wait3A_489 = tpu.memref_slice %arg7[%add3A_376, %dma_wait3A_487, %dma_wait3A_488] : memref<4096x64x256xf32, #tpu.memory_space<hbm>> -> memref<1x64x256xf32, #tpu.memory_space<hbm>>
        %dma_wait3A_490 = tpu.memref_squeeze %dma_wait3A_489 : memref<1x64x256xf32, #tpu.memory_space<hbm>> -> memref<64x256xf32, #tpu.memory_space<hbm>>
        %dma_wait3A_491 = arith.constant 0 : i32
        %dma_wait3A_492 = arith.constant 0 : i32
        %dma_wait3A_493 = tpu.memref_slice %arg7[%add3A_376, %dma_wait3A_491, %dma_wait3A_492] : memref<4096x64x256xf32, #tpu.memory_space<hbm>> -> memref<1x64x256xf32, #tpu.memory_space<hbm>>
        %dma_wait3A_494 = tpu.memref_squeeze %dma_wait3A_493 : memref<1x64x256xf32, #tpu.memory_space<hbm>> -> memref<64x256xf32, #tpu.memory_space<hbm>>
        %dma_wait3A_495 = arith.constant 0 : i32
        %dma_wait3A_496 = arith.constant 0 : i32
        %dma_wait3A_497 = tpu.memref_slice %arg10[%run_scoped3A_377, %dma_wait3A_495, %dma_wait3A_496] : memref<2x64x256xf32, #tpu.memory_space<vmem>> -> memref<1x64x256xf32, #tpu.memory_space<vmem>>
        %dma_wait3A_498 = tpu.memref_squeeze %dma_wait3A_497 : memref<1x64x256xf32, #tpu.memory_space<vmem>> -> memref<64x256xf32, #tpu.memory_space<vmem>>
        tpu.wait_dma2 semaphore(%run_scoped3A_466 : memref<!tpu.dma_semaphore, #tpu.memory_space<semaphore_mem>>) src(%dma_wait3A_498 : memref<64x256xf32, #tpu.memory_space<vmem>>) dst(%dma_wait3A_494 : memref<64x256xf32, #tpu.memory_space<hbm>>)
        tpu.yield
      }) : () -> ()
      %dma_start3A_378 = arith.constant 7 : i32
      %dma_start3A_379 = arith.constant 0 : i32
      %dma_start3A_380 = arith.constant 1 : i32
      %dma_start3A_381 = arith.constant 0 : i32
      %dma_start3A_382 = arith.constant 0 : i32
      %dma_start3A_383 = tpu.memref_slice %arg10[%dma_start3A_380, %dma_start3A_381, %dma_start3A_382] : memref<2x64x256xf32, #tpu.memory_space<vmem>> -> memref<1x64x256xf32, #tpu.memory_space<vmem>>
      %dma_start3A_384 = tpu.memref_squeeze %dma_start3A_383 : memref<1x64x256xf32, #tpu.memory_space<vmem>> -> memref<64x256xf32, #tpu.memory_space<vmem>>
      %dma_start3A_385 = arith.constant 0 : i32
      %dma_start3A_386 = tpu.memref_slice %arg8[%dma_start3A_378, %dma_start3A_379, %dma_start3A_385] : memref<8x2x64xi32, #tpu.memory_space<vmem>> -> memref<1x1x64xi32, #tpu.memory_space<vmem>>
      %dma_start3A_387 = tpu.memref_squeeze %dma_start3A_386 : memref<1x1x64xi32, #tpu.memory_space<vmem>> -> memref<64xi32, #tpu.memory_space<vmem>>
      %dma_start3A_388 = arith.constant 0 : i32
      %dma_start3A_389 = arith.constant 0 : i32
      %dma_start3A_390 = tpu.memref_slice %arg2[%dma_start3A_388, %dma_start3A_389] : memref<256000x256xf32, #tpu.memory_space<hbm>> -> memref<256000x256xf32, #tpu.memory_space<hbm>>
      tpu.enqueue_indirect_dma source(%dma_start3A_390 : memref<256000x256xf32, #tpu.memory_space<hbm>>) target(%dma_start3A_384 : memref<64x256xf32, #tpu.memory_space<vmem>>) offsets(%dma_start3A_387 : memref<64xi32, #tpu.memory_space<vmem>>) semaphore(%arg13 : memref<!tpu.dma_semaphore, #tpu.memory_space<semaphore_mem>>)
      %dma_start3A_391 = arith.constant 7 : i32
      %dma_start3A_392 = arith.constant 1 : i32
      %dma_start3A_393 = arith.constant 1 : i32
      %dma_start3A_394 = arith.constant 0 : i32
      %dma_start3A_395 = arith.constant 0 : i32
      %dma_start3A_396 = tpu.memref_slice %arg11[%dma_start3A_393, %dma_start3A_394, %dma_start3A_395] : memref<2x64x128xf32, #tpu.memory_space<vmem>> -> memref<1x64x128xf32, #tpu.memory_space<vmem>>
      %dma_start3A_397 = tpu.memref_squeeze %dma_start3A_396 : memref<1x64x128xf32, #tpu.memory_space<vmem>> -> memref<64x128xf32, #tpu.memory_space<vmem>>
      %dma_start3A_398 = arith.constant 0 : i32
      %dma_start3A_399 = tpu.memref_slice %arg8[%dma_start3A_391, %dma_start3A_392, %dma_start3A_398] : memref<8x2x64xi32, #tpu.memory_space<vmem>> -> memref<1x1x64xi32, #tpu.memory_space<vmem>>
      %dma_start3A_400 = tpu.memref_squeeze %dma_start3A_399 : memref<1x1x64xi32, #tpu.memory_space<vmem>> -> memref<64xi32, #tpu.memory_space<vmem>>
      %dma_start3A_401 = arith.constant 0 : i32
      %dma_start3A_402 = arith.constant 0 : i32
      %dma_start3A_403 = tpu.memref_slice %arg3[%dma_start3A_401, %dma_start3A_402] : memref<256000x128xf32, #tpu.memory_space<hbm>> -> memref<256000x128xf32, #tpu.memory_space<hbm>>
      tpu.enqueue_indirect_dma source(%dma_start3A_403 : memref<256000x128xf32, #tpu.memory_space<hbm>>) target(%dma_start3A_397 : memref<64x128xf32, #tpu.memory_space<vmem>>) offsets(%dma_start3A_400 : memref<64xi32, #tpu.memory_space<vmem>>) semaphore(%arg14 : memref<!tpu.dma_semaphore, #tpu.memory_space<semaphore_mem>>)
      %dma_wait3A_404 = arith.constant 6 : i32
      %dma_wait3A_405 = arith.constant 0 : i32
      %dma_wait3A_406 = arith.constant 0 : i32
      %dma_wait3A_407 = arith.constant 0 : i32
      %dma_wait3A_408 = arith.constant 0 : i32
      %dma_wait3A_409 = tpu.memref_slice %arg10[%dma_wait3A_406, %dma_wait3A_407, %dma_wait3A_408] : memref<2x64x256xf32, #tpu.memory_space<vmem>> -> memref<1x64x256xf32, #tpu.memory_space<vmem>>
      %dma_wait3A_410 = tpu.memref_squeeze %dma_wait3A_409 : memref<1x64x256xf32, #tpu.memory_space<vmem>> -> memref<64x256xf32, #tpu.memory_space<vmem>>
      %dma_wait3A_411 = arith.constant 0 : i32
      %dma_wait3A_412 = tpu.memref_slice %arg8[%dma_wait3A_404, %dma_wait3A_405, %dma_wait3A_411] : memref<8x2x64xi32, #tpu.memory_space<vmem>> -> memref<1x1x64xi32, #tpu.memory_space<vmem>>
      %dma_wait3A_413 = tpu.memref_squeeze %dma_wait3A_412 : memref<1x1x64xi32, #tpu.memory_space<vmem>> -> memref<64xi32, #tpu.memory_space<vmem>>
      %dma_wait3A_414 = arith.constant 0 : i32
      %dma_wait3A_415 = arith.constant 0 : i32
      %dma_wait3A_416 = tpu.memref_slice %arg2[%dma_wait3A_414, %dma_wait3A_415] : memref<256000x256xf32, #tpu.memory_space<hbm>> -> memref<256000x256xf32, #tpu.memory_space<hbm>>
      tpu.wait_indirect_dma semaphore(%arg13 : memref<!tpu.dma_semaphore, #tpu.memory_space<semaphore_mem>>) src(%dma_wait3A_416 : memref<256000x256xf32, #tpu.memory_space<hbm>>) dst(%dma_wait3A_410 : memref<64x256xf32, #tpu.memory_space<vmem>>)
      %dma_wait3A_417 = arith.constant 6 : i32
      %dma_wait3A_418 = arith.constant 1 : i32
      %dma_wait3A_419 = arith.constant 0 : i32
      %dma_wait3A_420 = arith.constant 0 : i32
      %dma_wait3A_421 = arith.constant 0 : i32
      %dma_wait3A_422 = tpu.memref_slice %arg11[%dma_wait3A_419, %dma_wait3A_420, %dma_wait3A_421] : memref<2x64x128xf32, #tpu.memory_space<vmem>> -> memref<1x64x128xf32, #tpu.memory_space<vmem>>
      %dma_wait3A_423 = tpu.memref_squeeze %dma_wait3A_422 : memref<1x64x128xf32, #tpu.memory_space<vmem>> -> memref<64x128xf32, #tpu.memory_space<vmem>>
      %dma_wait3A_424 = arith.constant 0 : i32
      %dma_wait3A_425 = tpu.memref_slice %arg8[%dma_wait3A_417, %dma_wait3A_418, %dma_wait3A_424] : memref<8x2x64xi32, #tpu.memory_space<vmem>> -> memref<1x1x64xi32, #tpu.memory_space<vmem>>
      %dma_wait3A_426 = tpu.memref_squeeze %dma_wait3A_425 : memref<1x1x64xi32, #tpu.memory_space<vmem>> -> memref<64xi32, #tpu.memory_space<vmem>>
      %dma_wait3A_427 = arith.constant 0 : i32
      %dma_wait3A_428 = arith.constant 0 : i32
      %dma_wait3A_429 = tpu.memref_slice %arg3[%dma_wait3A_427, %dma_wait3A_428] : memref<256000x128xf32, #tpu.memory_space<hbm>> -> memref<256000x128xf32, #tpu.memory_space<hbm>>
      tpu.wait_indirect_dma semaphore(%arg14 : memref<!tpu.dma_semaphore, #tpu.memory_space<semaphore_mem>>) src(%dma_wait3A_429 : memref<256000x128xf32, #tpu.memory_space<hbm>>) dst(%dma_wait3A_423 : memref<64x128xf32, #tpu.memory_space<vmem>>)
      %mul3A_430 = arith.constant 8 : i32
      %mul3A_431 = arith.muli %add3A_12, %mul3A_430 : i32
      %add3A_432 = arith.constant 6 : i32
      %add3A_433 = arith.addi %mul3A_431, %add3A_432 : i32
      %run_scoped3A_434 = arith.constant 0 : i32
      "tpu.region"() ({
        %run_scoped3A_466 = tpu.sem_alloc : memref<!tpu.dma_semaphore, #tpu.memory_space<semaphore_mem>>
        %dma_start3A_467 = arith.constant 0 : i32
        %dma_start3A_468 = arith.constant 0 : i32
        %dma_start3A_469 = tpu.memref_slice %arg10[%run_scoped3A_434, %dma_start3A_467, %dma_start3A_468] : memref<2x64x256xf32, #tpu.memory_space<vmem>> -> memref<1x64x256xf32, #tpu.memory_space<vmem>>
        %dma_start3A_470 = tpu.memref_squeeze %dma_start3A_469 : memref<1x64x256xf32, #tpu.memory_space<vmem>> -> memref<64x256xf32, #tpu.memory_space<vmem>>
        %dma_start3A_471 = arith.constant 0 : i32
        %dma_start3A_472 = arith.constant 0 : i32
        %dma_start3A_473 = tpu.memref_slice %arg7[%add3A_433, %dma_start3A_471, %dma_start3A_472] : memref<4096x64x256xf32, #tpu.memory_space<hbm>> -> memref<1x64x256xf32, #tpu.memory_space<hbm>>
        %dma_start3A_474 = tpu.memref_squeeze %dma_start3A_473 : memref<1x64x256xf32, #tpu.memory_space<hbm>> -> memref<64x256xf32, #tpu.memory_space<hbm>>
        %dma_start3A_475 = arith.constant 0 : i32
        %dma_start3A_476 = arith.constant 0 : i32
        %dma_start3A_477 = tpu.memref_slice %arg7[%add3A_433, %dma_start3A_475, %dma_start3A_476] : memref<4096x64x256xf32, #tpu.memory_space<hbm>> -> memref<1x64x256xf32, #tpu.memory_space<hbm>>
        %dma_start3A_478 = tpu.memref_squeeze %dma_start3A_477 : memref<1x64x256xf32, #tpu.memory_space<hbm>> -> memref<64x256xf32, #tpu.memory_space<hbm>>
        %dma_start3A_479 = arith.constant 0 : i32
        %dma_start3A_480 = arith.constant 0 : i32
        %dma_start3A_481 = tpu.memref_slice %arg10[%run_scoped3A_434, %dma_start3A_479, %dma_start3A_480] : memref<2x64x256xf32, #tpu.memory_space<vmem>> -> memref<1x64x256xf32, #tpu.memory_space<vmem>>
        %dma_start3A_482 = tpu.memref_squeeze %dma_start3A_481 : memref<1x64x256xf32, #tpu.memory_space<vmem>> -> memref<64x256xf32, #tpu.memory_space<vmem>>
        tpu.enqueue_dma source(%dma_start3A_482 : memref<64x256xf32, #tpu.memory_space<vmem>>) target(%dma_start3A_478 : memref<64x256xf32, #tpu.memory_space<hbm>>) target_semaphore(%run_scoped3A_466 : memref<!tpu.dma_semaphore, #tpu.memory_space<semaphore_mem>>)
        %dma_wait3A_483 = arith.constant 0 : i32
        %dma_wait3A_484 = arith.constant 0 : i32
        %dma_wait3A_485 = tpu.memref_slice %arg10[%run_scoped3A_434, %dma_wait3A_483, %dma_wait3A_484] : memref<2x64x256xf32, #tpu.memory_space<vmem>> -> memref<1x64x256xf32, #tpu.memory_space<vmem>>
        %dma_wait3A_486 = tpu.memref_squeeze %dma_wait3A_485 : memref<1x64x256xf32, #tpu.memory_space<vmem>> -> memref<64x256xf32, #tpu.memory_space<vmem>>
        %dma_wait3A_487 = arith.constant 0 : i32
        %dma_wait3A_488 = arith.constant 0 : i32
        %dma_wait3A_489 = tpu.memref_slice %arg7[%add3A_433, %dma_wait3A_487, %dma_wait3A_488] : memref<4096x64x256xf32, #tpu.memory_space<hbm>> -> memref<1x64x256xf32, #tpu.memory_space<hbm>>
        %dma_wait3A_490 = tpu.memref_squeeze %dma_wait3A_489 : memref<1x64x256xf32, #tpu.memory_space<hbm>> -> memref<64x256xf32, #tpu.memory_space<hbm>>
        %dma_wait3A_491 = arith.constant 0 : i32
        %dma_wait3A_492 = arith.constant 0 : i32
        %dma_wait3A_493 = tpu.memref_slice %arg7[%add3A_433, %dma_wait3A_491, %dma_wait3A_492] : memref<4096x64x256xf32, #tpu.memory_space<hbm>> -> memref<1x64x256xf32, #tpu.memory_space<hbm>>
        %dma_wait3A_494 = tpu.memref_squeeze %dma_wait3A_493 : memref<1x64x256xf32, #tpu.memory_space<hbm>> -> memref<64x256xf32, #tpu.memory_space<hbm>>
        %dma_wait3A_495 = arith.constant 0 : i32
        %dma_wait3A_496 = arith.constant 0 : i32
        %dma_wait3A_497 = tpu.memref_slice %arg10[%run_scoped3A_434, %dma_wait3A_495, %dma_wait3A_496] : memref<2x64x256xf32, #tpu.memory_space<vmem>> -> memref<1x64x256xf32, #tpu.memory_space<vmem>>
        %dma_wait3A_498 = tpu.memref_squeeze %dma_wait3A_497 : memref<1x64x256xf32, #tpu.memory_space<vmem>> -> memref<64x256xf32, #tpu.memory_space<vmem>>
        tpu.wait_dma2 semaphore(%run_scoped3A_466 : memref<!tpu.dma_semaphore, #tpu.memory_space<semaphore_mem>>) src(%dma_wait3A_498 : memref<64x256xf32, #tpu.memory_space<vmem>>) dst(%dma_wait3A_494 : memref<64x256xf32, #tpu.memory_space<hbm>>)
        tpu.yield
      }) : () -> ()
      %dma_wait3A_435 = arith.constant 7 : i32
      %dma_wait3A_436 = arith.constant 0 : i32
      %dma_wait3A_437 = arith.constant 1 : i32
      %dma_wait3A_438 = arith.constant 0 : i32
      %dma_wait3A_439 = arith.constant 0 : i32
      %dma_wait3A_440 = tpu.memref_slice %arg10[%dma_wait3A_437, %dma_wait3A_438, %dma_wait3A_439] : memref<2x64x256xf32, #tpu.memory_space<vmem>> -> memref<1x64x256xf32, #tpu.memory_space<vmem>>
      %dma_wait3A_441 = tpu.memref_squeeze %dma_wait3A_440 : memref<1x64x256xf32, #tpu.memory_space<vmem>> -> memref<64x256xf32, #tpu.memory_space<vmem>>
      %dma_wait3A_442 = arith.constant 0 : i32
      %dma_wait3A_443 = tpu.memref_slice %arg8[%dma_wait3A_435, %dma_wait3A_436, %dma_wait3A_442] : memref<8x2x64xi32, #tpu.memory_space<vmem>> -> memref<1x1x64xi32, #tpu.memory_space<vmem>>
      %dma_wait3A_444 = tpu.memref_squeeze %dma_wait3A_443 : memref<1x1x64xi32, #tpu.memory_space<vmem>> -> memref<64xi32, #tpu.memory_space<vmem>>
      %dma_wait3A_445 = arith.constant 0 : i32
      %dma_wait3A_446 = arith.constant 0 : i32
      %dma_wait3A_447 = tpu.memref_slice %arg2[%dma_wait3A_445, %dma_wait3A_446] : memref<256000x256xf32, #tpu.memory_space<hbm>> -> memref<256000x256xf32, #tpu.memory_space<hbm>>
      tpu.wait_indirect_dma semaphore(%arg13 : memref<!tpu.dma_semaphore, #tpu.memory_space<semaphore_mem>>) src(%dma_wait3A_447 : memref<256000x256xf32, #tpu.memory_space<hbm>>) dst(%dma_wait3A_441 : memref<64x256xf32, #tpu.memory_space<vmem>>)
      %dma_wait3A_448 = arith.constant 7 : i32
      %dma_wait3A_449 = arith.constant 1 : i32
      %dma_wait3A_450 = arith.constant 1 : i32
      %dma_wait3A_451 = arith.constant 0 : i32
      %dma_wait3A_452 = arith.constant 0 : i32
      %dma_wait3A_453 = tpu.memref_slice %arg11[%dma_wait3A_450, %dma_wait3A_451, %dma_wait3A_452] : memref<2x64x128xf32, #tpu.memory_space<vmem>> -> memref<1x64x128xf32, #tpu.memory_space<vmem>>
      %dma_wait3A_454 = tpu.memref_squeeze %dma_wait3A_453 : memref<1x64x128xf32, #tpu.memory_space<vmem>> -> memref<64x128xf32, #tpu.memory_space<vmem>>
      %dma_wait3A_455 = arith.constant 0 : i32
      %dma_wait3A_456 = tpu.memref_slice %arg8[%dma_wait3A_448, %dma_wait3A_449, %dma_wait3A_455] : memref<8x2x64xi32, #tpu.memory_space<vmem>> -> memref<1x1x64xi32, #tpu.memory_space<vmem>>
      %dma_wait3A_457 = tpu.memref_squeeze %dma_wait3A_456 : memref<1x1x64xi32, #tpu.memory_space<vmem>> -> memref<64xi32, #tpu.memory_space<vmem>>
      %dma_wait3A_458 = arith.constant 0 : i32
      %dma_wait3A_459 = arith.constant 0 : i32
      %dma_wait3A_460 = tpu.memref_slice %arg3[%dma_wait3A_458, %dma_wait3A_459] : memref<256000x128xf32, #tpu.memory_space<hbm>> -> memref<256000x128xf32, #tpu.memory_space<hbm>>
      tpu.wait_indirect_dma semaphore(%arg14 : memref<!tpu.dma_semaphore, #tpu.memory_space<semaphore_mem>>) src(%dma_wait3A_460 : memref<256000x128xf32, #tpu.memory_space<hbm>>) dst(%dma_wait3A_454 : memref<64x128xf32, #tpu.memory_space<vmem>>)
      %mul3A_461 = arith.constant 8 : i32
      %mul3A_462 = arith.muli %add3A_12, %mul3A_461 : i32
      %add3A_463 = arith.constant 7 : i32
      %add3A_464 = arith.addi %mul3A_462, %add3A_463 : i32
      %run_scoped3A_465 = arith.constant 1 : i32
      "tpu.region"() ({
        %run_scoped3A_466 = tpu.sem_alloc : memref<!tpu.dma_semaphore, #tpu.memory_space<semaphore_mem>>
        %dma_start3A_467 = arith.constant 0 : i32
        %dma_start3A_468 = arith.constant 0 : i32
        %dma_start3A_469 = tpu.memref_slice %arg10[%run_scoped3A_465, %dma_start3A_467, %dma_start3A_468] : memref<2x64x256xf32, #tpu.memory_space<vmem>> -> memref<1x64x256xf32, #tpu.memory_space<vmem>>
        %dma_start3A_470 = tpu.memref_squeeze %dma_start3A_469 : memref<1x64x256xf32, #tpu.memory_space<vmem>> -> memref<64x256xf32, #tpu.memory_space<vmem>>
        %dma_start3A_471 = arith.constant 0 : i32
        %dma_start3A_472 = arith.constant 0 : i32
        %dma_start3A_473 = tpu.memref_slice %arg7[%add3A_464, %dma_start3A_471, %dma_start3A_472] : memref<4096x64x256xf32, #tpu.memory_space<hbm>> -> memref<1x64x256xf32, #tpu.memory_space<hbm>>
        %dma_start3A_474 = tpu.memref_squeeze %dma_start3A_473 : memref<1x64x256xf32, #tpu.memory_space<hbm>> -> memref<64x256xf32, #tpu.memory_space<hbm>>
        %dma_start3A_475 = arith.constant 0 : i32
        %dma_start3A_476 = arith.constant 0 : i32
        %dma_start3A_477 = tpu.memref_slice %arg7[%add3A_464, %dma_start3A_475, %dma_start3A_476] : memref<4096x64x256xf32, #tpu.memory_space<hbm>> -> memref<1x64x256xf32, #tpu.memory_space<hbm>>
        %dma_start3A_478 = tpu.memref_squeeze %dma_start3A_477 : memref<1x64x256xf32, #tpu.memory_space<hbm>> -> memref<64x256xf32, #tpu.memory_space<hbm>>
        %dma_start3A_479 = arith.constant 0 : i32
        %dma_start3A_480 = arith.constant 0 : i32
        %dma_start3A_481 = tpu.memref_slice %arg10[%run_scoped3A_465, %dma_start3A_479, %dma_start3A_480] : memref<2x64x256xf32, #tpu.memory_space<vmem>> -> memref<1x64x256xf32, #tpu.memory_space<vmem>>
        %dma_start3A_482 = tpu.memref_squeeze %dma_start3A_481 : memref<1x64x256xf32, #tpu.memory_space<vmem>> -> memref<64x256xf32, #tpu.memory_space<vmem>>
        tpu.enqueue_dma source(%dma_start3A_482 : memref<64x256xf32, #tpu.memory_space<vmem>>) target(%dma_start3A_478 : memref<64x256xf32, #tpu.memory_space<hbm>>) target_semaphore(%run_scoped3A_466 : memref<!tpu.dma_semaphore, #tpu.memory_space<semaphore_mem>>)
        %dma_wait3A_483 = arith.constant 0 : i32
        %dma_wait3A_484 = arith.constant 0 : i32
        %dma_wait3A_485 = tpu.memref_slice %arg10[%run_scoped3A_465, %dma_wait3A_483, %dma_wait3A_484] : memref<2x64x256xf32, #tpu.memory_space<vmem>> -> memref<1x64x256xf32, #tpu.memory_space<vmem>>
        %dma_wait3A_486 = tpu.memref_squeeze %dma_wait3A_485 : memref<1x64x256xf32, #tpu.memory_space<vmem>> -> memref<64x256xf32, #tpu.memory_space<vmem>>
        %dma_wait3A_487 = arith.constant 0 : i32
        %dma_wait3A_488 = arith.constant 0 : i32
        %dma_wait3A_489 = tpu.memref_slice %arg7[%add3A_464, %dma_wait3A_487, %dma_wait3A_488] : memref<4096x64x256xf32, #tpu.memory_space<hbm>> -> memref<1x64x256xf32, #tpu.memory_space<hbm>>
        %dma_wait3A_490 = tpu.memref_squeeze %dma_wait3A_489 : memref<1x64x256xf32, #tpu.memory_space<hbm>> -> memref<64x256xf32, #tpu.memory_space<hbm>>
        %dma_wait3A_491 = arith.constant 0 : i32
        %dma_wait3A_492 = arith.constant 0 : i32
        %dma_wait3A_493 = tpu.memref_slice %arg7[%add3A_464, %dma_wait3A_491, %dma_wait3A_492] : memref<4096x64x256xf32, #tpu.memory_space<hbm>> -> memref<1x64x256xf32, #tpu.memory_space<hbm>>
        %dma_wait3A_494 = tpu.memref_squeeze %dma_wait3A_493 : memref<1x64x256xf32, #tpu.memory_space<hbm>> -> memref<64x256xf32, #tpu.memory_space<hbm>>
        %dma_wait3A_495 = arith.constant 0 : i32
        %dma_wait3A_496 = arith.constant 0 : i32
        %dma_wait3A_497 = tpu.memref_slice %arg10[%run_scoped3A_465, %dma_wait3A_495, %dma_wait3A_496] : memref<2x64x256xf32, #tpu.memory_space<vmem>> -> memref<1x64x256xf32, #tpu.memory_space<vmem>>
        %dma_wait3A_498 = tpu.memref_squeeze %dma_wait3A_497 : memref<1x64x256xf32, #tpu.memory_space<vmem>> -> memref<64x256xf32, #tpu.memory_space<vmem>>
        tpu.wait_dma2 semaphore(%run_scoped3A_466 : memref<!tpu.dma_semaphore, #tpu.memory_space<semaphore_mem>>) src(%dma_wait3A_498 : memref<64x256xf32, #tpu.memory_space<vmem>>) dst(%dma_wait3A_494 : memref<64x256xf32, #tpu.memory_space<hbm>>)
        tpu.yield
      }) : () -> ()
    }
    %scan3A_4 = arith.constant 16 : i32
    return
  }
}

#map = affine_map<(d0, d1) -> (0, 0)>
#map1 = affine_map<(d0, d1) -> (0, 0, 0, 0)>
#map2 = affine_map<(d0, d1) -> (0)>
#map3 = affine_map<(d0, d1) -> (0, 0, 0)>
module attributes {stable_mosaic.version = 14 : i64} {
  func.func @sc(%arg0: i32, %arg1: i32, %arg2: memref<256000x256xf32, #tpu.memory_space<hbm>>, %arg3: memref<256000x128xf32, #tpu.memory_space<hbm>>, %arg4: memref<512x8x2x64xi32, #tpu.memory_space<hbm>>, %arg5: memref<512x8x64x16xf32, #tpu.memory_space<hbm>>, %arg6: memref<128xf32, #tpu.memory_space<hbm>>, %arg7: memref<4096x64x256xf32, #tpu.memory_space<hbm>>, %arg8: memref<8x2x64xi32, #tpu.memory_space<vmem>>, %arg9: memref<8x64x16xf32, #tpu.memory_space<vmem>>, %arg10: memref<2x64x256xf32, #tpu.memory_space<vmem>>, %arg11: memref<2x64x128xf32, #tpu.memory_space<vmem>>, %arg12: memref<128xf32, #tpu.memory_space<vmem>>, %arg13: memref<!tpu.dma_semaphore, #tpu.memory_space<semaphore_mem>>, %arg14: memref<!tpu.dma_semaphore, #tpu.memory_space<semaphore_mem>>) attributes {dimension_semantics = [#tpu.dimension_semantics<core_parallel>, #tpu.dimension_semantics<subcore_parallel>], iteration_bounds = array<i64: 2, 16>, scalar_prefetch = 0 : i64, scratch_operands = 7 : i64, tpu.core_type = #tpu.core_type<sc_vector_subcore>, window_params = [{transform_indices = #map}, {transform_indices = #map}, {transform_indices = #map1}, {transform_indices = #map1}, {transform_indices = #map2}, {transform_indices = #map3}]} {
    %mul3A = arith.constant 2 : i32
    %mul3A_0 = arith.muli %arg1, %mul3A : i32
    %add3A = arith.addi %mul3A_0, %arg0 : i32
    "tpu.region"() ({
      %run_scoped3A = tpu.sem_alloc : memref<!tpu.dma_semaphore, #tpu.memory_space<semaphore_mem>>
      tpu.enqueue_dma source(%arg6 : memref<128xf32, #tpu.memory_space<hbm>>) target(%arg12 : memref<128xf32, #tpu.memory_space<vmem>>) target_semaphore(%run_scoped3A : memref<!tpu.dma_semaphore, #tpu.memory_space<semaphore_mem>>)
      tpu.wait_dma2 semaphore(%run_scoped3A : memref<!tpu.dma_semaphore, #tpu.memory_space<semaphore_mem>>) src(%arg6 : memref<128xf32, #tpu.memory_space<hbm>>) dst(%arg12 : memref<128xf32, #tpu.memory_space<vmem>>)
      tpu.yield
    }) : () -> ()
    %scan3A = arith.constant 0 : i32
    %scan3A_1 = arith.constant 16 : i32
    %scan3A_2 = arith.addi %scan3A, %scan3A_1 : i32
    %scan3A_3 = arith.constant 1 : i32
    scf.for %scan3A_5 = %scan3A to %scan3A_2 step %scan3A_3  : i32 {
      %mul3A_6 = arith.constant 1 : i32
      %mul3A_7 = arith.muli %scan3A_5, %mul3A_6 : i32
      %add3A_8 = arith.constant 0 : i32
      %add3A_9 = arith.addi %add3A_8, %mul3A_7 : i32
      %mul3A_10 = arith.constant 16 : i32
      %mul3A_11 = arith.muli %add3A, %mul3A_10 : i32
      %add3A_12 = arith.addi %mul3A_11, %add3A_9 : i32
      "tpu.region"() ({
        %run_scoped3A_466 = tpu.sem_alloc : memref<!tpu.dma_semaphore, #tpu.memory_space<semaphore_mem>>
        %dma_start3A_467 = arith.constant 0 : i32
        %dma_start3A_468 = arith.constant 0 : i32
        %dma_start3A_469 = arith.constant 0 : i32
        %dma_start3A_470 = tpu.memref_slice %arg4[%add3A_12, %dma_start3A_467, %dma_start3A_468, %dma_start3A_469] : memref<512x8x2x64xi32, #tpu.memory_space<hbm>> -> memref<1x8x2x64xi32, #tpu.memory_space<hbm>>
        %dma_start3A_471 = tpu.memref_squeeze %dma_start3A_470 : memref<1x8x2x64xi32, #tpu.memory_space<hbm>> -> memref<8x2x64xi32, #tpu.memory_space<hbm>>
        %dma_start3A_472 = arith.constant 0 : i32
        %dma_start3A_473 = arith.constant 0 : i32
        %dma_start3A_474 = arith.constant 0 : i32
        %dma_start3A_475 = tpu.memref_slice %arg4[%add3A_12, %dma_start3A_472, %dma_start3A_473, %dma_start3A_474] : memref<512x8x2x64xi32, #tpu.memory_space<hbm>> -> memref<1x8x2x64xi32, #tpu.memory_space<hbm>>
        %dma_start3A_476 = tpu.memref_squeeze %dma_start3A_475 : memref<1x8x2x64xi32, #tpu.memory_space<hbm>> -> memref<8x2x64xi32, #tpu.memory_space<hbm>>
        tpu.enqueue_dma source(%dma_start3A_476 : memref<8x2x64xi32, #tpu.memory_space<hbm>>) target(%arg8 : memref<8x2x64xi32, #tpu.memory_space<vmem>>) target_semaphore(%run_scoped3A_466 : memref<!tpu.dma_semaphore, #tpu.memory_space<semaphore_mem>>)
        %dma_wait3A_477 = arith.constant 0 : i32
        %dma_wait3A_478 = arith.constant 0 : i32
        %dma_wait3A_479 = arith.constant 0 : i32
        %dma_wait3A_480 = tpu.memref_slice %arg4[%add3A_12, %dma_wait3A_477, %dma_wait3A_478, %dma_wait3A_479] : memref<512x8x2x64xi32, #tpu.memory_space<hbm>> -> memref<1x8x2x64xi32, #tpu.memory_space<hbm>>
        %dma_wait3A_481 = tpu.memref_squeeze %dma_wait3A_480 : memref<1x8x2x64xi32, #tpu.memory_space<hbm>> -> memref<8x2x64xi32, #tpu.memory_space<hbm>>
        %dma_wait3A_482 = arith.constant 0 : i32
        %dma_wait3A_483 = arith.constant 0 : i32
        %dma_wait3A_484 = arith.constant 0 : i32
        %dma_wait3A_485 = tpu.memref_slice %arg4[%add3A_12, %dma_wait3A_482, %dma_wait3A_483, %dma_wait3A_484] : memref<512x8x2x64xi32, #tpu.memory_space<hbm>> -> memref<1x8x2x64xi32, #tpu.memory_space<hbm>>
        %dma_wait3A_486 = tpu.memref_squeeze %dma_wait3A_485 : memref<1x8x2x64xi32, #tpu.memory_space<hbm>> -> memref<8x2x64xi32, #tpu.memory_space<hbm>>
        tpu.wait_dma2 semaphore(%run_scoped3A_466 : memref<!tpu.dma_semaphore, #tpu.memory_space<semaphore_mem>>) src(%dma_wait3A_486 : memref<8x2x64xi32, #tpu.memory_space<hbm>>) dst(%arg8 : memref<8x2x64xi32, #tpu.memory_space<vmem>>)
        tpu.yield
      }) : () -> ()
      "tpu.region"() ({
        %run_scoped3A_466 = tpu.sem_alloc : memref<!tpu.dma_semaphore, #tpu.memory_space<semaphore_mem>>
        %dma_start3A_467 = arith.constant 0 : i32
        %dma_start3A_468 = arith.constant 0 : i32
        %dma_start3A_469 = arith.constant 0 : i32
        %dma_start3A_470 = tpu.memref_slice %arg5[%add3A_12, %dma_start3A_467, %dma_start3A_468, %dma_start3A_469] : memref<512x8x64x16xf32, #tpu.memory_space<hbm>> -> memref<1x8x64x16xf32, #tpu.memory_space<hbm>>
        %dma_start3A_471 = tpu.memref_squeeze %dma_start3A_470 : memref<1x8x64x16xf32, #tpu.memory_space<hbm>> -> memref<8x64x16xf32, #tpu.memory_space<hbm>>
        %dma_start3A_472 = arith.constant 0 : i32
        %dma_start3A_473 = arith.constant 0 : i32
        %dma_start3A_474 = arith.constant 0 : i32
        %dma_start3A_475 = tpu.memref_slice %arg5[%add3A_12, %dma_start3A_472, %dma_start3A_473, %dma_start3A_474] : memref<512x8x64x16xf32, #tpu.memory_space<hbm>> -> memref<1x8x64x16xf32, #tpu.memory_space<hbm>>
        %dma_start3A_476 = tpu.memref_squeeze %dma_start3A_475 : memref<1x8x64x16xf32, #tpu.memory_space<hbm>> -> memref<8x64x16xf32, #tpu.memory_space<hbm>>
        tpu.enqueue_dma source(%dma_start3A_476 : memref<8x64x16xf32, #tpu.memory_space<hbm>>) target(%arg9 : memref<8x64x16xf32, #tpu.memory_space<vmem>>) target_semaphore(%run_scoped3A_466 : memref<!tpu.dma_semaphore, #tpu.memory_space<semaphore_mem>>)
        %dma_wait3A_477 = arith.constant 0 : i32
        %dma_wait3A_478 = arith.constant 0 : i32
        %dma_wait3A_479 = arith.constant 0 : i32
        %dma_wait3A_480 = tpu.memref_slice %arg5[%add3A_12, %dma_wait3A_477, %dma_wait3A_478, %dma_wait3A_479] : memref<512x8x64x16xf32, #tpu.memory_space<hbm>> -> memref<1x8x64x16xf32, #tpu.memory_space<hbm>>
        %dma_wait3A_481 = tpu.memref_squeeze %dma_wait3A_480 : memref<1x8x64x16xf32, #tpu.memory_space<hbm>> -> memref<8x64x16xf32, #tpu.memory_space<hbm>>
        %dma_wait3A_482 = arith.constant 0 : i32
        %dma_wait3A_483 = arith.constant 0 : i32
        %dma_wait3A_484 = arith.constant 0 : i32
        %dma_wait3A_485 = tpu.memref_slice %arg5[%add3A_12, %dma_wait3A_482, %dma_wait3A_483, %dma_wait3A_484] : memref<512x8x64x16xf32, #tpu.memory_space<hbm>> -> memref<1x8x64x16xf32, #tpu.memory_space<hbm>>
        %dma_wait3A_486 = tpu.memref_squeeze %dma_wait3A_485 : memref<1x8x64x16xf32, #tpu.memory_space<hbm>> -> memref<8x64x16xf32, #tpu.memory_space<hbm>>
        tpu.wait_dma2 semaphore(%run_scoped3A_466 : memref<!tpu.dma_semaphore, #tpu.memory_space<semaphore_mem>>) src(%dma_wait3A_486 : memref<8x64x16xf32, #tpu.memory_space<hbm>>) dst(%arg9 : memref<8x64x16xf32, #tpu.memory_space<vmem>>)
        tpu.yield
      }) : () -> ()
      %dma_start3A = arith.constant 0 : i32
      %dma_start3A_13 = arith.constant 0 : i32
      %dma_start3A_14 = arith.constant 0 : i32
      %dma_start3A_15 = arith.constant 0 : i32
      %dma_start3A_16 = arith.constant 0 : i32
      %dma_start3A_17 = tpu.memref_slice %arg10[%dma_start3A_14, %dma_start3A_15, %dma_start3A_16] : memref<2x64x256xf32, #tpu.memory_space<vmem>> -> memref<1x64x256xf32, #tpu.memory_space<vmem>>
      %dma_start3A_18 = tpu.memref_squeeze %dma_start3A_17 : memref<1x64x256xf32, #tpu.memory_space<vmem>> -> memref<64x256xf32, #tpu.memory_space<vmem>>
      %dma_start3A_19 = arith.constant 0 : i32
      %dma_start3A_20 = tpu.memref_slice %arg8[%dma_start3A, %dma_start3A_13, %dma_start3A_19] : memref<8x2x64xi32, #tpu.memory_space<vmem>> -> memref<1x1x64xi32, #tpu.memory_space<vmem>>
      %dma_start3A_21 = tpu.memref_squeeze %dma_start3A_20 : memref<1x1x64xi32, #tpu.memory_space<vmem>> -> memref<64xi32, #tpu.memory_space<vmem>>
      %dma_start3A_22 = arith.constant 0 : i32
      %dma_start3A_23 = arith.constant 0 : i32
      %dma_start3A_24 = tpu.memref_slice %arg2[%dma_start3A_22, %dma_start3A_23] : memref<256000x256xf32, #tpu.memory_space<hbm>> -> memref<256000x256xf32, #tpu.memory_space<hbm>>
      tpu.enqueue_indirect_dma source(%dma_start3A_24 : memref<256000x256xf32, #tpu.memory_space<hbm>>) target(%dma_start3A_18 : memref<64x256xf32, #tpu.memory_space<vmem>>) offsets(%dma_start3A_21 : memref<64xi32, #tpu.memory_space<vmem>>) semaphore(%arg13 : memref<!tpu.dma_semaphore, #tpu.memory_space<semaphore_mem>>)
      %dma_start3A_25 = arith.constant 0 : i32
      %dma_start3A_26 = arith.constant 1 : i32
      %dma_start3A_27 = arith.constant 0 : i32
      %dma_start3A_28 = arith.constant 0 : i32
      %dma_start3A_29 = arith.constant 0 : i32
      %dma_start3A_30 = tpu.memref_slice %arg11[%dma_start3A_27, %dma_start3A_28, %dma_start3A_29] : memref<2x64x128xf32, #tpu.memory_space<vmem>> -> memref<1x64x128xf32, #tpu.memory_space<vmem>>
      %dma_start3A_31 = tpu.memref_squeeze %dma_start3A_30 : memref<1x64x128xf32, #tpu.memory_space<vmem>> -> memref<64x128xf32, #tpu.memory_space<vmem>>
      %dma_start3A_32 = arith.constant 0 : i32
      %dma_start3A_33 = tpu.memref_slice %arg8[%dma_start3A_25, %dma_start3A_26, %dma_start3A_32] : memref<8x2x64xi32, #tpu.memory_space<vmem>> -> memref<1x1x64xi32, #tpu.memory_space<vmem>>
      %dma_start3A_34 = tpu.memref_squeeze %dma_start3A_33 : memref<1x1x64xi32, #tpu.memory_space<vmem>> -> memref<64xi32, #tpu.memory_space<vmem>>
      %dma_start3A_35 = arith.constant 0 : i32
      %dma_start3A_36 = arith.constant 0 : i32
      %dma_start3A_37 = tpu.memref_slice %arg3[%dma_start3A_35, %dma_start3A_36] : memref<256000x128xf32, #tpu.memory_space<hbm>> -> memref<256000x128xf32, #tpu.memory_space<hbm>>
      tpu.enqueue_indirect_dma source(%dma_start3A_37 : memref<256000x128xf32, #tpu.memory_space<hbm>>) target(%dma_start3A_31 : memref<64x128xf32, #tpu.memory_space<vmem>>) offsets(%dma_start3A_34 : memref<64xi32, #tpu.memory_space<vmem>>) semaphore(%arg14 : memref<!tpu.dma_semaphore, #tpu.memory_space<semaphore_mem>>)
      %dma_start3A_38 = arith.constant 1 : i32
      %dma_start3A_39 = arith.constant 0 : i32
      %dma_start3A_40 = arith.constant 1 : i32
      %dma_start3A_41 = arith.constant 0 : i32
      %dma_start3A_42 = arith.constant 0 : i32
      %dma_start3A_43 = tpu.memref_slice %arg10[%dma_start3A_40, %dma_start3A_41, %dma_start3A_42] : memref<2x64x256xf32, #tpu.memory_space<vmem>> -> memref<1x64x256xf32, #tpu.memory_space<vmem>>
      %dma_start3A_44 = tpu.memref_squeeze %dma_start3A_43 : memref<1x64x256xf32, #tpu.memory_space<vmem>> -> memref<64x256xf32, #tpu.memory_space<vmem>>
      %dma_start3A_45 = arith.constant 0 : i32
      %dma_start3A_46 = tpu.memref_slice %arg8[%dma_start3A_38, %dma_start3A_39, %dma_start3A_45] : memref<8x2x64xi32, #tpu.memory_space<vmem>> -> memref<1x1x64xi32, #tpu.memory_space<vmem>>
      %dma_start3A_47 = tpu.memref_squeeze %dma_start3A_46 : memref<1x1x64xi32, #tpu.memory_space<vmem>> -> memref<64xi32, #tpu.memory_space<vmem>>
      %dma_start3A_48 = arith.constant 0 : i32
      %dma_start3A_49 = arith.constant 0 : i32
      %dma_start3A_50 = tpu.memref_slice %arg2[%dma_start3A_48, %dma_start3A_49] : memref<256000x256xf32, #tpu.memory_space<hbm>> -> memref<256000x256xf32, #tpu.memory_space<hbm>>
      tpu.enqueue_indirect_dma source(%dma_start3A_50 : memref<256000x256xf32, #tpu.memory_space<hbm>>) target(%dma_start3A_44 : memref<64x256xf32, #tpu.memory_space<vmem>>) offsets(%dma_start3A_47 : memref<64xi32, #tpu.memory_space<vmem>>) semaphore(%arg13 : memref<!tpu.dma_semaphore, #tpu.memory_space<semaphore_mem>>)
      %dma_start3A_51 = arith.constant 1 : i32
      %dma_start3A_52 = arith.constant 1 : i32
      %dma_start3A_53 = arith.constant 1 : i32
      %dma_start3A_54 = arith.constant 0 : i32
      %dma_start3A_55 = arith.constant 0 : i32
      %dma_start3A_56 = tpu.memref_slice %arg11[%dma_start3A_53, %dma_start3A_54, %dma_start3A_55] : memref<2x64x128xf32, #tpu.memory_space<vmem>> -> memref<1x64x128xf32, #tpu.memory_space<vmem>>
      %dma_start3A_57 = tpu.memref_squeeze %dma_start3A_56 : memref<1x64x128xf32, #tpu.memory_space<vmem>> -> memref<64x128xf32, #tpu.memory_space<vmem>>
      %dma_start3A_58 = arith.constant 0 : i32
      %dma_start3A_59 = tpu.memref_slice %arg8[%dma_start3A_51, %dma_start3A_52, %dma_start3A_58] : memref<8x2x64xi32, #tpu.memory_space<vmem>> -> memref<1x1x64xi32, #tpu.memory_space<vmem>>
      %dma_start3A_60 = tpu.memref_squeeze %dma_start3A_59 : memref<1x1x64xi32, #tpu.memory_space<vmem>> -> memref<64xi32, #tpu.memory_space<vmem>>
      %dma_start3A_61 = arith.constant 0 : i32
      %dma_start3A_62 = arith.constant 0 : i32
      %dma_start3A_63 = tpu.memref_slice %arg3[%dma_start3A_61, %dma_start3A_62] : memref<256000x128xf32, #tpu.memory_space<hbm>> -> memref<256000x128xf32, #tpu.memory_space<hbm>>
      tpu.enqueue_indirect_dma source(%dma_start3A_63 : memref<256000x128xf32, #tpu.memory_space<hbm>>) target(%dma_start3A_57 : memref<64x128xf32, #tpu.memory_space<vmem>>) offsets(%dma_start3A_60 : memref<64xi32, #tpu.memory_space<vmem>>) semaphore(%arg14 : memref<!tpu.dma_semaphore, #tpu.memory_space<semaphore_mem>>)
      %dma_wait3A = arith.constant 0 : i32
      %dma_wait3A_64 = arith.constant 0 : i32
      %dma_wait3A_65 = arith.constant 0 : i32
      %dma_wait3A_66 = arith.constant 0 : i32
      %dma_wait3A_67 = arith.constant 0 : i32
      %dma_wait3A_68 = tpu.memref_slice %arg10[%dma_wait3A_65, %dma_wait3A_66, %dma_wait3A_67] : memref<2x64x256xf32, #tpu.memory_space<vmem>> -> memref<1x64x256xf32, #tpu.memory_space<vmem>>
      %dma_wait3A_69 = tpu.memref_squeeze %dma_wait3A_68 : memref<1x64x256xf32, #tpu.memory_space<vmem>> -> memref<64x256xf32, #tpu.memory_space<vmem>>
      %dma_wait3A_70 = arith.constant 0 : i32
      %dma_wait3A_71 = tpu.memref_slice %arg8[%dma_wait3A, %dma_wait3A_64, %dma_wait3A_70] : memref<8x2x64xi32, #tpu.memory_space<vmem>> -> memref<1x1x64xi32, #tpu.memory_space<vmem>>
      %dma_wait3A_72 = tpu.memref_squeeze %dma_wait3A_71 : memref<1x1x64xi32, #tpu.memory_space<vmem>> -> memref<64xi32, #tpu.memory_space<vmem>>
      %dma_wait3A_73 = arith.constant 0 : i32
      %dma_wait3A_74 = arith.constant 0 : i32
      %dma_wait3A_75 = tpu.memref_slice %arg2[%dma_wait3A_73, %dma_wait3A_74] : memref<256000x256xf32, #tpu.memory_space<hbm>> -> memref<256000x256xf32, #tpu.memory_space<hbm>>
      tpu.wait_indirect_dma semaphore(%arg13 : memref<!tpu.dma_semaphore, #tpu.memory_space<semaphore_mem>>) src(%dma_wait3A_75 : memref<256000x256xf32, #tpu.memory_space<hbm>>) dst(%dma_wait3A_69 : memref<64x256xf32, #tpu.memory_space<vmem>>)
      %dma_wait3A_76 = arith.constant 0 : i32
      %dma_wait3A_77 = arith.constant 1 : i32
      %dma_wait3A_78 = arith.constant 0 : i32
      %dma_wait3A_79 = arith.constant 0 : i32
      %dma_wait3A_80 = arith.constant 0 : i32
      %dma_wait3A_81 = tpu.memref_slice %arg11[%dma_wait3A_78, %dma_wait3A_79, %dma_wait3A_80] : memref<2x64x128xf32, #tpu.memory_space<vmem>> -> memref<1x64x128xf32, #tpu.memory_space<vmem>>
      %dma_wait3A_82 = tpu.memref_squeeze %dma_wait3A_81 : memref<1x64x128xf32, #tpu.memory_space<vmem>> -> memref<64x128xf32, #tpu.memory_space<vmem>>
      %dma_wait3A_83 = arith.constant 0 : i32
      %dma_wait3A_84 = tpu.memref_slice %arg8[%dma_wait3A_76, %dma_wait3A_77, %dma_wait3A_83] : memref<8x2x64xi32, #tpu.memory_space<vmem>> -> memref<1x1x64xi32, #tpu.memory_space<vmem>>
      %dma_wait3A_85 = tpu.memref_squeeze %dma_wait3A_84 : memref<1x1x64xi32, #tpu.memory_space<vmem>> -> memref<64xi32, #tpu.memory_space<vmem>>
      %dma_wait3A_86 = arith.constant 0 : i32
      %dma_wait3A_87 = arith.constant 0 : i32
      %dma_wait3A_88 = tpu.memref_slice %arg3[%dma_wait3A_86, %dma_wait3A_87] : memref<256000x128xf32, #tpu.memory_space<hbm>> -> memref<256000x128xf32, #tpu.memory_space<hbm>>
      tpu.wait_indirect_dma semaphore(%arg14 : memref<!tpu.dma_semaphore, #tpu.memory_space<semaphore_mem>>) src(%dma_wait3A_88 : memref<256000x128xf32, #tpu.memory_space<hbm>>) dst(%dma_wait3A_82 : memref<64x128xf32, #tpu.memory_space<vmem>>)
      %mul3A_89 = arith.constant 8 : i32
      %mul3A_90 = arith.muli %add3A_12, %mul3A_89 : i32
      %add3A_91 = arith.constant 0 : i32
      %add3A_92 = arith.addi %mul3A_90, %add3A_91 : i32
      %run_scoped3A = arith.constant 0 : i32
      "tpu.region"() ({
        %run_scoped3A_466 = tpu.sem_alloc : memref<!tpu.dma_semaphore, #tpu.memory_space<semaphore_mem>>
        %dma_start3A_467 = arith.constant 0 : i32
        %dma_start3A_468 = arith.constant 0 : i32
        %dma_start3A_469 = tpu.memref_slice %arg10[%run_scoped3A, %dma_start3A_467, %dma_start3A_468] : memref<2x64x256xf32, #tpu.memory_space<vmem>> -> memref<1x64x256xf32, #tpu.memory_space<vmem>>
        %dma_start3A_470 = tpu.memref_squeeze %dma_start3A_469 : memref<1x64x256xf32, #tpu.memory_space<vmem>> -> memref<64x256xf32, #tpu.memory_space<vmem>>
        %dma_start3A_471 = arith.constant 0 : i32
        %dma_start3A_472 = arith.constant 0 : i32
        %dma_start3A_473 = tpu.memref_slice %arg7[%add3A_92, %dma_start3A_471, %dma_start3A_472] : memref<4096x64x256xf32, #tpu.memory_space<hbm>> -> memref<1x64x256xf32, #tpu.memory_space<hbm>>
        %dma_start3A_474 = tpu.memref_squeeze %dma_start3A_473 : memref<1x64x256xf32, #tpu.memory_space<hbm>> -> memref<64x256xf32, #tpu.memory_space<hbm>>
        %dma_start3A_475 = arith.constant 0 : i32
        %dma_start3A_476 = arith.constant 0 : i32
        %dma_start3A_477 = tpu.memref_slice %arg7[%add3A_92, %dma_start3A_475, %dma_start3A_476] : memref<4096x64x256xf32, #tpu.memory_space<hbm>> -> memref<1x64x256xf32, #tpu.memory_space<hbm>>
        %dma_start3A_478 = tpu.memref_squeeze %dma_start3A_477 : memref<1x64x256xf32, #tpu.memory_space<hbm>> -> memref<64x256xf32, #tpu.memory_space<hbm>>
        %dma_start3A_479 = arith.constant 0 : i32
        %dma_start3A_480 = arith.constant 0 : i32
        %dma_start3A_481 = tpu.memref_slice %arg10[%run_scoped3A, %dma_start3A_479, %dma_start3A_480] : memref<2x64x256xf32, #tpu.memory_space<vmem>> -> memref<1x64x256xf32, #tpu.memory_space<vmem>>
        %dma_start3A_482 = tpu.memref_squeeze %dma_start3A_481 : memref<1x64x256xf32, #tpu.memory_space<vmem>> -> memref<64x256xf32, #tpu.memory_space<vmem>>
        tpu.enqueue_dma source(%dma_start3A_482 : memref<64x256xf32, #tpu.memory_space<vmem>>) target(%dma_start3A_478 : memref<64x256xf32, #tpu.memory_space<hbm>>) target_semaphore(%run_scoped3A_466 : memref<!tpu.dma_semaphore, #tpu.memory_space<semaphore_mem>>)
        %dma_wait3A_483 = arith.constant 0 : i32
        %dma_wait3A_484 = arith.constant 0 : i32
        %dma_wait3A_485 = tpu.memref_slice %arg10[%run_scoped3A, %dma_wait3A_483, %dma_wait3A_484] : memref<2x64x256xf32, #tpu.memory_space<vmem>> -> memref<1x64x256xf32, #tpu.memory_space<vmem>>
        %dma_wait3A_486 = tpu.memref_squeeze %dma_wait3A_485 : memref<1x64x256xf32, #tpu.memory_space<vmem>> -> memref<64x256xf32, #tpu.memory_space<vmem>>
        %dma_wait3A_487 = arith.constant 0 : i32
        %dma_wait3A_488 = arith.constant 0 : i32
        %dma_wait3A_489 = tpu.memref_slice %arg7[%add3A_92, %dma_wait3A_487, %dma_wait3A_488] : memref<4096x64x256xf32, #tpu.memory_space<hbm>> -> memref<1x64x256xf32, #tpu.memory_space<hbm>>
        %dma_wait3A_490 = tpu.memref_squeeze %dma_wait3A_489 : memref<1x64x256xf32, #tpu.memory_space<hbm>> -> memref<64x256xf32, #tpu.memory_space<hbm>>
        %dma_wait3A_491 = arith.constant 0 : i32
        %dma_wait3A_492 = arith.constant 0 : i32
        %dma_wait3A_493 = tpu.memref_slice %arg7[%add3A_92, %dma_wait3A_491, %dma_wait3A_492] : memref<4096x64x256xf32, #tpu.memory_space<hbm>> -> memref<1x64x256xf32, #tpu.memory_space<hbm>>
        %dma_wait3A_494 = tpu.memref_squeeze %dma_wait3A_493 : memref<1x64x256xf32, #tpu.memory_space<hbm>> -> memref<64x256xf32, #tpu.memory_space<hbm>>
        %dma_wait3A_495 = arith.constant 0 : i32
        %dma_wait3A_496 = arith.constant 0 : i32
        %dma_wait3A_497 = tpu.memref_slice %arg10[%run_scoped3A, %dma_wait3A_495, %dma_wait3A_496] : memref<2x64x256xf32, #tpu.memory_space<vmem>> -> memref<1x64x256xf32, #tpu.memory_space<vmem>>
        %dma_wait3A_498 = tpu.memref_squeeze %dma_wait3A_497 : memref<1x64x256xf32, #tpu.memory_space<vmem>> -> memref<64x256xf32, #tpu.memory_space<vmem>>
        tpu.wait_dma2 semaphore(%run_scoped3A_466 : memref<!tpu.dma_semaphore, #tpu.memory_space<semaphore_mem>>) src(%dma_wait3A_498 : memref<64x256xf32, #tpu.memory_space<vmem>>) dst(%dma_wait3A_494 : memref<64x256xf32, #tpu.memory_space<hbm>>)
        tpu.yield
      }) : () -> ()
      %dma_start3A_93 = arith.constant 2 : i32
      %dma_start3A_94 = arith.constant 0 : i32
      %dma_start3A_95 = arith.constant 0 : i32
      %dma_start3A_96 = arith.constant 0 : i32
      %dma_start3A_97 = arith.constant 0 : i32
      %dma_start3A_98 = tpu.memref_slice %arg10[%dma_start3A_95, %dma_start3A_96, %dma_start3A_97] : memref<2x64x256xf32, #tpu.memory_space<vmem>> -> memref<1x64x256xf32, #tpu.memory_space<vmem>>
      %dma_start3A_99 = tpu.memref_squeeze %dma_start3A_98 : memref<1x64x256xf32, #tpu.memory_space<vmem>> -> memref<64x256xf32, #tpu.memory_space<vmem>>
      %dma_start3A_100 = arith.constant 0 : i32
      %dma_start3A_101 = tpu.memref_slice %arg8[%dma_start3A_93, %dma_start3A_94, %dma_start3A_100] : memref<8x2x64xi32, #tpu.memory_space<vmem>> -> memref<1x1x64xi32, #tpu.memory_space<vmem>>
      %dma_start3A_102 = tpu.memref_squeeze %dma_start3A_101 : memref<1x1x64xi32, #tpu.memory_space<vmem>> -> memref<64xi32, #tpu.memory_space<vmem>>
      %dma_start3A_103 = arith.constant 0 : i32
      %dma_start3A_104 = arith.constant 0 : i32
      %dma_start3A_105 = tpu.memref_slice %arg2[%dma_start3A_103, %dma_start3A_104] : memref<256000x256xf32, #tpu.memory_space<hbm>> -> memref<256000x256xf32, #tpu.memory_space<hbm>>
      tpu.enqueue_indirect_dma source(%dma_start3A_105 : memref<256000x256xf32, #tpu.memory_space<hbm>>) target(%dma_start3A_99 : memref<64x256xf32, #tpu.memory_space<vmem>>) offsets(%dma_start3A_102 : memref<64xi32, #tpu.memory_space<vmem>>) semaphore(%arg13 : memref<!tpu.dma_semaphore, #tpu.memory_space<semaphore_mem>>)
      %dma_start3A_106 = arith.constant 2 : i32
      %dma_start3A_107 = arith.constant 1 : i32
      %dma_start3A_108 = arith.constant 0 : i32
      %dma_start3A_109 = arith.constant 0 : i32
      %dma_start3A_110 = arith.constant 0 : i32
      %dma_start3A_111 = tpu.memref_slice %arg11[%dma_start3A_108, %dma_start3A_109, %dma_start3A_110] : memref<2x64x128xf32, #tpu.memory_space<vmem>> -> memref<1x64x128xf32, #tpu.memory_space<vmem>>
      %dma_start3A_112 = tpu.memref_squeeze %dma_start3A_111 : memref<1x64x128xf32, #tpu.memory_space<vmem>> -> memref<64x128xf32, #tpu.memory_space<vmem>>
      %dma_start3A_113 = arith.constant 0 : i32
      %dma_start3A_114 = tpu.memref_slice %arg8[%dma_start3A_106, %dma_start3A_107, %dma_start3A_113] : memref<8x2x64xi32, #tpu.memory_space<vmem>> -> memref<1x1x64xi32, #tpu.memory_space<vmem>>
      %dma_start3A_115 = tpu.memref_squeeze %dma_start3A_114 : memref<1x1x64xi32, #tpu.memory_space<vmem>> -> memref<64xi32, #tpu.memory_space<vmem>>
      %dma_start3A_116 = arith.constant 0 : i32
      %dma_start3A_117 = arith.constant 0 : i32
      %dma_start3A_118 = tpu.memref_slice %arg3[%dma_start3A_116, %dma_start3A_117] : memref<256000x128xf32, #tpu.memory_space<hbm>> -> memref<256000x128xf32, #tpu.memory_space<hbm>>
      tpu.enqueue_indirect_dma source(%dma_start3A_118 : memref<256000x128xf32, #tpu.memory_space<hbm>>) target(%dma_start3A_112 : memref<64x128xf32, #tpu.memory_space<vmem>>) offsets(%dma_start3A_115 : memref<64xi32, #tpu.memory_space<vmem>>) semaphore(%arg14 : memref<!tpu.dma_semaphore, #tpu.memory_space<semaphore_mem>>)
      %dma_wait3A_119 = arith.constant 1 : i32
      %dma_wait3A_120 = arith.constant 0 : i32
      %dma_wait3A_121 = arith.constant 1 : i32
      %dma_wait3A_122 = arith.constant 0 : i32
      %dma_wait3A_123 = arith.constant 0 : i32
      %dma_wait3A_124 = tpu.memref_slice %arg10[%dma_wait3A_121, %dma_wait3A_122, %dma_wait3A_123] : memref<2x64x256xf32, #tpu.memory_space<vmem>> -> memref<1x64x256xf32, #tpu.memory_space<vmem>>
      %dma_wait3A_125 = tpu.memref_squeeze %dma_wait3A_124 : memref<1x64x256xf32, #tpu.memory_space<vmem>> -> memref<64x256xf32, #tpu.memory_space<vmem>>
      %dma_wait3A_126 = arith.constant 0 : i32
      %dma_wait3A_127 = tpu.memref_slice %arg8[%dma_wait3A_119, %dma_wait3A_120, %dma_wait3A_126] : memref<8x2x64xi32, #tpu.memory_space<vmem>> -> memref<1x1x64xi32, #tpu.memory_space<vmem>>
      %dma_wait3A_128 = tpu.memref_squeeze %dma_wait3A_127 : memref<1x1x64xi32, #tpu.memory_space<vmem>> -> memref<64xi32, #tpu.memory_space<vmem>>
      %dma_wait3A_129 = arith.constant 0 : i32
      %dma_wait3A_130 = arith.constant 0 : i32
      %dma_wait3A_131 = tpu.memref_slice %arg2[%dma_wait3A_129, %dma_wait3A_130] : memref<256000x256xf32, #tpu.memory_space<hbm>> -> memref<256000x256xf32, #tpu.memory_space<hbm>>
      tpu.wait_indirect_dma semaphore(%arg13 : memref<!tpu.dma_semaphore, #tpu.memory_space<semaphore_mem>>) src(%dma_wait3A_131 : memref<256000x256xf32, #tpu.memory_space<hbm>>) dst(%dma_wait3A_125 : memref<64x256xf32, #tpu.memory_space<vmem>>)
      %dma_wait3A_132 = arith.constant 1 : i32
      %dma_wait3A_133 = arith.constant 1 : i32
      %dma_wait3A_134 = arith.constant 1 : i32
      %dma_wait3A_135 = arith.constant 0 : i32
      %dma_wait3A_136 = arith.constant 0 : i32
      %dma_wait3A_137 = tpu.memref_slice %arg11[%dma_wait3A_134, %dma_wait3A_135, %dma_wait3A_136] : memref<2x64x128xf32, #tpu.memory_space<vmem>> -> memref<1x64x128xf32, #tpu.memory_space<vmem>>
      %dma_wait3A_138 = tpu.memref_squeeze %dma_wait3A_137 : memref<1x64x128xf32, #tpu.memory_space<vmem>> -> memref<64x128xf32, #tpu.memory_space<vmem>>
      %dma_wait3A_139 = arith.constant 0 : i32
      %dma_wait3A_140 = tpu.memref_slice %arg8[%dma_wait3A_132, %dma_wait3A_133, %dma_wait3A_139] : memref<8x2x64xi32, #tpu.memory_space<vmem>> -> memref<1x1x64xi32, #tpu.memory_space<vmem>>
      %dma_wait3A_141 = tpu.memref_squeeze %dma_wait3A_140 : memref<1x1x64xi32, #tpu.memory_space<vmem>> -> memref<64xi32, #tpu.memory_space<vmem>>
      %dma_wait3A_142 = arith.constant 0 : i32
      %dma_wait3A_143 = arith.constant 0 : i32
      %dma_wait3A_144 = tpu.memref_slice %arg3[%dma_wait3A_142, %dma_wait3A_143] : memref<256000x128xf32, #tpu.memory_space<hbm>> -> memref<256000x128xf32, #tpu.memory_space<hbm>>
      tpu.wait_indirect_dma semaphore(%arg14 : memref<!tpu.dma_semaphore, #tpu.memory_space<semaphore_mem>>) src(%dma_wait3A_144 : memref<256000x128xf32, #tpu.memory_space<hbm>>) dst(%dma_wait3A_138 : memref<64x128xf32, #tpu.memory_space<vmem>>)
      %mul3A_145 = arith.constant 8 : i32
      %mul3A_146 = arith.muli %add3A_12, %mul3A_145 : i32
      %add3A_147 = arith.constant 1 : i32
      %add3A_148 = arith.addi %mul3A_146, %add3A_147 : i32
      %run_scoped3A_149 = arith.constant 1 : i32
      "tpu.region"() ({
        %run_scoped3A_466 = tpu.sem_alloc : memref<!tpu.dma_semaphore, #tpu.memory_space<semaphore_mem>>
        %dma_start3A_467 = arith.constant 0 : i32
        %dma_start3A_468 = arith.constant 0 : i32
        %dma_start3A_469 = tpu.memref_slice %arg10[%run_scoped3A_149, %dma_start3A_467, %dma_start3A_468] : memref<2x64x256xf32, #tpu.memory_space<vmem>> -> memref<1x64x256xf32, #tpu.memory_space<vmem>>
        %dma_start3A_470 = tpu.memref_squeeze %dma_start3A_469 : memref<1x64x256xf32, #tpu.memory_space<vmem>> -> memref<64x256xf32, #tpu.memory_space<vmem>>
        %dma_start3A_471 = arith.constant 0 : i32
        %dma_start3A_472 = arith.constant 0 : i32
        %dma_start3A_473 = tpu.memref_slice %arg7[%add3A_148, %dma_start3A_471, %dma_start3A_472] : memref<4096x64x256xf32, #tpu.memory_space<hbm>> -> memref<1x64x256xf32, #tpu.memory_space<hbm>>
        %dma_start3A_474 = tpu.memref_squeeze %dma_start3A_473 : memref<1x64x256xf32, #tpu.memory_space<hbm>> -> memref<64x256xf32, #tpu.memory_space<hbm>>
        %dma_start3A_475 = arith.constant 0 : i32
        %dma_start3A_476 = arith.constant 0 : i32
        %dma_start3A_477 = tpu.memref_slice %arg7[%add3A_148, %dma_start3A_475, %dma_start3A_476] : memref<4096x64x256xf32, #tpu.memory_space<hbm>> -> memref<1x64x256xf32, #tpu.memory_space<hbm>>
        %dma_start3A_478 = tpu.memref_squeeze %dma_start3A_477 : memref<1x64x256xf32, #tpu.memory_space<hbm>> -> memref<64x256xf32, #tpu.memory_space<hbm>>
        %dma_start3A_479 = arith.constant 0 : i32
        %dma_start3A_480 = arith.constant 0 : i32
        %dma_start3A_481 = tpu.memref_slice %arg10[%run_scoped3A_149, %dma_start3A_479, %dma_start3A_480] : memref<2x64x256xf32, #tpu.memory_space<vmem>> -> memref<1x64x256xf32, #tpu.memory_space<vmem>>
        %dma_start3A_482 = tpu.memref_squeeze %dma_start3A_481 : memref<1x64x256xf32, #tpu.memory_space<vmem>> -> memref<64x256xf32, #tpu.memory_space<vmem>>
        tpu.enqueue_dma source(%dma_start3A_482 : memref<64x256xf32, #tpu.memory_space<vmem>>) target(%dma_start3A_478 : memref<64x256xf32, #tpu.memory_space<hbm>>) target_semaphore(%run_scoped3A_466 : memref<!tpu.dma_semaphore, #tpu.memory_space<semaphore_mem>>)
        %dma_wait3A_483 = arith.constant 0 : i32
        %dma_wait3A_484 = arith.constant 0 : i32
        %dma_wait3A_485 = tpu.memref_slice %arg10[%run_scoped3A_149, %dma_wait3A_483, %dma_wait3A_484] : memref<2x64x256xf32, #tpu.memory_space<vmem>> -> memref<1x64x256xf32, #tpu.memory_space<vmem>>
        %dma_wait3A_486 = tpu.memref_squeeze %dma_wait3A_485 : memref<1x64x256xf32, #tpu.memory_space<vmem>> -> memref<64x256xf32, #tpu.memory_space<vmem>>
        %dma_wait3A_487 = arith.constant 0 : i32
        %dma_wait3A_488 = arith.constant 0 : i32
        %dma_wait3A_489 = tpu.memref_slice %arg7[%add3A_148, %dma_wait3A_487, %dma_wait3A_488] : memref<4096x64x256xf32, #tpu.memory_space<hbm>> -> memref<1x64x256xf32, #tpu.memory_space<hbm>>
        %dma_wait3A_490 = tpu.memref_squeeze %dma_wait3A_489 : memref<1x64x256xf32, #tpu.memory_space<hbm>> -> memref<64x256xf32, #tpu.memory_space<hbm>>
        %dma_wait3A_491 = arith.constant 0 : i32
        %dma_wait3A_492 = arith.constant 0 : i32
        %dma_wait3A_493 = tpu.memref_slice %arg7[%add3A_148, %dma_wait3A_491, %dma_wait3A_492] : memref<4096x64x256xf32, #tpu.memory_space<hbm>> -> memref<1x64x256xf32, #tpu.memory_space<hbm>>
        %dma_wait3A_494 = tpu.memref_squeeze %dma_wait3A_493 : memref<1x64x256xf32, #tpu.memory_space<hbm>> -> memref<64x256xf32, #tpu.memory_space<hbm>>
        %dma_wait3A_495 = arith.constant 0 : i32
        %dma_wait3A_496 = arith.constant 0 : i32
        %dma_wait3A_497 = tpu.memref_slice %arg10[%run_scoped3A_149, %dma_wait3A_495, %dma_wait3A_496] : memref<2x64x256xf32, #tpu.memory_space<vmem>> -> memref<1x64x256xf32, #tpu.memory_space<vmem>>
        %dma_wait3A_498 = tpu.memref_squeeze %dma_wait3A_497 : memref<1x64x256xf32, #tpu.memory_space<vmem>> -> memref<64x256xf32, #tpu.memory_space<vmem>>
        tpu.wait_dma2 semaphore(%run_scoped3A_466 : memref<!tpu.dma_semaphore, #tpu.memory_space<semaphore_mem>>) src(%dma_wait3A_498 : memref<64x256xf32, #tpu.memory_space<vmem>>) dst(%dma_wait3A_494 : memref<64x256xf32, #tpu.memory_space<hbm>>)
        tpu.yield
      }) : () -> ()
      %dma_start3A_150 = arith.constant 3 : i32
      %dma_start3A_151 = arith.constant 0 : i32
      %dma_start3A_152 = arith.constant 1 : i32
      %dma_start3A_153 = arith.constant 0 : i32
      %dma_start3A_154 = arith.constant 0 : i32
      %dma_start3A_155 = tpu.memref_slice %arg10[%dma_start3A_152, %dma_start3A_153, %dma_start3A_154] : memref<2x64x256xf32, #tpu.memory_space<vmem>> -> memref<1x64x256xf32, #tpu.memory_space<vmem>>
      %dma_start3A_156 = tpu.memref_squeeze %dma_start3A_155 : memref<1x64x256xf32, #tpu.memory_space<vmem>> -> memref<64x256xf32, #tpu.memory_space<vmem>>
      %dma_start3A_157 = arith.constant 0 : i32
      %dma_start3A_158 = tpu.memref_slice %arg8[%dma_start3A_150, %dma_start3A_151, %dma_start3A_157] : memref<8x2x64xi32, #tpu.memory_space<vmem>> -> memref<1x1x64xi32, #tpu.memory_space<vmem>>
      %dma_start3A_159 = tpu.memref_squeeze %dma_start3A_158 : memref<1x1x64xi32, #tpu.memory_space<vmem>> -> memref<64xi32, #tpu.memory_space<vmem>>
      %dma_start3A_160 = arith.constant 0 : i32
      %dma_start3A_161 = arith.constant 0 : i32
      %dma_start3A_162 = tpu.memref_slice %arg2[%dma_start3A_160, %dma_start3A_161] : memref<256000x256xf32, #tpu.memory_space<hbm>> -> memref<256000x256xf32, #tpu.memory_space<hbm>>
      tpu.enqueue_indirect_dma source(%dma_start3A_162 : memref<256000x256xf32, #tpu.memory_space<hbm>>) target(%dma_start3A_156 : memref<64x256xf32, #tpu.memory_space<vmem>>) offsets(%dma_start3A_159 : memref<64xi32, #tpu.memory_space<vmem>>) semaphore(%arg13 : memref<!tpu.dma_semaphore, #tpu.memory_space<semaphore_mem>>)
      %dma_start3A_163 = arith.constant 3 : i32
      %dma_start3A_164 = arith.constant 1 : i32
      %dma_start3A_165 = arith.constant 1 : i32
      %dma_start3A_166 = arith.constant 0 : i32
      %dma_start3A_167 = arith.constant 0 : i32
      %dma_start3A_168 = tpu.memref_slice %arg11[%dma_start3A_165, %dma_start3A_166, %dma_start3A_167] : memref<2x64x128xf32, #tpu.memory_space<vmem>> -> memref<1x64x128xf32, #tpu.memory_space<vmem>>
      %dma_start3A_169 = tpu.memref_squeeze %dma_start3A_168 : memref<1x64x128xf32, #tpu.memory_space<vmem>> -> memref<64x128xf32, #tpu.memory_space<vmem>>
      %dma_start3A_170 = arith.constant 0 : i32
      %dma_start3A_171 = tpu.memref_slice %arg8[%dma_start3A_163, %dma_start3A_164, %dma_start3A_170] : memref<8x2x64xi32, #tpu.memory_space<vmem>> -> memref<1x1x64xi32, #tpu.memory_space<vmem>>
      %dma_start3A_172 = tpu.memref_squeeze %dma_start3A_171 : memref<1x1x64xi32, #tpu.memory_space<vmem>> -> memref<64xi32, #tpu.memory_space<vmem>>
      %dma_start3A_173 = arith.constant 0 : i32
      %dma_start3A_174 = arith.constant 0 : i32
      %dma_start3A_175 = tpu.memref_slice %arg3[%dma_start3A_173, %dma_start3A_174] : memref<256000x128xf32, #tpu.memory_space<hbm>> -> memref<256000x128xf32, #tpu.memory_space<hbm>>
      tpu.enqueue_indirect_dma source(%dma_start3A_175 : memref<256000x128xf32, #tpu.memory_space<hbm>>) target(%dma_start3A_169 : memref<64x128xf32, #tpu.memory_space<vmem>>) offsets(%dma_start3A_172 : memref<64xi32, #tpu.memory_space<vmem>>) semaphore(%arg14 : memref<!tpu.dma_semaphore, #tpu.memory_space<semaphore_mem>>)
      %dma_wait3A_176 = arith.constant 2 : i32
      %dma_wait3A_177 = arith.constant 0 : i32
      %dma_wait3A_178 = arith.constant 0 : i32
      %dma_wait3A_179 = arith.constant 0 : i32
      %dma_wait3A_180 = arith.constant 0 : i32
      %dma_wait3A_181 = tpu.memref_slice %arg10[%dma_wait3A_178, %dma_wait3A_179, %dma_wait3A_180] : memref<2x64x256xf32, #tpu.memory_space<vmem>> -> memref<1x64x256xf32, #tpu.memory_space<vmem>>
      %dma_wait3A_182 = tpu.memref_squeeze %dma_wait3A_181 : memref<1x64x256xf32, #tpu.memory_space<vmem>> -> memref<64x256xf32, #tpu.memory_space<vmem>>
      %dma_wait3A_183 = arith.constant 0 : i32
      %dma_wait3A_184 = tpu.memref_slice %arg8[%dma_wait3A_176, %dma_wait3A_177, %dma_wait3A_183] : memref<8x2x64xi32, #tpu.memory_space<vmem>> -> memref<1x1x64xi32, #tpu.memory_space<vmem>>
      %dma_wait3A_185 = tpu.memref_squeeze %dma_wait3A_184 : memref<1x1x64xi32, #tpu.memory_space<vmem>> -> memref<64xi32, #tpu.memory_space<vmem>>
      %dma_wait3A_186 = arith.constant 0 : i32
      %dma_wait3A_187 = arith.constant 0 : i32
      %dma_wait3A_188 = tpu.memref_slice %arg2[%dma_wait3A_186, %dma_wait3A_187] : memref<256000x256xf32, #tpu.memory_space<hbm>> -> memref<256000x256xf32, #tpu.memory_space<hbm>>
      tpu.wait_indirect_dma semaphore(%arg13 : memref<!tpu.dma_semaphore, #tpu.memory_space<semaphore_mem>>) src(%dma_wait3A_188 : memref<256000x256xf32, #tpu.memory_space<hbm>>) dst(%dma_wait3A_182 : memref<64x256xf32, #tpu.memory_space<vmem>>)
      %dma_wait3A_189 = arith.constant 2 : i32
      %dma_wait3A_190 = arith.constant 1 : i32
      %dma_wait3A_191 = arith.constant 0 : i32
      %dma_wait3A_192 = arith.constant 0 : i32
      %dma_wait3A_193 = arith.constant 0 : i32
      %dma_wait3A_194 = tpu.memref_slice %arg11[%dma_wait3A_191, %dma_wait3A_192, %dma_wait3A_193] : memref<2x64x128xf32, #tpu.memory_space<vmem>> -> memref<1x64x128xf32, #tpu.memory_space<vmem>>
      %dma_wait3A_195 = tpu.memref_squeeze %dma_wait3A_194 : memref<1x64x128xf32, #tpu.memory_space<vmem>> -> memref<64x128xf32, #tpu.memory_space<vmem>>
      %dma_wait3A_196 = arith.constant 0 : i32
      %dma_wait3A_197 = tpu.memref_slice %arg8[%dma_wait3A_189, %dma_wait3A_190, %dma_wait3A_196] : memref<8x2x64xi32, #tpu.memory_space<vmem>> -> memref<1x1x64xi32, #tpu.memory_space<vmem>>
      %dma_wait3A_198 = tpu.memref_squeeze %dma_wait3A_197 : memref<1x1x64xi32, #tpu.memory_space<vmem>> -> memref<64xi32, #tpu.memory_space<vmem>>
      %dma_wait3A_199 = arith.constant 0 : i32
      %dma_wait3A_200 = arith.constant 0 : i32
      %dma_wait3A_201 = tpu.memref_slice %arg3[%dma_wait3A_199, %dma_wait3A_200] : memref<256000x128xf32, #tpu.memory_space<hbm>> -> memref<256000x128xf32, #tpu.memory_space<hbm>>
      tpu.wait_indirect_dma semaphore(%arg14 : memref<!tpu.dma_semaphore, #tpu.memory_space<semaphore_mem>>) src(%dma_wait3A_201 : memref<256000x128xf32, #tpu.memory_space<hbm>>) dst(%dma_wait3A_195 : memref<64x128xf32, #tpu.memory_space<vmem>>)
      %mul3A_202 = arith.constant 8 : i32
      %mul3A_203 = arith.muli %add3A_12, %mul3A_202 : i32
      %add3A_204 = arith.constant 2 : i32
      %add3A_205 = arith.addi %mul3A_203, %add3A_204 : i32
      %run_scoped3A_206 = arith.constant 0 : i32
      "tpu.region"() ({
        %run_scoped3A_466 = tpu.sem_alloc : memref<!tpu.dma_semaphore, #tpu.memory_space<semaphore_mem>>
        %dma_start3A_467 = arith.constant 0 : i32
        %dma_start3A_468 = arith.constant 0 : i32
        %dma_start3A_469 = tpu.memref_slice %arg10[%run_scoped3A_206, %dma_start3A_467, %dma_start3A_468] : memref<2x64x256xf32, #tpu.memory_space<vmem>> -> memref<1x64x256xf32, #tpu.memory_space<vmem>>
        %dma_start3A_470 = tpu.memref_squeeze %dma_start3A_469 : memref<1x64x256xf32, #tpu.memory_space<vmem>> -> memref<64x256xf32, #tpu.memory_space<vmem>>
        %dma_start3A_471 = arith.constant 0 : i32
        %dma_start3A_472 = arith.constant 0 : i32
        %dma_start3A_473 = tpu.memref_slice %arg7[%add3A_205, %dma_start3A_471, %dma_start3A_472] : memref<4096x64x256xf32, #tpu.memory_space<hbm>> -> memref<1x64x256xf32, #tpu.memory_space<hbm>>
        %dma_start3A_474 = tpu.memref_squeeze %dma_start3A_473 : memref<1x64x256xf32, #tpu.memory_space<hbm>> -> memref<64x256xf32, #tpu.memory_space<hbm>>
        %dma_start3A_475 = arith.constant 0 : i32
        %dma_start3A_476 = arith.constant 0 : i32
        %dma_start3A_477 = tpu.memref_slice %arg7[%add3A_205, %dma_start3A_475, %dma_start3A_476] : memref<4096x64x256xf32, #tpu.memory_space<hbm>> -> memref<1x64x256xf32, #tpu.memory_space<hbm>>
        %dma_start3A_478 = tpu.memref_squeeze %dma_start3A_477 : memref<1x64x256xf32, #tpu.memory_space<hbm>> -> memref<64x256xf32, #tpu.memory_space<hbm>>
        %dma_start3A_479 = arith.constant 0 : i32
        %dma_start3A_480 = arith.constant 0 : i32
        %dma_start3A_481 = tpu.memref_slice %arg10[%run_scoped3A_206, %dma_start3A_479, %dma_start3A_480] : memref<2x64x256xf32, #tpu.memory_space<vmem>> -> memref<1x64x256xf32, #tpu.memory_space<vmem>>
        %dma_start3A_482 = tpu.memref_squeeze %dma_start3A_481 : memref<1x64x256xf32, #tpu.memory_space<vmem>> -> memref<64x256xf32, #tpu.memory_space<vmem>>
        tpu.enqueue_dma source(%dma_start3A_482 : memref<64x256xf32, #tpu.memory_space<vmem>>) target(%dma_start3A_478 : memref<64x256xf32, #tpu.memory_space<hbm>>) target_semaphore(%run_scoped3A_466 : memref<!tpu.dma_semaphore, #tpu.memory_space<semaphore_mem>>)
        %dma_wait3A_483 = arith.constant 0 : i32
        %dma_wait3A_484 = arith.constant 0 : i32
        %dma_wait3A_485 = tpu.memref_slice %arg10[%run_scoped3A_206, %dma_wait3A_483, %dma_wait3A_484] : memref<2x64x256xf32, #tpu.memory_space<vmem>> -> memref<1x64x256xf32, #tpu.memory_space<vmem>>
        %dma_wait3A_486 = tpu.memref_squeeze %dma_wait3A_485 : memref<1x64x256xf32, #tpu.memory_space<vmem>> -> memref<64x256xf32, #tpu.memory_space<vmem>>
        %dma_wait3A_487 = arith.constant 0 : i32
        %dma_wait3A_488 = arith.constant 0 : i32
        %dma_wait3A_489 = tpu.memref_slice %arg7[%add3A_205, %dma_wait3A_487, %dma_wait3A_488] : memref<4096x64x256xf32, #tpu.memory_space<hbm>> -> memref<1x64x256xf32, #tpu.memory_space<hbm>>
        %dma_wait3A_490 = tpu.memref_squeeze %dma_wait3A_489 : memref<1x64x256xf32, #tpu.memory_space<hbm>> -> memref<64x256xf32, #tpu.memory_space<hbm>>
        %dma_wait3A_491 = arith.constant 0 : i32
        %dma_wait3A_492 = arith.constant 0 : i32
        %dma_wait3A_493 = tpu.memref_slice %arg7[%add3A_205, %dma_wait3A_491, %dma_wait3A_492] : memref<4096x64x256xf32, #tpu.memory_space<hbm>> -> memref<1x64x256xf32, #tpu.memory_space<hbm>>
        %dma_wait3A_494 = tpu.memref_squeeze %dma_wait3A_493 : memref<1x64x256xf32, #tpu.memory_space<hbm>> -> memref<64x256xf32, #tpu.memory_space<hbm>>
        %dma_wait3A_495 = arith.constant 0 : i32
        %dma_wait3A_496 = arith.constant 0 : i32
        %dma_wait3A_497 = tpu.memref_slice %arg10[%run_scoped3A_206, %dma_wait3A_495, %dma_wait3A_496] : memref<2x64x256xf32, #tpu.memory_space<vmem>> -> memref<1x64x256xf32, #tpu.memory_space<vmem>>
        %dma_wait3A_498 = tpu.memref_squeeze %dma_wait3A_497 : memref<1x64x256xf32, #tpu.memory_space<vmem>> -> memref<64x256xf32, #tpu.memory_space<vmem>>
        tpu.wait_dma2 semaphore(%run_scoped3A_466 : memref<!tpu.dma_semaphore, #tpu.memory_space<semaphore_mem>>) src(%dma_wait3A_498 : memref<64x256xf32, #tpu.memory_space<vmem>>) dst(%dma_wait3A_494 : memref<64x256xf32, #tpu.memory_space<hbm>>)
        tpu.yield
      }) : () -> ()
      %dma_start3A_207 = arith.constant 4 : i32
      %dma_start3A_208 = arith.constant 0 : i32
      %dma_start3A_209 = arith.constant 0 : i32
      %dma_start3A_210 = arith.constant 0 : i32
      %dma_start3A_211 = arith.constant 0 : i32
      %dma_start3A_212 = tpu.memref_slice %arg10[%dma_start3A_209, %dma_start3A_210, %dma_start3A_211] : memref<2x64x256xf32, #tpu.memory_space<vmem>> -> memref<1x64x256xf32, #tpu.memory_space<vmem>>
      %dma_start3A_213 = tpu.memref_squeeze %dma_start3A_212 : memref<1x64x256xf32, #tpu.memory_space<vmem>> -> memref<64x256xf32, #tpu.memory_space<vmem>>
      %dma_start3A_214 = arith.constant 0 : i32
      %dma_start3A_215 = tpu.memref_slice %arg8[%dma_start3A_207, %dma_start3A_208, %dma_start3A_214] : memref<8x2x64xi32, #tpu.memory_space<vmem>> -> memref<1x1x64xi32, #tpu.memory_space<vmem>>
      %dma_start3A_216 = tpu.memref_squeeze %dma_start3A_215 : memref<1x1x64xi32, #tpu.memory_space<vmem>> -> memref<64xi32, #tpu.memory_space<vmem>>
      %dma_start3A_217 = arith.constant 0 : i32
      %dma_start3A_218 = arith.constant 0 : i32
      %dma_start3A_219 = tpu.memref_slice %arg2[%dma_start3A_217, %dma_start3A_218] : memref<256000x256xf32, #tpu.memory_space<hbm>> -> memref<256000x256xf32, #tpu.memory_space<hbm>>
      tpu.enqueue_indirect_dma source(%dma_start3A_219 : memref<256000x256xf32, #tpu.memory_space<hbm>>) target(%dma_start3A_213 : memref<64x256xf32, #tpu.memory_space<vmem>>) offsets(%dma_start3A_216 : memref<64xi32, #tpu.memory_space<vmem>>) semaphore(%arg13 : memref<!tpu.dma_semaphore, #tpu.memory_space<semaphore_mem>>)
      %dma_start3A_220 = arith.constant 4 : i32
      %dma_start3A_221 = arith.constant 1 : i32
      %dma_start3A_222 = arith.constant 0 : i32
      %dma_start3A_223 = arith.constant 0 : i32
      %dma_start3A_224 = arith.constant 0 : i32
      %dma_start3A_225 = tpu.memref_slice %arg11[%dma_start3A_222, %dma_start3A_223, %dma_start3A_224] : memref<2x64x128xf32, #tpu.memory_space<vmem>> -> memref<1x64x128xf32, #tpu.memory_space<vmem>>
      %dma_start3A_226 = tpu.memref_squeeze %dma_start3A_225 : memref<1x64x128xf32, #tpu.memory_space<vmem>> -> memref<64x128xf32, #tpu.memory_space<vmem>>
      %dma_start3A_227 = arith.constant 0 : i32
      %dma_start3A_228 = tpu.memref_slice %arg8[%dma_start3A_220, %dma_start3A_221, %dma_start3A_227] : memref<8x2x64xi32, #tpu.memory_space<vmem>> -> memref<1x1x64xi32, #tpu.memory_space<vmem>>
      %dma_start3A_229 = tpu.memref_squeeze %dma_start3A_228 : memref<1x1x64xi32, #tpu.memory_space<vmem>> -> memref<64xi32, #tpu.memory_space<vmem>>
      %dma_start3A_230 = arith.constant 0 : i32
      %dma_start3A_231 = arith.constant 0 : i32
      %dma_start3A_232 = tpu.memref_slice %arg3[%dma_start3A_230, %dma_start3A_231] : memref<256000x128xf32, #tpu.memory_space<hbm>> -> memref<256000x128xf32, #tpu.memory_space<hbm>>
      tpu.enqueue_indirect_dma source(%dma_start3A_232 : memref<256000x128xf32, #tpu.memory_space<hbm>>) target(%dma_start3A_226 : memref<64x128xf32, #tpu.memory_space<vmem>>) offsets(%dma_start3A_229 : memref<64xi32, #tpu.memory_space<vmem>>) semaphore(%arg14 : memref<!tpu.dma_semaphore, #tpu.memory_space<semaphore_mem>>)
      %dma_wait3A_233 = arith.constant 3 : i32
      %dma_wait3A_234 = arith.constant 0 : i32
      %dma_wait3A_235 = arith.constant 1 : i32
      %dma_wait3A_236 = arith.constant 0 : i32
      %dma_wait3A_237 = arith.constant 0 : i32
      %dma_wait3A_238 = tpu.memref_slice %arg10[%dma_wait3A_235, %dma_wait3A_236, %dma_wait3A_237] : memref<2x64x256xf32, #tpu.memory_space<vmem>> -> memref<1x64x256xf32, #tpu.memory_space<vmem>>
      %dma_wait3A_239 = tpu.memref_squeeze %dma_wait3A_238 : memref<1x64x256xf32, #tpu.memory_space<vmem>> -> memref<64x256xf32, #tpu.memory_space<vmem>>
      %dma_wait3A_240 = arith.constant 0 : i32
      %dma_wait3A_241 = tpu.memref_slice %arg8[%dma_wait3A_233, %dma_wait3A_234, %dma_wait3A_240] : memref<8x2x64xi32, #tpu.memory_space<vmem>> -> memref<1x1x64xi32, #tpu.memory_space<vmem>>
      %dma_wait3A_242 = tpu.memref_squeeze %dma_wait3A_241 : memref<1x1x64xi32, #tpu.memory_space<vmem>> -> memref<64xi32, #tpu.memory_space<vmem>>
      %dma_wait3A_243 = arith.constant 0 : i32
      %dma_wait3A_244 = arith.constant 0 : i32
      %dma_wait3A_245 = tpu.memref_slice %arg2[%dma_wait3A_243, %dma_wait3A_244] : memref<256000x256xf32, #tpu.memory_space<hbm>> -> memref<256000x256xf32, #tpu.memory_space<hbm>>
      tpu.wait_indirect_dma semaphore(%arg13 : memref<!tpu.dma_semaphore, #tpu.memory_space<semaphore_mem>>) src(%dma_wait3A_245 : memref<256000x256xf32, #tpu.memory_space<hbm>>) dst(%dma_wait3A_239 : memref<64x256xf32, #tpu.memory_space<vmem>>)
      %dma_wait3A_246 = arith.constant 3 : i32
      %dma_wait3A_247 = arith.constant 1 : i32
      %dma_wait3A_248 = arith.constant 1 : i32
      %dma_wait3A_249 = arith.constant 0 : i32
      %dma_wait3A_250 = arith.constant 0 : i32
      %dma_wait3A_251 = tpu.memref_slice %arg11[%dma_wait3A_248, %dma_wait3A_249, %dma_wait3A_250] : memref<2x64x128xf32, #tpu.memory_space<vmem>> -> memref<1x64x128xf32, #tpu.memory_space<vmem>>
      %dma_wait3A_252 = tpu.memref_squeeze %dma_wait3A_251 : memref<1x64x128xf32, #tpu.memory_space<vmem>> -> memref<64x128xf32, #tpu.memory_space<vmem>>
      %dma_wait3A_253 = arith.constant 0 : i32
      %dma_wait3A_254 = tpu.memref_slice %arg8[%dma_wait3A_246, %dma_wait3A_247, %dma_wait3A_253] : memref<8x2x64xi32, #tpu.memory_space<vmem>> -> memref<1x1x64xi32, #tpu.memory_space<vmem>>
      %dma_wait3A_255 = tpu.memref_squeeze %dma_wait3A_254 : memref<1x1x64xi32, #tpu.memory_space<vmem>> -> memref<64xi32, #tpu.memory_space<vmem>>
      %dma_wait3A_256 = arith.constant 0 : i32
      %dma_wait3A_257 = arith.constant 0 : i32
      %dma_wait3A_258 = tpu.memref_slice %arg3[%dma_wait3A_256, %dma_wait3A_257] : memref<256000x128xf32, #tpu.memory_space<hbm>> -> memref<256000x128xf32, #tpu.memory_space<hbm>>
      tpu.wait_indirect_dma semaphore(%arg14 : memref<!tpu.dma_semaphore, #tpu.memory_space<semaphore_mem>>) src(%dma_wait3A_258 : memref<256000x128xf32, #tpu.memory_space<hbm>>) dst(%dma_wait3A_252 : memref<64x128xf32, #tpu.memory_space<vmem>>)
      %mul3A_259 = arith.constant 8 : i32
      %mul3A_260 = arith.muli %add3A_12, %mul3A_259 : i32
      %add3A_261 = arith.constant 3 : i32
      %add3A_262 = arith.addi %mul3A_260, %add3A_261 : i32
      %run_scoped3A_263 = arith.constant 1 : i32
      "tpu.region"() ({
        %run_scoped3A_466 = tpu.sem_alloc : memref<!tpu.dma_semaphore, #tpu.memory_space<semaphore_mem>>
        %dma_start3A_467 = arith.constant 0 : i32
        %dma_start3A_468 = arith.constant 0 : i32
        %dma_start3A_469 = tpu.memref_slice %arg10[%run_scoped3A_263, %dma_start3A_467, %dma_start3A_468] : memref<2x64x256xf32, #tpu.memory_space<vmem>> -> memref<1x64x256xf32, #tpu.memory_space<vmem>>
        %dma_start3A_470 = tpu.memref_squeeze %dma_start3A_469 : memref<1x64x256xf32, #tpu.memory_space<vmem>> -> memref<64x256xf32, #tpu.memory_space<vmem>>
        %dma_start3A_471 = arith.constant 0 : i32
        %dma_start3A_472 = arith.constant 0 : i32
        %dma_start3A_473 = tpu.memref_slice %arg7[%add3A_262, %dma_start3A_471, %dma_start3A_472] : memref<4096x64x256xf32, #tpu.memory_space<hbm>> -> memref<1x64x256xf32, #tpu.memory_space<hbm>>
        %dma_start3A_474 = tpu.memref_squeeze %dma_start3A_473 : memref<1x64x256xf32, #tpu.memory_space<hbm>> -> memref<64x256xf32, #tpu.memory_space<hbm>>
        %dma_start3A_475 = arith.constant 0 : i32
        %dma_start3A_476 = arith.constant 0 : i32
        %dma_start3A_477 = tpu.memref_slice %arg7[%add3A_262, %dma_start3A_475, %dma_start3A_476] : memref<4096x64x256xf32, #tpu.memory_space<hbm>> -> memref<1x64x256xf32, #tpu.memory_space<hbm>>
        %dma_start3A_478 = tpu.memref_squeeze %dma_start3A_477 : memref<1x64x256xf32, #tpu.memory_space<hbm>> -> memref<64x256xf32, #tpu.memory_space<hbm>>
        %dma_start3A_479 = arith.constant 0 : i32
        %dma_start3A_480 = arith.constant 0 : i32
        %dma_start3A_481 = tpu.memref_slice %arg10[%run_scoped3A_263, %dma_start3A_479, %dma_start3A_480] : memref<2x64x256xf32, #tpu.memory_space<vmem>> -> memref<1x64x256xf32, #tpu.memory_space<vmem>>
        %dma_start3A_482 = tpu.memref_squeeze %dma_start3A_481 : memref<1x64x256xf32, #tpu.memory_space<vmem>> -> memref<64x256xf32, #tpu.memory_space<vmem>>
        tpu.enqueue_dma source(%dma_start3A_482 : memref<64x256xf32, #tpu.memory_space<vmem>>) target(%dma_start3A_478 : memref<64x256xf32, #tpu.memory_space<hbm>>) target_semaphore(%run_scoped3A_466 : memref<!tpu.dma_semaphore, #tpu.memory_space<semaphore_mem>>)
        %dma_wait3A_483 = arith.constant 0 : i32
        %dma_wait3A_484 = arith.constant 0 : i32
        %dma_wait3A_485 = tpu.memref_slice %arg10[%run_scoped3A_263, %dma_wait3A_483, %dma_wait3A_484] : memref<2x64x256xf32, #tpu.memory_space<vmem>> -> memref<1x64x256xf32, #tpu.memory_space<vmem>>
        %dma_wait3A_486 = tpu.memref_squeeze %dma_wait3A_485 : memref<1x64x256xf32, #tpu.memory_space<vmem>> -> memref<64x256xf32, #tpu.memory_space<vmem>>
        %dma_wait3A_487 = arith.constant 0 : i32
        %dma_wait3A_488 = arith.constant 0 : i32
        %dma_wait3A_489 = tpu.memref_slice %arg7[%add3A_262, %dma_wait3A_487, %dma_wait3A_488] : memref<4096x64x256xf32, #tpu.memory_space<hbm>> -> memref<1x64x256xf32, #tpu.memory_space<hbm>>
        %dma_wait3A_490 = tpu.memref_squeeze %dma_wait3A_489 : memref<1x64x256xf32, #tpu.memory_space<hbm>> -> memref<64x256xf32, #tpu.memory_space<hbm>>
        %dma_wait3A_491 = arith.constant 0 : i32
        %dma_wait3A_492 = arith.constant 0 : i32
        %dma_wait3A_493 = tpu.memref_slice %arg7[%add3A_262, %dma_wait3A_491, %dma_wait3A_492] : memref<4096x64x256xf32, #tpu.memory_space<hbm>> -> memref<1x64x256xf32, #tpu.memory_space<hbm>>
        %dma_wait3A_494 = tpu.memref_squeeze %dma_wait3A_493 : memref<1x64x256xf32, #tpu.memory_space<hbm>> -> memref<64x256xf32, #tpu.memory_space<hbm>>
        %dma_wait3A_495 = arith.constant 0 : i32
        %dma_wait3A_496 = arith.constant 0 : i32
        %dma_wait3A_497 = tpu.memref_slice %arg10[%run_scoped3A_263, %dma_wait3A_495, %dma_wait3A_496] : memref<2x64x256xf32, #tpu.memory_space<vmem>> -> memref<1x64x256xf32, #tpu.memory_space<vmem>>
        %dma_wait3A_498 = tpu.memref_squeeze %dma_wait3A_497 : memref<1x64x256xf32, #tpu.memory_space<vmem>> -> memref<64x256xf32, #tpu.memory_space<vmem>>
        tpu.wait_dma2 semaphore(%run_scoped3A_466 : memref<!tpu.dma_semaphore, #tpu.memory_space<semaphore_mem>>) src(%dma_wait3A_498 : memref<64x256xf32, #tpu.memory_space<vmem>>) dst(%dma_wait3A_494 : memref<64x256xf32, #tpu.memory_space<hbm>>)
        tpu.yield
      }) : () -> ()
      %dma_start3A_264 = arith.constant 5 : i32
      %dma_start3A_265 = arith.constant 0 : i32
      %dma_start3A_266 = arith.constant 1 : i32
      %dma_start3A_267 = arith.constant 0 : i32
      %dma_start3A_268 = arith.constant 0 : i32
      %dma_start3A_269 = tpu.memref_slice %arg10[%dma_start3A_266, %dma_start3A_267, %dma_start3A_268] : memref<2x64x256xf32, #tpu.memory_space<vmem>> -> memref<1x64x256xf32, #tpu.memory_space<vmem>>
      %dma_start3A_270 = tpu.memref_squeeze %dma_start3A_269 : memref<1x64x256xf32, #tpu.memory_space<vmem>> -> memref<64x256xf32, #tpu.memory_space<vmem>>
      %dma_start3A_271 = arith.constant 0 : i32
      %dma_start3A_272 = tpu.memref_slice %arg8[%dma_start3A_264, %dma_start3A_265, %dma_start3A_271] : memref<8x2x64xi32, #tpu.memory_space<vmem>> -> memref<1x1x64xi32, #tpu.memory_space<vmem>>
      %dma_start3A_273 = tpu.memref_squeeze %dma_start3A_272 : memref<1x1x64xi32, #tpu.memory_space<vmem>> -> memref<64xi32, #tpu.memory_space<vmem>>
      %dma_start3A_274 = arith.constant 0 : i32
      %dma_start3A_275 = arith.constant 0 : i32
      %dma_start3A_276 = tpu.memref_slice %arg2[%dma_start3A_274, %dma_start3A_275] : memref<256000x256xf32, #tpu.memory_space<hbm>> -> memref<256000x256xf32, #tpu.memory_space<hbm>>
      tpu.enqueue_indirect_dma source(%dma_start3A_276 : memref<256000x256xf32, #tpu.memory_space<hbm>>) target(%dma_start3A_270 : memref<64x256xf32, #tpu.memory_space<vmem>>) offsets(%dma_start3A_273 : memref<64xi32, #tpu.memory_space<vmem>>) semaphore(%arg13 : memref<!tpu.dma_semaphore, #tpu.memory_space<semaphore_mem>>)
      %dma_start3A_277 = arith.constant 5 : i32
      %dma_start3A_278 = arith.constant 1 : i32
      %dma_start3A_279 = arith.constant 1 : i32
      %dma_start3A_280 = arith.constant 0 : i32
      %dma_start3A_281 = arith.constant 0 : i32
      %dma_start3A_282 = tpu.memref_slice %arg11[%dma_start3A_279, %dma_start3A_280, %dma_start3A_281] : memref<2x64x128xf32, #tpu.memory_space<vmem>> -> memref<1x64x128xf32, #tpu.memory_space<vmem>>
      %dma_start3A_283 = tpu.memref_squeeze %dma_start3A_282 : memref<1x64x128xf32, #tpu.memory_space<vmem>> -> memref<64x128xf32, #tpu.memory_space<vmem>>
      %dma_start3A_284 = arith.constant 0 : i32
      %dma_start3A_285 = tpu.memref_slice %arg8[%dma_start3A_277, %dma_start3A_278, %dma_start3A_284] : memref<8x2x64xi32, #tpu.memory_space<vmem>> -> memref<1x1x64xi32, #tpu.memory_space<vmem>>
      %dma_start3A_286 = tpu.memref_squeeze %dma_start3A_285 : memref<1x1x64xi32, #tpu.memory_space<vmem>> -> memref<64xi32, #tpu.memory_space<vmem>>
      %dma_start3A_287 = arith.constant 0 : i32
      %dma_start3A_288 = arith.constant 0 : i32
      %dma_start3A_289 = tpu.memref_slice %arg3[%dma_start3A_287, %dma_start3A_288] : memref<256000x128xf32, #tpu.memory_space<hbm>> -> memref<256000x128xf32, #tpu.memory_space<hbm>>
      tpu.enqueue_indirect_dma source(%dma_start3A_289 : memref<256000x128xf32, #tpu.memory_space<hbm>>) target(%dma_start3A_283 : memref<64x128xf32, #tpu.memory_space<vmem>>) offsets(%dma_start3A_286 : memref<64xi32, #tpu.memory_space<vmem>>) semaphore(%arg14 : memref<!tpu.dma_semaphore, #tpu.memory_space<semaphore_mem>>)
      %dma_wait3A_290 = arith.constant 4 : i32
      %dma_wait3A_291 = arith.constant 0 : i32
      %dma_wait3A_292 = arith.constant 0 : i32
      %dma_wait3A_293 = arith.constant 0 : i32
      %dma_wait3A_294 = arith.constant 0 : i32
      %dma_wait3A_295 = tpu.memref_slice %arg10[%dma_wait3A_292, %dma_wait3A_293, %dma_wait3A_294] : memref<2x64x256xf32, #tpu.memory_space<vmem>> -> memref<1x64x256xf32, #tpu.memory_space<vmem>>
      %dma_wait3A_296 = tpu.memref_squeeze %dma_wait3A_295 : memref<1x64x256xf32, #tpu.memory_space<vmem>> -> memref<64x256xf32, #tpu.memory_space<vmem>>
      %dma_wait3A_297 = arith.constant 0 : i32
      %dma_wait3A_298 = tpu.memref_slice %arg8[%dma_wait3A_290, %dma_wait3A_291, %dma_wait3A_297] : memref<8x2x64xi32, #tpu.memory_space<vmem>> -> memref<1x1x64xi32, #tpu.memory_space<vmem>>
      %dma_wait3A_299 = tpu.memref_squeeze %dma_wait3A_298 : memref<1x1x64xi32, #tpu.memory_space<vmem>> -> memref<64xi32, #tpu.memory_space<vmem>>
      %dma_wait3A_300 = arith.constant 0 : i32
      %dma_wait3A_301 = arith.constant 0 : i32
      %dma_wait3A_302 = tpu.memref_slice %arg2[%dma_wait3A_300, %dma_wait3A_301] : memref<256000x256xf32, #tpu.memory_space<hbm>> -> memref<256000x256xf32, #tpu.memory_space<hbm>>
      tpu.wait_indirect_dma semaphore(%arg13 : memref<!tpu.dma_semaphore, #tpu.memory_space<semaphore_mem>>) src(%dma_wait3A_302 : memref<256000x256xf32, #tpu.memory_space<hbm>>) dst(%dma_wait3A_296 : memref<64x256xf32, #tpu.memory_space<vmem>>)
      %dma_wait3A_303 = arith.constant 4 : i32
      %dma_wait3A_304 = arith.constant 1 : i32
      %dma_wait3A_305 = arith.constant 0 : i32
      %dma_wait3A_306 = arith.constant 0 : i32
      %dma_wait3A_307 = arith.constant 0 : i32
      %dma_wait3A_308 = tpu.memref_slice %arg11[%dma_wait3A_305, %dma_wait3A_306, %dma_wait3A_307] : memref<2x64x128xf32, #tpu.memory_space<vmem>> -> memref<1x64x128xf32, #tpu.memory_space<vmem>>
      %dma_wait3A_309 = tpu.memref_squeeze %dma_wait3A_308 : memref<1x64x128xf32, #tpu.memory_space<vmem>> -> memref<64x128xf32, #tpu.memory_space<vmem>>
      %dma_wait3A_310 = arith.constant 0 : i32
      %dma_wait3A_311 = tpu.memref_slice %arg8[%dma_wait3A_303, %dma_wait3A_304, %dma_wait3A_310] : memref<8x2x64xi32, #tpu.memory_space<vmem>> -> memref<1x1x64xi32, #tpu.memory_space<vmem>>
      %dma_wait3A_312 = tpu.memref_squeeze %dma_wait3A_311 : memref<1x1x64xi32, #tpu.memory_space<vmem>> -> memref<64xi32, #tpu.memory_space<vmem>>
      %dma_wait3A_313 = arith.constant 0 : i32
      %dma_wait3A_314 = arith.constant 0 : i32
      %dma_wait3A_315 = tpu.memref_slice %arg3[%dma_wait3A_313, %dma_wait3A_314] : memref<256000x128xf32, #tpu.memory_space<hbm>> -> memref<256000x128xf32, #tpu.memory_space<hbm>>
      tpu.wait_indirect_dma semaphore(%arg14 : memref<!tpu.dma_semaphore, #tpu.memory_space<semaphore_mem>>) src(%dma_wait3A_315 : memref<256000x128xf32, #tpu.memory_space<hbm>>) dst(%dma_wait3A_309 : memref<64x128xf32, #tpu.memory_space<vmem>>)
      %mul3A_316 = arith.constant 8 : i32
      %mul3A_317 = arith.muli %add3A_12, %mul3A_316 : i32
      %add3A_318 = arith.constant 4 : i32
      %add3A_319 = arith.addi %mul3A_317, %add3A_318 : i32
      %run_scoped3A_320 = arith.constant 0 : i32
      "tpu.region"() ({
        %run_scoped3A_466 = tpu.sem_alloc : memref<!tpu.dma_semaphore, #tpu.memory_space<semaphore_mem>>
        %dma_start3A_467 = arith.constant 0 : i32
        %dma_start3A_468 = arith.constant 0 : i32
        %dma_start3A_469 = tpu.memref_slice %arg10[%run_scoped3A_320, %dma_start3A_467, %dma_start3A_468] : memref<2x64x256xf32, #tpu.memory_space<vmem>> -> memref<1x64x256xf32, #tpu.memory_space<vmem>>
        %dma_start3A_470 = tpu.memref_squeeze %dma_start3A_469 : memref<1x64x256xf32, #tpu.memory_space<vmem>> -> memref<64x256xf32, #tpu.memory_space<vmem>>
        %dma_start3A_471 = arith.constant 0 : i32
        %dma_start3A_472 = arith.constant 0 : i32
        %dma_start3A_473 = tpu.memref_slice %arg7[%add3A_319, %dma_start3A_471, %dma_start3A_472] : memref<4096x64x256xf32, #tpu.memory_space<hbm>> -> memref<1x64x256xf32, #tpu.memory_space<hbm>>
        %dma_start3A_474 = tpu.memref_squeeze %dma_start3A_473 : memref<1x64x256xf32, #tpu.memory_space<hbm>> -> memref<64x256xf32, #tpu.memory_space<hbm>>
        %dma_start3A_475 = arith.constant 0 : i32
        %dma_start3A_476 = arith.constant 0 : i32
        %dma_start3A_477 = tpu.memref_slice %arg7[%add3A_319, %dma_start3A_475, %dma_start3A_476] : memref<4096x64x256xf32, #tpu.memory_space<hbm>> -> memref<1x64x256xf32, #tpu.memory_space<hbm>>
        %dma_start3A_478 = tpu.memref_squeeze %dma_start3A_477 : memref<1x64x256xf32, #tpu.memory_space<hbm>> -> memref<64x256xf32, #tpu.memory_space<hbm>>
        %dma_start3A_479 = arith.constant 0 : i32
        %dma_start3A_480 = arith.constant 0 : i32
        %dma_start3A_481 = tpu.memref_slice %arg10[%run_scoped3A_320, %dma_start3A_479, %dma_start3A_480] : memref<2x64x256xf32, #tpu.memory_space<vmem>> -> memref<1x64x256xf32, #tpu.memory_space<vmem>>
        %dma_start3A_482 = tpu.memref_squeeze %dma_start3A_481 : memref<1x64x256xf32, #tpu.memory_space<vmem>> -> memref<64x256xf32, #tpu.memory_space<vmem>>
        tpu.enqueue_dma source(%dma_start3A_482 : memref<64x256xf32, #tpu.memory_space<vmem>>) target(%dma_start3A_478 : memref<64x256xf32, #tpu.memory_space<hbm>>) target_semaphore(%run_scoped3A_466 : memref<!tpu.dma_semaphore, #tpu.memory_space<semaphore_mem>>)
        %dma_wait3A_483 = arith.constant 0 : i32
        %dma_wait3A_484 = arith.constant 0 : i32
        %dma_wait3A_485 = tpu.memref_slice %arg10[%run_scoped3A_320, %dma_wait3A_483, %dma_wait3A_484] : memref<2x64x256xf32, #tpu.memory_space<vmem>> -> memref<1x64x256xf32, #tpu.memory_space<vmem>>
        %dma_wait3A_486 = tpu.memref_squeeze %dma_wait3A_485 : memref<1x64x256xf32, #tpu.memory_space<vmem>> -> memref<64x256xf32, #tpu.memory_space<vmem>>
        %dma_wait3A_487 = arith.constant 0 : i32
        %dma_wait3A_488 = arith.constant 0 : i32
        %dma_wait3A_489 = tpu.memref_slice %arg7[%add3A_319, %dma_wait3A_487, %dma_wait3A_488] : memref<4096x64x256xf32, #tpu.memory_space<hbm>> -> memref<1x64x256xf32, #tpu.memory_space<hbm>>
        %dma_wait3A_490 = tpu.memref_squeeze %dma_wait3A_489 : memref<1x64x256xf32, #tpu.memory_space<hbm>> -> memref<64x256xf32, #tpu.memory_space<hbm>>
        %dma_wait3A_491 = arith.constant 0 : i32
        %dma_wait3A_492 = arith.constant 0 : i32
        %dma_wait3A_493 = tpu.memref_slice %arg7[%add3A_319, %dma_wait3A_491, %dma_wait3A_492] : memref<4096x64x256xf32, #tpu.memory_space<hbm>> -> memref<1x64x256xf32, #tpu.memory_space<hbm>>
        %dma_wait3A_494 = tpu.memref_squeeze %dma_wait3A_493 : memref<1x64x256xf32, #tpu.memory_space<hbm>> -> memref<64x256xf32, #tpu.memory_space<hbm>>
        %dma_wait3A_495 = arith.constant 0 : i32
        %dma_wait3A_496 = arith.constant 0 : i32
        %dma_wait3A_497 = tpu.memref_slice %arg10[%run_scoped3A_320, %dma_wait3A_495, %dma_wait3A_496] : memref<2x64x256xf32, #tpu.memory_space<vmem>> -> memref<1x64x256xf32, #tpu.memory_space<vmem>>
        %dma_wait3A_498 = tpu.memref_squeeze %dma_wait3A_497 : memref<1x64x256xf32, #tpu.memory_space<vmem>> -> memref<64x256xf32, #tpu.memory_space<vmem>>
        tpu.wait_dma2 semaphore(%run_scoped3A_466 : memref<!tpu.dma_semaphore, #tpu.memory_space<semaphore_mem>>) src(%dma_wait3A_498 : memref<64x256xf32, #tpu.memory_space<vmem>>) dst(%dma_wait3A_494 : memref<64x256xf32, #tpu.memory_space<hbm>>)
        tpu.yield
      }) : () -> ()
      %dma_start3A_321 = arith.constant 6 : i32
      %dma_start3A_322 = arith.constant 0 : i32
      %dma_start3A_323 = arith.constant 0 : i32
      %dma_start3A_324 = arith.constant 0 : i32
      %dma_start3A_325 = arith.constant 0 : i32
      %dma_start3A_326 = tpu.memref_slice %arg10[%dma_start3A_323, %dma_start3A_324, %dma_start3A_325] : memref<2x64x256xf32, #tpu.memory_space<vmem>> -> memref<1x64x256xf32, #tpu.memory_space<vmem>>
      %dma_start3A_327 = tpu.memref_squeeze %dma_start3A_326 : memref<1x64x256xf32, #tpu.memory_space<vmem>> -> memref<64x256xf32, #tpu.memory_space<vmem>>
      %dma_start3A_328 = arith.constant 0 : i32
      %dma_start3A_329 = tpu.memref_slice %arg8[%dma_start3A_321, %dma_start3A_322, %dma_start3A_328] : memref<8x2x64xi32, #tpu.memory_space<vmem>> -> memref<1x1x64xi32, #tpu.memory_space<vmem>>
      %dma_start3A_330 = tpu.memref_squeeze %dma_start3A_329 : memref<1x1x64xi32, #tpu.memory_space<vmem>> -> memref<64xi32, #tpu.memory_space<vmem>>
      %dma_start3A_331 = arith.constant 0 : i32
      %dma_start3A_332 = arith.constant 0 : i32
      %dma_start3A_333 = tpu.memref_slice %arg2[%dma_start3A_331, %dma_start3A_332] : memref<256000x256xf32, #tpu.memory_space<hbm>> -> memref<256000x256xf32, #tpu.memory_space<hbm>>
      tpu.enqueue_indirect_dma source(%dma_start3A_333 : memref<256000x256xf32, #tpu.memory_space<hbm>>) target(%dma_start3A_327 : memref<64x256xf32, #tpu.memory_space<vmem>>) offsets(%dma_start3A_330 : memref<64xi32, #tpu.memory_space<vmem>>) semaphore(%arg13 : memref<!tpu.dma_semaphore, #tpu.memory_space<semaphore_mem>>)
      %dma_start3A_334 = arith.constant 6 : i32
      %dma_start3A_335 = arith.constant 1 : i32
      %dma_start3A_336 = arith.constant 0 : i32
      %dma_start3A_337 = arith.constant 0 : i32
      %dma_start3A_338 = arith.constant 0 : i32
      %dma_start3A_339 = tpu.memref_slice %arg11[%dma_start3A_336, %dma_start3A_337, %dma_start3A_338] : memref<2x64x128xf32, #tpu.memory_space<vmem>> -> memref<1x64x128xf32, #tpu.memory_space<vmem>>
      %dma_start3A_340 = tpu.memref_squeeze %dma_start3A_339 : memref<1x64x128xf32, #tpu.memory_space<vmem>> -> memref<64x128xf32, #tpu.memory_space<vmem>>
      %dma_start3A_341 = arith.constant 0 : i32
      %dma_start3A_342 = tpu.memref_slice %arg8[%dma_start3A_334, %dma_start3A_335, %dma_start3A_341] : memref<8x2x64xi32, #tpu.memory_space<vmem>> -> memref<1x1x64xi32, #tpu.memory_space<vmem>>
      %dma_start3A_343 = tpu.memref_squeeze %dma_start3A_342 : memref<1x1x64xi32, #tpu.memory_space<vmem>> -> memref<64xi32, #tpu.memory_space<vmem>>
      %dma_start3A_344 = arith.constant 0 : i32
      %dma_start3A_345 = arith.constant 0 : i32
      %dma_start3A_346 = tpu.memref_slice %arg3[%dma_start3A_344, %dma_start3A_345] : memref<256000x128xf32, #tpu.memory_space<hbm>> -> memref<256000x128xf32, #tpu.memory_space<hbm>>
      tpu.enqueue_indirect_dma source(%dma_start3A_346 : memref<256000x128xf32, #tpu.memory_space<hbm>>) target(%dma_start3A_340 : memref<64x128xf32, #tpu.memory_space<vmem>>) offsets(%dma_start3A_343 : memref<64xi32, #tpu.memory_space<vmem>>) semaphore(%arg14 : memref<!tpu.dma_semaphore, #tpu.memory_space<semaphore_mem>>)
      %dma_wait3A_347 = arith.constant 5 : i32
      %dma_wait3A_348 = arith.constant 0 : i32
      %dma_wait3A_349 = arith.constant 1 : i32
      %dma_wait3A_350 = arith.constant 0 : i32
      %dma_wait3A_351 = arith.constant 0 : i32
      %dma_wait3A_352 = tpu.memref_slice %arg10[%dma_wait3A_349, %dma_wait3A_350, %dma_wait3A_351] : memref<2x64x256xf32, #tpu.memory_space<vmem>> -> memref<1x64x256xf32, #tpu.memory_space<vmem>>
      %dma_wait3A_353 = tpu.memref_squeeze %dma_wait3A_352 : memref<1x64x256xf32, #tpu.memory_space<vmem>> -> memref<64x256xf32, #tpu.memory_space<vmem>>
      %dma_wait3A_354 = arith.constant 0 : i32
      %dma_wait3A_355 = tpu.memref_slice %arg8[%dma_wait3A_347, %dma_wait3A_348, %dma_wait3A_354] : memref<8x2x64xi32, #tpu.memory_space<vmem>> -> memref<1x1x64xi32, #tpu.memory_space<vmem>>
      %dma_wait3A_356 = tpu.memref_squeeze %dma_wait3A_355 : memref<1x1x64xi32, #tpu.memory_space<vmem>> -> memref<64xi32, #tpu.memory_space<vmem>>
      %dma_wait3A_357 = arith.constant 0 : i32
      %dma_wait3A_358 = arith.constant 0 : i32
      %dma_wait3A_359 = tpu.memref_slice %arg2[%dma_wait3A_357, %dma_wait3A_358] : memref<256000x256xf32, #tpu.memory_space<hbm>> -> memref<256000x256xf32, #tpu.memory_space<hbm>>
      tpu.wait_indirect_dma semaphore(%arg13 : memref<!tpu.dma_semaphore, #tpu.memory_space<semaphore_mem>>) src(%dma_wait3A_359 : memref<256000x256xf32, #tpu.memory_space<hbm>>) dst(%dma_wait3A_353 : memref<64x256xf32, #tpu.memory_space<vmem>>)
      %dma_wait3A_360 = arith.constant 5 : i32
      %dma_wait3A_361 = arith.constant 1 : i32
      %dma_wait3A_362 = arith.constant 1 : i32
      %dma_wait3A_363 = arith.constant 0 : i32
      %dma_wait3A_364 = arith.constant 0 : i32
      %dma_wait3A_365 = tpu.memref_slice %arg11[%dma_wait3A_362, %dma_wait3A_363, %dma_wait3A_364] : memref<2x64x128xf32, #tpu.memory_space<vmem>> -> memref<1x64x128xf32, #tpu.memory_space<vmem>>
      %dma_wait3A_366 = tpu.memref_squeeze %dma_wait3A_365 : memref<1x64x128xf32, #tpu.memory_space<vmem>> -> memref<64x128xf32, #tpu.memory_space<vmem>>
      %dma_wait3A_367 = arith.constant 0 : i32
      %dma_wait3A_368 = tpu.memref_slice %arg8[%dma_wait3A_360, %dma_wait3A_361, %dma_wait3A_367] : memref<8x2x64xi32, #tpu.memory_space<vmem>> -> memref<1x1x64xi32, #tpu.memory_space<vmem>>
      %dma_wait3A_369 = tpu.memref_squeeze %dma_wait3A_368 : memref<1x1x64xi32, #tpu.memory_space<vmem>> -> memref<64xi32, #tpu.memory_space<vmem>>
      %dma_wait3A_370 = arith.constant 0 : i32
      %dma_wait3A_371 = arith.constant 0 : i32
      %dma_wait3A_372 = tpu.memref_slice %arg3[%dma_wait3A_370, %dma_wait3A_371] : memref<256000x128xf32, #tpu.memory_space<hbm>> -> memref<256000x128xf32, #tpu.memory_space<hbm>>
      tpu.wait_indirect_dma semaphore(%arg14 : memref<!tpu.dma_semaphore, #tpu.memory_space<semaphore_mem>>) src(%dma_wait3A_372 : memref<256000x128xf32, #tpu.memory_space<hbm>>) dst(%dma_wait3A_366 : memref<64x128xf32, #tpu.memory_space<vmem>>)
      %mul3A_373 = arith.constant 8 : i32
      %mul3A_374 = arith.muli %add3A_12, %mul3A_373 : i32
      %add3A_375 = arith.constant 5 : i32
      %add3A_376 = arith.addi %mul3A_374, %add3A_375 : i32
      %run_scoped3A_377 = arith.constant 1 : i32
      "tpu.region"() ({
        %run_scoped3A_466 = tpu.sem_alloc : memref<!tpu.dma_semaphore, #tpu.memory_space<semaphore_mem>>
        %dma_start3A_467 = arith.constant 0 : i32
        %dma_start3A_468 = arith.constant 0 : i32
        %dma_start3A_469 = tpu.memref_slice %arg10[%run_scoped3A_377, %dma_start3A_467, %dma_start3A_468] : memref<2x64x256xf32, #tpu.memory_space<vmem>> -> memref<1x64x256xf32, #tpu.memory_space<vmem>>
        %dma_start3A_470 = tpu.memref_squeeze %dma_start3A_469 : memref<1x64x256xf32, #tpu.memory_space<vmem>> -> memref<64x256xf32, #tpu.memory_space<vmem>>
        %dma_start3A_471 = arith.constant 0 : i32
        %dma_start3A_472 = arith.constant 0 : i32
        %dma_start3A_473 = tpu.memref_slice %arg7[%add3A_376, %dma_start3A_471, %dma_start3A_472] : memref<4096x64x256xf32, #tpu.memory_space<hbm>> -> memref<1x64x256xf32, #tpu.memory_space<hbm>>
        %dma_start3A_474 = tpu.memref_squeeze %dma_start3A_473 : memref<1x64x256xf32, #tpu.memory_space<hbm>> -> memref<64x256xf32, #tpu.memory_space<hbm>>
        %dma_start3A_475 = arith.constant 0 : i32
        %dma_start3A_476 = arith.constant 0 : i32
        %dma_start3A_477 = tpu.memref_slice %arg7[%add3A_376, %dma_start3A_475, %dma_start3A_476] : memref<4096x64x256xf32, #tpu.memory_space<hbm>> -> memref<1x64x256xf32, #tpu.memory_space<hbm>>
        %dma_start3A_478 = tpu.memref_squeeze %dma_start3A_477 : memref<1x64x256xf32, #tpu.memory_space<hbm>> -> memref<64x256xf32, #tpu.memory_space<hbm>>
        %dma_start3A_479 = arith.constant 0 : i32
        %dma_start3A_480 = arith.constant 0 : i32
        %dma_start3A_481 = tpu.memref_slice %arg10[%run_scoped3A_377, %dma_start3A_479, %dma_start3A_480] : memref<2x64x256xf32, #tpu.memory_space<vmem>> -> memref<1x64x256xf32, #tpu.memory_space<vmem>>
        %dma_start3A_482 = tpu.memref_squeeze %dma_start3A_481 : memref<1x64x256xf32, #tpu.memory_space<vmem>> -> memref<64x256xf32, #tpu.memory_space<vmem>>
        tpu.enqueue_dma source(%dma_start3A_482 : memref<64x256xf32, #tpu.memory_space<vmem>>) target(%dma_start3A_478 : memref<64x256xf32, #tpu.memory_space<hbm>>) target_semaphore(%run_scoped3A_466 : memref<!tpu.dma_semaphore, #tpu.memory_space<semaphore_mem>>)
        %dma_wait3A_483 = arith.constant 0 : i32
        %dma_wait3A_484 = arith.constant 0 : i32
        %dma_wait3A_485 = tpu.memref_slice %arg10[%run_scoped3A_377, %dma_wait3A_483, %dma_wait3A_484] : memref<2x64x256xf32, #tpu.memory_space<vmem>> -> memref<1x64x256xf32, #tpu.memory_space<vmem>>
        %dma_wait3A_486 = tpu.memref_squeeze %dma_wait3A_485 : memref<1x64x256xf32, #tpu.memory_space<vmem>> -> memref<64x256xf32, #tpu.memory_space<vmem>>
        %dma_wait3A_487 = arith.constant 0 : i32
        %dma_wait3A_488 = arith.constant 0 : i32
        %dma_wait3A_489 = tpu.memref_slice %arg7[%add3A_376, %dma_wait3A_487, %dma_wait3A_488] : memref<4096x64x256xf32, #tpu.memory_space<hbm>> -> memref<1x64x256xf32, #tpu.memory_space<hbm>>
        %dma_wait3A_490 = tpu.memref_squeeze %dma_wait3A_489 : memref<1x64x256xf32, #tpu.memory_space<hbm>> -> memref<64x256xf32, #tpu.memory_space<hbm>>
        %dma_wait3A_491 = arith.constant 0 : i32
        %dma_wait3A_492 = arith.constant 0 : i32
        %dma_wait3A_493 = tpu.memref_slice %arg7[%add3A_376, %dma_wait3A_491, %dma_wait3A_492] : memref<4096x64x256xf32, #tpu.memory_space<hbm>> -> memref<1x64x256xf32, #tpu.memory_space<hbm>>
        %dma_wait3A_494 = tpu.memref_squeeze %dma_wait3A_493 : memref<1x64x256xf32, #tpu.memory_space<hbm>> -> memref<64x256xf32, #tpu.memory_space<hbm>>
        %dma_wait3A_495 = arith.constant 0 : i32
        %dma_wait3A_496 = arith.constant 0 : i32
        %dma_wait3A_497 = tpu.memref_slice %arg10[%run_scoped3A_377, %dma_wait3A_495, %dma_wait3A_496] : memref<2x64x256xf32, #tpu.memory_space<vmem>> -> memref<1x64x256xf32, #tpu.memory_space<vmem>>
        %dma_wait3A_498 = tpu.memref_squeeze %dma_wait3A_497 : memref<1x64x256xf32, #tpu.memory_space<vmem>> -> memref<64x256xf32, #tpu.memory_space<vmem>>
        tpu.wait_dma2 semaphore(%run_scoped3A_466 : memref<!tpu.dma_semaphore, #tpu.memory_space<semaphore_mem>>) src(%dma_wait3A_498 : memref<64x256xf32, #tpu.memory_space<vmem>>) dst(%dma_wait3A_494 : memref<64x256xf32, #tpu.memory_space<hbm>>)
        tpu.yield
      }) : () -> ()
      %dma_start3A_378 = arith.constant 7 : i32
      %dma_start3A_379 = arith.constant 0 : i32
      %dma_start3A_380 = arith.constant 1 : i32
      %dma_start3A_381 = arith.constant 0 : i32
      %dma_start3A_382 = arith.constant 0 : i32
      %dma_start3A_383 = tpu.memref_slice %arg10[%dma_start3A_380, %dma_start3A_381, %dma_start3A_382] : memref<2x64x256xf32, #tpu.memory_space<vmem>> -> memref<1x64x256xf32, #tpu.memory_space<vmem>>
      %dma_start3A_384 = tpu.memref_squeeze %dma_start3A_383 : memref<1x64x256xf32, #tpu.memory_space<vmem>> -> memref<64x256xf32, #tpu.memory_space<vmem>>
      %dma_start3A_385 = arith.constant 0 : i32
      %dma_start3A_386 = tpu.memref_slice %arg8[%dma_start3A_378, %dma_start3A_379, %dma_start3A_385] : memref<8x2x64xi32, #tpu.memory_space<vmem>> -> memref<1x1x64xi32, #tpu.memory_space<vmem>>
      %dma_start3A_387 = tpu.memref_squeeze %dma_start3A_386 : memref<1x1x64xi32, #tpu.memory_space<vmem>> -> memref<64xi32, #tpu.memory_space<vmem>>
      %dma_start3A_388 = arith.constant 0 : i32
      %dma_start3A_389 = arith.constant 0 : i32
      %dma_start3A_390 = tpu.memref_slice %arg2[%dma_start3A_388, %dma_start3A_389] : memref<256000x256xf32, #tpu.memory_space<hbm>> -> memref<256000x256xf32, #tpu.memory_space<hbm>>
      tpu.enqueue_indirect_dma source(%dma_start3A_390 : memref<256000x256xf32, #tpu.memory_space<hbm>>) target(%dma_start3A_384 : memref<64x256xf32, #tpu.memory_space<vmem>>) offsets(%dma_start3A_387 : memref<64xi32, #tpu.memory_space<vmem>>) semaphore(%arg13 : memref<!tpu.dma_semaphore, #tpu.memory_space<semaphore_mem>>)
      %dma_start3A_391 = arith.constant 7 : i32
      %dma_start3A_392 = arith.constant 1 : i32
      %dma_start3A_393 = arith.constant 1 : i32
      %dma_start3A_394 = arith.constant 0 : i32
      %dma_start3A_395 = arith.constant 0 : i32
      %dma_start3A_396 = tpu.memref_slice %arg11[%dma_start3A_393, %dma_start3A_394, %dma_start3A_395] : memref<2x64x128xf32, #tpu.memory_space<vmem>> -> memref<1x64x128xf32, #tpu.memory_space<vmem>>
      %dma_start3A_397 = tpu.memref_squeeze %dma_start3A_396 : memref<1x64x128xf32, #tpu.memory_space<vmem>> -> memref<64x128xf32, #tpu.memory_space<vmem>>
      %dma_start3A_398 = arith.constant 0 : i32
      %dma_start3A_399 = tpu.memref_slice %arg8[%dma_start3A_391, %dma_start3A_392, %dma_start3A_398] : memref<8x2x64xi32, #tpu.memory_space<vmem>> -> memref<1x1x64xi32, #tpu.memory_space<vmem>>
      %dma_start3A_400 = tpu.memref_squeeze %dma_start3A_399 : memref<1x1x64xi32, #tpu.memory_space<vmem>> -> memref<64xi32, #tpu.memory_space<vmem>>
      %dma_start3A_401 = arith.constant 0 : i32
      %dma_start3A_402 = arith.constant 0 : i32
      %dma_start3A_403 = tpu.memref_slice %arg3[%dma_start3A_401, %dma_start3A_402] : memref<256000x128xf32, #tpu.memory_space<hbm>> -> memref<256000x128xf32, #tpu.memory_space<hbm>>
      tpu.enqueue_indirect_dma source(%dma_start3A_403 : memref<256000x128xf32, #tpu.memory_space<hbm>>) target(%dma_start3A_397 : memref<64x128xf32, #tpu.memory_space<vmem>>) offsets(%dma_start3A_400 : memref<64xi32, #tpu.memory_space<vmem>>) semaphore(%arg14 : memref<!tpu.dma_semaphore, #tpu.memory_space<semaphore_mem>>)
      %dma_wait3A_404 = arith.constant 6 : i32
      %dma_wait3A_405 = arith.constant 0 : i32
      %dma_wait3A_406 = arith.constant 0 : i32
      %dma_wait3A_407 = arith.constant 0 : i32
      %dma_wait3A_408 = arith.constant 0 : i32
      %dma_wait3A_409 = tpu.memref_slice %arg10[%dma_wait3A_406, %dma_wait3A_407, %dma_wait3A_408] : memref<2x64x256xf32, #tpu.memory_space<vmem>> -> memref<1x64x256xf32, #tpu.memory_space<vmem>>
      %dma_wait3A_410 = tpu.memref_squeeze %dma_wait3A_409 : memref<1x64x256xf32, #tpu.memory_space<vmem>> -> memref<64x256xf32, #tpu.memory_space<vmem>>
      %dma_wait3A_411 = arith.constant 0 : i32
      %dma_wait3A_412 = tpu.memref_slice %arg8[%dma_wait3A_404, %dma_wait3A_405, %dma_wait3A_411] : memref<8x2x64xi32, #tpu.memory_space<vmem>> -> memref<1x1x64xi32, #tpu.memory_space<vmem>>
      %dma_wait3A_413 = tpu.memref_squeeze %dma_wait3A_412 : memref<1x1x64xi32, #tpu.memory_space<vmem>> -> memref<64xi32, #tpu.memory_space<vmem>>
      %dma_wait3A_414 = arith.constant 0 : i32
      %dma_wait3A_415 = arith.constant 0 : i32
      %dma_wait3A_416 = tpu.memref_slice %arg2[%dma_wait3A_414, %dma_wait3A_415] : memref<256000x256xf32, #tpu.memory_space<hbm>> -> memref<256000x256xf32, #tpu.memory_space<hbm>>
      tpu.wait_indirect_dma semaphore(%arg13 : memref<!tpu.dma_semaphore, #tpu.memory_space<semaphore_mem>>) src(%dma_wait3A_416 : memref<256000x256xf32, #tpu.memory_space<hbm>>) dst(%dma_wait3A_410 : memref<64x256xf32, #tpu.memory_space<vmem>>)
      %dma_wait3A_417 = arith.constant 6 : i32
      %dma_wait3A_418 = arith.constant 1 : i32
      %dma_wait3A_419 = arith.constant 0 : i32
      %dma_wait3A_420 = arith.constant 0 : i32
      %dma_wait3A_421 = arith.constant 0 : i32
      %dma_wait3A_422 = tpu.memref_slice %arg11[%dma_wait3A_419, %dma_wait3A_420, %dma_wait3A_421] : memref<2x64x128xf32, #tpu.memory_space<vmem>> -> memref<1x64x128xf32, #tpu.memory_space<vmem>>
      %dma_wait3A_423 = tpu.memref_squeeze %dma_wait3A_422 : memref<1x64x128xf32, #tpu.memory_space<vmem>> -> memref<64x128xf32, #tpu.memory_space<vmem>>
      %dma_wait3A_424 = arith.constant 0 : i32
      %dma_wait3A_425 = tpu.memref_slice %arg8[%dma_wait3A_417, %dma_wait3A_418, %dma_wait3A_424] : memref<8x2x64xi32, #tpu.memory_space<vmem>> -> memref<1x1x64xi32, #tpu.memory_space<vmem>>
      %dma_wait3A_426 = tpu.memref_squeeze %dma_wait3A_425 : memref<1x1x64xi32, #tpu.memory_space<vmem>> -> memref<64xi32, #tpu.memory_space<vmem>>
      %dma_wait3A_427 = arith.constant 0 : i32
      %dma_wait3A_428 = arith.constant 0 : i32
      %dma_wait3A_429 = tpu.memref_slice %arg3[%dma_wait3A_427, %dma_wait3A_428] : memref<256000x128xf32, #tpu.memory_space<hbm>> -> memref<256000x128xf32, #tpu.memory_space<hbm>>
      tpu.wait_indirect_dma semaphore(%arg14 : memref<!tpu.dma_semaphore, #tpu.memory_space<semaphore_mem>>) src(%dma_wait3A_429 : memref<256000x128xf32, #tpu.memory_space<hbm>>) dst(%dma_wait3A_423 : memref<64x128xf32, #tpu.memory_space<vmem>>)
      %mul3A_430 = arith.constant 8 : i32
      %mul3A_431 = arith.muli %add3A_12, %mul3A_430 : i32
      %add3A_432 = arith.constant 6 : i32
      %add3A_433 = arith.addi %mul3A_431, %add3A_432 : i32
      %run_scoped3A_434 = arith.constant 0 : i32
      "tpu.region"() ({
        %run_scoped3A_466 = tpu.sem_alloc : memref<!tpu.dma_semaphore, #tpu.memory_space<semaphore_mem>>
        %dma_start3A_467 = arith.constant 0 : i32
        %dma_start3A_468 = arith.constant 0 : i32
        %dma_start3A_469 = tpu.memref_slice %arg10[%run_scoped3A_434, %dma_start3A_467, %dma_start3A_468] : memref<2x64x256xf32, #tpu.memory_space<vmem>> -> memref<1x64x256xf32, #tpu.memory_space<vmem>>
        %dma_start3A_470 = tpu.memref_squeeze %dma_start3A_469 : memref<1x64x256xf32, #tpu.memory_space<vmem>> -> memref<64x256xf32, #tpu.memory_space<vmem>>
        %dma_start3A_471 = arith.constant 0 : i32
        %dma_start3A_472 = arith.constant 0 : i32
        %dma_start3A_473 = tpu.memref_slice %arg7[%add3A_433, %dma_start3A_471, %dma_start3A_472] : memref<4096x64x256xf32, #tpu.memory_space<hbm>> -> memref<1x64x256xf32, #tpu.memory_space<hbm>>
        %dma_start3A_474 = tpu.memref_squeeze %dma_start3A_473 : memref<1x64x256xf32, #tpu.memory_space<hbm>> -> memref<64x256xf32, #tpu.memory_space<hbm>>
        %dma_start3A_475 = arith.constant 0 : i32
        %dma_start3A_476 = arith.constant 0 : i32
        %dma_start3A_477 = tpu.memref_slice %arg7[%add3A_433, %dma_start3A_475, %dma_start3A_476] : memref<4096x64x256xf32, #tpu.memory_space<hbm>> -> memref<1x64x256xf32, #tpu.memory_space<hbm>>
        %dma_start3A_478 = tpu.memref_squeeze %dma_start3A_477 : memref<1x64x256xf32, #tpu.memory_space<hbm>> -> memref<64x256xf32, #tpu.memory_space<hbm>>
        %dma_start3A_479 = arith.constant 0 : i32
        %dma_start3A_480 = arith.constant 0 : i32
        %dma_start3A_481 = tpu.memref_slice %arg10[%run_scoped3A_434, %dma_start3A_479, %dma_start3A_480] : memref<2x64x256xf32, #tpu.memory_space<vmem>> -> memref<1x64x256xf32, #tpu.memory_space<vmem>>
        %dma_start3A_482 = tpu.memref_squeeze %dma_start3A_481 : memref<1x64x256xf32, #tpu.memory_space<vmem>> -> memref<64x256xf32, #tpu.memory_space<vmem>>
        tpu.enqueue_dma source(%dma_start3A_482 : memref<64x256xf32, #tpu.memory_space<vmem>>) target(%dma_start3A_478 : memref<64x256xf32, #tpu.memory_space<hbm>>) target_semaphore(%run_scoped3A_466 : memref<!tpu.dma_semaphore, #tpu.memory_space<semaphore_mem>>)
        %dma_wait3A_483 = arith.constant 0 : i32
        %dma_wait3A_484 = arith.constant 0 : i32
        %dma_wait3A_485 = tpu.memref_slice %arg10[%run_scoped3A_434, %dma_wait3A_483, %dma_wait3A_484] : memref<2x64x256xf32, #tpu.memory_space<vmem>> -> memref<1x64x256xf32, #tpu.memory_space<vmem>>
        %dma_wait3A_486 = tpu.memref_squeeze %dma_wait3A_485 : memref<1x64x256xf32, #tpu.memory_space<vmem>> -> memref<64x256xf32, #tpu.memory_space<vmem>>
        %dma_wait3A_487 = arith.constant 0 : i32
        %dma_wait3A_488 = arith.constant 0 : i32
        %dma_wait3A_489 = tpu.memref_slice %arg7[%add3A_433, %dma_wait3A_487, %dma_wait3A_488] : memref<4096x64x256xf32, #tpu.memory_space<hbm>> -> memref<1x64x256xf32, #tpu.memory_space<hbm>>
        %dma_wait3A_490 = tpu.memref_squeeze %dma_wait3A_489 : memref<1x64x256xf32, #tpu.memory_space<hbm>> -> memref<64x256xf32, #tpu.memory_space<hbm>>
        %dma_wait3A_491 = arith.constant 0 : i32
        %dma_wait3A_492 = arith.constant 0 : i32
        %dma_wait3A_493 = tpu.memref_slice %arg7[%add3A_433, %dma_wait3A_491, %dma_wait3A_492] : memref<4096x64x256xf32, #tpu.memory_space<hbm>> -> memref<1x64x256xf32, #tpu.memory_space<hbm>>
        %dma_wait3A_494 = tpu.memref_squeeze %dma_wait3A_493 : memref<1x64x256xf32, #tpu.memory_space<hbm>> -> memref<64x256xf32, #tpu.memory_space<hbm>>
        %dma_wait3A_495 = arith.constant 0 : i32
        %dma_wait3A_496 = arith.constant 0 : i32
        %dma_wait3A_497 = tpu.memref_slice %arg10[%run_scoped3A_434, %dma_wait3A_495, %dma_wait3A_496] : memref<2x64x256xf32, #tpu.memory_space<vmem>> -> memref<1x64x256xf32, #tpu.memory_space<vmem>>
        %dma_wait3A_498 = tpu.memref_squeeze %dma_wait3A_497 : memref<1x64x256xf32, #tpu.memory_space<vmem>> -> memref<64x256xf32, #tpu.memory_space<vmem>>
        tpu.wait_dma2 semaphore(%run_scoped3A_466 : memref<!tpu.dma_semaphore, #tpu.memory_space<semaphore_mem>>) src(%dma_wait3A_498 : memref<64x256xf32, #tpu.memory_space<vmem>>) dst(%dma_wait3A_494 : memref<64x256xf32, #tpu.memory_space<hbm>>)
        tpu.yield
      }) : () -> ()
      %dma_wait3A_435 = arith.constant 7 : i32
      %dma_wait3A_436 = arith.constant 0 : i32
      %dma_wait3A_437 = arith.constant 1 : i32
      %dma_wait3A_438 = arith.constant 0 : i32
      %dma_wait3A_439 = arith.constant 0 : i32
      %dma_wait3A_440 = tpu.memref_slice %arg10[%dma_wait3A_437, %dma_wait3A_438, %dma_wait3A_439] : memref<2x64x256xf32, #tpu.memory_space<vmem>> -> memref<1x64x256xf32, #tpu.memory_space<vmem>>
      %dma_wait3A_441 = tpu.memref_squeeze %dma_wait3A_440 : memref<1x64x256xf32, #tpu.memory_space<vmem>> -> memref<64x256xf32, #tpu.memory_space<vmem>>
      %dma_wait3A_442 = arith.constant 0 : i32
      %dma_wait3A_443 = tpu.memref_slice %arg8[%dma_wait3A_435, %dma_wait3A_436, %dma_wait3A_442] : memref<8x2x64xi32, #tpu.memory_space<vmem>> -> memref<1x1x64xi32, #tpu.memory_space<vmem>>
      %dma_wait3A_444 = tpu.memref_squeeze %dma_wait3A_443 : memref<1x1x64xi32, #tpu.memory_space<vmem>> -> memref<64xi32, #tpu.memory_space<vmem>>
      %dma_wait3A_445 = arith.constant 0 : i32
      %dma_wait3A_446 = arith.constant 0 : i32
      %dma_wait3A_447 = tpu.memref_slice %arg2[%dma_wait3A_445, %dma_wait3A_446] : memref<256000x256xf32, #tpu.memory_space<hbm>> -> memref<256000x256xf32, #tpu.memory_space<hbm>>
      tpu.wait_indirect_dma semaphore(%arg13 : memref<!tpu.dma_semaphore, #tpu.memory_space<semaphore_mem>>) src(%dma_wait3A_447 : memref<256000x256xf32, #tpu.memory_space<hbm>>) dst(%dma_wait3A_441 : memref<64x256xf32, #tpu.memory_space<vmem>>)
      %dma_wait3A_448 = arith.constant 7 : i32
      %dma_wait3A_449 = arith.constant 1 : i32
      %dma_wait3A_450 = arith.constant 1 : i32
      %dma_wait3A_451 = arith.constant 0 : i32
      %dma_wait3A_452 = arith.constant 0 : i32
      %dma_wait3A_453 = tpu.memref_slice %arg11[%dma_wait3A_450, %dma_wait3A_451, %dma_wait3A_452] : memref<2x64x128xf32, #tpu.memory_space<vmem>> -> memref<1x64x128xf32, #tpu.memory_space<vmem>>
      %dma_wait3A_454 = tpu.memref_squeeze %dma_wait3A_453 : memref<1x64x128xf32, #tpu.memory_space<vmem>> -> memref<64x128xf32, #tpu.memory_space<vmem>>
      %dma_wait3A_455 = arith.constant 0 : i32
      %dma_wait3A_456 = tpu.memref_slice %arg8[%dma_wait3A_448, %dma_wait3A_449, %dma_wait3A_455] : memref<8x2x64xi32, #tpu.memory_space<vmem>> -> memref<1x1x64xi32, #tpu.memory_space<vmem>>
      %dma_wait3A_457 = tpu.memref_squeeze %dma_wait3A_456 : memref<1x1x64xi32, #tpu.memory_space<vmem>> -> memref<64xi32, #tpu.memory_space<vmem>>
      %dma_wait3A_458 = arith.constant 0 : i32
      %dma_wait3A_459 = arith.constant 0 : i32
      %dma_wait3A_460 = tpu.memref_slice %arg3[%dma_wait3A_458, %dma_wait3A_459] : memref<256000x128xf32, #tpu.memory_space<hbm>> -> memref<256000x128xf32, #tpu.memory_space<hbm>>
      tpu.wait_indirect_dma semaphore(%arg14 : memref<!tpu.dma_semaphore, #tpu.memory_space<semaphore_mem>>) src(%dma_wait3A_460 : memref<256000x128xf32, #tpu.memory_space<hbm>>) dst(%dma_wait3A_454 : memref<64x128xf32, #tpu.memory_space<vmem>>)
      %mul3A_461 = arith.constant 8 : i32
      %mul3A_462 = arith.muli %add3A_12, %mul3A_461 : i32
      %add3A_463 = arith.constant 7 : i32
      %add3A_464 = arith.addi %mul3A_462, %add3A_463 : i32
      %run_scoped3A_465 = arith.constant 1 : i32
      "tpu.region"() ({
        %run_scoped3A_466 = tpu.sem_alloc : memref<!tpu.dma_semaphore, #tpu.memory_space<semaphore_mem>>
        %dma_start3A_467 = arith.constant 0 : i32
        %dma_start3A_468 = arith.constant 0 : i32
        %dma_start3A_469 = tpu.memref_slice %arg10[%run_scoped3A_465, %dma_start3A_467, %dma_start3A_468] : memref<2x64x256xf32, #tpu.memory_space<vmem>> -> memref<1x64x256xf32, #tpu.memory_space<vmem>>
        %dma_start3A_470 = tpu.memref_squeeze %dma_start3A_469 : memref<1x64x256xf32, #tpu.memory_space<vmem>> -> memref<64x256xf32, #tpu.memory_space<vmem>>
        %dma_start3A_471 = arith.constant 0 : i32
        %dma_start3A_472 = arith.constant 0 : i32
        %dma_start3A_473 = tpu.memref_slice %arg7[%add3A_464, %dma_start3A_471, %dma_start3A_472] : memref<4096x64x256xf32, #tpu.memory_space<hbm>> -> memref<1x64x256xf32, #tpu.memory_space<hbm>>
        %dma_start3A_474 = tpu.memref_squeeze %dma_start3A_473 : memref<1x64x256xf32, #tpu.memory_space<hbm>> -> memref<64x256xf32, #tpu.memory_space<hbm>>
        %dma_start3A_475 = arith.constant 0 : i32
        %dma_start3A_476 = arith.constant 0 : i32
        %dma_start3A_477 = tpu.memref_slice %arg7[%add3A_464, %dma_start3A_475, %dma_start3A_476] : memref<4096x64x256xf32, #tpu.memory_space<hbm>> -> memref<1x64x256xf32, #tpu.memory_space<hbm>>
        %dma_start3A_478 = tpu.memref_squeeze %dma_start3A_477 : memref<1x64x256xf32, #tpu.memory_space<hbm>> -> memref<64x256xf32, #tpu.memory_space<hbm>>
        %dma_start3A_479 = arith.constant 0 : i32
        %dma_start3A_480 = arith.constant 0 : i32
        %dma_start3A_481 = tpu.memref_slice %arg10[%run_scoped3A_465, %dma_start3A_479, %dma_start3A_480] : memref<2x64x256xf32, #tpu.memory_space<vmem>> -> memref<1x64x256xf32, #tpu.memory_space<vmem>>
        %dma_start3A_482 = tpu.memref_squeeze %dma_start3A_481 : memref<1x64x256xf32, #tpu.memory_space<vmem>> -> memref<64x256xf32, #tpu.memory_space<vmem>>
        tpu.enqueue_dma source(%dma_start3A_482 : memref<64x256xf32, #tpu.memory_space<vmem>>) target(%dma_start3A_478 : memref<64x256xf32, #tpu.memory_space<hbm>>) target_semaphore(%run_scoped3A_466 : memref<!tpu.dma_semaphore, #tpu.memory_space<semaphore_mem>>)
        %dma_wait3A_483 = arith.constant 0 : i32
        %dma_wait3A_484 = arith.constant 0 : i32
        %dma_wait3A_485 = tpu.memref_slice %arg10[%run_scoped3A_465, %dma_wait3A_483, %dma_wait3A_484] : memref<2x64x256xf32, #tpu.memory_space<vmem>> -> memref<1x64x256xf32, #tpu.memory_space<vmem>>
        %dma_wait3A_486 = tpu.memref_squeeze %dma_wait3A_485 : memref<1x64x256xf32, #tpu.memory_space<vmem>> -> memref<64x256xf32, #tpu.memory_space<vmem>>
        %dma_wait3A_487 = arith.constant 0 : i32
        %dma_wait3A_488 = arith.constant 0 : i32
        %dma_wait3A_489 = tpu.memref_slice %arg7[%add3A_464, %dma_wait3A_487, %dma_wait3A_488] : memref<4096x64x256xf32, #tpu.memory_space<hbm>> -> memref<1x64x256xf32, #tpu.memory_space<hbm>>
        %dma_wait3A_490 = tpu.memref_squeeze %dma_wait3A_489 : memref<1x64x256xf32, #tpu.memory_space<hbm>> -> memref<64x256xf32, #tpu.memory_space<hbm>>
        %dma_wait3A_491 = arith.constant 0 : i32
        %dma_wait3A_492 = arith.constant 0 : i32
        %dma_wait3A_493 = tpu.memref_slice %arg7[%add3A_464, %dma_wait3A_491, %dma_wait3A_492] : memref<4096x64x256xf32, #tpu.memory_space<hbm>> -> memref<1x64x256xf32, #tpu.memory_space<hbm>>
        %dma_wait3A_494 = tpu.memref_squeeze %dma_wait3A_493 : memref<1x64x256xf32, #tpu.memory_space<hbm>> -> memref<64x256xf32, #tpu.memory_space<hbm>>
        %dma_wait3A_495 = arith.constant 0 : i32
        %dma_wait3A_496 = arith.constant 0 : i32
        %dma_wait3A_497 = tpu.memref_slice %arg10[%run_scoped3A_465, %dma_wait3A_495, %dma_wait3A_496] : memref<2x64x256xf32, #tpu.memory_space<vmem>> -> memref<1x64x256xf32, #tpu.memory_space<vmem>>
        %dma_wait3A_498 = tpu.memref_squeeze %dma_wait3A_497 : memref<1x64x256xf32, #tpu.memory_space<vmem>> -> memref<64x256xf32, #tpu.memory_space<vmem>>
        tpu.wait_dma2 semaphore(%run_scoped3A_466 : memref<!tpu.dma_semaphore, #tpu.memory_space<semaphore_mem>>) src(%dma_wait3A_498 : memref<64x256xf32, #tpu.memory_space<vmem>>) dst(%dma_wait3A_494 : memref<64x256xf32, #tpu.memory_space<hbm>>)
        tpu.yield
      }) : () -> ()
    }
    %scan3A_4 = arith.constant 16 : i32
    return
  }
}

module attributes {stable_mosaic.version = 14 : i64} {
  func.func @_tc_pre_body(%arg0: i32, %arg1: memref<2000x8xf32, #tpu.memory_space<vmem>>, %arg2: memref<8x128xf32, #tpu.memory_space<vmem>>, %arg3: memref<128x128xf32, #tpu.memory_space<vmem>>, %arg4: memref<128x128xf32, #tpu.memory_space<vmem>>, %arg5: memref<2000x256xf32, #tpu.memory_space<vmem>>, %arg6: memref<2000x128xf32, #tpu.memory_space<vmem>>) attributes {dimension_semantics = [#tpu.dimension_semantics<arbitrary>], iteration_bounds = array<i64: 128>, scalar_prefetch = 0 : i64, scratch_operands = 0 : i64, tpu.core_type = #tpu.core_type<tc>, window_params = [{transform_indices = @transform_0, window_bounds = array<i64: 2000, 8>}, {pipeline_mode = #tpu.pipeline_mode<synchronous>, transform_indices = @transform_1, window_bounds = array<i64: 8, 128>}, {pipeline_mode = #tpu.pipeline_mode<synchronous>, transform_indices = @transform_2, window_bounds = array<i64: 128, 128>}, {pipeline_mode = #tpu.pipeline_mode<synchronous>, transform_indices = @transform_3, window_bounds = array<i64: 128, 128>}, {transform_indices = @transform_4, window_bounds = array<i64: 2000, 256>}, {transform_indices = @transform_5, window_bounds = array<i64: 2000, 128>}]} {
    %get3A = arith.constant 0 : index
    %get3A_0 = arith.constant 0 : index
    %get3A_1 = vector.load %arg1[%get3A, %get3A_0] : memref<2000x8xf32, #tpu.memory_space<vmem>>, vector<2000x8xf32>
    %get3A_2 = arith.constant 0 : index
    %get3A_3 = arith.constant 0 : index
    %get3A_4 = vector.load %arg2[%get3A_2, %get3A_3] : memref<8x128xf32, #tpu.memory_space<vmem>>, vector<8x128xf32>
    %dot_general3A = arith.constant dense<0.000000e+00> : vector<2000x128xf32>
    %dot_general3A_5 = tpu.matmul %get3A_1, %get3A_4, %dot_general3A {dimension_numbers = #tpu.dot_dimension_numbers<[1], [0], [0], [1], [0, 0, 1, 1], [], []>, transpose_lhs_hint = false} : vector<2000x8xf32>, vector<8x128xf32>, vector<2000x128xf32> -> vector<2000x128xf32>
    %swap3A = arith.constant 0 : index
    %swap3A_6 = arith.constant 0 : index
    %swap3A_7 = vector.load %arg5[%swap3A, %swap3A_6] : memref<2000x256xf32, #tpu.memory_space<vmem>>, vector<2000x128xf32>
    tpu.vector_store %arg5[%swap3A, %swap3A_6], %dot_general3A_5 {strides = array<i32>} : memref<2000x256xf32, #tpu.memory_space<vmem>>, vector<2000x128xf32>,
    %get3A_8 = arith.constant 0 : index
    %get3A_9 = arith.constant 0 : index
    %get3A_10 = vector.load %arg3[%get3A_8, %get3A_9] : memref<128x128xf32, #tpu.memory_space<vmem>>, vector<128x128xf32>
    %dot_general3A_11 = arith.constant dense<0.000000e+00> : vector<2000x128xf32>
    %dot_general3A_12 = tpu.matmul %dot_general3A_5, %get3A_10, %dot_general3A_11 {dimension_numbers = #tpu.dot_dimension_numbers<[1], [0], [0], [1], [0, 0, 1, 1], [], []>, transpose_lhs_hint = false} : vector<2000x128xf32>, vector<128x128xf32>, vector<2000x128xf32> -> vector<2000x128xf32>
    %swap3A_13 = arith.constant 0 : index
    %swap3A_14 = arith.constant 128 : index
    %swap3A_15 = vector.load %arg5[%swap3A_13, %swap3A_14] : memref<2000x256xf32, #tpu.memory_space<vmem>>, vector<2000x128xf32>
    tpu.vector_store %arg5[%swap3A_13, %swap3A_14], %dot_general3A_12 {strides = array<i32>} : memref<2000x256xf32, #tpu.memory_space<vmem>>, vector<2000x128xf32>,
    %get3A_16 = arith.constant 0 : index
    %get3A_17 = arith.constant 0 : index
    %get3A_18 = vector.load %arg4[%get3A_16, %get3A_17] : memref<128x128xf32, #tpu.memory_space<vmem>>, vector<128x128xf32>
    %dot_general3A_19 = arith.constant dense<0.000000e+00> : vector<2000x128xf32>
    %dot_general3A_20 = tpu.matmul %dot_general3A_5, %get3A_18, %dot_general3A_19 {dimension_numbers = #tpu.dot_dimension_numbers<[1], [0], [0], [1], [0, 0, 1, 1], [], []>, transpose_lhs_hint = false} : vector<2000x128xf32>, vector<128x128xf32>, vector<2000x128xf32> -> vector<2000x128xf32>
    %swap3A_21 = arith.constant 0 : index
    %swap3A_22 = arith.constant 0 : index
    %swap3A_23 = vector.load %arg6[%swap3A_21, %swap3A_22] : memref<2000x128xf32, #tpu.memory_space<vmem>>, vector<2000x128xf32>
    tpu.vector_store %arg6[%swap3A_21, %swap3A_22], %dot_general3A_20 {strides = array<i32>} : memref<2000x128xf32, #tpu.memory_space<vmem>>, vector<2000x128xf32>,
    return
  }
  func.func @transform_0(%arg0: i32) -> (i32, i32) {
    %c0_i32 = arith.constant 0 : i32
    %c0_i32_0 = arith.constant 0 : i32
    return %arg0, %c0_i32 : i32, i32
  }
  func.func @transform_1(%arg0: i32) -> (i32, i32) {
    %c0_i32 = arith.constant 0 : i32
    %c0_i32_0 = arith.constant 0 : i32
    %c0_i32_1 = arith.constant 0 : i32
    return %c0_i32, %c0_i32_0 : i32, i32
  }
  func.func @transform_2(%arg0: i32) -> (i32, i32) {
    %c0_i32 = arith.constant 0 : i32
    %c0_i32_0 = arith.constant 0 : i32
    %c0_i32_1 = arith.constant 0 : i32
    return %c0_i32, %c0_i32_0 : i32, i32
  }
  func.func @transform_3(%arg0: i32) -> (i32, i32) {
    %c0_i32 = arith.constant 0 : i32
    %c0_i32_0 = arith.constant 0 : i32
    %c0_i32_1 = arith.constant 0 : i32
    return %c0_i32, %c0_i32_0 : i32, i32
  }
  func.func @transform_4(%arg0: i32) -> (i32, i32) {
    %c0_i32 = arith.constant 0 : i32
    %c0_i32_0 = arith.constant 0 : i32
    return %arg0, %c0_i32 : i32, i32
  }
  func.func @transform_5(%arg0: i32) -> (i32, i32) {
    %c0_i32 = arith.constant 0 : i32
    %c0_i32_0 = arith.constant 0 : i32
    return %arg0, %c0_i32 : i32, i32
  }
}

module attributes {stable_mosaic.version = 14 : i64} {
  func.func @_tc_agg1_body(%arg0: i32, %arg1: memref<1x1024x256xf32, #tpu.memory_space<vmem>>, %arg2: memref<1x1x1024xi32, #tpu.memory_space<vmem>>, %arg3: memref<1x1024x16xf32, #tpu.memory_space<vmem>>, %arg4: memref<1x128xf32, #tpu.memory_space<vmem>>, %arg5: memref<128x128xf32, #tpu.memory_space<vmem>>, %arg6: memref<128x128xf32, #tpu.memory_space<vmem>>, %arg7: memref<128x128xf32, #tpu.memory_space<vmem>>, %arg8: memref<1x1000x256xf32, #tpu.memory_space<vmem>>, %arg9: memref<1x1000x128xf32, #tpu.memory_space<vmem>>, %arg10: memref<1x1000x16xf32, #tpu.memory_space<vmem>>) attributes {dimension_semantics = [#tpu.dimension_semantics<arbitrary>], iteration_bounds = array<i64: 256>, scalar_prefetch = 0 : i64, scratch_operands = 0 : i64, tpu.core_type = #tpu.core_type<tc>, window_params = [{transform_indices = @transform_0, window_bounds = array<i64: 1, 1024, 256>}, {transform_indices = @transform_1, window_bounds = array<i64: 1, 1, 1024>}, {transform_indices = @transform_2, window_bounds = array<i64: 1, 1024, 16>}, {pipeline_mode = #tpu.pipeline_mode<synchronous>, transform_indices = @transform_3, window_bounds = array<i64: 1, 128>}, {pipeline_mode = #tpu.pipeline_mode<synchronous>, transform_indices = @transform_4, window_bounds = array<i64: 128, 128>}, {pipeline_mode = #tpu.pipeline_mode<synchronous>, transform_indices = @transform_5, window_bounds = array<i64: 128, 128>}, {pipeline_mode = #tpu.pipeline_mode<synchronous>, transform_indices = @transform_6, window_bounds = array<i64: 128, 128>}, {transform_indices = @transform_7, window_bounds = array<i64: 1, 1000, 256>}, {transform_indices = @transform_8, window_bounds = array<i64: 1, 1000, 128>}, {transform_indices = @transform_9, window_bounds = array<i64: 1, 1000, 16>}]} {
    %get3A = arith.constant 0 : index
    %get3A_0 = arith.constant 0 : index
    %get3A_1 = arith.constant 0 : index
    %get3A_2 = vector.load %arg2[%get3A, %get3A_0, %get3A_1] : memref<1x1x1024xi32, #tpu.memory_space<vmem>>, vector<1x1x1024xi32>
    %get3A_3 = vector.shape_cast %get3A_2 : vector<1x1x1024xi32> to vector<1x1024xi32>
    %iota3A = tpu.iota {dimensions = array<i32: 0>} : vector<1000x1024xi32>
    %eq3A = vector.broadcast %get3A_3 : vector<1x1024xi32> to vector<1000x1024xi32>
    %eq3A_4 = arith.cmpi eq, %iota3A, %eq3A : vector<1000x1024xi32>
    %convert_element_type3A = arith.extui %eq3A_4 : vector<1000x1024xi1> to vector<1000x1024xi32>
    %convert_element_type3A_5 = arith.sitofp %convert_element_type3A : vector<1000x1024xi32> to vector<1000x1024xf32>
    %convert_element_type3A_6 = arith.truncf %convert_element_type3A_5 : vector<1000x1024xf32> to vector<1000x1024xbf16>
    %get3A_7 = arith.constant 0 : index
    %get3A_8 = arith.constant 0 : index
    %get3A_9 = arith.constant 0 : index
    %get3A_10 = vector.load %arg1[%get3A_7, %get3A_8, %get3A_9] : memref<1x1024x256xf32, #tpu.memory_space<vmem>>, vector<1x1024x256xf32>
    %get3A_11 = vector.shape_cast %get3A_10 : vector<1x1024x256xf32> to vector<1024x256xf32>
    %convert_element_type3A_12 = arith.truncf %get3A_11 : vector<1024x256xf32> to vector<1024x256xbf16>
    %dot_general3A = arith.constant dense<0.000000e+00> : vector<1000x256xf32>
    %dot_general3A_13 = tpu.matmul %convert_element_type3A_6, %convert_element_type3A_12, %dot_general3A {dimension_numbers = #tpu.dot_dimension_numbers<[1], [0], [0], [1], [0, 0, 1, 1], [], []>, transpose_lhs_hint = false} : vector<1000x1024xbf16>, vector<1024x256xbf16>, vector<1000x256xf32> -> vector<1000x256xf32>
    %get3A_14 = arith.constant 0 : index
    %get3A_15 = arith.constant 0 : index
    %get3A_16 = arith.constant 0 : index
    %get3A_17 = vector.load %arg3[%get3A_14, %get3A_15, %get3A_16] : memref<1x1024x16xf32, #tpu.memory_space<vmem>>, vector<1x1024x16xf32>
    %get3A_18 = vector.shape_cast %get3A_17 : vector<1x1024x16xf32> to vector<1024x16xf32>
    %convert_element_type3A_19 = arith.truncf %get3A_18 : vector<1024x16xf32> to vector<1024x16xbf16>
    %dot_general3A_20 = arith.constant dense<0.000000e+00> : vector<1000x16xf32>
    %dot_general3A_21 = tpu.matmul %convert_element_type3A_6, %convert_element_type3A_19, %dot_general3A_20 {dimension_numbers = #tpu.dot_dimension_numbers<[1], [0], [0], [1], [0, 0, 1, 1], [], []>, transpose_lhs_hint = false} : vector<1000x1024xbf16>, vector<1024x16xbf16>, vector<1000x16xf32> -> vector<1000x16xf32>
    %swap3A = arith.constant 0 : index
    %swap3A_22 = arith.constant 0 : index
    %swap3A_23 = arith.constant 0 : index
    %swap3A_24 = vector.load %arg10[%swap3A, %swap3A_22, %swap3A_23] : memref<1x1000x16xf32, #tpu.memory_space<vmem>>, vector<1x1000x16xf32>
    %swap3A_25 = vector.shape_cast %swap3A_24 : vector<1x1000x16xf32> to vector<1000x16xf32>
    %swap3A_26 = vector.shape_cast %dot_general3A_21 : vector<1000x16xf32> to vector<1x1000x16xf32>
    tpu.vector_store %arg10[%swap3A, %swap3A_22, %swap3A_23], %swap3A_26 {strides = array<i32>} : memref<1x1000x16xf32, #tpu.memory_space<vmem>>, vector<1x1000x16xf32>,
    %slice3A = vector.extract_strided_slice %dot_general3A_13 {offsets = [0, 0], sizes = [1000, 128], strides = [1, 1]} : vector<1000x256xf32> to vector<1000x128xf32>
    %slice3A_27 = vector.extract_strided_slice %dot_general3A_13 {offsets = [0, 128], sizes = [1000, 128], strides = [1, 1]} : vector<1000x256xf32> to vector<1000x128xf32>
    %add3A = arith.constant 1.000000e-16 : f32
    %add3A_28 = vector.broadcast %add3A : f32 to vector<1000x128xf32>
    %add3A_29 = arith.addf %slice3A_27, %add3A_28 : vector<1000x128xf32>
    %div3A = arith.divf %slice3A, %add3A_29 : vector<1000x128xf32>
    %get3A_30 = arith.constant 0 : index
    %get3A_31 = arith.constant 0 : index
    %get3A_32 = vector.load %arg4[%get3A_30, %get3A_31] : memref<1x128xf32, #tpu.memory_space<vmem>>, vector<1x128xf32>
    %add3A_33 = vector.broadcast %get3A_32 : vector<1x128xf32> to vector<1000x128xf32>
    %add3A_34 = arith.addf %div3A, %add3A_33 : vector<1000x128xf32>
    %max3A = arith.constant 0.000000e+00 : f32
    %max3A_35 = vector.broadcast %max3A : f32 to vector<1000x128xf32>
    %max3A_36 = arith.maximumf %add3A_34, %max3A_35 : vector<1000x128xf32>
    %get3A_37 = arith.constant 0 : index
    %get3A_38 = arith.constant 0 : index
    %get3A_39 = vector.load %arg5[%get3A_37, %get3A_38] : memref<128x128xf32, #tpu.memory_space<vmem>>, vector<128x128xf32>
    %dot_general3A_40 = arith.constant dense<0.000000e+00> : vector<1000x128xf32>
    %dot_general3A_41 = tpu.matmul %max3A_36, %get3A_39, %dot_general3A_40 {dimension_numbers = #tpu.dot_dimension_numbers<[1], [0], [0], [1], [0, 0, 1, 1], [], []>, transpose_lhs_hint = false} : vector<1000x128xf32>, vector<128x128xf32>, vector<1000x128xf32> -> vector<1000x128xf32>
    %swap3A_42 = arith.constant 0 : index
    %swap3A_43 = arith.constant 0 : index
    %swap3A_44 = arith.constant 0 : index
    %swap3A_45 = vector.load %arg8[%swap3A_42, %swap3A_43, %swap3A_44] : memref<1x1000x256xf32, #tpu.memory_space<vmem>>, vector<1x1000x128xf32>
    %swap3A_46 = vector.shape_cast %swap3A_45 : vector<1x1000x128xf32> to vector<1000x128xf32>
    %swap3A_47 = vector.shape_cast %dot_general3A_41 : vector<1000x128xf32> to vector<1x1000x128xf32>
    tpu.vector_store %arg8[%swap3A_42, %swap3A_43, %swap3A_44], %swap3A_47 {strides = array<i32>} : memref<1x1000x256xf32, #tpu.memory_space<vmem>>, vector<1x1000x128xf32>,
    %get3A_48 = arith.constant 0 : index
    %get3A_49 = arith.constant 0 : index
    %get3A_50 = vector.load %arg6[%get3A_48, %get3A_49] : memref<128x128xf32, #tpu.memory_space<vmem>>, vector<128x128xf32>
    %dot_general3A_51 = arith.constant dense<0.000000e+00> : vector<1000x128xf32>
    %dot_general3A_52 = tpu.matmul %dot_general3A_41, %get3A_50, %dot_general3A_51 {dimension_numbers = #tpu.dot_dimension_numbers<[1], [0], [0], [1], [0, 0, 1, 1], [], []>, transpose_lhs_hint = false} : vector<1000x128xf32>, vector<128x128xf32>, vector<1000x128xf32> -> vector<1000x128xf32>
    %swap3A_53 = arith.constant 0 : index
    %swap3A_54 = arith.constant 0 : index
    %swap3A_55 = arith.constant 128 : index
    %swap3A_56 = vector.load %arg8[%swap3A_53, %swap3A_54, %swap3A_55] : memref<1x1000x256xf32, #tpu.memory_space<vmem>>, vector<1x1000x128xf32>
    %swap3A_57 = vector.shape_cast %swap3A_56 : vector<1x1000x128xf32> to vector<1000x128xf32>
    %swap3A_58 = vector.shape_cast %dot_general3A_52 : vector<1000x128xf32> to vector<1x1000x128xf32>
    tpu.vector_store %arg8[%swap3A_53, %swap3A_54, %swap3A_55], %swap3A_58 {strides = array<i32>} : memref<1x1000x256xf32, #tpu.memory_space<vmem>>, vector<1x1000x128xf32>,
    %get3A_59 = arith.constant 0 : index
    %get3A_60 = arith.constant 0 : index
    %get3A_61 = vector.load %arg7[%get3A_59, %get3A_60] : memref<128x128xf32, #tpu.memory_space<vmem>>, vector<128x128xf32>
    %dot_general3A_62 = arith.constant dense<0.000000e+00> : vector<1000x128xf32>
    %dot_general3A_63 = tpu.matmul %dot_general3A_41, %get3A_61, %dot_general3A_62 {dimension_numbers = #tpu.dot_dimension_numbers<[1], [0], [0], [1], [0, 0, 1, 1], [], []>, transpose_lhs_hint = false} : vector<1000x128xf32>, vector<128x128xf32>, vector<1000x128xf32> -> vector<1000x128xf32>
    %swap3A_64 = arith.constant 0 : index
    %swap3A_65 = arith.constant 0 : index
    %swap3A_66 = arith.constant 0 : index
    %swap3A_67 = vector.load %arg9[%swap3A_64, %swap3A_65, %swap3A_66] : memref<1x1000x128xf32, #tpu.memory_space<vmem>>, vector<1x1000x128xf32>
    %swap3A_68 = vector.shape_cast %swap3A_67 : vector<1x1000x128xf32> to vector<1000x128xf32>
    %swap3A_69 = vector.shape_cast %dot_general3A_63 : vector<1000x128xf32> to vector<1x1000x128xf32>
    tpu.vector_store %arg9[%swap3A_64, %swap3A_65, %swap3A_66], %swap3A_69 {strides = array<i32>} : memref<1x1000x128xf32, #tpu.memory_space<vmem>>, vector<1x1000x128xf32>,
    return
  }
  func.func @transform_0(%arg0: i32) -> (i32, i32, i32) {
    %c0_i32 = arith.constant 0 : i32
    %c0_i32_0 = arith.constant 0 : i32
    %c0_i32_1 = arith.constant 0 : i32
    return %arg0, %c0_i32, %c0_i32_0 : i32, i32, i32
  }
  func.func @transform_1(%arg0: i32) -> (i32, i32, i32) {
    %c0_i32 = arith.constant 0 : i32
    %c0_i32_0 = arith.constant 0 : i32
    %c0_i32_1 = arith.constant 0 : i32
    return %arg0, %c0_i32, %c0_i32_0 : i32, i32, i32
  }
  func.func @transform_2(%arg0: i32) -> (i32, i32, i32) {
    %c0_i32 = arith.constant 0 : i32
    %c0_i32_0 = arith.constant 0 : i32
    %c0_i32_1 = arith.constant 0 : i32
    return %arg0, %c0_i32, %c0_i32_0 : i32, i32, i32
  }
  func.func @transform_3(%arg0: i32) -> (i32, i32) {
    %c0_i32 = arith.constant 0 : i32
    %c0_i32_0 = arith.constant 0 : i32
    %c0_i32_1 = arith.constant 0 : i32
    return %c0_i32, %c0_i32_0 : i32, i32
  }
  func.func @transform_4(%arg0: i32) -> (i32, i32) {
    %c0_i32 = arith.constant 0 : i32
    %c0_i32_0 = arith.constant 0 : i32
    %c0_i32_1 = arith.constant 0 : i32
    return %c0_i32, %c0_i32_0 : i32, i32
  }
  func.func @transform_5(%arg0: i32) -> (i32, i32) {
    %c0_i32 = arith.constant 0 : i32
    %c0_i32_0 = arith.constant 0 : i32
    %c0_i32_1 = arith.constant 0 : i32
    return %c0_i32, %c0_i32_0 : i32, i32
  }
  func.func @transform_6(%arg0: i32) -> (i32, i32) {
    %c0_i32 = arith.constant 0 : i32
    %c0_i32_0 = arith.constant 0 : i32
    %c0_i32_1 = arith.constant 0 : i32
    return %c0_i32, %c0_i32_0 : i32, i32
  }
  func.func @transform_7(%arg0: i32) -> (i32, i32, i32) {
    %c0_i32 = arith.constant 0 : i32
    %c0_i32_0 = arith.constant 0 : i32
    %c0_i32_1 = arith.constant 0 : i32
    return %arg0, %c0_i32, %c0_i32_0 : i32, i32, i32
  }
  func.func @transform_8(%arg0: i32) -> (i32, i32, i32) {
    %c0_i32 = arith.constant 0 : i32
    %c0_i32_0 = arith.constant 0 : i32
    %c0_i32_1 = arith.constant 0 : i32
    return %arg0, %c0_i32, %c0_i32_0 : i32, i32, i32
  }
  func.func @transform_9(%arg0: i32) -> (i32, i32, i32) {
    %c0_i32 = arith.constant 0 : i32
    %c0_i32_0 = arith.constant 0 : i32
    %c0_i32_1 = arith.constant 0 : i32
    return %arg0, %c0_i32, %c0_i32_0 : i32, i32, i32
  }
}

module attributes {stable_mosaic.version = 14 : i64} {
  func.func @_tc_agg2_body(%arg0: i32, %arg1: memref<1x1024x256xf32, #tpu.memory_space<vmem>>, %arg2: memref<1x1x1024xi32, #tpu.memory_space<vmem>>, %arg3: memref<1x1000x256xf32, #tpu.memory_space<vmem>>, %arg4: memref<1x1000x128xf32, #tpu.memory_space<vmem>>, %arg5: memref<1x1000x16xf32, #tpu.memory_space<vmem>>, %arg6: memref<1x128xf32, #tpu.memory_space<vmem>>, %arg7: memref<1x128xf32, #tpu.memory_space<vmem>>, %arg8: memref<128x128xf32, #tpu.memory_space<vmem>>, %arg9: memref<128x128xf32, #tpu.memory_space<vmem>>, %arg10: memref<128x128xf32, #tpu.memory_space<vmem>>, %arg11: memref<1x1000x256xf32, #tpu.memory_space<vmem>>, %arg12: memref<1x1000x128xf32, #tpu.memory_space<vmem>>) attributes {dimension_semantics = [#tpu.dimension_semantics<arbitrary>], iteration_bounds = array<i64: 256>, scalar_prefetch = 0 : i64, scratch_operands = 0 : i64, tpu.core_type = #tpu.core_type<tc>, window_params = [{transform_indices = @transform_0, window_bounds = array<i64: 1, 1024, 256>}, {transform_indices = @transform_1, window_bounds = array<i64: 1, 1, 1024>}, {transform_indices = @transform_2, window_bounds = array<i64: 1, 1000, 256>}, {transform_indices = @transform_3, window_bounds = array<i64: 1, 1000, 128>}, {transform_indices = @transform_4, window_bounds = array<i64: 1, 1000, 16>}, {pipeline_mode = #tpu.pipeline_mode<synchronous>, transform_indices = @transform_5, window_bounds = array<i64: 1, 128>}, {pipeline_mode = #tpu.pipeline_mode<synchronous>, transform_indices = @transform_6, window_bounds = array<i64: 1, 128>}, {pipeline_mode = #tpu.pipeline_mode<synchronous>, transform_indices = @transform_7, window_bounds = array<i64: 128, 128>}, {pipeline_mode = #tpu.pipeline_mode<synchronous>, transform_indices = @transform_8, window_bounds = array<i64: 128, 128>}, {pipeline_mode = #tpu.pipeline_mode<synchronous>, transform_indices = @transform_9, window_bounds = array<i64: 128, 128>}, {transform_indices = @transform_10, window_bounds = array<i64: 1, 1000, 256>}, {transform_indices = @transform_11, window_bounds = array<i64: 1, 1000, 128>}]} {
    %get3A = arith.constant 0 : index
    %get3A_0 = arith.constant 0 : index
    %get3A_1 = arith.constant 0 : index
    %get3A_2 = vector.load %arg2[%get3A, %get3A_0, %get3A_1] : memref<1x1x1024xi32, #tpu.memory_space<vmem>>, vector<1x1x1024xi32>
    %get3A_3 = vector.shape_cast %get3A_2 : vector<1x1x1024xi32> to vector<1x1024xi32>
    %iota3A = tpu.iota {dimensions = array<i32: 0>} : vector<1000x1024xi32>
    %eq3A = vector.broadcast %get3A_3 : vector<1x1024xi32> to vector<1000x1024xi32>
    %eq3A_4 = arith.cmpi eq, %iota3A, %eq3A : vector<1000x1024xi32>
    %convert_element_type3A = arith.extui %eq3A_4 : vector<1000x1024xi1> to vector<1000x1024xi32>
    %convert_element_type3A_5 = arith.sitofp %convert_element_type3A : vector<1000x1024xi32> to vector<1000x1024xf32>
    %convert_element_type3A_6 = arith.truncf %convert_element_type3A_5 : vector<1000x1024xf32> to vector<1000x1024xbf16>
    %get3A_7 = arith.constant 0 : index
    %get3A_8 = arith.constant 0 : index
    %get3A_9 = arith.constant 0 : index
    %get3A_10 = vector.load %arg1[%get3A_7, %get3A_8, %get3A_9] : memref<1x1024x256xf32, #tpu.memory_space<vmem>>, vector<1x1024x256xf32>
    %get3A_11 = vector.shape_cast %get3A_10 : vector<1x1024x256xf32> to vector<1024x256xf32>
    %convert_element_type3A_12 = arith.truncf %get3A_11 : vector<1024x256xf32> to vector<1024x256xbf16>
    %dot_general3A = arith.constant dense<0.000000e+00> : vector<1000x256xf32>
    %dot_general3A_13 = tpu.matmul %convert_element_type3A_6, %convert_element_type3A_12, %dot_general3A {dimension_numbers = #tpu.dot_dimension_numbers<[1], [0], [0], [1], [0, 0, 1, 1], [], []>, transpose_lhs_hint = false} : vector<1000x1024xbf16>, vector<1024x256xbf16>, vector<1000x256xf32> -> vector<1000x256xf32>
    %get3A_14 = arith.constant 0 : index
    %get3A_15 = arith.constant 0 : index
    %get3A_16 = arith.constant 0 : index
    %get3A_17 = vector.load %arg3[%get3A_14, %get3A_15, %get3A_16] : memref<1x1000x256xf32, #tpu.memory_space<vmem>>, vector<1x1000x128xf32>
    %get3A_18 = vector.shape_cast %get3A_17 : vector<1x1000x128xf32> to vector<1000x128xf32>
    %get3A_19 = arith.constant 0 : index
    %get3A_20 = arith.constant 0 : index
    %get3A_21 = arith.constant 128 : index
    %get3A_22 = vector.load %arg3[%get3A_19, %get3A_20, %get3A_21] : memref<1x1000x256xf32, #tpu.memory_space<vmem>>, vector<1x1000x128xf32>
    %get3A_23 = vector.shape_cast %get3A_22 : vector<1x1000x128xf32> to vector<1000x128xf32>
    %get3A_24 = arith.constant 0 : index
    %get3A_25 = arith.constant 0 : index
    %get3A_26 = arith.constant 0 : index
    %get3A_27 = vector.load %arg4[%get3A_24, %get3A_25, %get3A_26] : memref<1x1000x128xf32, #tpu.memory_space<vmem>>, vector<1x1000x128xf32>
    %get3A_28 = vector.shape_cast %get3A_27 : vector<1x1000x128xf32> to vector<1000x128xf32>
    %get3A_29 = arith.constant 0 : index
    %get3A_30 = arith.constant 0 : index
    %get3A_31 = arith.constant 0 : index
    %get3A_32 = vector.load %arg5[%get3A_29, %get3A_30, %get3A_31] : memref<1x1000x16xf32, #tpu.memory_space<vmem>>, vector<1x1000x1xf32>
    %get3A_33 = vector.shape_cast %get3A_32 : vector<1x1000x1xf32> to vector<1000x1xf32>
    %get3A_34 = arith.constant 0 : index
    %get3A_35 = arith.constant 0 : index
    %get3A_36 = arith.constant 1 : index
    %get3A_37 = vector.load %arg5[%get3A_34, %get3A_35, %get3A_36] : memref<1x1000x16xf32, #tpu.memory_space<vmem>>, vector<1x1000x1xf32>
    %get3A_38 = vector.shape_cast %get3A_37 : vector<1x1000x1xf32> to vector<1000x1xf32>
    %max3A = arith.constant 1.000000e+00 : f32
    %max3A_39 = vector.broadcast %max3A : f32 to vector<1000x1xf32>
    %max3A_40 = arith.maximumf %get3A_38, %max3A_39 : vector<1000x1xf32>
    %div3A = arith.divf %get3A_33, %max3A_40 : vector<1000x1xf32>
    %add3A = arith.addf %get3A_23, %get3A_28 : vector<1000x128xf32>
    %get3A_41 = arith.constant 0 : index
    %get3A_42 = arith.constant 0 : index
    %get3A_43 = vector.load %arg6[%get3A_41, %get3A_42] : memref<1x128xf32, #tpu.memory_space<vmem>>, vector<1x128xf32>
    %mul3A = vector.broadcast %div3A : vector<1000x1xf32> to vector<1000x128xf32>
    %mul3A_44 = vector.broadcast %get3A_43 : vector<1x128xf32> to vector<1000x128xf32>
    %mul3A_45 = arith.mulf %mul3A, %mul3A_44 : vector<1000x128xf32>
    %add3A_46 = arith.addf %add3A, %mul3A_45 : vector<1000x128xf32>
    %mul3A_47 = arith.constant 2.000000e-01 : f32
    %mul3A_48 = vector.broadcast %mul3A_47 : f32 to vector<1000x128xf32>
    %mul3A_49 = arith.mulf %mul3A_48, %add3A_46 : vector<1000x128xf32>
    %max3A_50 = arith.maximumf %add3A_46, %mul3A_49 : vector<1000x128xf32>
    %exp3A = math.exp %max3A_50 : vector<1000x128xf32>
    %slice3A = vector.extract_strided_slice %dot_general3A_13 {offsets = [0, 0], sizes = [1000, 128], strides = [1, 1]} : vector<1000x256xf32> to vector<1000x128xf32>
    %mul3A_51 = arith.mulf %get3A_18, %exp3A : vector<1000x128xf32>
    %add3A_52 = arith.addf %slice3A, %mul3A_51 : vector<1000x128xf32>
    %slice3A_53 = vector.extract_strided_slice %dot_general3A_13 {offsets = [0, 128], sizes = [1000, 128], strides = [1, 1]} : vector<1000x256xf32> to vector<1000x128xf32>
    %add3A_54 = arith.addf %slice3A_53, %exp3A : vector<1000x128xf32>
    %add3A_55 = arith.constant 1.000000e-16 : f32
    %add3A_56 = vector.broadcast %add3A_55 : f32 to vector<1000x128xf32>
    %add3A_57 = arith.addf %add3A_54, %add3A_56 : vector<1000x128xf32>
    %div3A_58 = arith.divf %add3A_52, %add3A_57 : vector<1000x128xf32>
    %get3A_59 = arith.constant 0 : index
    %get3A_60 = arith.constant 0 : index
    %get3A_61 = vector.load %arg7[%get3A_59, %get3A_60] : memref<1x128xf32, #tpu.memory_space<vmem>>, vector<1x128xf32>
    %add3A_62 = vector.broadcast %get3A_61 : vector<1x128xf32> to vector<1000x128xf32>
    %add3A_63 = arith.addf %div3A_58, %add3A_62 : vector<1000x128xf32>
    %max3A_64 = arith.constant 0.000000e+00 : f32
    %max3A_65 = vector.broadcast %max3A_64 : f32 to vector<1000x128xf32>
    %max3A_66 = arith.maximumf %add3A_63, %max3A_65 : vector<1000x128xf32>
    %get3A_67 = arith.constant 0 : index
    %get3A_68 = arith.constant 0 : index
    %get3A_69 = vector.load %arg8[%get3A_67, %get3A_68] : memref<128x128xf32, #tpu.memory_space<vmem>>, vector<128x128xf32>
    %dot_general3A_70 = arith.constant dense<0.000000e+00> : vector<1000x128xf32>
    %dot_general3A_71 = tpu.matmul %max3A_66, %get3A_69, %dot_general3A_70 {dimension_numbers = #tpu.dot_dimension_numbers<[1], [0], [0], [1], [0, 0, 1, 1], [], []>, transpose_lhs_hint = false} : vector<1000x128xf32>, vector<128x128xf32>, vector<1000x128xf32> -> vector<1000x128xf32>
    %swap3A = arith.constant 0 : index
    %swap3A_72 = arith.constant 0 : index
    %swap3A_73 = arith.constant 0 : index
    %swap3A_74 = vector.load %arg11[%swap3A, %swap3A_72, %swap3A_73] : memref<1x1000x256xf32, #tpu.memory_space<vmem>>, vector<1x1000x128xf32>
    %swap3A_75 = vector.shape_cast %swap3A_74 : vector<1x1000x128xf32> to vector<1000x128xf32>
    %swap3A_76 = vector.shape_cast %dot_general3A_71 : vector<1000x128xf32> to vector<1x1000x128xf32>
    tpu.vector_store %arg11[%swap3A, %swap3A_72, %swap3A_73], %swap3A_76 {strides = array<i32>} : memref<1x1000x256xf32, #tpu.memory_space<vmem>>, vector<1x1000x128xf32>,
    %get3A_77 = arith.constant 0 : index
    %get3A_78 = arith.constant 0 : index
    %get3A_79 = vector.load %arg9[%get3A_77, %get3A_78] : memref<128x128xf32, #tpu.memory_space<vmem>>, vector<128x128xf32>
    %dot_general3A_80 = arith.constant dense<0.000000e+00> : vector<1000x128xf32>
    %dot_general3A_81 = tpu.matmul %dot_general3A_71, %get3A_79, %dot_general3A_80 {dimension_numbers = #tpu.dot_dimension_numbers<[1], [0], [0], [1], [0, 0, 1, 1], [], []>, transpose_lhs_hint = false} : vector<1000x128xf32>, vector<128x128xf32>, vector<1000x128xf32> -> vector<1000x128xf32>
    %swap3A_82 = arith.constant 0 : index
    %swap3A_83 = arith.constant 0 : index
    %swap3A_84 = arith.constant 128 : index
    %swap3A_85 = vector.load %arg11[%swap3A_82, %swap3A_83, %swap3A_84] : memref<1x1000x256xf32, #tpu.memory_space<vmem>>, vector<1x1000x128xf32>
    %swap3A_86 = vector.shape_cast %swap3A_85 : vector<1x1000x128xf32> to vector<1000x128xf32>
    %swap3A_87 = vector.shape_cast %dot_general3A_81 : vector<1000x128xf32> to vector<1x1000x128xf32>
    tpu.vector_store %arg11[%swap3A_82, %swap3A_83, %swap3A_84], %swap3A_87 {strides = array<i32>} : memref<1x1000x256xf32, #tpu.memory_space<vmem>>, vector<1x1000x128xf32>,
    %get3A_88 = arith.constant 0 : index
    %get3A_89 = arith.constant 0 : index
    %get3A_90 = vector.load %arg10[%get3A_88, %get3A_89] : memref<128x128xf32, #tpu.memory_space<vmem>>, vector<128x128xf32>
    %dot_general3A_91 = arith.constant dense<0.000000e+00> : vector<1000x128xf32>
    %dot_general3A_92 = tpu.matmul %dot_general3A_71, %get3A_90, %dot_general3A_91 {dimension_numbers = #tpu.dot_dimension_numbers<[1], [0], [0], [1], [0, 0, 1, 1], [], []>, transpose_lhs_hint = false} : vector<1000x128xf32>, vector<128x128xf32>, vector<1000x128xf32> -> vector<1000x128xf32>
    %swap3A_93 = arith.constant 0 : index
    %swap3A_94 = arith.constant 0 : index
    %swap3A_95 = arith.constant 0 : index
    %swap3A_96 = vector.load %arg12[%swap3A_93, %swap3A_94, %swap3A_95] : memref<1x1000x128xf32, #tpu.memory_space<vmem>>, vector<1x1000x128xf32>
    %swap3A_97 = vector.shape_cast %swap3A_96 : vector<1x1000x128xf32> to vector<1000x128xf32>
    %swap3A_98 = vector.shape_cast %dot_general3A_92 : vector<1000x128xf32> to vector<1x1000x128xf32>
    tpu.vector_store %arg12[%swap3A_93, %swap3A_94, %swap3A_95], %swap3A_98 {strides = array<i32>} : memref<1x1000x128xf32, #tpu.memory_space<vmem>>, vector<1x1000x128xf32>,
    return
  }
  func.func @transform_0(%arg0: i32) -> (i32, i32, i32) {
    %c0_i32 = arith.constant 0 : i32
    %c0_i32_0 = arith.constant 0 : i32
    %c0_i32_1 = arith.constant 0 : i32
    return %arg0, %c0_i32, %c0_i32_0 : i32, i32, i32
  }
  func.func @transform_1(%arg0: i32) -> (i32, i32, i32) {
    %c0_i32 = arith.constant 0 : i32
    %c0_i32_0 = arith.constant 0 : i32
    %c0_i32_1 = arith.constant 0 : i32
    return %arg0, %c0_i32, %c0_i32_0 : i32, i32, i32
  }
  func.func @transform_2(%arg0: i32) -> (i32, i32, i32) {
    %c0_i32 = arith.constant 0 : i32
    %c0_i32_0 = arith.constant 0 : i32
    %c0_i32_1 = arith.constant 0 : i32
    return %arg0, %c0_i32, %c0_i32_0 : i32, i32, i32
  }
  func.func @transform_3(%arg0: i32) -> (i32, i32, i32) {
    %c0_i32 = arith.constant 0 : i32
    %c0_i32_0 = arith.constant 0 : i32
    %c0_i32_1 = arith.constant 0 : i32
    return %arg0, %c0_i32, %c0_i32_0 : i32, i32, i32
  }
  func.func @transform_4(%arg0: i32) -> (i32, i32, i32) {
    %c0_i32 = arith.constant 0 : i32
    %c0_i32_0 = arith.constant 0 : i32
    %c0_i32_1 = arith.constant 0 : i32
    return %arg0, %c0_i32, %c0_i32_0 : i32, i32, i32
  }
  func.func @transform_5(%arg0: i32) -> (i32, i32) {
    %c0_i32 = arith.constant 0 : i32
    %c0_i32_0 = arith.constant 0 : i32
    %c0_i32_1 = arith.constant 0 : i32
    return %c0_i32, %c0_i32_0 : i32, i32
  }
  func.func @transform_6(%arg0: i32) -> (i32, i32) {
    %c0_i32 = arith.constant 0 : i32
    %c0_i32_0 = arith.constant 0 : i32
    %c0_i32_1 = arith.constant 0 : i32
    return %c0_i32, %c0_i32_0 : i32, i32
  }
  func.func @transform_7(%arg0: i32) -> (i32, i32) {
    %c0_i32 = arith.constant 0 : i32
    %c0_i32_0 = arith.constant 0 : i32
    %c0_i32_1 = arith.constant 0 : i32
    return %c0_i32, %c0_i32_0 : i32, i32
  }
  func.func @transform_8(%arg0: i32) -> (i32, i32) {
    %c0_i32 = arith.constant 0 : i32
    %c0_i32_0 = arith.constant 0 : i32
    %c0_i32_1 = arith.constant 0 : i32
    return %c0_i32, %c0_i32_0 : i32, i32
  }
  func.func @transform_9(%arg0: i32) -> (i32, i32) {
    %c0_i32 = arith.constant 0 : i32
    %c0_i32_0 = arith.constant 0 : i32
    %c0_i32_1 = arith.constant 0 : i32
    return %c0_i32, %c0_i32_0 : i32, i32
  }
  func.func @transform_10(%arg0: i32) -> (i32, i32, i32) {
    %c0_i32 = arith.constant 0 : i32
    %c0_i32_0 = arith.constant 0 : i32
    %c0_i32_1 = arith.constant 0 : i32
    return %arg0, %c0_i32, %c0_i32_0 : i32, i32, i32
  }
  func.func @transform_11(%arg0: i32) -> (i32, i32, i32) {
    %c0_i32 = arith.constant 0 : i32
    %c0_i32_0 = arith.constant 0 : i32
    %c0_i32_1 = arith.constant 0 : i32
    return %arg0, %c0_i32, %c0_i32_0 : i32, i32, i32
  }
}

module attributes {stable_mosaic.version = 14 : i64} {
  func.func @_tc_head_body(%arg0: i32, %arg1: memref<1x1024x256xf32, #tpu.memory_space<vmem>>, %arg2: memref<1x1x1024xi32, #tpu.memory_space<vmem>>, %arg3: memref<1x1000x256xf32, #tpu.memory_space<vmem>>, %arg4: memref<1x1000x128xf32, #tpu.memory_space<vmem>>, %arg5: memref<1x1000x16xf32, #tpu.memory_space<vmem>>, %arg6: memref<1x128xf32, #tpu.memory_space<vmem>>, %arg7: memref<1x128xf32, #tpu.memory_space<vmem>>, %arg8: memref<256x128xf32, #tpu.memory_space<vmem>>, %arg9: memref<1x128xf32, #tpu.memory_space<vmem>>, %arg10: memref<128x128xf32, #tpu.memory_space<vmem>>, %arg11: memref<1x128xf32, #tpu.memory_space<vmem>>, %arg12: memref<1x8x128xf32, #tpu.memory_space<vmem>>) attributes {dimension_semantics = [#tpu.dimension_semantics<arbitrary>], iteration_bounds = array<i64: 256>, scalar_prefetch = 0 : i64, scratch_operands = 0 : i64, tpu.core_type = #tpu.core_type<tc>, window_params = [{transform_indices = @transform_0, window_bounds = array<i64: 1, 1024, 256>}, {transform_indices = @transform_1, window_bounds = array<i64: 1, 1, 1024>}, {transform_indices = @transform_2, window_bounds = array<i64: 1, 1000, 256>}, {transform_indices = @transform_3, window_bounds = array<i64: 1, 1000, 128>}, {transform_indices = @transform_4, window_bounds = array<i64: 1, 1000, 16>}, {pipeline_mode = #tpu.pipeline_mode<synchronous>, transform_indices = @transform_5, window_bounds = array<i64: 1, 128>}, {pipeline_mode = #tpu.pipeline_mode<synchronous>, transform_indices = @transform_6, window_bounds = array<i64: 1, 128>}, {pipeline_mode = #tpu.pipeline_mode<synchronous>, transform_indices = @transform_7, window_bounds = array<i64: 256, 128>}, {pipeline_mode = #tpu.pipeline_mode<synchronous>, transform_indices = @transform_8, window_bounds = array<i64: 1, 128>}, {pipeline_mode = #tpu.pipeline_mode<synchronous>, transform_indices = @transform_9, window_bounds = array<i64: 128, 128>}, {pipeline_mode = #tpu.pipeline_mode<synchronous>, transform_indices = @transform_10, window_bounds = array<i64: 1, 128>}, {transform_indices = @transform_11, window_bounds = array<i64: 1, 8, 128>}]} {
    %get3A = arith.constant 0 : index
    %get3A_0 = arith.constant 0 : index
    %get3A_1 = arith.constant 0 : index
    %get3A_2 = vector.load %arg2[%get3A, %get3A_0, %get3A_1] : memref<1x1x1024xi32, #tpu.memory_space<vmem>>, vector<1x1x1024xi32>
    %get3A_3 = vector.shape_cast %get3A_2 : vector<1x1x1024xi32> to vector<1x1024xi32>
    %iota3A = tpu.iota {dimensions = array<i32: 0>} : vector<1000x1024xi32>
    %eq3A = vector.broadcast %get3A_3 : vector<1x1024xi32> to vector<1000x1024xi32>
    %eq3A_4 = arith.cmpi eq, %iota3A, %eq3A : vector<1000x1024xi32>
    %convert_element_type3A = arith.extui %eq3A_4 : vector<1000x1024xi1> to vector<1000x1024xi32>
    %convert_element_type3A_5 = arith.sitofp %convert_element_type3A : vector<1000x1024xi32> to vector<1000x1024xf32>
    %convert_element_type3A_6 = arith.truncf %convert_element_type3A_5 : vector<1000x1024xf32> to vector<1000x1024xbf16>
    %get3A_7 = arith.constant 0 : index
    %get3A_8 = arith.constant 0 : index
    %get3A_9 = arith.constant 0 : index
    %get3A_10 = vector.load %arg1[%get3A_7, %get3A_8, %get3A_9] : memref<1x1024x256xf32, #tpu.memory_space<vmem>>, vector<1x1024x256xf32>
    %get3A_11 = vector.shape_cast %get3A_10 : vector<1x1024x256xf32> to vector<1024x256xf32>
    %convert_element_type3A_12 = arith.truncf %get3A_11 : vector<1024x256xf32> to vector<1024x256xbf16>
    %dot_general3A = arith.constant dense<0.000000e+00> : vector<1000x256xf32>
    %dot_general3A_13 = tpu.matmul %convert_element_type3A_6, %convert_element_type3A_12, %dot_general3A {dimension_numbers = #tpu.dot_dimension_numbers<[1], [0], [0], [1], [0, 0, 1, 1], [], []>, transpose_lhs_hint = false} : vector<1000x1024xbf16>, vector<1024x256xbf16>, vector<1000x256xf32> -> vector<1000x256xf32>
    %get3A_14 = arith.constant 0 : index
    %get3A_15 = arith.constant 0 : index
    %get3A_16 = arith.constant 0 : index
    %get3A_17 = vector.load %arg3[%get3A_14, %get3A_15, %get3A_16] : memref<1x1000x256xf32, #tpu.memory_space<vmem>>, vector<1x1000x128xf32>
    %get3A_18 = vector.shape_cast %get3A_17 : vector<1x1000x128xf32> to vector<1000x128xf32>
    %get3A_19 = arith.constant 0 : index
    %get3A_20 = arith.constant 0 : index
    %get3A_21 = arith.constant 128 : index
    %get3A_22 = vector.load %arg3[%get3A_19, %get3A_20, %get3A_21] : memref<1x1000x256xf32, #tpu.memory_space<vmem>>, vector<1x1000x128xf32>
    %get3A_23 = vector.shape_cast %get3A_22 : vector<1x1000x128xf32> to vector<1000x128xf32>
    %get3A_24 = arith.constant 0 : index
    %get3A_25 = arith.constant 0 : index
    %get3A_26 = arith.constant 0 : index
    %get3A_27 = vector.load %arg4[%get3A_24, %get3A_25, %get3A_26] : memref<1x1000x128xf32, #tpu.memory_space<vmem>>, vector<1x1000x128xf32>
    %get3A_28 = vector.shape_cast %get3A_27 : vector<1x1000x128xf32> to vector<1000x128xf32>
    %get3A_29 = arith.constant 0 : index
    %get3A_30 = arith.constant 0 : index
    %get3A_31 = arith.constant 0 : index
    %get3A_32 = vector.load %arg5[%get3A_29, %get3A_30, %get3A_31] : memref<1x1000x16xf32, #tpu.memory_space<vmem>>, vector<1x1000x1xf32>
    %get3A_33 = vector.shape_cast %get3A_32 : vector<1x1000x1xf32> to vector<1000x1xf32>
    %get3A_34 = arith.constant 0 : index
    %get3A_35 = arith.constant 0 : index
    %get3A_36 = arith.constant 1 : index
    %get3A_37 = vector.load %arg5[%get3A_34, %get3A_35, %get3A_36] : memref<1x1000x16xf32, #tpu.memory_space<vmem>>, vector<1x1000x1xf32>
    %get3A_38 = vector.shape_cast %get3A_37 : vector<1x1000x1xf32> to vector<1000x1xf32>
    %max3A = arith.constant 1.000000e+00 : f32
    %max3A_39 = vector.broadcast %max3A : f32 to vector<1000x1xf32>
    %max3A_40 = arith.maximumf %get3A_38, %max3A_39 : vector<1000x1xf32>
    %div3A = arith.divf %get3A_33, %max3A_40 : vector<1000x1xf32>
    %add3A = arith.addf %get3A_23, %get3A_28 : vector<1000x128xf32>
    %get3A_41 = arith.constant 0 : index
    %get3A_42 = arith.constant 0 : index
    %get3A_43 = vector.load %arg6[%get3A_41, %get3A_42] : memref<1x128xf32, #tpu.memory_space<vmem>>, vector<1x128xf32>
    %mul3A = vector.broadcast %div3A : vector<1000x1xf32> to vector<1000x128xf32>
    %mul3A_44 = vector.broadcast %get3A_43 : vector<1x128xf32> to vector<1000x128xf32>
    %mul3A_45 = arith.mulf %mul3A, %mul3A_44 : vector<1000x128xf32>
    %add3A_46 = arith.addf %add3A, %mul3A_45 : vector<1000x128xf32>
    %mul3A_47 = arith.constant 2.000000e-01 : f32
    %mul3A_48 = vector.broadcast %mul3A_47 : f32 to vector<1000x128xf32>
    %mul3A_49 = arith.mulf %mul3A_48, %add3A_46 : vector<1000x128xf32>
    %max3A_50 = arith.maximumf %add3A_46, %mul3A_49 : vector<1000x128xf32>
    %exp3A = math.exp %max3A_50 : vector<1000x128xf32>
    %slice3A = vector.extract_strided_slice %dot_general3A_13 {offsets = [0, 0], sizes = [1000, 128], strides = [1, 1]} : vector<1000x256xf32> to vector<1000x128xf32>
    %mul3A_51 = arith.mulf %get3A_18, %exp3A : vector<1000x128xf32>
    %add3A_52 = arith.addf %slice3A, %mul3A_51 : vector<1000x128xf32>
    %slice3A_53 = vector.extract_strided_slice %dot_general3A_13 {offsets = [0, 128], sizes = [1000, 128], strides = [1, 1]} : vector<1000x256xf32> to vector<1000x128xf32>
    %add3A_54 = arith.addf %slice3A_53, %exp3A : vector<1000x128xf32>
    %add3A_55 = arith.constant 1.000000e-16 : f32
    %add3A_56 = vector.broadcast %add3A_55 : f32 to vector<1000x128xf32>
    %add3A_57 = arith.addf %add3A_54, %add3A_56 : vector<1000x128xf32>
    %div3A_58 = arith.divf %add3A_52, %add3A_57 : vector<1000x128xf32>
    %get3A_59 = arith.constant 0 : index
    %get3A_60 = arith.constant 0 : index
    %get3A_61 = vector.load %arg7[%get3A_59, %get3A_60] : memref<1x128xf32, #tpu.memory_space<vmem>>, vector<1x128xf32>
    %add3A_62 = vector.broadcast %get3A_61 : vector<1x128xf32> to vector<1000x128xf32>
    %add3A_63 = arith.addf %div3A_58, %add3A_62 : vector<1000x128xf32>
    %max3A_64 = arith.constant 0.000000e+00 : f32
    %max3A_65 = vector.broadcast %max3A_64 : f32 to vector<1000x128xf32>
    %max3A_66 = arith.maximumf %add3A_63, %max3A_65 : vector<1000x128xf32>
    %reduce_sum3A = arith.constant dense<0.000000e+00> : vector<128xf32>
    %reduce_sum3A_67 = vector.multi_reduction <add>, %max3A_66, %reduce_sum3A [0] : vector<1000x128xf32> to vector<128xf32>
    %broadcast_in_dim3A = vector.shape_cast %reduce_sum3A_67 : vector<128xf32> to vector<1x128xf32>
    %div3A_68 = arith.constant 1.000000e+03 : f32
    %div3A_69 = vector.broadcast %div3A_68 : f32 to vector<1x128xf32>
    %div3A_70 = arith.divf %broadcast_in_dim3A, %div3A_69 : vector<1x128xf32>
    %slice3A_71 = vector.extract_strided_slice %max3A_66 {offsets = [0, 0], sizes = [8, 128], strides = [1, 1]} : vector<1000x128xf32> to vector<8x128xf32>
    %broadcast_in_dim3A_72 = vector.shape_cast %div3A_70 : vector<1x128xf32> to vector<1x128xf32>
    %broadcast_in_dim3A_73 = vector.broadcast %broadcast_in_dim3A_72 : vector<1x128xf32> to vector<8x128xf32>
    %concatenate3A = tpu.concatenate %slice3A_71, %broadcast_in_dim3A_73 in 1 : vector<8x128xf32>, vector<8x128xf32> -> vector<8x256xf32>
    %get3A_74 = arith.constant 0 : index
    %get3A_75 = arith.constant 0 : index
    %get3A_76 = vector.load %arg8[%get3A_74, %get3A_75] : memref<256x128xf32, #tpu.memory_space<vmem>>, vector<256x128xf32>
    %dot_general3A_77 = arith.constant dense<0.000000e+00> : vector<8x128xf32>
    %dot_general3A_78 = tpu.matmul %concatenate3A, %get3A_76, %dot_general3A_77 {dimension_numbers = #tpu.dot_dimension_numbers<[1], [0], [0], [1], [0, 0, 1, 1], [], []>, transpose_lhs_hint = false} : vector<8x256xf32>, vector<256x128xf32>, vector<8x128xf32> -> vector<8x128xf32>
    %get3A_79 = arith.constant 0 : index
    %get3A_80 = arith.constant 0 : index
    %get3A_81 = vector.load %arg9[%get3A_79, %get3A_80] : memref<1x128xf32, #tpu.memory_space<vmem>>, vector<1x128xf32>
    %add3A_82 = vector.broadcast %get3A_81 : vector<1x128xf32> to vector<8x128xf32>
    %add3A_83 = arith.addf %dot_general3A_78, %add3A_82 : vector<8x128xf32>
    %max3A_84 = arith.constant 0.000000e+00 : f32
    %max3A_85 = vector.broadcast %max3A_84 : f32 to vector<8x128xf32>
    %max3A_86 = arith.maximumf %add3A_83, %max3A_85 : vector<8x128xf32>
    %get3A_87 = arith.constant 0 : index
    %get3A_88 = arith.constant 0 : index
    %get3A_89 = vector.load %arg10[%get3A_87, %get3A_88] : memref<128x128xf32, #tpu.memory_space<vmem>>, vector<128x128xf32>
    %dot_general3A_90 = arith.constant dense<0.000000e+00> : vector<8x128xf32>
    %dot_general3A_91 = tpu.matmul %max3A_86, %get3A_89, %dot_general3A_90 {dimension_numbers = #tpu.dot_dimension_numbers<[1], [0], [0], [1], [0, 0, 1, 1], [], []>, transpose_lhs_hint = false} : vector<8x128xf32>, vector<128x128xf32>, vector<8x128xf32> -> vector<8x128xf32>
    %get3A_92 = arith.constant 0 : index
    %get3A_93 = arith.constant 0 : index
    %get3A_94 = vector.load %arg11[%get3A_92, %get3A_93] : memref<1x128xf32, #tpu.memory_space<vmem>>, vector<1x128xf32>
    %add3A_95 = vector.broadcast %get3A_94 : vector<1x128xf32> to vector<8x128xf32>
    %add3A_96 = arith.addf %dot_general3A_91, %add3A_95 : vector<8x128xf32>
    %swap3A = arith.constant 0 : index
    %swap3A_97 = arith.constant 0 : index
    %swap3A_98 = arith.constant 0 : index
    %swap3A_99 = vector.load %arg12[%swap3A, %swap3A_97, %swap3A_98] : memref<1x8x128xf32, #tpu.memory_space<vmem>>, vector<1x8x128xf32>
    %swap3A_100 = vector.shape_cast %swap3A_99 : vector<1x8x128xf32> to vector<8x128xf32>
    %swap3A_101 = vector.shape_cast %add3A_96 : vector<8x128xf32> to vector<1x8x128xf32>
    tpu.vector_store %arg12[%swap3A, %swap3A_97, %swap3A_98], %swap3A_101 {strides = array<i32>} : memref<1x8x128xf32, #tpu.memory_space<vmem>>, vector<1x8x128xf32>,
    return
  }
  func.func @transform_0(%arg0: i32) -> (i32, i32, i32) {
    %c0_i32 = arith.constant 0 : i32
    %c0_i32_0 = arith.constant 0 : i32
    %c0_i32_1 = arith.constant 0 : i32
    return %arg0, %c0_i32, %c0_i32_0 : i32, i32, i32
  }
  func.func @transform_1(%arg0: i32) -> (i32, i32, i32) {
    %c0_i32 = arith.constant 0 : i32
    %c0_i32_0 = arith.constant 0 : i32
    %c0_i32_1 = arith.constant 0 : i32
    return %arg0, %c0_i32, %c0_i32_0 : i32, i32, i32
  }
  func.func @transform_2(%arg0: i32) -> (i32, i32, i32) {
    %c0_i32 = arith.constant 0 : i32
    %c0_i32_0 = arith.constant 0 : i32
    %c0_i32_1 = arith.constant 0 : i32
    return %arg0, %c0_i32, %c0_i32_0 : i32, i32, i32
  }
  func.func @transform_3(%arg0: i32) -> (i32, i32, i32) {
    %c0_i32 = arith.constant 0 : i32
    %c0_i32_0 = arith.constant 0 : i32
    %c0_i32_1 = arith.constant 0 : i32
    return %arg0, %c0_i32, %c0_i32_0 : i32, i32, i32
  }
  func.func @transform_4(%arg0: i32) -> (i32, i32, i32) {
    %c0_i32 = arith.constant 0 : i32
    %c0_i32_0 = arith.constant 0 : i32
    %c0_i32_1 = arith.constant 0 : i32
    return %arg0, %c0_i32, %c0_i32_0 : i32, i32, i32
  }
  func.func @transform_5(%arg0: i32) -> (i32, i32) {
    %c0_i32 = arith.constant 0 : i32
    %c0_i32_0 = arith.constant 0 : i32
    %c0_i32_1 = arith.constant 0 : i32
    return %c0_i32, %c0_i32_0 : i32, i32
  }
  func.func @transform_6(%arg0: i32) -> (i32, i32) {
    %c0_i32 = arith.constant 0 : i32
    %c0_i32_0 = arith.constant 0 : i32
    %c0_i32_1 = arith.constant 0 : i32
    return %c0_i32, %c0_i32_0 : i32, i32
  }
  func.func @transform_7(%arg0: i32) -> (i32, i32) {
    %c0_i32 = arith.constant 0 : i32
    %c0_i32_0 = arith.constant 0 : i32
    %c0_i32_1 = arith.constant 0 : i32
    return %c0_i32, %c0_i32_0 : i32, i32
  }
  func.func @transform_8(%arg0: i32) -> (i32, i32) {
    %c0_i32 = arith.constant 0 : i32
    %c0_i32_0 = arith.constant 0 : i32
    %c0_i32_1 = arith.constant 0 : i32
    return %c0_i32, %c0_i32_0 : i32, i32
  }
  func.func @transform_9(%arg0: i32) -> (i32, i32) {
    %c0_i32 = arith.constant 0 : i32
    %c0_i32_0 = arith.constant 0 : i32
    %c0_i32_1 = arith.constant 0 : i32
    return %c0_i32, %c0_i32_0 : i32, i32
  }
  func.func @transform_10(%arg0: i32) -> (i32, i32) {
    %c0_i32 = arith.constant 0 : i32
    %c0_i32_0 = arith.constant 0 : i32
    %c0_i32_1 = arith.constant 0 : i32
    return %c0_i32, %c0_i32_0 : i32, i32
  }
  func.func @transform_11(%arg0: i32) -> (i32, i32, i32) {
    %c0_i32 = arith.constant 0 : i32
    %c0_i32_0 = arith.constant 0 : i32
    %c0_i32_1 = arith.constant 0 : i32
    return %arg0, %c0_i32, %c0_i32_0 : i32, i32, i32
  }
}

</mosaic_0001>

<sc_bundles>
// kernel: kernel.12.cloned.1.call-start
scs
__scs_entry_jumppad:
0x0: {  	(pc) =	sbr.rel $0x88, $3  }
0x1: {  	(tag) =	ssettag $0x0;
	lr =	simm.s32 $0x1  }
0x2: {  	[smem:$0x3F8A] =	sst lr;
	_ =	strace $0xD0000000  }
0x3: {  	_ = 	snop  }
0x4: {  	_ = 	snop  }
0x5: {  	_ = 	snop  }
0x6: {  	_ = 	snop  }
0x7: {  	_ = 	snop  }
__scs_overlays_trampoline_lowered:
0x8: {  	[smem:$0x3F99] =	sst s0  }
0x9: {  	[smem:$0x3F9A] =	sst s1  }
0xa: {  	[smem:$0x3F9B] =	sst s2  }
0xb: {  	[smem:$0x3F9C] =	sst s3  }
0xc: {  	[smem:$0x3F9D] =	sst s4  }
0xd: {  	[smem:$0x3F9E] =	sst s5  }
0xe: {  	[smem:$0x3F9F] =	sst s6  }
0xf: {  	[smem:$0x3FA0] =	sst s7  }
0x10: {  	[smem:$0x3FA1] =	sst s8  }
0x11: {  	[smem:$0x3FA2] =	sst s9;
	s0 =	simm.s32 @!p0 $0x0  }
0x12: {  	s1 =	sld [smem:$0x3F88];
	s0 =	simm.s32 @p0 $0x1  }
0x13: {  	[smem:$0x3FA3] =	sst s0;
	s0 =	simm.s32 @!p1 $0x0  }
0x14: {  	s2 =	sld [smem:$0x3F87];
	s0 =	simm.s32 @p1 $0x1  }
0x15: {  	[smem:$0x3FA4] =	sst s0;
	s0 =	simm.s32 @!p2 $0x0  }
0x16: {  	s3 =	sld [smem:$0x3FDB];
	s0 =	simm.s32 @p2 $0x1  }
0x17: {  	s4 =	simm.s32 $0x1BF5;
	[smem:$0x3FA6] =	sst s0  }
0x18: {  	s0 =	sld [smem:$0x3F89];
	_ =	swait.ge [sflag:s4], $0x0  }
0x19: {  	s7 =	sld [smem:$0x3F8A]  }
0x1a: {  	s8 =	sadd.s32 $0xFFFFE003, lr  }
0x1b: {  	s9 =	sadd.s32 $0xFFFFFEF7, lr;
	s5 =	simm.s32 $0xFFFFFFFF;
	p2 =	slt.u32 s8, $0xFFFFF086  }
0x1c: {  	p1 =	slt.u32 s9, $0xF7A;
	s5 =	simm.s32 @!p2 $0x0  }
0x1d: {  	s5 =	simm.s32 @p1 $0x1;
	p0 =	seq.s32 s7, s2  }
0x1e: {  	s7 =	smul.u32 @!p0 $0xF7A, s2;
	p2 =	seq.s32 @!p0 s5, $0x0  }
0x1f: {  	s9 =	smul.u32 $0xF7A, s1;
	s8 =	simm.s32 @!p0 $0x1BF5;
	p2 =	por !p2, p0  }
0x20: {  	[sflag:s8] =	ssyncset.s32 @!p0 $0xFFFFF086;
	s6 =	sadd.s32 @!p0 s3, s7;
	s7 =	simm.s32 @!p0 $0x108  }
0x21: {  	s3 =	sadd.s32 s3, s9;
	s6 =	sadd.s32 @!p0 $0x88, s6;
	s7 =	simm.s32 @p2 $0x1082  }
0x22: {  	[simem:s7], [sflag:s8] =	dma.local @!p0 [hbm:s6], $0xF7A  }
0x23: {  	s9 =	sor.u32 $0xD0000000, s2;
	s6 =	simm.s32 $0x108;
	_ =	swait.ge @!p0 [sflag:s8], $0x0  }
0x24: {  	s3 =	sadd.s32 $0x88, s3;
	s6 =	simm.s32 @!p1 $0x1082;
	[sflag:s4] =	ssyncset.s32 $0xFFFFF086  }
0x25: {  	[simem:s6], [sflag:s4] =	dma.local [hbm:s3], $0xF7A  }
0x26: {  	[smem:$0x3F8A] =	sst s1;
	(tag) =	ssettag s2;
	_ =	strace s9  }
0x27: {  	s1 =	sld [smem:$0x3F9A]  }
0x28: {  	s2 =	sld [smem:$0x3F9B]  }
0x29: {  	s4 =	sld [smem:$0x3F9D]  }
0x2a: {  	p0 =	seq.s32 s5, $0x0;
	s5 =	sld [smem:$0x3F9E]  }
0x2b: {  	s6 =	sld [smem:$0x3F9F]  }
0x2c: {  	s7 =	sld [smem:$0x3FA0]  }
0x2d: {  	s3 =	simm.s32 $0x108;
	s8 =	sld [smem:$0x3FA1]  }
0x2e: {  	s3 =	simm.s32 @!p0 $0x1082;
	s9 =	sld [smem:$0x3FA2]  }
0x2f: {  	lr =	sadd.s32 s0, s3;
	s0 =	sld [smem:$0x3F99]  }
0x30: {  	s3 =	sld [smem:$0x3F9C]  }
0x31: {  	[smem:$0x3FA5] =	sst s10  }
0x32: {  	s10 =	sld [smem:$0x3FA3];
	_ =	sdelay $0x3  }
0x33: {  	p0 =	seq.s32 s10, $0x1;
	s10 =	sld [smem:$0x3FA5];
	_ =	sdelay $0x3  }
0x34: {  	[smem:$0x3FA5] =	sst s10  }
0x35: {  	s10 =	sld [smem:$0x3FA4];
	_ =	sdelay $0x3  }
0x36: {  	p1 =	seq.s32 s10, $0x1;
	s10 =	sld [smem:$0x3FA5];
	_ =	sdelay $0x3  }
0x37: {  	[smem:$0x3FA5] =	sst s10  }
0x38: {  	s10 =	sld [smem:$0x3FA6]  }
0x39: {  	_ = 	snop;
	(pc) =	sbr.ind lr, $3  }
0x3a: {  	_ = 	snop  }
0x3b: {  	_ = 	snop  }
0x3c: {  	p2 =	seq.s32 s10, $0x1;
	s10 =	sld [smem:$0x3FA5]  }
0x3d: {  	_ =	shalt  }
0x3e: {  	_ =	shalt  }
0x3f: {  	_ =	shalt  }
0x40: {  	_ =	shalt  }
0x41: {  	_ =	shalt  }
0x42: {  	_ =	shalt  }
0x43: {  	_ =	shalt  }
0x44: {  	_ =	shalt  }
0x45: {  	_ =	shalt  }
0x46: {  	_ =	shalt  }
0x47: {  	_ =	shalt  }
0x48: {  	_ =	shalt  }
0x49: {  	_ =	shalt  }
0x4a: {  	_ =	shalt  }
0x4b: {  	_ =	shalt  }
0x4c: {  	_ =	shalt  }
0x4d: {  	_ =	shalt  }
0x4e: {  	_ =	shalt  }
0x4f: {  	_ =	shalt  }
0x50: {  	_ =	shalt  }
0x51: {  	_ =	shalt  }
0x52: {  	_ =	shalt  }
0x53: {  	_ =	shalt  }
0x54: {  	_ =	shalt  }
0x55: {  	_ =	shalt  }
0x56: {  	_ =	shalt  }
0x57: {  	_ =	shalt  }
0x58: {  	_ =	shalt  }
0x59: {  	_ =	shalt  }
0x5a: {  	_ =	shalt  }
0x5b: {  	_ =	shalt  }
0x5c: {  	_ =	shalt  }
0x5d: {  	_ =	shalt  }
0x5e: {  	_ =	shalt  }
0x5f: {  	_ =	shalt  }
0x60: {  	_ =	shalt  }
0x61: {  	_ =	shalt  }
0x62: {  	_ =	shalt  }
0x63: {  	_ =	shalt  }
0x64: {  	_ =	shalt  }
0x65: {  	_ =	shalt  }
0x66: {  	_ =	shalt  }
0x67: {  	_ =	shalt  }
0x68: {  	_ =	shalt  }
0x69: {  	_ =	shalt  }
0x6a: {  	_ =	shalt  }
0x6b: {  	_ =	shalt  }
0x6c: {  	_ =	shalt  }
0x6d: {  	_ =	shalt  }
0x6e: {  	_ =	shalt  }
0x6f: {  	_ =	shalt  }
0x70: {  	_ =	shalt  }
0x71: {  	_ =	shalt  }
0x72: {  	_ =	shalt  }
0x73: {  	_ =	shalt  }
0x74: {  	_ =	shalt  }
0x75: {  	_ =	shalt  }
0x76: {  	_ =	shalt  }
0x77: {  	_ =	shalt  }
0x78: {  	_ =	shalt  }
0x79: {  	_ =	shalt  }
0x7a: {  	_ =	shalt  }
0x7b: {  	_ =	shalt  }
0x7c: {  	_ =	shalt  }
0x7d: {  	_ =	shalt  }
0x7e: {  	_ =	shalt  }
0x7f: {  	_ =	shalt  }
0x80: {  	_ =	shalt  }
0x81: {  	_ =	shalt  }
0x82: {  	_ =	shalt  }
0x83: {  	_ =	shalt  }
0x84: {  	_ =	shalt  }
0x85: {  	_ =	shalt  }
0x86: {  	_ =	shalt  }
0x87: {  	_ =	shalt  }
.Lfunc_end0:
.L_simem_size_0:
called_computation.1_lowered:
.L_overlay_start_0:
0x88: {  	s2 =	sld [smem:$0x3FD9]  }
0x89: {  	s3 =	sld [smem:$0x3FFE];
	_ =	sdelay $0x1  }
0x8a: {  	s1 =	srdreg.scid  }
0x8b: {  	s0 =	sand.u32 $0x1, s1  }
0x8c: {  	s16 =	sshll.u32 s0, $0xA;
	s2 =	sadd.s32 s3, s2  }
0x8d: {  	s2 =	sadd.s32 s2, s16  }
0x8e: {  	[smem:$0x3FB1] =	sst s2  }
0x8f: {  	_ = 	snop  }
0x90: {  	(tm) =	ssettm $0x1  }
0x91: {  	s17 =	sld [smem:$0x3FFB];
	_ =	sdelay $0x3  }
0x92: {  	_ =	strace s17  }
0x93: {  	s2 =	sld [smem:$0x3FFC];
	_ =	sdelay $0x3  }
0x94: {  	_ =	strace s2  }
0x95: {  	s2 =	sld [smem:$0x3FFD];
	_ =	sdelay $0x3  }
0x96: {  	_ =	strace s2  }
0x97: {  	_ =	strace $0x8FFFFFFF  }
0x98: {  	s18 =	sld [smem:$0x3FDB];
	_ =	sdelay $0x1  }
0x99: {  	s19 =	simm.s32 $_scs_section_size  }
0x9a: {  	s4 =	simm.s32 $_size__tile_overlayer_lowered;
	s5 =	simm.s32 $_tile_overlayer_lowered  }
0x9b: {  	s22 =	simm.s32 $0x1BFF;
	s21 =	sshll.u32 s5, $0x1;
	s2 =	sadd.s32 s19, s18  }
0x9c: {  	s6 =	simm.s32 $0x0;
	s20 =	sshll.u32 s4, $0x1;
	s4 =	sadd.s32 s21, s2  }
0x9d: {  	[timem:s6], [sflag:s22] =	dma.local [hbm:s4], s20  }
0x9e: {  	_ =	swait.ge [sflag:s22], s20  }
0x9f: {  	s3 =	ssub.s32 $0x0, s20;
	[sflag:s22] =	ssyncset.done $0x0  }
0xa0: {  	[sflag:s22] =	ssyncadd.s32 s3;
	_ =	sdelay $0x1  }
0xa1: {  	s23 =	simm.s32 $0x1B8B  }
0xa2: {  	_ =	swait.ge [sflag:s23], $0x1  }
0xa3: {  	[sflag:s23] =	ssyncset.done $0x0  }
0xa4: {  	s25 =	simm.s32 $0x1B8E;
	s24 =	sld [smem:$0x3FFE];
	[sflag:s23] =	ssyncadd.s32 $0xFFFFFFFF  }
0xa5: {  	s26 =	simm.s32 $execute0_lowered;
	[smem:$0x3FD2] =	sst s25  }
0xa6: {  	s4 =	sshll.u32 s26, $0x1;
	_ =	strace $0x80000049;
	[dreg:$0x1] =	wrdreg $0xFFFFFFFF  }
0xa7: {  	s28 =	simm.s32 $_size_execute0_lowered;
	s2 =	sadd.s32 s2, s4;
	[dreg:$0x0] =	wrdreg $0x0  }
0xa8: {  	s4 =	sshll.u32 s28, $0x1;
	[dreg:$0x2] =	wrdreg s2  }
0xa9: {  	[dreg:$0x3] =	wrdreg s4  }
0xaa: {  	[dreg:$0x4] =	wrdreg $0xC0  }
0xab: {  	_ =	task [dreg:s6], $0x5FFFF  }
0xac: {  	[dreg:$0x1] =	wrdreg $0xFFFFFFFF  }
0xad: {  	[dreg:$0x0] =	wrdreg $0x60  }
0xae: {  	[dreg:$0x2] =	wrdreg s24  }
0xaf: {  	[dreg:$0x3] =	wrdreg $0x9  }
0xb0: {  	_ =	task.clear_ibuf [dreg:s6], $0x4FFFF;
	_ =	strace $0x90000049  }
0xb1: {  	s29 =	simm.s32 $0x9;
	_ =	strace $0x8000004B  }
0xb2: {  	_ =	swait.ge [sflag:s29], $0x1  }
0xb3: {  	[sflag:s29] =	ssyncadd.s32 $0xFFFFFFFF  }
0xb4: {  	_ =	strace $0x9000004B  }
0xb5: {  	_ =	sfence  }
0xb6: {  	s30 =	sld [smem:$0x0];
	_ =	sdelay $0x2  }
0xb7: {  	s31 =	sshll.u32 s1, $0xD;
	s1 =	sshrl.u32 s1, $0x2  }
0xb8: {  	s3 =	sand.u32 $0x4000, s31;
	s1 =	sadd.s32 s1, s30  }
0xb9: {  	s0 =	sor.u32 s3, s0;
	s1 =	sshll.u32 s1, $0x11  }
0xba: {  	s0 =	sor.u32 s1, s0  }
0xbb: {  	s0 =	sadd.s32 $0x8F2B, s0  }
0xbc: {  	[sflag:s0] =	ssyncadd.remote.s32 $0x1  }
0xbd: {  	_ =	sfence.sel $0xFFFF  }
0xbe: {  	[dreg:$0x0] =	wrdreg $0xFFFFFFFF;
	(pc) =	sbr.abs _section_cstart, $3  }
0xbf: {  	[dreg:$0x1] =	wrdreg $0xFFFFFFFF  }
0xc0: {  	_ =	task.clear_ibuf [dreg:s6], $0x2FFFF;
	_ =	strace $0x9FFFFFFF  }
0xc1: {  	(tm) =	ssettm $0x7FFFFFFF  }
tec
execute0_lowered:
.L_overlay_start_1:
0x0: {  	(tag) =	ssettag $0x1  }
0x1: {  	s0 =	rddreg [dreg:$0x0];
	s1 =	simm.s32 $0x0;
	s2 =	srdreg.scid  }
0x2: {  	s9 =	stileid.u32;
	s18 =	simm.s32 $0x800;
	s11 =	simm.s32 $0x10800  }
0x3: {  	s12 =	simm.s32 $0x11000;
	s13 =	simm.s32 $0x11800;
	s14 =	simm.s32 $0x12000  }
0x4: {  	s19 =	simm.s32 $0x80;
	s20 =	simm.s32 $0x180;
	s21 =	simm.s32 $0x280  }
0x5: {  	s22 =	simm.s32 $0x380;
	s23 =	simm.s32 $0x480;
	s24 =	simm.s32 $0x580  }
0x6: {  	s25 =	simm.s32 $0x680;
	s26 =	simm.s32 $0x780;
	s28 =	simm.s32 $0x17800  }
0x7: {  	s29 =	simm.s32 $0x18000;
	s30 =	simm.s32 $0x1A800;
	[smem:$0x7FF] =	sst s1  }
0x8: {  	s31 =	simm.s32 $0x1;
	s3 =	sadd.s32 $0x41DA00, s0;
	s4 =	sadd.s32 $0xBEDA00, s0  }
0x9: {  	s2 =	sand.u32 $0x1, s2;
	s5 =	sshll.u32 s9, $0xD;
	s10 =	sadd.s32 $0xB600, s0  }
0xa: {  	s6 =	sshll.u32 s9, $0x12;
	_ =	strace $0x8000004A;
	[dreg:$0xc] =	wrdreg s10  }
0xb: {  	s9 =	sshll.u32 s9, $0x13;
	s7 =	ssub.s32 $0x2, s2;
	[dreg:$0x3] =	wrdreg s18  }
0xc: {  	s5 =	sadd.s32 s5, s0;
	s6 =	sadd.s32 s6, s0;
	[dreg:$0x4] =	wrdreg s19  }
0xd: {  	s0 =	sadd.s32 s9, s0;
	s15 =	sshll.u32 s2, $0x12;
	[dreg:$0x5] =	wrdreg s20  }
0xe: {  	s16 =	sshll.u32 s2, $0x11;
	s2 =	sshll.u32 s2, $0xC;
	[dreg:$0x6] =	wrdreg s21  }
0xf: {  	s10 =	simm.s32 $0x3;
	s18 =	simm.s32 $0x14000;
	[dreg:$0x7] =	wrdreg s22  }
0x10: {  	s19 =	simm.s32 $0x40;
	s20 =	simm.s32 $0x18800;
	[dreg:$0x8] =	wrdreg s23  }
0x11: {  	s21 =	simm.s32 $0x14800;
	s22 =	simm.s32 $0x15000;
	[dreg:$0x9] =	wrdreg s24  }
0x12: {  	s23 =	simm.s32 $0x15800;
	s24 =	simm.s32 $0x16000;
	[dreg:$0xa] =	wrdreg s25  }
0x13: {  	[dreg:$0xb] =	wrdreg s26;
	s25 =	simm.s32 $0x16800;
	s26 =	simm.s32 $0x17000  }
0x14: {  	s8 =	sshrl.u32 s7, $0x1;
	s0 =	sadd.s32 s15, s0;
	s6 =	sadd.s32 s16, s6  }
0x15: {  	s2 =	sadd.s32 s2, s5;
	s15 =	simm.s32 $0x12800;
	s17 =	sadd.s32 $0xFD5A00, s6  }
0x16: {  	s16 =	simm.s32 $0x13000;
	s2 =	sadd.s32 $0x3FBA00, s2;
	[dreg:$0xe] =	wrdreg s17  }
0x17: {  	v2 =	vlaneseq.u32;
	s7 =	ssub.s32 s7, s8;
	s0 =	sadd.s32 $0x13D5A00, s0;
	[dreg:$0xf] =	wrdreg s2  }
0x18: {  	vm0 =	vmmov $0xffff;
	v1 =	vshrl.u32 v2, $0x3;
	s7 =	smax.u32 s7, $0x1;
	[dreg:$0x2] =	wrdreg s0;
	s17 =	simm.s32 $0x13800  }
0x19: {  	v0 =	vand.u32 $0x7, v2;
	v2 =	vor.u32 $0x8, v2;
	v1 =	vmul.u32 $0x8, v1;
	s0 =	simm.s32 $0x2;
	s2 =	simm.s32 $0x0;
	[dreg:$0xd] =	wrdreg s7  }
.LBB2_1:
0x1a: {  	s5 =	rddreg [dreg:$0xc];
	s6 =	simm.s32 $0x1C800  }
0x1b: {  	[tilespmem:s6], [sflag:$0x3] =	stream.linear.gather [hbm4b:s5+s1], $0x80, $0x38;
	[tilespmem:$0x1C880] =	vst v63  }
0x1c: {  	_ =	swait.ge [sflag:s10], $0x80  }
0x1d: {  	[sflag:s10] =	ssyncset.done $0x0;
	s8 =	rddreg [dreg:$0xf]  }
0x1e: {  	s6 =	simm.s32 $0x0;
	s7 =	rddreg [dreg:$0xe];
	[sflag:s10] =	ssyncadd.s32 $0xFFFFFF80  }
.LBB2_2:
0x1f: {  	[tilespmem:s1], [sflag:$0x3] =	stream.linear.gather [hbm4b:s8+s1], $0x800, $0x38;
	[tilespmem:$0x1C880] =	vst v63  }
0x20: {  	_ =	swait.ge [sflag:s10], $0x800  }
0x21: {  	[sflag:s10] =	ssyncset.done $0x0  }
0x22: {  	s5 =	rddreg [dreg:$0x3];
	[sflag:s10] =	ssyncadd.s32 $0xFFFFF800  }
0x23: {  	[tilespmem:s5], [sflag:$0x3] =	stream.linear.gather [hbm4b:s7+s1], $0x10000, $0x38;
	[tilespmem:$0x1C880] =	vst v63  }
0x24: {  	_ =	swait.ge [sflag:s10], $0x10000  }
0x25: {  	[sflag:s10] =	ssyncset.done $0x0  }
0x26: {  	[sflag:s10] =	ssyncadd.s32 $0xFFFF0000  }
0x27: {  	v3 =	vld [tilespmem:$0x0];
	_ =	sdelay $0x4  }
0x28: {  	v4 =	vshll.u32 v3, $0x1  }
0x29: {  	v3 =	vand.u32 $0x7, v3;
	v4 =	vand.u32 $0xFFFFFFF0, v4  }
0x2a: {  	v3 =	vor.u32 v3, v4  }
0x2b: {  	v4 =	vperm.xlane v3, v0;
	_ =	sdelay $0x1  }
0x2c: {  	v3 =	vperm.xlane v3, v2;
	v4 =	vadd.s32 v1, v4;
	_ =	sdelay $0x1  }
0x2d: {  	v3 =	vadd.s32 v1, v3;
	_ =	sdelay $0x2  }
0x2e: {  	[tilespmem:s11], [sflag:$0x1] =	stream.indirect_vreg.gather [hbm4b:s3+s1], $0x80, v4, vm0, $0xb8;
	[tilespmem:$0x1C880] =	vst v63  }
0x2f: {  	_ = 	snop  }
0x30: {  	[tilespmem:s12], [sflag:$0x1] =	stream.indirect_vreg.gather [hbm4b:s3+s1], $0x80, v3, vm0, $0xb8;
	[tilespmem:$0x1C880] =	vst v63  }
0x31: {  	v3 =	vld [tilespmem:$0x10];
	_ =	sdelay $0x4  }
0x32: {  	v33 =	vshll.u32 v3, $0x1  }
0x33: {  	v3 =	vand.u32 $0x7, v3;
	v4 =	vand.u32 $0xFFFFFFF0, v33  }
0x34: {  	v3 =	vor.u32 v3, v4  }
0x35: {  	v4 =	vperm.xlane v3, v0;
	_ =	sdelay $0x1  }
0x36: {  	v3 =	vperm.xlane v3, v2;
	v4 =	vadd.s32 v1, v4;
	_ =	sdelay $0x1  }
0x37: {  	v3 =	vadd.s32 v1, v3;
	_ =	sdelay $0x2  }
0x38: {  	[tilespmem:s13], [sflag:$0x1] =	stream.indirect_vreg.gather [hbm4b:s3+s1], $0x80, v4, vm0, $0xb8;
	[tilespmem:$0x1C880] =	vst v63  }
0x39: {  	_ = 	snop  }
0x3a: {  	[tilespmem:s14], [sflag:$0x1] =	stream.indirect_vreg.gather [hbm4b:s3+s1], $0x80, v3, vm0, $0xb8;
	[tilespmem:$0x1C880] =	vst v63  }
0x3b: {  	v3 =	vld [tilespmem:$0x20];
	_ =	sdelay $0x4  }
0x3c: {  	v34 =	vshll.u32 v3, $0x1  }
0x3d: {  	v3 =	vand.u32 $0x7, v3;
	v4 =	vand.u32 $0xFFFFFFF0, v34  }
0x3e: {  	v3 =	vor.u32 v3, v4  }
0x3f: {  	v4 =	vperm.xlane v3, v0;
	_ =	sdelay $0x1  }
0x40: {  	v3 =	vperm.xlane v3, v2;
	v4 =	vadd.s32 v1, v4;
	_ =	sdelay $0x1  }
0x41: {  	v3 =	vadd.s32 v1, v3;
	_ =	sdelay $0x2  }
0x42: {  	[tilespmem:s15], [sflag:$0x1] =	stream.indirect_vreg.gather [hbm4b:s3+s1], $0x80, v4, vm0, $0xb8;
	[tilespmem:$0x1C880] =	vst v63  }
0x43: {  	_ = 	snop  }
0x44: {  	[tilespmem:s16], [sflag:$0x1] =	stream.indirect_vreg.gather [hbm4b:s3+s1], $0x80, v3, vm0, $0xb8;
	[tilespmem:$0x1C880] =	vst v63  }
0x45: {  	v3 =	vld [tilespmem:$0x30];
	_ =	sdelay $0x4  }
0x46: {  	v35 =	vshll.u32 v3, $0x1  }
0x47: {  	v3 =	vand.u32 $0x7, v3;
	v4 =	vand.u32 $0xFFFFFFF0, v35  }
0x48: {  	v3 =	vor.u32 v3, v4  }
0x49: {  	v4 =	vperm.xlane v3, v0;
	_ =	sdelay $0x1  }
0x4a: {  	v3 =	vperm.xlane v3, v2;
	v4 =	vadd.s32 v1, v4;
	_ =	sdelay $0x1  }
0x4b: {  	v3 =	vadd.s32 v1, v3;
	_ =	sdelay $0x2  }
0x4c: {  	[tilespmem:s17], [sflag:$0x1] =	stream.indirect_vreg.gather [hbm4b:s3+s1], $0x80, v4, vm0, $0xb8;
	[tilespmem:$0x1C880] =	vst v63  }
0x4d: {  	_ = 	snop  }
0x4e: {  	[tilespmem:s18], [sflag:$0x1] =	stream.indirect_vreg.gather [hbm4b:s3+s1], $0x80, v3, vm0, $0xb8;
	[tilespmem:$0x1C880] =	vst v63  }
0x4f: {  	s9 =	rddreg [dreg:$0x4]  }
0x50: {  	[tilespmem:s20], [sflag:$0x2] =	stream.indirect.gather [hbm4b:s4+s19], $0x80, s9, s19, $0xb8;
	[tilespmem:$0x1C880] =	vst v63  }
0x51: {  	v3 =	vld [tilespmem:$0x100];
	_ =	sdelay $0x4  }
0x52: {  	v36 =	vshll.u32 v3, $0x1  }
0x53: {  	v3 =	vand.u32 $0x7, v3;
	v4 =	vand.u32 $0xFFFFFFF0, v36  }
0x54: {  	v3 =	vor.u32 v3, v4  }
0x55: {  	v4 =	vperm.xlane v3, v0;
	_ =	sdelay $0x1  }
0x56: {  	v3 =	vperm.xlane v3, v2;
	v4 =	vadd.s32 v1, v4;
	_ =	sdelay $0x1  }
0x57: {  	v3 =	vadd.s32 v1, v3;
	_ =	sdelay $0x2  }
0x58: {  	[tilespmem:s21], [sflag:$0x1] =	stream.indirect_vreg.gather [hbm4b:s3+s1], $0x80, v4, vm0, $0xb8;
	[tilespmem:$0x1C880] =	vst v63  }
0x59: {  	_ = 	snop  }
0x5a: {  	[tilespmem:s22], [sflag:$0x1] =	stream.indirect_vreg.gather [hbm4b:s3+s1], $0x80, v3, vm0, $0xb8;
	[tilespmem:$0x1C880] =	vst v63  }
0x5b: {  	v3 =	vld [tilespmem:$0x110];
	_ =	sdelay $0x4  }
0x5c: {  	v37 =	vshll.u32 v3, $0x1  }
0x5d: {  	v3 =	vand.u32 $0x7, v3;
	v4 =	vand.u32 $0xFFFFFFF0, v37  }
0x5e: {  	v3 =	vor.u32 v3, v4  }
0x5f: {  	v4 =	vperm.xlane v3, v0;
	_ =	sdelay $0x1  }
0x60: {  	v3 =	vperm.xlane v3, v2;
	v4 =	vadd.s32 v1, v4;
	_ =	sdelay $0x1  }
0x61: {  	v3 =	vadd.s32 v1, v3;
	_ =	sdelay $0x2  }
0x62: {  	[tilespmem:s23], [sflag:$0x1] =	stream.indirect_vreg.gather [hbm4b:s3+s1], $0x80, v4, vm0, $0xb8;
	[tilespmem:$0x1C880] =	vst v63  }
0x63: {  	_ = 	snop  }
0x64: {  	[tilespmem:s24], [sflag:$0x1] =	stream.indirect_vreg.gather [hbm4b:s3+s1], $0x80, v3, vm0, $0xb8;
	[tilespmem:$0x1C880] =	vst v63  }
0x65: {  	v3 =	vld [tilespmem:$0x120];
	_ =	sdelay $0x4  }
0x66: {  	v38 =	vshll.u32 v3, $0x1  }
0x67: {  	v3 =	vand.u32 $0x7, v3;
	v4 =	vand.u32 $0xFFFFFFF0, v38  }
0x68: {  	v3 =	vor.u32 v3, v4  }
0x69: {  	v4 =	vperm.xlane v3, v0;
	_ =	sdelay $0x1  }
0x6a: {  	v3 =	vperm.xlane v3, v2;
	v4 =	vadd.s32 v1, v4;
	_ =	sdelay $0x1  }
0x6b: {  	v3 =	vadd.s32 v1, v3;
	_ =	sdelay $0x2  }
0x6c: {  	[tilespmem:s25], [sflag:$0x1] =	stream.indirect_vreg.gather [hbm4b:s3+s1], $0x80, v4, vm0, $0xb8;
	[tilespmem:$0x1C880] =	vst v63  }
0x6d: {  	_ = 	snop  }
0x6e: {  	[tilespmem:s26], [sflag:$0x1] =	stream.indirect_vreg.gather [hbm4b:s3+s1], $0x80, v3, vm0, $0xb8;
	[tilespmem:$0x1C880] =	vst v63  }
0x6f: {  	v3 =	vld [tilespmem:$0x130];
	_ =	sdelay $0x4  }
0x70: {  	v39 =	vshll.u32 v3, $0x1  }
0x71: {  	v3 =	vand.u32 $0x7, v3;
	v4 =	vand.u32 $0xFFFFFFF0, v39  }
0x72: {  	v3 =	vor.u32 v3, v4  }
0x73: {  	v4 =	vperm.xlane v3, v0;
	_ =	sdelay $0x1  }
0x74: {  	v3 =	vperm.xlane v3, v2;
	v4 =	vadd.s32 v1, v4;
	_ =	sdelay $0x1  }
0x75: {  	v3 =	vadd.s32 v1, v3;
	_ =	sdelay $0x2  }
0x76: {  	[tilespmem:s28], [sflag:$0x1] =	stream.indirect_vreg.gather [hbm4b:s3+s1], $0x80, v4, vm0, $0xb8;
	[tilespmem:$0x1C880] =	vst v63  }
0x77: {  	_ = 	snop  }
0x78: {  	[tilespmem:s29], [sflag:$0x1] =	stream.indirect_vreg.gather [hbm4b:s3+s1], $0x80, v3, vm0, $0xb8;
	[tilespmem:$0x1C880] =	vst v63  }
0x79: {  	s9 =	rddreg [dreg:$0x5]  }
0x7a: {  	[tilespmem:s30], [sflag:$0x2] =	stream.indirect.gather [hbm4b:s4+s19], $0x80, s9, s19, $0xb8;
	[tilespmem:$0x1C880] =	vst v63  }
0x7b: {  	_ =	swait.ge [sflag:s31], $0x4000  }
0x7c: {  	[sflag:s31] =	ssyncset.done $0x0  }
0x7d: {  	[sflag:s31] =	ssyncadd.s32 $0xFFFFC000  }
0x7e: {  	_ =	swait.ge [sflag:s0], $0x2000  }
0x7f: {  	s9 =	rddreg [dreg:$0x2];
	[sflag:s0] =	ssyncset.done $0x0  }
0x80: {  	[sflag:s0] =	ssyncadd.s32 $0xFFFFE000;
	s5 =	sadd.s32 s6, s9  }
0x81: {  	[hbm4b:s5+s1] =	stream.linear.scatter [tilespmem:s11], [sflag:$0x3], $0x4000, $0x38;
	[tilespmem:$0x1C880] =	vst v63  }
0x82: {  	_ =	swait.ge [sflag:s10], $0x4000  }
0x83: {  	[sflag:s10] =	ssyncset.done $0x0  }
0x84: {  	[sflag:s10] =	ssyncadd.s32 $0xFFFFC000  }
0x85: {  	v3 =	vld [tilespmem:$0x200];
	_ =	sdelay $0x4  }
0x86: {  	v40 =	vshll.u32 v3, $0x1  }
0x87: {  	v3 =	vand.u32 $0x7, v3;
	v4 =	vand.u32 $0xFFFFFFF0, v40  }
0x88: {  	v3 =	vor.u32 v3, v4  }
0x89: {  	v4 =	vperm.xlane v3, v0;
	_ =	sdelay $0x1  }
0x8a: {  	v3 =	vperm.xlane v3, v2;
	v4 =	vadd.s32 v1, v4;
	_ =	sdelay $0x1  }
0x8b: {  	v3 =	vadd.s32 v1, v3;
	_ =	sdelay $0x2  }
0x8c: {  	[tilespmem:s11], [sflag:$0x1] =	stream.indirect_vreg.gather [hbm4b:s3+s1], $0x80, v4, vm0, $0xb8;
	[tilespmem:$0x1C880] =	vst v63  }
0x8d: {  	_ = 	snop  }
0x8e: {  	[tilespmem:s12], [sflag:$0x1] =	stream.indirect_vreg.gather [hbm4b:s3+s1], $0x80, v3, vm0, $0xb8;
	[tilespmem:$0x1C880] =	vst v63  }
0x8f: {  	v3 =	vld [tilespmem:$0x210];
	_ =	sdelay $0x4  }
0x90: {  	v41 =	vshll.u32 v3, $0x1  }
0x91: {  	v3 =	vand.u32 $0x7, v3;
	v4 =	vand.u32 $0xFFFFFFF0, v41  }
0x92: {  	v3 =	vor.u32 v3, v4  }
0x93: {  	v4 =	vperm.xlane v3, v0;
	_ =	sdelay $0x1  }
0x94: {  	v3 =	vperm.xlane v3, v2;
	v4 =	vadd.s32 v1, v4;
	_ =	sdelay $0x1  }
0x95: {  	v3 =	vadd.s32 v1, v3;
	_ =	sdelay $0x2  }
0x96: {  	[tilespmem:s13], [sflag:$0x1] =	stream.indirect_vreg.gather [hbm4b:s3+s1], $0x80, v4, vm0, $0xb8;
	[tilespmem:$0x1C880] =	vst v63  }
0x97: {  	_ = 	snop  }
0x98: {  	[tilespmem:s14], [sflag:$0x1] =	stream.indirect_vreg.gather [hbm4b:s3+s1], $0x80, v3, vm0, $0xb8;
	[tilespmem:$0x1C880] =	vst v63  }
0x99: {  	v3 =	vld [tilespmem:$0x220];
	_ =	sdelay $0x4  }
0x9a: {  	v42 =	vshll.u32 v3, $0x1  }
0x9b: {  	v3 =	vand.u32 $0x7, v3;
	v4 =	vand.u32 $0xFFFFFFF0, v42  }
0x9c: {  	v3 =	vor.u32 v3, v4  }
0x9d: {  	v4 =	vperm.xlane v3, v0;
	_ =	sdelay $0x1  }
0x9e: {  	v3 =	vperm.xlane v3, v2;
	v4 =	vadd.s32 v1, v4;
	_ =	sdelay $0x1  }
0x9f: {  	v3 =	vadd.s32 v1, v3;
	_ =	sdelay $0x2  }
0xa0: {  	[tilespmem:s15], [sflag:$0x1] =	stream.indirect_vreg.gather [hbm4b:s3+s1], $0x80, v4, vm0, $0xb8;
	[tilespmem:$0x1C880] =	vst v63  }
0xa1: {  	_ = 	snop  }
0xa2: {  	[tilespmem:s16], [sflag:$0x1] =	stream.indirect_vreg.gather [hbm4b:s3+s1], $0x80, v3, vm0, $0xb8;
	[tilespmem:$0x1C880] =	vst v63  }
0xa3: {  	v3 =	vld [tilespmem:$0x230];
	_ =	sdelay $0x4  }
0xa4: {  	v43 =	vshll.u32 v3, $0x1  }
0xa5: {  	v3 =	vand.u32 $0x7, v3;
	v4 =	vand.u32 $0xFFFFFFF0, v43  }
0xa6: {  	v3 =	vor.u32 v3, v4  }
0xa7: {  	v4 =	vperm.xlane v3, v0;
	_ =	sdelay $0x1  }
0xa8: {  	v3 =	vperm.xlane v3, v2;
	v4 =	vadd.s32 v1, v4;
	_ =	sdelay $0x1  }
0xa9: {  	v3 =	vadd.s32 v1, v3;
	_ =	sdelay $0x2  }
0xaa: {  	[tilespmem:s17], [sflag:$0x1] =	stream.indirect_vreg.gather [hbm4b:s3+s1], $0x80, v4, vm0, $0xb8;
	[tilespmem:$0x1C880] =	vst v63  }
0xab: {  	_ = 	snop  }
0xac: {  	[tilespmem:s18], [sflag:$0x1] =	stream.indirect_vreg.gather [hbm4b:s3+s1], $0x80, v3, vm0, $0xb8;
	[tilespmem:$0x1C880] =	vst v63  }
0xad: {  	s9 =	rddreg [dreg:$0x6]  }
0xae: {  	[tilespmem:s20], [sflag:$0x2] =	stream.indirect.gather [hbm4b:s4+s19], $0x80, s9, s19, $0xb8;
	[tilespmem:$0x1C880] =	vst v63  }
0xaf: {  	_ =	swait.ge [sflag:s31], $0x4000  }
0xb0: {  	[sflag:s31] =	ssyncset.done $0x0  }
0xb1: {  	[sflag:s31] =	ssyncadd.s32 $0xFFFFC000  }
0xb2: {  	_ =	swait.ge [sflag:s0], $0x2000  }
0xb3: {  	[sflag:s0] =	ssyncset.done $0x0  }
0xb4: {  	s9 =	sadd.s32 $0x800, s5;
	[sflag:s0] =	ssyncadd.s32 $0xFFFFE000  }
0xb5: {  	[hbm4b:s9+s1] =	stream.linear.scatter [tilespmem:s21], [sflag:$0x3], $0x4000, $0x38;
	[tilespmem:$0x1C880] =	vst v63  }
0xb6: {  	_ =	swait.ge [sflag:s10], $0x4000  }
0xb7: {  	[sflag:s10] =	ssyncset.done $0x0  }
0xb8: {  	[sflag:s10] =	ssyncadd.s32 $0xFFFFC000  }
0xb9: {  	v3 =	vld [tilespmem:$0x300];
	_ =	sdelay $0x4  }
0xba: {  	v44 =	vshll.u32 v3, $0x1  }
0xbb: {  	v3 =	vand.u32 $0x7, v3;
	v4 =	vand.u32 $0xFFFFFFF0, v44  }
0xbc: {  	v3 =	vor.u32 v3, v4  }
0xbd: {  	v4 =	vperm.xlane v3, v0;
	_ =	sdelay $0x1  }
0xbe: {  	v3 =	vperm.xlane v3, v2;
	v4 =	vadd.s32 v1, v4;
	_ =	sdelay $0x1  }
0xbf: {  	v3 =	vadd.s32 v1, v3;
	_ =	sdelay $0x2  }
0xc0: {  	[tilespmem:s21], [sflag:$0x1] =	stream.indirect_vreg.gather [hbm4b:s3+s1], $0x80, v4, vm0, $0xb8;
	[tilespmem:$0x1C880] =	vst v63  }
0xc1: {  	_ = 	snop  }
0xc2: {  	[tilespmem:s22], [sflag:$0x1] =	stream.indirect_vreg.gather [hbm4b:s3+s1], $0x80, v3, vm0, $0xb8;
	[tilespmem:$0x1C880] =	vst v63  }
0xc3: {  	v3 =	vld [tilespmem:$0x310];
	_ =	sdelay $0x4  }
0xc4: {  	v45 =	vshll.u32 v3, $0x1  }
0xc5: {  	v3 =	vand.u32 $0x7, v3;
	v4 =	vand.u32 $0xFFFFFFF0, v45  }
0xc6: {  	v3 =	vor.u32 v3, v4  }
0xc7: {  	v4 =	vperm.xlane v3, v0;
	_ =	sdelay $0x1  }
0xc8: {  	v3 =	vperm.xlane v3, v2;
	v4 =	vadd.s32 v1, v4;
	_ =	sdelay $0x1  }
0xc9: {  	v3 =	vadd.s32 v1, v3;
	_ =	sdelay $0x2  }
0xca: {  	[tilespmem:s23], [sflag:$0x1] =	stream.indirect_vreg.gather [hbm4b:s3+s1], $0x80, v4, vm0, $0xb8;
	[tilespmem:$0x1C880] =	vst v63  }
0xcb: {  	_ = 	snop  }
0xcc: {  	[tilespmem:s24], [sflag:$0x1] =	stream.indirect_vreg.gather [hbm4b:s3+s1], $0x80, v3, vm0, $0xb8;
	[tilespmem:$0x1C880] =	vst v63  }
0xcd: {  	v3 =	vld [tilespmem:$0x320];
	_ =	sdelay $0x4  }
0xce: {  	v46 =	vshll.u32 v3, $0x1  }
0xcf: {  	v3 =	vand.u32 $0x7, v3;
	v4 =	vand.u32 $0xFFFFFFF0, v46  }
0xd0: {  	v3 =	vor.u32 v3, v4  }
0xd1: {  	v4 =	vperm.xlane v3, v0;
	_ =	sdelay $0x1  }
0xd2: {  	v3 =	vperm.xlane v3, v2;
	v4 =	vadd.s32 v1, v4;
	_ =	sdelay $0x1  }
0xd3: {  	v3 =	vadd.s32 v1, v3;
	_ =	sdelay $0x2  }
0xd4: {  	[tilespmem:s25], [sflag:$0x1] =	stream.indirect_vreg.gather [hbm4b:s3+s1], $0x80, v4, vm0, $0xb8;
	[tilespmem:$0x1C880] =	vst v63  }
0xd5: {  	_ = 	snop  }
0xd6: {  	[tilespmem:s26], [sflag:$0x1] =	stream.indirect_vreg.gather [hbm4b:s3+s1], $0x80, v3, vm0, $0xb8;
	[tilespmem:$0x1C880] =	vst v63  }
0xd7: {  	v3 =	vld [tilespmem:$0x330];
	_ =	sdelay $0x4  }
0xd8: {  	v47 =	vshll.u32 v3, $0x1  }
0xd9: {  	v3 =	vand.u32 $0x7, v3;
	v4 =	vand.u32 $0xFFFFFFF0, v47  }
0xda: {  	v3 =	vor.u32 v3, v4  }
0xdb: {  	v4 =	vperm.xlane v3, v0;
	_ =	sdelay $0x1  }
0xdc: {  	v3 =	vperm.xlane v3, v2;
	v4 =	vadd.s32 v1, v4;
	_ =	sdelay $0x1  }
0xdd: {  	v3 =	vadd.s32 v1, v3;
	_ =	sdelay $0x2  }
0xde: {  	[tilespmem:s28], [sflag:$0x1] =	stream.indirect_vreg.gather [hbm4b:s3+s1], $0x80, v4, vm0, $0xb8;
	[tilespmem:$0x1C880] =	vst v63  }
0xdf: {  	_ = 	snop  }
0xe0: {  	[tilespmem:s29], [sflag:$0x1] =	stream.indirect_vreg.gather [hbm4b:s3+s1], $0x80, v3, vm0, $0xb8;
	[tilespmem:$0x1C880] =	vst v63  }
0xe1: {  	s9 =	rddreg [dreg:$0x7]  }
0xe2: {  	[tilespmem:s30], [sflag:$0x2] =	stream.indirect.gather [hbm4b:s4+s19], $0x80, s9, s19, $0xb8;
	[tilespmem:$0x1C880] =	vst v63  }
0xe3: {  	_ =	swait.ge [sflag:s31], $0x4000  }
0xe4: {  	[sflag:s31] =	ssyncset.done $0x0  }
0xe5: {  	[sflag:s31] =	ssyncadd.s32 $0xFFFFC000  }
0xe6: {  	_ =	swait.ge [sflag:s0], $0x2000  }
0xe7: {  	[sflag:s0] =	ssyncset.done $0x0  }
0xe8: {  	s9 =	sadd.s32 $0x1000, s5;
	[sflag:s0] =	ssyncadd.s32 $0xFFFFE000  }
0xe9: {  	[hbm4b:s9+s1] =	stream.linear.scatter [tilespmem:s11], [sflag:$0x3], $0x4000, $0x38;
	[tilespmem:$0x1C880] =	vst v63  }
0xea: {  	_ =	swait.ge [sflag:s10], $0x4000  }
0xeb: {  	[sflag:s10] =	ssyncset.done $0x0  }
0xec: {  	[sflag:s10] =	ssyncadd.s32 $0xFFFFC000  }
0xed: {  	v3 =	vld [tilespmem:$0x400];
	_ =	sdelay $0x4  }
0xee: {  	v48 =	vshll.u32 v3, $0x1  }
0xef: {  	v3 =	vand.u32 $0x7, v3;
	v4 =	vand.u32 $0xFFFFFFF0, v48  }
0xf0: {  	v3 =	vor.u32 v3, v4  }
0xf1: {  	v4 =	vperm.xlane v3, v0;
	_ =	sdelay $0x1  }
0xf2: {  	v3 =	vperm.xlane v3, v2;
	v4 =	vadd.s32 v1, v4;
	_ =	sdelay $0x1  }
0xf3: {  	v3 =	vadd.s32 v1, v3;
	_ =	sdelay $0x2  }
0xf4: {  	[tilespmem:s11], [sflag:$0x1] =	stream.indirect_vreg.gather [hbm4b:s3+s1], $0x80, v4, vm0, $0xb8;
	[tilespmem:$0x1C880] =	vst v63  }
0xf5: {  	_ = 	snop  }
0xf6: {  	[tilespmem:s12], [sflag:$0x1] =	stream.indirect_vreg.gather [hbm4b:s3+s1], $0x80, v3, vm0, $0xb8;
	[tilespmem:$0x1C880] =	vst v63  }
0xf7: {  	v3 =	vld [tilespmem:$0x410];
	_ =	sdelay $0x4  }
0xf8: {  	v49 =	vshll.u32 v3, $0x1  }
0xf9: {  	v3 =	vand.u32 $0x7, v3;
	v4 =	vand.u32 $0xFFFFFFF0, v49  }
0xfa: {  	v3 =	vor.u32 v3, v4  }
0xfb: {  	v4 =	vperm.xlane v3, v0;
	_ =	sdelay $0x1  }
0xfc: {  	v3 =	vperm.xlane v3, v2;
	v4 =	vadd.s32 v1, v4;
	_ =	sdelay $0x1  }
0xfd: {  	v3 =	vadd.s32 v1, v3;
	_ =	sdelay $0x2  }
0xfe: {  	[tilespmem:s13], [sflag:$0x1] =	stream.indirect_vreg.gather [hbm4b:s3+s1], $0x80, v4, vm0, $0xb8;
	[tilespmem:$0x1C880] =	vst v63  }
0xff: {  	_ = 	snop  }
0x100: {  	[tilespmem:s14], [sflag:$0x1] =	stream.indirect_vreg.gather [hbm4b:s3+s1], $0x80, v3, vm0, $0xb8;
	[tilespmem:$0x1C880] =	vst v63  }
0x101: {  	v3 =	vld [tilespmem:$0x420];
	_ =	sdelay $0x4  }
0x102: {  	v50 =	vshll.u32 v3, $0x1  }
0x103: {  	v3 =	vand.u32 $0x7, v3;
	v4 =	vand.u32 $0xFFFFFFF0, v50  }
0x104: {  	v3 =	vor.u32 v3, v4  }
0x105: {  	v4 =	vperm.xlane v3, v0;
	_ =	sdelay $0x1  }
0x106: {  	v3 =	vperm.xlane v3, v2;
	v4 =	vadd.s32 v1, v4;
	_ =	sdelay $0x1  }
0x107: {  	v3 =	vadd.s32 v1, v3;
	_ =	sdelay $0x2  }
0x108: {  	[tilespmem:s15], [sflag:$0x1] =	stream.indirect_vreg.gather [hbm4b:s3+s1], $0x80, v4, vm0, $0xb8;
	[tilespmem:$0x1C880] =	vst v63  }
0x109: {  	_ = 	snop  }
0x10a: {  	[tilespmem:s16], [sflag:$0x1] =	stream.indirect_vreg.gather [hbm4b:s3+s1], $0x80, v3, vm0, $0xb8;
	[tilespmem:$0x1C880] =	vst v63  }
0x10b: {  	v3 =	vld [tilespmem:$0x430];
	_ =	sdelay $0x4  }
0x10c: {  	v51 =	vshll.u32 v3, $0x1  }
0x10d: {  	v3 =	vand.u32 $0x7, v3;
	v4 =	vand.u32 $0xFFFFFFF0, v51  }
0x10e: {  	v3 =	vor.u32 v3, v4  }
0x10f: {  	v4 =	vperm.xlane v3, v0;
	_ =	sdelay $0x1  }
0x110: {  	v3 =	vperm.xlane v3, v2;
	v4 =	vadd.s32 v1, v4;
	_ =	sdelay $0x1  }
0x111: {  	v3 =	vadd.s32 v1, v3;
	_ =	sdelay $0x2  }
0x112: {  	[tilespmem:s17], [sflag:$0x1] =	stream.indirect_vreg.gather [hbm4b:s3+s1], $0x80, v4, vm0, $0xb8;
	[tilespmem:$0x1C880] =	vst v63  }
0x113: {  	_ = 	snop  }
0x114: {  	[tilespmem:s18], [sflag:$0x1] =	stream.indirect_vreg.gather [hbm4b:s3+s1], $0x80, v3, vm0, $0xb8;
	[tilespmem:$0x1C880] =	vst v63  }
0x115: {  	s9 =	rddreg [dreg:$0x8]  }
0x116: {  	[tilespmem:s20], [sflag:$0x2] =	stream.indirect.gather [hbm4b:s4+s19], $0x80, s9, s19, $0xb8;
	[tilespmem:$0x1C880] =	vst v63  }
0x117: {  	_ =	swait.ge [sflag:s31], $0x4000  }
0x118: {  	[sflag:s31] =	ssyncset.done $0x0  }
0x119: {  	[sflag:s31] =	ssyncadd.s32 $0xFFFFC000  }
0x11a: {  	_ =	swait.ge [sflag:s0], $0x2000  }
0x11b: {  	[sflag:s0] =	ssyncset.done $0x0  }
0x11c: {  	s9 =	sadd.s32 $0x1800, s5;
	[sflag:s0] =	ssyncadd.s32 $0xFFFFE000  }
0x11d: {  	[hbm4b:s9+s1] =	stream.linear.scatter [tilespmem:s21], [sflag:$0x3], $0x4000, $0x38;
	[tilespmem:$0x1C880] =	vst v63  }
0x11e: {  	_ =	swait.ge [sflag:s10], $0x4000  }
0x11f: {  	[sflag:s10] =	ssyncset.done $0x0  }
0x120: {  	[sflag:s10] =	ssyncadd.s32 $0xFFFFC000  }
0x121: {  	v3 =	vld [tilespmem:$0x500];
	_ =	sdelay $0x4  }
0x122: {  	v52 =	vshll.u32 v3, $0x1  }
0x123: {  	v3 =	vand.u32 $0x7, v3;
	v4 =	vand.u32 $0xFFFFFFF0, v52  }
0x124: {  	v3 =	vor.u32 v3, v4  }
0x125: {  	v4 =	vperm.xlane v3, v0;
	_ =	sdelay $0x1  }
0x126: {  	v3 =	vperm.xlane v3, v2;
	v4 =	vadd.s32 v1, v4;
	_ =	sdelay $0x1  }
0x127: {  	v3 =	vadd.s32 v1, v3;
	_ =	sdelay $0x2  }
0x128: {  	[tilespmem:s21], [sflag:$0x1] =	stream.indirect_vreg.gather [hbm4b:s3+s1], $0x80, v4, vm0, $0xb8;
	[tilespmem:$0x1C880] =	vst v63  }
0x129: {  	_ = 	snop  }
0x12a: {  	[tilespmem:s22], [sflag:$0x1] =	stream.indirect_vreg.gather [hbm4b:s3+s1], $0x80, v3, vm0, $0xb8;
	[tilespmem:$0x1C880] =	vst v63  }
0x12b: {  	v3 =	vld [tilespmem:$0x510];
	_ =	sdelay $0x4  }
0x12c: {  	v53 =	vshll.u32 v3, $0x1  }
0x12d: {  	v3 =	vand.u32 $0x7, v3;
	v4 =	vand.u32 $0xFFFFFFF0, v53  }
0x12e: {  	v3 =	vor.u32 v3, v4  }
0x12f: {  	v4 =	vperm.xlane v3, v0;
	_ =	sdelay $0x1  }
0x130: {  	v3 =	vperm.xlane v3, v2;
	v4 =	vadd.s32 v1, v4;
	_ =	sdelay $0x1  }
0x131: {  	v3 =	vadd.s32 v1, v3;
	_ =	sdelay $0x2  }
0x132: {  	[tilespmem:s23], [sflag:$0x1] =	stream.indirect_vreg.gather [hbm4b:s3+s1], $0x80, v4, vm0, $0xb8;
	[tilespmem:$0x1C880] =	vst v63  }
0x133: {  	_ = 	snop  }
0x134: {  	[tilespmem:s24], [sflag:$0x1] =	stream.indirect_vreg.gather [hbm4b:s3+s1], $0x80, v3, vm0, $0xb8;
	[tilespmem:$0x1C880] =	vst v63  }
0x135: {  	v3 =	vld [tilespmem:$0x520];
	_ =	sdelay $0x4  }
0x136: {  	v54 =	vshll.u32 v3, $0x1  }
0x137: {  	v3 =	vand.u32 $0x7, v3;
	v4 =	vand.u32 $0xFFFFFFF0, v54  }
0x138: {  	v3 =	vor.u32 v3, v4  }
0x139: {  	v4 =	vperm.xlane v3, v0;
	_ =	sdelay $0x1  }
0x13a: {  	v3 =	vperm.xlane v3, v2;
	v4 =	vadd.s32 v1, v4;
	_ =	sdelay $0x1  }
0x13b: {  	v3 =	vadd.s32 v1, v3;
	_ =	sdelay $0x2  }
0x13c: {  	[tilespmem:s25], [sflag:$0x1] =	stream.indirect_vreg.gather [hbm4b:s3+s1], $0x80, v4, vm0, $0xb8;
	[tilespmem:$0x1C880] =	vst v63  }
0x13d: {  	_ = 	snop  }
0x13e: {  	[tilespmem:s26], [sflag:$0x1] =	stream.indirect_vreg.gather [hbm4b:s3+s1], $0x80, v3, vm0, $0xb8;
	[tilespmem:$0x1C880] =	vst v63  }
0x13f: {  	v3 =	vld [tilespmem:$0x530];
	_ =	sdelay $0x4  }
0x140: {  	v55 =	vshll.u32 v3, $0x1  }
0x141: {  	v3 =	vand.u32 $0x7, v3;
	v4 =	vand.u32 $0xFFFFFFF0, v55  }
0x142: {  	v3 =	vor.u32 v3, v4  }
0x143: {  	v4 =	vperm.xlane v3, v0;
	_ =	sdelay $0x1  }
0x144: {  	v3 =	vperm.xlane v3, v2;
	v4 =	vadd.s32 v1, v4;
	_ =	sdelay $0x1  }
0x145: {  	v3 =	vadd.s32 v1, v3;
	_ =	sdelay $0x2  }
0x146: {  	[tilespmem:s28], [sflag:$0x1] =	stream.indirect_vreg.gather [hbm4b:s3+s1], $0x80, v4, vm0, $0xb8;
	[tilespmem:$0x1C880] =	vst v63  }
0x147: {  	_ = 	snop  }
0x148: {  	[tilespmem:s29], [sflag:$0x1] =	stream.indirect_vreg.gather [hbm4b:s3+s1], $0x80, v3, vm0, $0xb8;
	[tilespmem:$0x1C880] =	vst v63  }
0x149: {  	s9 =	rddreg [dreg:$0x9]  }
0x14a: {  	[tilespmem:s30], [sflag:$0x2] =	stream.indirect.gather [hbm4b:s4+s19], $0x80, s9, s19, $0xb8;
	[tilespmem:$0x1C880] =	vst v63  }
0x14b: {  	_ =	swait.ge [sflag:s31], $0x4000  }
0x14c: {  	[sflag:s31] =	ssyncset.done $0x0  }
0x14d: {  	[sflag:s31] =	ssyncadd.s32 $0xFFFFC000  }
0x14e: {  	_ =	swait.ge [sflag:s0], $0x2000  }
0x14f: {  	[sflag:s0] =	ssyncset.done $0x0  }
0x150: {  	s9 =	sadd.s32 $0x2000, s5;
	[sflag:s0] =	ssyncadd.s32 $0xFFFFE000  }
0x151: {  	[hbm4b:s9+s1] =	stream.linear.scatter [tilespmem:s11], [sflag:$0x3], $0x4000, $0x38;
	[tilespmem:$0x1C880] =	vst v63  }
0x152: {  	_ =	swait.ge [sflag:s10], $0x4000  }
0x153: {  	[sflag:s10] =	ssyncset.done $0x0  }
0x154: {  	[sflag:s10] =	ssyncadd.s32 $0xFFFFC000  }
0x155: {  	v3 =	vld [tilespmem:$0x600];
	_ =	sdelay $0x4  }
0x156: {  	v56 =	vshll.u32 v3, $0x1  }
0x157: {  	v3 =	vand.u32 $0x7, v3;
	v4 =	vand.u32 $0xFFFFFFF0, v56  }
0x158: {  	v3 =	vor.u32 v3, v4  }
0x159: {  	v4 =	vperm.xlane v3, v0;
	_ =	sdelay $0x1  }
0x15a: {  	v3 =	vperm.xlane v3, v2;
	v4 =	vadd.s32 v1, v4;
	_ =	sdelay $0x1  }
0x15b: {  	v3 =	vadd.s32 v1, v3;
	_ =	sdelay $0x2  }
0x15c: {  	[tilespmem:s11], [sflag:$0x1] =	stream.indirect_vreg.gather [hbm4b:s3+s1], $0x80, v4, vm0, $0xb8;
	[tilespmem:$0x1C880] =	vst v63  }
0x15d: {  	_ = 	snop  }
0x15e: {  	[tilespmem:s12], [sflag:$0x1] =	stream.indirect_vreg.gather [hbm4b:s3+s1], $0x80, v3, vm0, $0xb8;
	[tilespmem:$0x1C880] =	vst v63  }
0x15f: {  	v3 =	vld [tilespmem:$0x610];
	_ =	sdelay $0x4  }
0x160: {  	v57 =	vshll.u32 v3, $0x1  }
0x161: {  	v3 =	vand.u32 $0x7, v3;
	v4 =	vand.u32 $0xFFFFFFF0, v57  }
0x162: {  	v3 =	vor.u32 v3, v4  }
0x163: {  	v4 =	vperm.xlane v3, v0;
	_ =	sdelay $0x1  }
0x164: {  	v3 =	vperm.xlane v3, v2;
	v4 =	vadd.s32 v1, v4;
	_ =	sdelay $0x1  }
0x165: {  	v3 =	vadd.s32 v1, v3;
	_ =	sdelay $0x2  }
0x166: {  	[tilespmem:s13], [sflag:$0x1] =	stream.indirect_vreg.gather [hbm4b:s3+s1], $0x80, v4, vm0, $0xb8;
	[tilespmem:$0x1C880] =	vst v63  }
0x167: {  	_ = 	snop  }
0x168: {  	[tilespmem:s14], [sflag:$0x1] =	stream.indirect_vreg.gather [hbm4b:s3+s1], $0x80, v3, vm0, $0xb8;
	[tilespmem:$0x1C880] =	vst v63  }
0x169: {  	v3 =	vld [tilespmem:$0x620];
	_ =	sdelay $0x4  }
0x16a: {  	v58 =	vshll.u32 v3, $0x1  }
0x16b: {  	v3 =	vand.u32 $0x7, v3;
	v4 =	vand.u32 $0xFFFFFFF0, v58  }
0x16c: {  	v3 =	vor.u32 v3, v4  }
0x16d: {  	v4 =	vperm.xlane v3, v0;
	_ =	sdelay $0x1  }
0x16e: {  	v3 =	vperm.xlane v3, v2;
	v4 =	vadd.s32 v1, v4;
	_ =	sdelay $0x1  }
0x16f: {  	v3 =	vadd.s32 v1, v3;
	_ =	sdelay $0x2  }
0x170: {  	[tilespmem:s15], [sflag:$0x1] =	stream.indirect_vreg.gather [hbm4b:s3+s1], $0x80, v4, vm0, $0xb8;
	[tilespmem:$0x1C880] =	vst v63  }
0x171: {  	_ = 	snop  }
0x172: {  	[tilespmem:s16], [sflag:$0x1] =	stream.indirect_vreg.gather [hbm4b:s3+s1], $0x80, v3, vm0, $0xb8;
	[tilespmem:$0x1C880] =	vst v63  }
0x173: {  	v3 =	vld [tilespmem:$0x630];
	_ =	sdelay $0x4  }
0x174: {  	v59 =	vshll.u32 v3, $0x1  }
0x175: {  	v3 =	vand.u32 $0x7, v3;
	v4 =	vand.u32 $0xFFFFFFF0, v59  }
0x176: {  	v3 =	vor.u32 v3, v4  }
0x177: {  	v4 =	vperm.xlane v3, v0;
	_ =	sdelay $0x1  }
0x178: {  	v3 =	vperm.xlane v3, v2;
	v4 =	vadd.s32 v1, v4;
	_ =	sdelay $0x1  }
0x179: {  	v3 =	vadd.s32 v1, v3;
	_ =	sdelay $0x2  }
0x17a: {  	[tilespmem:s17], [sflag:$0x1] =	stream.indirect_vreg.gather [hbm4b:s3+s1], $0x80, v4, vm0, $0xb8;
	[tilespmem:$0x1C880] =	vst v63  }
0x17b: {  	_ = 	snop  }
0x17c: {  	[tilespmem:s18], [sflag:$0x1] =	stream.indirect_vreg.gather [hbm4b:s3+s1], $0x80, v3, vm0, $0xb8;
	[tilespmem:$0x1C880] =	vst v63  }
0x17d: {  	s9 =	rddreg [dreg:$0xa]  }
0x17e: {  	[tilespmem:s20], [sflag:$0x2] =	stream.indirect.gather [hbm4b:s4+s19], $0x80, s9, s19, $0xb8;
	[tilespmem:$0x1C880] =	vst v63  }
0x17f: {  	_ =	swait.ge [sflag:s31], $0x4000  }
0x180: {  	[sflag:s31] =	ssyncset.done $0x0  }
0x181: {  	[sflag:s31] =	ssyncadd.s32 $0xFFFFC000  }
0x182: {  	_ =	swait.ge [sflag:s0], $0x2000  }
0x183: {  	[sflag:s0] =	ssyncset.done $0x0  }
0x184: {  	s9 =	sadd.s32 $0x2800, s5;
	[sflag:s0] =	ssyncadd.s32 $0xFFFFE000  }
0x185: {  	[hbm4b:s9+s1] =	stream.linear.scatter [tilespmem:s21], [sflag:$0x3], $0x4000, $0x38;
	[tilespmem:$0x1C880] =	vst v63  }
0x186: {  	_ =	swait.ge [sflag:s10], $0x4000  }
0x187: {  	[sflag:s10] =	ssyncset.done $0x0  }
0x188: {  	[sflag:s10] =	ssyncadd.s32 $0xFFFFC000  }
0x189: {  	v3 =	vld [tilespmem:$0x700];
	_ =	sdelay $0x4  }
0x18a: {  	v60 =	vshll.u32 v3, $0x1  }
0x18b: {  	v3 =	vand.u32 $0x7, v3;
	v4 =	vand.u32 $0xFFFFFFF0, v60  }
0x18c: {  	v3 =	vor.u32 v3, v4  }
0x18d: {  	v4 =	vperm.xlane v3, v0;
	_ =	sdelay $0x1  }
0x18e: {  	v3 =	vperm.xlane v3, v2;
	v4 =	vadd.s32 v1, v4;
	_ =	sdelay $0x1  }
0x18f: {  	v3 =	vadd.s32 v1, v3;
	_ =	sdelay $0x2  }
0x190: {  	[tilespmem:s21], [sflag:$0x1] =	stream.indirect_vreg.gather [hbm4b:s3+s1], $0x80, v4, vm0, $0xb8;
	[tilespmem:$0x1C880] =	vst v63  }
0x191: {  	_ = 	snop  }
0x192: {  	[tilespmem:s22], [sflag:$0x1] =	stream.indirect_vreg.gather [hbm4b:s3+s1], $0x80, v3, vm0, $0xb8;
	[tilespmem:$0x1C880] =	vst v63  }
0x193: {  	v3 =	vld [tilespmem:$0x710];
	_ =	sdelay $0x4  }
0x194: {  	v61 =	vshll.u32 v3, $0x1  }
0x195: {  	v3 =	vand.u32 $0x7, v3;
	v4 =	vand.u32 $0xFFFFFFF0, v61  }
0x196: {  	v3 =	vor.u32 v3, v4  }
0x197: {  	v4 =	vperm.xlane v3, v0;
	_ =	sdelay $0x1  }
0x198: {  	v3 =	vperm.xlane v3, v2;
	v4 =	vadd.s32 v1, v4;
	_ =	sdelay $0x1  }
0x199: {  	v3 =	vadd.s32 v1, v3;
	_ =	sdelay $0x2  }
0x19a: {  	[tilespmem:s23], [sflag:$0x1] =	stream.indirect_vreg.gather [hbm4b:s3+s1], $0x80, v4, vm0, $0xb8;
	[tilespmem:$0x1C880] =	vst v63  }
0x19b: {  	_ = 	snop  }
0x19c: {  	[tilespmem:s24], [sflag:$0x1] =	stream.indirect_vreg.gather [hbm4b:s3+s1], $0x80, v3, vm0, $0xb8;
	[tilespmem:$0x1C880] =	vst v63  }
0x19d: {  	v3 =	vld [tilespmem:$0x720];
	_ =	sdelay $0x4  }
0x19e: {  	v62 =	vshll.u32 v3, $0x1  }
0x19f: {  	v3 =	vand.u32 $0x7, v3;
	v4 =	vand.u32 $0xFFFFFFF0, v62  }
0x1a0: {  	v3 =	vor.u32 v3, v4  }
0x1a1: {  	v4 =	vperm.xlane v3, v0;
	_ =	sdelay $0x1  }
0x1a2: {  	v3 =	vperm.xlane v3, v2;
	v4 =	vadd.s32 v1, v4;
	_ =	sdelay $0x1  }
0x1a3: {  	v3 =	vadd.s32 v1, v3;
	_ =	sdelay $0x2  }
0x1a4: {  	[tilespmem:s25], [sflag:$0x1] =	stream.indirect_vreg.gather [hbm4b:s3+s1], $0x80, v4, vm0, $0xb8;
	[tilespmem:$0x1C880] =	vst v63  }
0x1a5: {  	_ = 	snop  }
0x1a6: {  	[tilespmem:s26], [sflag:$0x1] =	stream.indirect_vreg.gather [hbm4b:s3+s1], $0x80, v3, vm0, $0xb8;
	[tilespmem:$0x1C880] =	vst v63  }
0x1a7: {  	v3 =	vld [tilespmem:$0x730];
	_ =	sdelay $0x4  }
0x1a8: {  	v63 =	vshll.u32 v3, $0x1  }
0x1a9: {  	v3 =	vand.u32 $0x7, v3;
	v4 =	vand.u32 $0xFFFFFFF0, v63  }
0x1aa: {  	v3 =	vor.u32 v3, v4  }
0x1ab: {  	v4 =	vperm.xlane v3, v0;
	_ =	sdelay $0x1  }
0x1ac: {  	v3 =	vperm.xlane v3, v2;
	v4 =	vadd.s32 v1, v4;
	_ =	sdelay $0x1  }
0x1ad: {  	v3 =	vadd.s32 v1, v3;
	_ =	sdelay $0x2  }
0x1ae: {  	[tilespmem:s28], [sflag:$0x1] =	stream.indirect_vreg.gather [hbm4b:s3+s1], $0x80, v4, vm0, $0xb8;
	[tilespmem:$0x1C880] =	vst v63  }
0x1af: {  	_ = 	snop  }
0x1b0: {  	[tilespmem:s29], [sflag:$0x1] =	stream.indirect_vreg.gather [hbm4b:s3+s1], $0x80, v3, vm0, $0xb8;
	[tilespmem:$0x1C880] =	vst v63  }
0x1b1: {  	s9 =	rddreg [dreg:$0xb]  }
0x1b2: {  	[tilespmem:s30], [sflag:$0x2] =	stream.indirect.gather [hbm4b:s4+s19], $0x80, s9, s19, $0xb8;
	[tilespmem:$0x1C880] =	vst v63  }
0x1b3: {  	_ =	swait.ge [sflag:s31], $0x4000  }
0x1b4: {  	[sflag:s31] =	ssyncset.done $0x0  }
0x1b5: {  	[sflag:s31] =	ssyncadd.s32 $0xFFFFC000  }
0x1b6: {  	_ =	swait.ge [sflag:s0], $0x2000  }
0x1b7: {  	[sflag:s0] =	ssyncset.done $0x0  }
0x1b8: {  	s9 =	sadd.s32 $0x3000, s5;
	[sflag:s0] =	ssyncadd.s32 $0xFFFFE000  }
0x1b9: {  	[hbm4b:s9+s1] =	stream.linear.scatter [tilespmem:s11], [sflag:$0x3], $0x4000, $0x38;
	[tilespmem:$0x1C880] =	vst v63  }
0x1ba: {  	_ =	swait.ge [sflag:s10], $0x4000  }
0x1bb: {  	[sflag:s10] =	ssyncset.done $0x0  }
0x1bc: {  	[sflag:s10] =	ssyncadd.s32 $0xFFFFC000  }
0x1bd: {  	_ =	swait.ge [sflag:s31], $0x4000  }
0x1be: {  	[sflag:s31] =	ssyncset.done $0x0  }
0x1bf: {  	[sflag:s31] =	ssyncadd.s32 $0xFFFFC000  }
0x1c0: {  	_ =	swait.ge [sflag:s0], $0x2000  }
0x1c1: {  	p0 =	sne.s32 s6, $0x3C000;
	[sflag:s0] =	ssyncset.done $0x0  }
.Ltmp0:
0x1c2: {  	s5 =	sadd.s32 $0x3800, s5;
	[sflag:s0] =	ssyncadd.s32 $0xFFFFE000;
	(pc) =	sbr.rel @p0 .LBB2_2-.Ltmp0, $4  }
0x1c3: {  	[hbm4b:s5+s1] =	stream.linear.scatter [tilespmem:s21], [sflag:$0x3], $0x4000, $0x38;
	[tilespmem:$0x1C880] =	vst v63  }
0x1c4: {  	_ =	swait.ge [sflag:s10], $0x4000  }
0x1c5: {  	s8 =	sadd.s32 $0x100, s8;
	[sflag:s10] =	ssyncset.done $0x0  }
0x1c6: {  	s7 =	sadd.s32 $0x2000, s7;
	s6 =	sadd.s32 $0x4000, s6;
	[sflag:s10] =	ssyncadd.s32 $0xFFFFC000  }
0x1c7: {  	s2 =	sadd.s32 $0x1, s2;
	s5 =	rddreg [dreg:$0xd]  }
0x1c8: {  	p0 =	sne.s32 s2, s5  }
.Ltmp1:
0x1c9: {  	_ = 	snop;
	(pc) =	sbr.rel @p0 .LBB2_1-.Ltmp1, $1  }
0x1ca: {  	_ =	sdelay $0x3  }
0x1cb: {  	_ =	sfence.sel $0x180000  }
0x1cc: {  	[bflag:$0x0] =	sbarrier.arrive $0xFFFF  }
0x1cd: {  	_ =	strace $0x9000004A  }
0x1ce: {  	s0 =	stileid.u32;
	[bflag:$0x2] =	sbarrier.arrive $0xFFFF  }
0x1cf: {  	p0 =	sne.s32 s0, $0x0;
	s0 =	rddreg [dreg:$0x1]  }
0x1d0: {  	s0 =	sadd.s32 @!p0 $0x100000, s0  }
0x1d1: {  	[sflag:s0] =	ssyncadd.tile.s32 @!p0 $0x1;
	_ =	shalt  }
.Lfunc_end2:
_tile_overlayer_lowered:
.L_overlay_start_2:
0x1d2: {  	(tag) =	ssettag $0x2  }
0x1d3: {  	s0 =	rddreg [dreg:$0x0];
	s2 =	stileid.u32  }
0x1d4: {  	s1 =	rddreg [dreg:$0x1];
	p0 =	sne.s32 s2, $0x0  }
0x1d5: {  	s3 =	rddreg [dreg:$0x2];
	[bflag:$0x3] =	sbarrier.arrive $0xFFFF;
	s2 =	simm.s32 @!p0 $0x1C03  }
0x1d6: {  	[timem:s3], [sflag:s2] =	dma.local @!p0 [hbm:s0], s1  }
0x1d7: {  	s0 =	simm.s32 @!p0 $0x3  }
0x1d8: {  	_ =	swait.ge @!p0 [sflag:s0], s1  }
0x1d9: {  	s1 =	ssub.s32 @!p0 $0x0, s1;
	[sflag:s0] =	ssyncset.done @!p0 $0x0  }
0x1da: {  	[sflag:s0] =	ssyncadd.s32 @!p0 s1  }
0x1db: {  	[bflag:$0x3] =	sbarrier.arrive $0xFFFF  }
0x1dc: {  	_ =	shalt  }

// kernel: kernel.15.cloned.1.call-start
scs
__scs_entry_jumppad:
0x0: {  	(pc) =	sbr.rel $0x88, $3  }
0x1: {  	(tag) =	ssettag $0x0;
	lr =	simm.s32 $0x1  }
0x2: {  	[smem:$0x3F8A] =	sst lr;
	_ =	strace $0xD0000000  }
0x3: {  	_ = 	snop  }
0x4: {  	_ = 	snop  }
0x5: {  	_ = 	snop  }
0x6: {  	_ = 	snop  }
0x7: {  	_ = 	snop  }
__scs_overlays_trampoline_lowered:
0x8: {  	[smem:$0x3F99] =	sst s0  }
0x9: {  	[smem:$0x3F9A] =	sst s1  }
0xa: {  	[smem:$0x3F9B] =	sst s2  }
0xb: {  	[smem:$0x3F9C] =	sst s3  }
0xc: {  	[smem:$0x3F9D] =	sst s4  }
0xd: {  	[smem:$0x3F9E] =	sst s5  }
0xe: {  	[smem:$0x3F9F] =	sst s6  }
0xf: {  	[smem:$0x3FA0] =	sst s7  }
0x10: {  	[smem:$0x3FA1] =	sst s8  }
0x11: {  	[smem:$0x3FA2] =	sst s9;
	s0 =	simm.s32 @!p0 $0x0  }
0x12: {  	s1 =	sld [smem:$0x3F88];
	s0 =	simm.s32 @p0 $0x1  }
0x13: {  	[smem:$0x3FA3] =	sst s0;
	s0 =	simm.s32 @!p1 $0x0  }
0x14: {  	s2 =	sld [smem:$0x3F87];
	s0 =	simm.s32 @p1 $0x1  }
0x15: {  	[smem:$0x3FA4] =	sst s0;
	s0 =	simm.s32 @!p2 $0x0  }
0x16: {  	s3 =	sld [smem:$0x3FDB];
	s0 =	simm.s32 @p2 $0x1  }
0x17: {  	s4 =	simm.s32 $0x1BF5;
	[smem:$0x3FA6] =	sst s0  }
0x18: {  	s0 =	sld [smem:$0x3F89];
	_ =	swait.ge [sflag:s4], $0x0  }
0x19: {  	s7 =	sld [smem:$0x3F8A]  }
0x1a: {  	s8 =	sadd.s32 $0xFFFFE003, lr  }
0x1b: {  	s9 =	sadd.s32 $0xFFFFFEF7, lr;
	s5 =	simm.s32 $0xFFFFFFFF;
	p2 =	slt.u32 s8, $0xFFFFF086  }
0x1c: {  	p1 =	slt.u32 s9, $0xF7A;
	s5 =	simm.s32 @!p2 $0x0  }
0x1d: {  	s5 =	simm.s32 @p1 $0x1;
	p0 =	seq.s32 s7, s2  }
0x1e: {  	s7 =	smul.u32 @!p0 $0xF7A, s2;
	p2 =	seq.s32 @!p0 s5, $0x0  }
0x1f: {  	s9 =	smul.u32 $0xF7A, s1;
	s8 =	simm.s32 @!p0 $0x1BF5;
	p2 =	por !p2, p0  }
0x20: {  	[sflag:s8] =	ssyncset.s32 @!p0 $0xFFFFF086;
	s6 =	sadd.s32 @!p0 s3, s7;
	s7 =	simm.s32 @!p0 $0x108  }
0x21: {  	s3 =	sadd.s32 s3, s9;
	s6 =	sadd.s32 @!p0 $0x88, s6;
	s7 =	simm.s32 @p2 $0x1082  }
0x22: {  	[simem:s7], [sflag:s8] =	dma.local @!p0 [hbm:s6], $0xF7A  }
0x23: {  	s9 =	sor.u32 $0xD0000000, s2;
	s6 =	simm.s32 $0x108;
	_ =	swait.ge @!p0 [sflag:s8], $0x0  }
0x24: {  	s3 =	sadd.s32 $0x88, s3;
	s6 =	simm.s32 @!p1 $0x1082;
	[sflag:s4] =	ssyncset.s32 $0xFFFFF086  }
0x25: {  	[simem:s6], [sflag:s4] =	dma.local [hbm:s3], $0xF7A  }
0x26: {  	[smem:$0x3F8A] =	sst s1;
	(tag) =	ssettag s2;
	_ =	strace s9  }
0x27: {  	s1 =	sld [smem:$0x3F9A]  }
0x28: {  	s2 =	sld [smem:$0x3F9B]  }
0x29: {  	s4 =	sld [smem:$0x3F9D]  }
0x2a: {  	p0 =	seq.s32 s5, $0x0;
	s5 =	sld [smem:$0x3F9E]  }
0x2b: {  	s6 =	sld [smem:$0x3F9F]  }
0x2c: {  	s7 =	sld [smem:$0x3FA0]  }
0x2d: {  	s3 =	simm.s32 $0x108;
	s8 =	sld [smem:$0x3FA1]  }
0x2e: {  	s3 =	simm.s32 @!p0 $0x1082;
	s9 =	sld [smem:$0x3FA2]  }
0x2f: {  	lr =	sadd.s32 s0, s3;
	s0 =	sld [smem:$0x3F99]  }
0x30: {  	s3 =	sld [smem:$0x3F9C]  }
0x31: {  	[smem:$0x3FA5] =	sst s10  }
0x32: {  	s10 =	sld [smem:$0x3FA3];
	_ =	sdelay $0x3  }
0x33: {  	p0 =	seq.s32 s10, $0x1;
	s10 =	sld [smem:$0x3FA5];
	_ =	sdelay $0x3  }
0x34: {  	[smem:$0x3FA5] =	sst s10  }
0x35: {  	s10 =	sld [smem:$0x3FA4];
	_ =	sdelay $0x3  }
0x36: {  	p1 =	seq.s32 s10, $0x1;
	s10 =	sld [smem:$0x3FA5];
	_ =	sdelay $0x3  }
0x37: {  	[smem:$0x3FA5] =	sst s10  }
0x38: {  	s10 =	sld [smem:$0x3FA6]  }
0x39: {  	_ = 	snop;
	(pc) =	sbr.ind lr, $3  }
0x3a: {  	_ = 	snop  }
0x3b: {  	_ = 	snop  }
0x3c: {  	p2 =	seq.s32 s10, $0x1;
	s10 =	sld [smem:$0x3FA5]  }
0x3d: {  	_ =	shalt  }
0x3e: {  	_ =	shalt  }
0x3f: {  	_ =	shalt  }
0x40: {  	_ =	shalt  }
0x41: {  	_ =	shalt  }
0x42: {  	_ =	shalt  }
0x43: {  	_ =	shalt  }
0x44: {  	_ =	shalt  }
0x45: {  	_ =	shalt  }
0x46: {  	_ =	shalt  }
0x47: {  	_ =	shalt  }
0x48: {  	_ =	shalt  }
0x49: {  	_ =	shalt  }
0x4a: {  	_ =	shalt  }
0x4b: {  	_ =	shalt  }
0x4c: {  	_ =	shalt  }
0x4d: {  	_ =	shalt  }
0x4e: {  	_ =	shalt  }
0x4f: {  	_ =	shalt  }
0x50: {  	_ =	shalt  }
0x51: {  	_ =	shalt  }
0x52: {  	_ =	shalt  }
0x53: {  	_ =	shalt  }
0x54: {  	_ =	shalt  }
0x55: {  	_ =	shalt  }
0x56: {  	_ =	shalt  }
0x57: {  	_ =	shalt  }
0x58: {  	_ =	shalt  }
0x59: {  	_ =	shalt  }
0x5a: {  	_ =	shalt  }
0x5b: {  	_ =	shalt  }
0x5c: {  	_ =	shalt  }
0x5d: {  	_ =	shalt  }
0x5e: {  	_ =	shalt  }
0x5f: {  	_ =	shalt  }
0x60: {  	_ =	shalt  }
0x61: {  	_ =	shalt  }
0x62: {  	_ =	shalt  }
0x63: {  	_ =	shalt  }
0x64: {  	_ =	shalt  }
0x65: {  	_ =	shalt  }
0x66: {  	_ =	shalt  }
0x67: {  	_ =	shalt  }
0x68: {  	_ =	shalt  }
0x69: {  	_ =	shalt  }
0x6a: {  	_ =	shalt  }
0x6b: {  	_ =	shalt  }
0x6c: {  	_ =	shalt  }
0x6d: {  	_ =	shalt  }
0x6e: {  	_ =	shalt  }
0x6f: {  	_ =	shalt  }
0x70: {  	_ =	shalt  }
0x71: {  	_ =	shalt  }
0x72: {  	_ =	shalt  }
0x73: {  	_ =	shalt  }
0x74: {  	_ =	shalt  }
0x75: {  	_ =	shalt  }
0x76: {  	_ =	shalt  }
0x77: {  	_ =	shalt  }
0x78: {  	_ =	shalt  }
0x79: {  	_ =	shalt  }
0x7a: {  	_ =	shalt  }
0x7b: {  	_ =	shalt  }
0x7c: {  	_ =	shalt  }
0x7d: {  	_ =	shalt  }
0x7e: {  	_ =	shalt  }
0x7f: {  	_ =	shalt  }
0x80: {  	_ =	shalt  }
0x81: {  	_ =	shalt  }
0x82: {  	_ =	shalt  }
0x83: {  	_ =	shalt  }
0x84: {  	_ =	shalt  }
0x85: {  	_ =	shalt  }
0x86: {  	_ =	shalt  }
0x87: {  	_ =	shalt  }
.Lfunc_end0:
.L_simem_size_0:
called_computation.2_lowered:
.L_overlay_start_0:
0x88: {  	s2 =	sld [smem:$0x3FD9]  }
0x89: {  	s3 =	sld [smem:$0x3FFE];
	_ =	sdelay $0x1  }
0x8a: {  	s1 =	srdreg.scid  }
0x8b: {  	s0 =	sand.u32 $0x1, s1  }
0x8c: {  	s16 =	sshll.u32 s0, $0xA;
	s2 =	sadd.s32 s3, s2  }
0x8d: {  	s2 =	sadd.s32 s2, s16  }
0x8e: {  	[smem:$0x3FB1] =	sst s2  }
0x8f: {  	_ = 	snop  }
0x90: {  	(tm) =	ssettm $0x1  }
0x91: {  	s17 =	sld [smem:$0x3FFB];
	_ =	sdelay $0x3  }
0x92: {  	_ =	strace s17  }
0x93: {  	s2 =	sld [smem:$0x3FFC];
	_ =	sdelay $0x3  }
0x94: {  	_ =	strace s2  }
0x95: {  	s2 =	sld [smem:$0x3FFD];
	_ =	sdelay $0x3  }
0x96: {  	_ =	strace s2  }
0x97: {  	_ =	strace $0x8FFFFFFF  }
0x98: {  	s18 =	sld [smem:$0x3FDB];
	_ =	sdelay $0x1  }
0x99: {  	s19 =	simm.s32 $_scs_section_size  }
0x9a: {  	s4 =	simm.s32 $_size__tile_overlayer_lowered;
	s5 =	simm.s32 $_tile_overlayer_lowered  }
0x9b: {  	s22 =	simm.s32 $0x1BFF;
	s21 =	sshll.u32 s5, $0x1;
	s2 =	sadd.s32 s19, s18  }
0x9c: {  	s6 =	simm.s32 $0x0;
	s20 =	sshll.u32 s4, $0x1;
	s4 =	sadd.s32 s21, s2  }
0x9d: {  	[timem:s6], [sflag:s22] =	dma.local [hbm:s4], s20  }
0x9e: {  	_ =	swait.ge [sflag:s22], s20  }
0x9f: {  	s3 =	ssub.s32 $0x0, s20;
	[sflag:s22] =	ssyncset.done $0x0  }
0xa0: {  	[sflag:s22] =	ssyncadd.s32 s3;
	_ =	sdelay $0x1  }
0xa1: {  	s23 =	simm.s32 $0x1B8B  }
0xa2: {  	_ =	swait.ge [sflag:s23], $0x1  }
0xa3: {  	[sflag:s23] =	ssyncset.done $0x0  }
0xa4: {  	s25 =	simm.s32 $0x1B8E;
	s24 =	sld [smem:$0x3FFE];
	[sflag:s23] =	ssyncadd.s32 $0xFFFFFFFF  }
0xa5: {  	s26 =	simm.s32 $execute0_lowered;
	[smem:$0x3FD2] =	sst s25  }
0xa6: {  	s4 =	sshll.u32 s26, $0x1;
	_ =	strace $0x8000004C;
	[dreg:$0x1] =	wrdreg $0xFFFFFFFF  }
0xa7: {  	s28 =	simm.s32 $_size_execute0_lowered;
	s2 =	sadd.s32 s2, s4;
	[dreg:$0x0] =	wrdreg $0x0  }
0xa8: {  	s4 =	sshll.u32 s28, $0x1;
	[dreg:$0x2] =	wrdreg s2  }
0xa9: {  	[dreg:$0x3] =	wrdreg s4  }
0xaa: {  	[dreg:$0x4] =	wrdreg $0xC0  }
0xab: {  	_ =	task [dreg:s6], $0x5FFFF  }
0xac: {  	[dreg:$0x1] =	wrdreg $0xFFFFFFFF  }
0xad: {  	[dreg:$0x0] =	wrdreg $0x60  }
0xae: {  	[dreg:$0x2] =	wrdreg s24  }
0xaf: {  	[dreg:$0x3] =	wrdreg $0x9  }
0xb0: {  	_ =	task.clear_ibuf [dreg:s6], $0x4FFFF;
	_ =	strace $0x9000004C  }
0xb1: {  	s29 =	simm.s32 $0x9;
	_ =	strace $0x8000004E  }
0xb2: {  	_ =	swait.ge [sflag:s29], $0x1  }
0xb3: {  	[sflag:s29] =	ssyncadd.s32 $0xFFFFFFFF  }
0xb4: {  	_ =	strace $0x9000004E  }
0xb5: {  	_ =	sfence  }
0xb6: {  	s30 =	sld [smem:$0x0];
	_ =	sdelay $0x2  }
0xb7: {  	s31 =	sshll.u32 s1, $0xD;
	s1 =	sshrl.u32 s1, $0x2  }
0xb8: {  	s3 =	sand.u32 $0x4000, s31;
	s1 =	sadd.s32 s1, s30  }
0xb9: {  	s0 =	sor.u32 s3, s0;
	s1 =	sshll.u32 s1, $0x11  }
0xba: {  	s0 =	sor.u32 s1, s0  }
0xbb: {  	s0 =	sadd.s32 $0x8F2B, s0  }
0xbc: {  	[sflag:s0] =	ssyncadd.remote.s32 $0x1  }
0xbd: {  	_ =	sfence.sel $0xFFFF  }
0xbe: {  	[dreg:$0x0] =	wrdreg $0xFFFFFFFF;
	(pc) =	sbr.abs _section_cstart, $3  }
0xbf: {  	[dreg:$0x1] =	wrdreg $0xFFFFFFFF  }
0xc0: {  	_ =	task.clear_ibuf [dreg:s6], $0x2FFFF;
	_ =	strace $0x9FFFFFFF  }
0xc1: {  	(tm) =	ssettm $0x7FFFFFFF  }
tec
execute0_lowered:
.L_overlay_start_1:
0x0: {  	(tag) =	ssettag $0x1  }
0x1: {  	s0 =	rddreg [dreg:$0x0];
	s1 =	simm.s32 $0x0;
	s2 =	srdreg.scid  }
0x2: {  	s9 =	stileid.u32;
	s18 =	simm.s32 $0x800;
	s11 =	simm.s32 $0x10800  }
0x3: {  	s12 =	simm.s32 $0x11000;
	s13 =	simm.s32 $0x11800;
	s14 =	simm.s32 $0x12000  }
0x4: {  	s19 =	simm.s32 $0x80;
	s20 =	simm.s32 $0x180;
	s21 =	simm.s32 $0x280  }
0x5: {  	s22 =	simm.s32 $0x380;
	s23 =	simm.s32 $0x480;
	s24 =	simm.s32 $0x580  }
0x6: {  	s25 =	simm.s32 $0x680;
	s26 =	simm.s32 $0x780;
	s28 =	simm.s32 $0x17800  }
0x7: {  	s29 =	simm.s32 $0x18000;
	s30 =	simm.s32 $0x1A800;
	[smem:$0x7FF] =	sst s1  }
0x8: {  	s31 =	simm.s32 $0x1;
	s3 =	sadd.s32 $0x1BD5A00, s0;
	s4 =	sadd.s32 $0x23A5A00, s0  }
0x9: {  	s2 =	sand.u32 $0x1, s2;
	s5 =	sshll.u32 s9, $0xD;
	s10 =	sadd.s32 $0x41BA00, s0  }
0xa: {  	s6 =	sshll.u32 s9, $0x12;
	_ =	strace $0x8000004D;
	[dreg:$0xc] =	wrdreg s10  }
0xb: {  	s9 =	sshll.u32 s9, $0x13;
	s7 =	ssub.s32 $0x2, s2;
	[dreg:$0x3] =	wrdreg s18  }
0xc: {  	s5 =	sadd.s32 s5, s0;
	s6 =	sadd.s32 s6, s0;
	[dreg:$0x4] =	wrdreg s19  }
0xd: {  	s0 =	sadd.s32 s9, s0;
	s15 =	sshll.u32 s2, $0x12;
	[dreg:$0x5] =	wrdreg s20  }
0xe: {  	s16 =	sshll.u32 s2, $0x11;
	s2 =	sshll.u32 s2, $0xC;
	[dreg:$0x6] =	wrdreg s21  }
0xf: {  	s10 =	simm.s32 $0x3;
	s18 =	simm.s32 $0x14000;
	[dreg:$0x7] =	wrdreg s22  }
0x10: {  	s19 =	simm.s32 $0x40;
	s20 =	simm.s32 $0x18800;
	[dreg:$0x8] =	wrdreg s23  }
0x11: {  	s21 =	simm.s32 $0x14800;
	s22 =	simm.s32 $0x15000;
	[dreg:$0x9] =	wrdreg s24  }
0x12: {  	s23 =	simm.s32 $0x15800;
	s24 =	simm.s32 $0x16000;
	[dreg:$0xa] =	wrdreg s25  }
0x13: {  	[dreg:$0xb] =	wrdreg s26;
	s25 =	simm.s32 $0x16800;
	s26 =	simm.s32 $0x17000  }
0x14: {  	s8 =	sshrl.u32 s7, $0x1;
	s0 =	sadd.s32 s15, s0;
	s6 =	sadd.s32 s16, s6  }
0x15: {  	s2 =	sadd.s32 s2, s5;
	s15 =	simm.s32 $0x12800;
	s17 =	sadd.s32 $0xFD5A00, s6  }
0x16: {  	s16 =	simm.s32 $0x13000;
	s2 =	sadd.s32 $0x3FBA00, s2;
	[dreg:$0xe] =	wrdreg s17  }
0x17: {  	v2 =	vlaneseq.u32;
	s7 =	ssub.s32 s7, s8;
	s0 =	sadd.s32 $0x13D5A00, s0;
	[dreg:$0xf] =	wrdreg s2  }
0x18: {  	vm0 =	vmmov $0xffff;
	v1 =	vshrl.u32 v2, $0x3;
	s7 =	smax.u32 s7, $0x1;
	[dreg:$0x2] =	wrdreg s0;
	s17 =	simm.s32 $0x13800  }
0x19: {  	v0 =	vand.u32 $0x7, v2;
	v2 =	vor.u32 $0x8, v2;
	v1 =	vmul.u32 $0x8, v1;
	s0 =	simm.s32 $0x2;
	s2 =	simm.s32 $0x0;
	[dreg:$0xd] =	wrdreg s7  }
.LBB2_1:
0x1a: {  	s5 =	rddreg [dreg:$0xc];
	s6 =	simm.s32 $0x1C800  }
0x1b: {  	[tilespmem:s6], [sflag:$0x3] =	stream.linear.gather [hbm4b:s5+s1], $0x80, $0x38;
	[tilespmem:$0x1C880] =	vst v63  }
0x1c: {  	_ =	swait.ge [sflag:s10], $0x80  }
0x1d: {  	[sflag:s10] =	ssyncset.done $0x0;
	s8 =	rddreg [dreg:$0xf]  }
0x1e: {  	s6 =	simm.s32 $0x0;
	s7 =	rddreg [dreg:$0xe];
	[sflag:s10] =	ssyncadd.s32 $0xFFFFFF80  }
.LBB2_2:
0x1f: {  	[tilespmem:s1], [sflag:$0x3] =	stream.linear.gather [hbm4b:s8+s1], $0x800, $0x38;
	[tilespmem:$0x1C880] =	vst v63  }
0x20: {  	_ =	swait.ge [sflag:s10], $0x800  }
0x21: {  	[sflag:s10] =	ssyncset.done $0x0  }
0x22: {  	s5 =	rddreg [dreg:$0x3];
	[sflag:s10] =	ssyncadd.s32 $0xFFFFF800  }
0x23: {  	[tilespmem:s5], [sflag:$0x3] =	stream.linear.gather [hbm4b:s7+s1], $0x10000, $0x38;
	[tilespmem:$0x1C880] =	vst v63  }
0x24: {  	_ =	swait.ge [sflag:s10], $0x10000  }
0x25: {  	[sflag:s10] =	ssyncset.done $0x0  }
0x26: {  	[sflag:s10] =	ssyncadd.s32 $0xFFFF0000  }
0x27: {  	v3 =	vld [tilespmem:$0x0];
	_ =	sdelay $0x4  }
0x28: {  	v4 =	vshll.u32 v3, $0x1  }
0x29: {  	v3 =	vand.u32 $0x7, v3;
	v4 =	vand.u32 $0xFFFFFFF0, v4  }
0x2a: {  	v3 =	vor.u32 v3, v4  }
0x2b: {  	v4 =	vperm.xlane v3, v0;
	_ =	sdelay $0x1  }
0x2c: {  	v3 =	vperm.xlane v3, v2;
	v4 =	vadd.s32 v1, v4;
	_ =	sdelay $0x1  }
0x2d: {  	v3 =	vadd.s32 v1, v3;
	_ =	sdelay $0x2  }
0x2e: {  	[tilespmem:s11], [sflag:$0x1] =	stream.indirect_vreg.gather [hbm4b:s3+s1], $0x80, v4, vm0, $0xb8;
	[tilespmem:$0x1C880] =	vst v63  }
0x2f: {  	_ = 	snop  }
0x30: {  	[tilespmem:s12], [sflag:$0x1] =	stream.indirect_vreg.gather [hbm4b:s3+s1], $0x80, v3, vm0, $0xb8;
	[tilespmem:$0x1C880] =	vst v63  }
0x31: {  	v3 =	vld [tilespmem:$0x10];
	_ =	sdelay $0x4  }
0x32: {  	v33 =	vshll.u32 v3, $0x1  }
0x33: {  	v3 =	vand.u32 $0x7, v3;
	v4 =	vand.u32 $0xFFFFFFF0, v33  }
0x34: {  	v3 =	vor.u32 v3, v4  }
0x35: {  	v4 =	vperm.xlane v3, v0;
	_ =	sdelay $0x1  }
0x36: {  	v3 =	vperm.xlane v3, v2;
	v4 =	vadd.s32 v1, v4;
	_ =	sdelay $0x1  }
0x37: {  	v3 =	vadd.s32 v1, v3;
	_ =	sdelay $0x2  }
0x38: {  	[tilespmem:s13], [sflag:$0x1] =	stream.indirect_vreg.gather [hbm4b:s3+s1], $0x80, v4, vm0, $0xb8;
	[tilespmem:$0x1C880] =	vst v63  }
0x39: {  	_ = 	snop  }
0x3a: {  	[tilespmem:s14], [sflag:$0x1] =	stream.indirect_vreg.gather [hbm4b:s3+s1], $0x80, v3, vm0, $0xb8;
	[tilespmem:$0x1C880] =	vst v63  }
0x3b: {  	v3 =	vld [tilespmem:$0x20];
	_ =	sdelay $0x4  }
0x3c: {  	v34 =	vshll.u32 v3, $0x1  }
0x3d: {  	v3 =	vand.u32 $0x7, v3;
	v4 =	vand.u32 $0xFFFFFFF0, v34  }
0x3e: {  	v3 =	vor.u32 v3, v4  }
0x3f: {  	v4 =	vperm.xlane v3, v0;
	_ =	sdelay $0x1  }
0x40: {  	v3 =	vperm.xlane v3, v2;
	v4 =	vadd.s32 v1, v4;
	_ =	sdelay $0x1  }
0x41: {  	v3 =	vadd.s32 v1, v3;
	_ =	sdelay $0x2  }
0x42: {  	[tilespmem:s15], [sflag:$0x1] =	stream.indirect_vreg.gather [hbm4b:s3+s1], $0x80, v4, vm0, $0xb8;
	[tilespmem:$0x1C880] =	vst v63  }
0x43: {  	_ = 	snop  }
0x44: {  	[tilespmem:s16], [sflag:$0x1] =	stream.indirect_vreg.gather [hbm4b:s3+s1], $0x80, v3, vm0, $0xb8;
	[tilespmem:$0x1C880] =	vst v63  }
0x45: {  	v3 =	vld [tilespmem:$0x30];
	_ =	sdelay $0x4  }
0x46: {  	v35 =	vshll.u32 v3, $0x1  }
0x47: {  	v3 =	vand.u32 $0x7, v3;
	v4 =	vand.u32 $0xFFFFFFF0, v35  }
0x48: {  	v3 =	vor.u32 v3, v4  }
0x49: {  	v4 =	vperm.xlane v3, v0;
	_ =	sdelay $0x1  }
0x4a: {  	v3 =	vperm.xlane v3, v2;
	v4 =	vadd.s32 v1, v4;
	_ =	sdelay $0x1  }
0x4b: {  	v3 =	vadd.s32 v1, v3;
	_ =	sdelay $0x2  }
0x4c: {  	[tilespmem:s17], [sflag:$0x1] =	stream.indirect_vreg.gather [hbm4b:s3+s1], $0x80, v4, vm0, $0xb8;
	[tilespmem:$0x1C880] =	vst v63  }
0x4d: {  	_ = 	snop  }
0x4e: {  	[tilespmem:s18], [sflag:$0x1] =	stream.indirect_vreg.gather [hbm4b:s3+s1], $0x80, v3, vm0, $0xb8;
	[tilespmem:$0x1C880] =	vst v63  }
0x4f: {  	s9 =	rddreg [dreg:$0x4]  }
0x50: {  	[tilespmem:s20], [sflag:$0x2] =	stream.indirect.gather [hbm4b:s4+s19], $0x80, s9, s19, $0xb8;
	[tilespmem:$0x1C880] =	vst v63  }
0x51: {  	v3 =	vld [tilespmem:$0x100];
	_ =	sdelay $0x4  }
0x52: {  	v36 =	vshll.u32 v3, $0x1  }
0x53: {  	v3 =	vand.u32 $0x7, v3;
	v4 =	vand.u32 $0xFFFFFFF0, v36  }
0x54: {  	v3 =	vor.u32 v3, v4  }
0x55: {  	v4 =	vperm.xlane v3, v0;
	_ =	sdelay $0x1  }
0x56: {  	v3 =	vperm.xlane v3, v2;
	v4 =	vadd.s32 v1, v4;
	_ =	sdelay $0x1  }
0x57: {  	v3 =	vadd.s32 v1, v3;
	_ =	sdelay $0x2  }
0x58: {  	[tilespmem:s21], [sflag:$0x1] =	stream.indirect_vreg.gather [hbm4b:s3+s1], $0x80, v4, vm0, $0xb8;
	[tilespmem:$0x1C880] =	vst v63  }
0x59: {  	_ = 	snop  }
0x5a: {  	[tilespmem:s22], [sflag:$0x1] =	stream.indirect_vreg.gather [hbm4b:s3+s1], $0x80, v3, vm0, $0xb8;
	[tilespmem:$0x1C880] =	vst v63  }
0x5b: {  	v3 =	vld [tilespmem:$0x110];
	_ =	sdelay $0x4  }
0x5c: {  	v37 =	vshll.u32 v3, $0x1  }
0x5d: {  	v3 =	vand.u32 $0x7, v3;
	v4 =	vand.u32 $0xFFFFFFF0, v37  }
0x5e: {  	v3 =	vor.u32 v3, v4  }
0x5f: {  	v4 =	vperm.xlane v3, v0;
	_ =	sdelay $0x1  }
0x60: {  	v3 =	vperm.xlane v3, v2;
	v4 =	vadd.s32 v1, v4;
	_ =	sdelay $0x1  }
0x61: {  	v3 =	vadd.s32 v1, v3;
	_ =	sdelay $0x2  }
0x62: {  	[tilespmem:s23], [sflag:$0x1] =	stream.indirect_vreg.gather [hbm4b:s3+s1], $0x80, v4, vm0, $0xb8;
	[tilespmem:$0x1C880] =	vst v63  }
0x63: {  	_ = 	snop  }
0x64: {  	[tilespmem:s24], [sflag:$0x1] =	stream.indirect_vreg.gather [hbm4b:s3+s1], $0x80, v3, vm0, $0xb8;
	[tilespmem:$0x1C880] =	vst v63  }
0x65: {  	v3 =	vld [tilespmem:$0x120];
	_ =	sdelay $0x4  }
0x66: {  	v38 =	vshll.u32 v3, $0x1  }
0x67: {  	v3 =	vand.u32 $0x7, v3;
	v4 =	vand.u32 $0xFFFFFFF0, v38  }
0x68: {  	v3 =	vor.u32 v3, v4  }
0x69: {  	v4 =	vperm.xlane v3, v0;
	_ =	sdelay $0x1  }
0x6a: {  	v3 =	vperm.xlane v3, v2;
	v4 =	vadd.s32 v1, v4;
	_ =	sdelay $0x1  }
0x6b: {  	v3 =	vadd.s32 v1, v3;
	_ =	sdelay $0x2  }
0x6c: {  	[tilespmem:s25], [sflag:$0x1] =	stream.indirect_vreg.gather [hbm4b:s3+s1], $0x80, v4, vm0, $0xb8;
	[tilespmem:$0x1C880] =	vst v63  }
0x6d: {  	_ = 	snop  }
0x6e: {  	[tilespmem:s26], [sflag:$0x1] =	stream.indirect_vreg.gather [hbm4b:s3+s1], $0x80, v3, vm0, $0xb8;
	[tilespmem:$0x1C880] =	vst v63  }
0x6f: {  	v3 =	vld [tilespmem:$0x130];
	_ =	sdelay $0x4  }
0x70: {  	v39 =	vshll.u32 v3, $0x1  }
0x71: {  	v3 =	vand.u32 $0x7, v3;
	v4 =	vand.u32 $0xFFFFFFF0, v39  }
0x72: {  	v3 =	vor.u32 v3, v4  }
0x73: {  	v4 =	vperm.xlane v3, v0;
	_ =	sdelay $0x1  }
0x74: {  	v3 =	vperm.xlane v3, v2;
	v4 =	vadd.s32 v1, v4;
	_ =	sdelay $0x1  }
0x75: {  	v3 =	vadd.s32 v1, v3;
	_ =	sdelay $0x2  }
0x76: {  	[tilespmem:s28], [sflag:$0x1] =	stream.indirect_vreg.gather [hbm4b:s3+s1], $0x80, v4, vm0, $0xb8;
	[tilespmem:$0x1C880] =	vst v63  }
0x77: {  	_ = 	snop  }
0x78: {  	[tilespmem:s29], [sflag:$0x1] =	stream.indirect_vreg.gather [hbm4b:s3+s1], $0x80, v3, vm0, $0xb8;
	[tilespmem:$0x1C880] =	vst v63  }
0x79: {  	s9 =	rddreg [dreg:$0x5]  }
0x7a: {  	[tilespmem:s30], [sflag:$0x2] =	stream.indirect.gather [hbm4b:s4+s19], $0x80, s9, s19, $0xb8;
	[tilespmem:$0x1C880] =	vst v63  }
0x7b: {  	_ =	swait.ge [sflag:s31], $0x4000  }
0x7c: {  	[sflag:s31] =	ssyncset.done $0x0  }
0x7d: {  	[sflag:s31] =	ssyncadd.s32 $0xFFFFC000  }
0x7e: {  	_ =	swait.ge [sflag:s0], $0x2000  }
0x7f: {  	s9 =	rddreg [dreg:$0x2];
	[sflag:s0] =	ssyncset.done $0x0  }
0x80: {  	[sflag:s0] =	ssyncadd.s32 $0xFFFFE000;
	s5 =	sadd.s32 s6, s9  }
0x81: {  	[hbm4b:s5+s1] =	stream.linear.scatter [tilespmem:s11], [sflag:$0x3], $0x4000, $0x38;
	[tilespmem:$0x1C880] =	vst v63  }
0x82: {  	_ =	swait.ge [sflag:s10], $0x4000  }
0x83: {  	[sflag:s10] =	ssyncset.done $0x0  }
0x84: {  	[sflag:s10] =	ssyncadd.s32 $0xFFFFC000  }
0x85: {  	v3 =	vld [tilespmem:$0x200];
	_ =	sdelay $0x4  }
0x86: {  	v40 =	vshll.u32 v3, $0x1  }
0x87: {  	v3 =	vand.u32 $0x7, v3;
	v4 =	vand.u32 $0xFFFFFFF0, v40  }
0x88: {  	v3 =	vor.u32 v3, v4  }
0x89: {  	v4 =	vperm.xlane v3, v0;
	_ =	sdelay $0x1  }
0x8a: {  	v3 =	vperm.xlane v3, v2;
	v4 =	vadd.s32 v1, v4;
	_ =	sdelay $0x1  }
0x8b: {  	v3 =	vadd.s32 v1, v3;
	_ =	sdelay $0x2  }
0x8c: {  	[tilespmem:s11], [sflag:$0x1] =	stream.indirect_vreg.gather [hbm4b:s3+s1], $0x80, v4, vm0, $0xb8;
	[tilespmem:$0x1C880] =	vst v63  }
0x8d: {  	_ = 	snop  }
0x8e: {  	[tilespmem:s12], [sflag:$0x1] =	stream.indirect_vreg.gather [hbm4b:s3+s1], $0x80, v3, vm0, $0xb8;
	[tilespmem:$0x1C880] =	vst v63  }
0x8f: {  	v3 =	vld [tilespmem:$0x210];
	_ =	sdelay $0x4  }
0x90: {  	v41 =	vshll.u32 v3, $0x1  }
0x91: {  	v3 =	vand.u32 $0x7, v3;
	v4 =	vand.u32 $0xFFFFFFF0, v41  }
0x92: {  	v3 =	vor.u32 v3, v4  }
0x93: {  	v4 =	vperm.xlane v3, v0;
	_ =	sdelay $0x1  }
0x94: {  	v3 =	vperm.xlane v3, v2;
	v4 =	vadd.s32 v1, v4;
	_ =	sdelay $0x1  }
0x95: {  	v3 =	vadd.s32 v1, v3;
	_ =	sdelay $0x2  }
0x96: {  	[tilespmem:s13], [sflag:$0x1] =	stream.indirect_vreg.gather [hbm4b:s3+s1], $0x80, v4, vm0, $0xb8;
	[tilespmem:$0x1C880] =	vst v63  }
0x97: {  	_ = 	snop  }
0x98: {  	[tilespmem:s14], [sflag:$0x1] =	stream.indirect_vreg.gather [hbm4b:s3+s1], $0x80, v3, vm0, $0xb8;
	[tilespmem:$0x1C880] =	vst v63  }
0x99: {  	v3 =	vld [tilespmem:$0x220];
	_ =	sdelay $0x4  }
0x9a: {  	v42 =	vshll.u32 v3, $0x1  }
0x9b: {  	v3 =	vand.u32 $0x7, v3;
	v4 =	vand.u32 $0xFFFFFFF0, v42  }
0x9c: {  	v3 =	vor.u32 v3, v4  }
0x9d: {  	v4 =	vperm.xlane v3, v0;
	_ =	sdelay $0x1  }
0x9e: {  	v3 =	vperm.xlane v3, v2;
	v4 =	vadd.s32 v1, v4;
	_ =	sdelay $0x1  }
0x9f: {  	v3 =	vadd.s32 v1, v3;
	_ =	sdelay $0x2  }
0xa0: {  	[tilespmem:s15], [sflag:$0x1] =	stream.indirect_vreg.gather [hbm4b:s3+s1], $0x80, v4, vm0, $0xb8;
	[tilespmem:$0x1C880] =	vst v63  }
0xa1: {  	_ = 	snop  }
0xa2: {  	[tilespmem:s16], [sflag:$0x1] =	stream.indirect_vreg.gather [hbm4b:s3+s1], $0x80, v3, vm0, $0xb8;
	[tilespmem:$0x1C880] =	vst v63  }
0xa3: {  	v3 =	vld [tilespmem:$0x230];
	_ =	sdelay $0x4  }
0xa4: {  	v43 =	vshll.u32 v3, $0x1  }
0xa5: {  	v3 =	vand.u32 $0x7, v3;
	v4 =	vand.u32 $0xFFFFFFF0, v43  }
0xa6: {  	v3 =	vor.u32 v3, v4  }
0xa7: {  	v4 =	vperm.xlane v3, v0;
	_ =	sdelay $0x1  }
0xa8: {  	v3 =	vperm.xlane v3, v2;
	v4 =	vadd.s32 v1, v4;
	_ =	sdelay $0x1  }
0xa9: {  	v3 =	vadd.s32 v1, v3;
	_ =	sdelay $0x2  }
0xaa: {  	[tilespmem:s17], [sflag:$0x1] =	stream.indirect_vreg.gather [hbm4b:s3+s1], $0x80, v4, vm0, $0xb8;
	[tilespmem:$0x1C880] =	vst v63  }
0xab: {  	_ = 	snop  }
0xac: {  	[tilespmem:s18], [sflag:$0x1] =	stream.indirect_vreg.gather [hbm4b:s3+s1], $0x80, v3, vm0, $0xb8;
	[tilespmem:$0x1C880] =	vst v63  }
0xad: {  	s9 =	rddreg [dreg:$0x6]  }
0xae: {  	[tilespmem:s20], [sflag:$0x2] =	stream.indirect.gather [hbm4b:s4+s19], $0x80, s9, s19, $0xb8;
	[tilespmem:$0x1C880] =	vst v63  }
0xaf: {  	_ =	swait.ge [sflag:s31], $0x4000  }
0xb0: {  	[sflag:s31] =	ssyncset.done $0x0  }
0xb1: {  	[sflag:s31] =	ssyncadd.s32 $0xFFFFC000  }
0xb2: {  	_ =	swait.ge [sflag:s0], $0x2000  }
0xb3: {  	[sflag:s0] =	ssyncset.done $0x0  }
0xb4: {  	s9 =	sadd.s32 $0x800, s5;
	[sflag:s0] =	ssyncadd.s32 $0xFFFFE000  }
0xb5: {  	[hbm4b:s9+s1] =	stream.linear.scatter [tilespmem:s21], [sflag:$0x3], $0x4000, $0x38;
	[tilespmem:$0x1C880] =	vst v63  }
0xb6: {  	_ =	swait.ge [sflag:s10], $0x4000  }
0xb7: {  	[sflag:s10] =	ssyncset.done $0x0  }
0xb8: {  	[sflag:s10] =	ssyncadd.s32 $0xFFFFC000  }
0xb9: {  	v3 =	vld [tilespmem:$0x300];
	_ =	sdelay $0x4  }
0xba: {  	v44 =	vshll.u32 v3, $0x1  }
0xbb: {  	v3 =	vand.u32 $0x7, v3;
	v4 =	vand.u32 $0xFFFFFFF0, v44  }
0xbc: {  	v3 =	vor.u32 v3, v4  }
0xbd: {  	v4 =	vperm.xlane v3, v0;
	_ =	sdelay $0x1  }
0xbe: {  	v3 =	vperm.xlane v3, v2;
	v4 =	vadd.s32 v1, v4;
	_ =	sdelay $0x1  }
0xbf: {  	v3 =	vadd.s32 v1, v3;
	_ =	sdelay $0x2  }
0xc0: {  	[tilespmem:s21], [sflag:$0x1] =	stream.indirect_vreg.gather [hbm4b:s3+s1], $0x80, v4, vm0, $0xb8;
	[tilespmem:$0x1C880] =	vst v63  }
0xc1: {  	_ = 	snop  }
0xc2: {  	[tilespmem:s22], [sflag:$0x1] =	stream.indirect_vreg.gather [hbm4b:s3+s1], $0x80, v3, vm0, $0xb8;
	[tilespmem:$0x1C880] =	vst v63  }
0xc3: {  	v3 =	vld [tilespmem:$0x310];
	_ =	sdelay $0x4  }
0xc4: {  	v45 =	vshll.u32 v3, $0x1  }
0xc5: {  	v3 =	vand.u32 $0x7, v3;
	v4 =	vand.u32 $0xFFFFFFF0, v45  }
0xc6: {  	v3 =	vor.u32 v3, v4  }
0xc7: {  	v4 =	vperm.xlane v3, v0;
	_ =	sdelay $0x1  }
0xc8: {  	v3 =	vperm.xlane v3, v2;
	v4 =	vadd.s32 v1, v4;
	_ =	sdelay $0x1  }
0xc9: {  	v3 =	vadd.s32 v1, v3;
	_ =	sdelay $0x2  }
0xca: {  	[tilespmem:s23], [sflag:$0x1] =	stream.indirect_vreg.gather [hbm4b:s3+s1], $0x80, v4, vm0, $0xb8;
	[tilespmem:$0x1C880] =	vst v63  }
0xcb: {  	_ = 	snop  }
0xcc: {  	[tilespmem:s24], [sflag:$0x1] =	stream.indirect_vreg.gather [hbm4b:s3+s1], $0x80, v3, vm0, $0xb8;
	[tilespmem:$0x1C880] =	vst v63  }
0xcd: {  	v3 =	vld [tilespmem:$0x320];
	_ =	sdelay $0x4  }
0xce: {  	v46 =	vshll.u32 v3, $0x1  }
0xcf: {  	v3 =	vand.u32 $0x7, v3;
	v4 =	vand.u32 $0xFFFFFFF0, v46  }
0xd0: {  	v3 =	vor.u32 v3, v4  }
0xd1: {  	v4 =	vperm.xlane v3, v0;
	_ =	sdelay $0x1  }
0xd2: {  	v3 =	vperm.xlane v3, v2;
	v4 =	vadd.s32 v1, v4;
	_ =	sdelay $0x1  }
0xd3: {  	v3 =	vadd.s32 v1, v3;
	_ =	sdelay $0x2  }
0xd4: {  	[tilespmem:s25], [sflag:$0x1] =	stream.indirect_vreg.gather [hbm4b:s3+s1], $0x80, v4, vm0, $0xb8;
	[tilespmem:$0x1C880] =	vst v63  }
0xd5: {  	_ = 	snop  }
0xd6: {  	[tilespmem:s26], [sflag:$0x1] =	stream.indirect_vreg.gather [hbm4b:s3+s1], $0x80, v3, vm0, $0xb8;
	[tilespmem:$0x1C880] =	vst v63  }
0xd7: {  	v3 =	vld [tilespmem:$0x330];
	_ =	sdelay $0x4  }
0xd8: {  	v47 =	vshll.u32 v3, $0x1  }
0xd9: {  	v3 =	vand.u32 $0x7, v3;
	v4 =	vand.u32 $0xFFFFFFF0, v47  }
0xda: {  	v3 =	vor.u32 v3, v4  }
0xdb: {  	v4 =	vperm.xlane v3, v0;
	_ =	sdelay $0x1  }
0xdc: {  	v3 =	vperm.xlane v3, v2;
	v4 =	vadd.s32 v1, v4;
	_ =	sdelay $0x1  }
0xdd: {  	v3 =	vadd.s32 v1, v3;
	_ =	sdelay $0x2  }
0xde: {  	[tilespmem:s28], [sflag:$0x1] =	stream.indirect_vreg.gather [hbm4b:s3+s1], $0x80, v4, vm0, $0xb8;
	[tilespmem:$0x1C880] =	vst v63  }
0xdf: {  	_ = 	snop  }
0xe0: {  	[tilespmem:s29], [sflag:$0x1] =	stream.indirect_vreg.gather [hbm4b:s3+s1], $0x80, v3, vm0, $0xb8;
	[tilespmem:$0x1C880] =	vst v63  }
0xe1: {  	s9 =	rddreg [dreg:$0x7]  }
0xe2: {  	[tilespmem:s30], [sflag:$0x2] =	stream.indirect.gather [hbm4b:s4+s19], $0x80, s9, s19, $0xb8;
	[tilespmem:$0x1C880] =	vst v63  }
0xe3: {  	_ =	swait.ge [sflag:s31], $0x4000  }
0xe4: {  	[sflag:s31] =	ssyncset.done $0x0  }
0xe5: {  	[sflag:s31] =	ssyncadd.s32 $0xFFFFC000  }
0xe6: {  	_ =	swait.ge [sflag:s0], $0x2000  }
0xe7: {  	[sflag:s0] =	ssyncset.done $0x0  }
0xe8: {  	s9 =	sadd.s32 $0x1000, s5;
	[sflag:s0] =	ssyncadd.s32 $0xFFFFE000  }
0xe9: {  	[hbm4b:s9+s1] =	stream.linear.scatter [tilespmem:s11], [sflag:$0x3], $0x4000, $0x38;
	[tilespmem:$0x1C880] =	vst v63  }
0xea: {  	_ =	swait.ge [sflag:s10], $0x4000  }
0xeb: {  	[sflag:s10] =	ssyncset.done $0x0  }
0xec: {  	[sflag:s10] =	ssyncadd.s32 $0xFFFFC000  }
0xed: {  	v3 =	vld [tilespmem:$0x400];
	_ =	sdelay $0x4  }
0xee: {  	v48 =	vshll.u32 v3, $0x1  }
0xef: {  	v3 =	vand.u32 $0x7, v3;
	v4 =	vand.u32 $0xFFFFFFF0, v48  }
0xf0: {  	v3 =	vor.u32 v3, v4  }
0xf1: {  	v4 =	vperm.xlane v3, v0;
	_ =	sdelay $0x1  }
0xf2: {  	v3 =	vperm.xlane v3, v2;
	v4 =	vadd.s32 v1, v4;
	_ =	sdelay $0x1  }
0xf3: {  	v3 =	vadd.s32 v1, v3;
	_ =	sdelay $0x2  }
0xf4: {  	[tilespmem:s11], [sflag:$0x1] =	stream.indirect_vreg.gather [hbm4b:s3+s1], $0x80, v4, vm0, $0xb8;
	[tilespmem:$0x1C880] =	vst v63  }
0xf5: {  	_ = 	snop  }
0xf6: {  	[tilespmem:s12], [sflag:$0x1] =	stream.indirect_vreg.gather [hbm4b:s3+s1], $0x80, v3, vm0, $0xb8;
	[tilespmem:$0x1C880] =	vst v63  }
0xf7: {  	v3 =	vld [tilespmem:$0x410];
	_ =	sdelay $0x4  }
0xf8: {  	v49 =	vshll.u32 v3, $0x1  }
0xf9: {  	v3 =	vand.u32 $0x7, v3;
	v4 =	vand.u32 $0xFFFFFFF0, v49  }
0xfa: {  	v3 =	vor.u32 v3, v4  }
0xfb: {  	v4 =	vperm.xlane v3, v0;
	_ =	sdelay $0x1  }
0xfc: {  	v3 =	vperm.xlane v3, v2;
	v4 =	vadd.s32 v1, v4;
	_ =	sdelay $0x1  }
0xfd: {  	v3 =	vadd.s32 v1, v3;
	_ =	sdelay $0x2  }
0xfe: {  	[tilespmem:s13], [sflag:$0x1] =	stream.indirect_vreg.gather [hbm4b:s3+s1], $0x80, v4, vm0, $0xb8;
	[tilespmem:$0x1C880] =	vst v63  }
0xff: {  	_ = 	snop  }
0x100: {  	[tilespmem:s14], [sflag:$0x1] =	stream.indirect_vreg.gather [hbm4b:s3+s1], $0x80, v3, vm0, $0xb8;
	[tilespmem:$0x1C880] =	vst v63  }
0x101: {  	v3 =	vld [tilespmem:$0x420];
	_ =	sdelay $0x4  }
0x102: {  	v50 =	vshll.u32 v3, $0x1  }
0x103: {  	v3 =	vand.u32 $0x7, v3;
	v4 =	vand.u32 $0xFFFFFFF0, v50  }
0x104: {  	v3 =	vor.u32 v3, v4  }
0x105: {  	v4 =	vperm.xlane v3, v0;
	_ =	sdelay $0x1  }
0x106: {  	v3 =	vperm.xlane v3, v2;
	v4 =	vadd.s32 v1, v4;
	_ =	sdelay $0x1  }
0x107: {  	v3 =	vadd.s32 v1, v3;
	_ =	sdelay $0x2  }
0x108: {  	[tilespmem:s15], [sflag:$0x1] =	stream.indirect_vreg.gather [hbm4b:s3+s1], $0x80, v4, vm0, $0xb8;
	[tilespmem:$0x1C880] =	vst v63  }
0x109: {  	_ = 	snop  }
0x10a: {  	[tilespmem:s16], [sflag:$0x1] =	stream.indirect_vreg.gather [hbm4b:s3+s1], $0x80, v3, vm0, $0xb8;
	[tilespmem:$0x1C880] =	vst v63  }
0x10b: {  	v3 =	vld [tilespmem:$0x430];
	_ =	sdelay $0x4  }
0x10c: {  	v51 =	vshll.u32 v3, $0x1  }
0x10d: {  	v3 =	vand.u32 $0x7, v3;
	v4 =	vand.u32 $0xFFFFFFF0, v51  }
0x10e: {  	v3 =	vor.u32 v3, v4  }
0x10f: {  	v4 =	vperm.xlane v3, v0;
	_ =	sdelay $0x1  }
0x110: {  	v3 =	vperm.xlane v3, v2;
	v4 =	vadd.s32 v1, v4;
	_ =	sdelay $0x1  }
0x111: {  	v3 =	vadd.s32 v1, v3;
	_ =	sdelay $0x2  }
0x112: {  	[tilespmem:s17], [sflag:$0x1] =	stream.indirect_vreg.gather [hbm4b:s3+s1], $0x80, v4, vm0, $0xb8;
	[tilespmem:$0x1C880] =	vst v63  }
0x113: {  	_ = 	snop  }
0x114: {  	[tilespmem:s18], [sflag:$0x1] =	stream.indirect_vreg.gather [hbm4b:s3+s1], $0x80, v3, vm0, $0xb8;
	[tilespmem:$0x1C880] =	vst v63  }
0x115: {  	s9 =	rddreg [dreg:$0x8]  }
0x116: {  	[tilespmem:s20], [sflag:$0x2] =	stream.indirect.gather [hbm4b:s4+s19], $0x80, s9, s19, $0xb8;
	[tilespmem:$0x1C880] =	vst v63  }
0x117: {  	_ =	swait.ge [sflag:s31], $0x4000  }
0x118: {  	[sflag:s31] =	ssyncset.done $0x0  }
0x119: {  	[sflag:s31] =	ssyncadd.s32 $0xFFFFC000  }
0x11a: {  	_ =	swait.ge [sflag:s0], $0x2000  }
0x11b: {  	[sflag:s0] =	ssyncset.done $0x0  }
0x11c: {  	s9 =	sadd.s32 $0x1800, s5;
	[sflag:s0] =	ssyncadd.s32 $0xFFFFE000  }
0x11d: {  	[hbm4b:s9+s1] =	stream.linear.scatter [tilespmem:s21], [sflag:$0x3], $0x4000, $0x38;
	[tilespmem:$0x1C880] =	vst v63  }
0x11e: {  	_ =	swait.ge [sflag:s10], $0x4000  }
0x11f: {  	[sflag:s10] =	ssyncset.done $0x0  }
0x120: {  	[sflag:s10] =	ssyncadd.s32 $0xFFFFC000  }
0x121: {  	v3 =	vld [tilespmem:$0x500];
	_ =	sdelay $0x4  }
0x122: {  	v52 =	vshll.u32 v3, $0x1  }
0x123: {  	v3 =	vand.u32 $0x7, v3;
	v4 =	vand.u32 $0xFFFFFFF0, v52  }
0x124: {  	v3 =	vor.u32 v3, v4  }
0x125: {  	v4 =	vperm.xlane v3, v0;
	_ =	sdelay $0x1  }
0x126: {  	v3 =	vperm.xlane v3, v2;
	v4 =	vadd.s32 v1, v4;
	_ =	sdelay $0x1  }
0x127: {  	v3 =	vadd.s32 v1, v3;
	_ =	sdelay $0x2  }
0x128: {  	[tilespmem:s21], [sflag:$0x1] =	stream.indirect_vreg.gather [hbm4b:s3+s1], $0x80, v4, vm0, $0xb8;
	[tilespmem:$0x1C880] =	vst v63  }
0x129: {  	_ = 	snop  }
0x12a: {  	[tilespmem:s22], [sflag:$0x1] =	stream.indirect_vreg.gather [hbm4b:s3+s1], $0x80, v3, vm0, $0xb8;
	[tilespmem:$0x1C880] =	vst v63  }
0x12b: {  	v3 =	vld [tilespmem:$0x510];
	_ =	sdelay $0x4  }
0x12c: {  	v53 =	vshll.u32 v3, $0x1  }
0x12d: {  	v3 =	vand.u32 $0x7, v3;
	v4 =	vand.u32 $0xFFFFFFF0, v53  }
0x12e: {  	v3 =	vor.u32 v3, v4  }
0x12f: {  	v4 =	vperm.xlane v3, v0;
	_ =	sdelay $0x1  }
0x130: {  	v3 =	vperm.xlane v3, v2;
	v4 =	vadd.s32 v1, v4;
	_ =	sdelay $0x1  }
0x131: {  	v3 =	vadd.s32 v1, v3;
	_ =	sdelay $0x2  }
0x132: {  	[tilespmem:s23], [sflag:$0x1] =	stream.indirect_vreg.gather [hbm4b:s3+s1], $0x80, v4, vm0, $0xb8;
	[tilespmem:$0x1C880] =	vst v63  }
0x133: {  	_ = 	snop  }
0x134: {  	[tilespmem:s24], [sflag:$0x1] =	stream.indirect_vreg.gather [hbm4b:s3+s1], $0x80, v3, vm0, $0xb8;
	[tilespmem:$0x1C880] =	vst v63  }
0x135: {  	v3 =	vld [tilespmem:$0x520];
	_ =	sdelay $0x4  }
0x136: {  	v54 =	vshll.u32 v3, $0x1  }
0x137: {  	v3 =	vand.u32 $0x7, v3;
	v4 =	vand.u32 $0xFFFFFFF0, v54  }
0x138: {  	v3 =	vor.u32 v3, v4  }
0x139: {  	v4 =	vperm.xlane v3, v0;
	_ =	sdelay $0x1  }
0x13a: {  	v3 =	vperm.xlane v3, v2;
	v4 =	vadd.s32 v1, v4;
	_ =	sdelay $0x1  }
0x13b: {  	v3 =	vadd.s32 v1, v3;
	_ =	sdelay $0x2  }
0x13c: {  	[tilespmem:s25], [sflag:$0x1] =	stream.indirect_vreg.gather [hbm4b:s3+s1], $0x80, v4, vm0, $0xb8;
	[tilespmem:$0x1C880] =	vst v63  }
0x13d: {  	_ = 	snop  }
0x13e: {  	[tilespmem:s26], [sflag:$0x1] =	stream.indirect_vreg.gather [hbm4b:s3+s1], $0x80, v3, vm0, $0xb8;
	[tilespmem:$0x1C880] =	vst v63  }
0x13f: {  	v3 =	vld [tilespmem:$0x530];
	_ =	sdelay $0x4  }
0x140: {  	v55 =	vshll.u32 v3, $0x1  }
0x141: {  	v3 =	vand.u32 $0x7, v3;
	v4 =	vand.u32 $0xFFFFFFF0, v55  }
0x142: {  	v3 =	vor.u32 v3, v4  }
0x143: {  	v4 =	vperm.xlane v3, v0;
	_ =	sdelay $0x1  }
0x144: {  	v3 =	vperm.xlane v3, v2;
	v4 =	vadd.s32 v1, v4;
	_ =	sdelay $0x1  }
0x145: {  	v3 =	vadd.s32 v1, v3;
	_ =	sdelay $0x2  }
0x146: {  	[tilespmem:s28], [sflag:$0x1] =	stream.indirect_vreg.gather [hbm4b:s3+s1], $0x80, v4, vm0, $0xb8;
	[tilespmem:$0x1C880] =	vst v63  }
0x147: {  	_ = 	snop  }
0x148: {  	[tilespmem:s29], [sflag:$0x1] =	stream.indirect_vreg.gather [hbm4b:s3+s1], $0x80, v3, vm0, $0xb8;
	[tilespmem:$0x1C880] =	vst v63  }
0x149: {  	s9 =	rddreg [dreg:$0x9]  }
0x14a: {  	[tilespmem:s30], [sflag:$0x2] =	stream.indirect.gather [hbm4b:s4+s19], $0x80, s9, s19, $0xb8;
	[tilespmem:$0x1C880] =	vst v63  }
0x14b: {  	_ =	swait.ge [sflag:s31], $0x4000  }
0x14c: {  	[sflag:s31] =	ssyncset.done $0x0  }
0x14d: {  	[sflag:s31] =	ssyncadd.s32 $0xFFFFC000  }
0x14e: {  	_ =	swait.ge [sflag:s0], $0x2000  }
0x14f: {  	[sflag:s0] =	ssyncset.done $0x0  }
0x150: {  	s9 =	sadd.s32 $0x2000, s5;
	[sflag:s0] =	ssyncadd.s32 $0xFFFFE000  }
0x151: {  	[hbm4b:s9+s1] =	stream.linear.scatter [tilespmem:s11], [sflag:$0x3], $0x4000, $0x38;
	[tilespmem:$0x1C880] =	vst v63  }
0x152: {  	_ =	swait.ge [sflag:s10], $0x4000  }
0x153: {  	[sflag:s10] =	ssyncset.done $0x0  }
0x154: {  	[sflag:s10] =	ssyncadd.s32 $0xFFFFC000  }
0x155: {  	v3 =	vld [tilespmem:$0x600];
	_ =	sdelay $0x4  }
0x156: {  	v56 =	vshll.u32 v3, $0x1  }
0x157: {  	v3 =	vand.u32 $0x7, v3;
	v4 =	vand.u32 $0xFFFFFFF0, v56  }
0x158: {  	v3 =	vor.u32 v3, v4  }
0x159: {  	v4 =	vperm.xlane v3, v0;
	_ =	sdelay $0x1  }
0x15a: {  	v3 =	vperm.xlane v3, v2;
	v4 =	vadd.s32 v1, v4;
	_ =	sdelay $0x1  }
0x15b: {  	v3 =	vadd.s32 v1, v3;
	_ =	sdelay $0x2  }
0x15c: {  	[tilespmem:s11], [sflag:$0x1] =	stream.indirect_vreg.gather [hbm4b:s3+s1], $0x80, v4, vm0, $0xb8;
	[tilespmem:$0x1C880] =	vst v63  }
0x15d: {  	_ = 	snop  }
0x15e: {  	[tilespmem:s12], [sflag:$0x1] =	stream.indirect_vreg.gather [hbm4b:s3+s1], $0x80, v3, vm0, $0xb8;
	[tilespmem:$0x1C880] =	vst v63  }
0x15f: {  	v3 =	vld [tilespmem:$0x610];
	_ =	sdelay $0x4  }
0x160: {  	v57 =	vshll.u32 v3, $0x1  }
0x161: {  	v3 =	vand.u32 $0x7, v3;
	v4 =	vand.u32 $0xFFFFFFF0, v57  }
0x162: {  	v3 =	vor.u32 v3, v4  }
0x163: {  	v4 =	vperm.xlane v3, v0;
	_ =	sdelay $0x1  }
0x164: {  	v3 =	vperm.xlane v3, v2;
	v4 =	vadd.s32 v1, v4;
	_ =	sdelay $0x1  }
0x165: {  	v3 =	vadd.s32 v1, v3;
	_ =	sdelay $0x2  }
0x166: {  	[tilespmem:s13], [sflag:$0x1] =	stream.indirect_vreg.gather [hbm4b:s3+s1], $0x80, v4, vm0, $0xb8;
	[tilespmem:$0x1C880] =	vst v63  }
0x167: {  	_ = 	snop  }
0x168: {  	[tilespmem:s14], [sflag:$0x1] =	stream.indirect_vreg.gather [hbm4b:s3+s1], $0x80, v3, vm0, $0xb8;
	[tilespmem:$0x1C880] =	vst v63  }
0x169: {  	v3 =	vld [tilespmem:$0x620];
	_ =	sdelay $0x4  }
0x16a: {  	v58 =	vshll.u32 v3, $0x1  }
0x16b: {  	v3 =	vand.u32 $0x7, v3;
	v4 =	vand.u32 $0xFFFFFFF0, v58  }
0x16c: {  	v3 =	vor.u32 v3, v4  }
0x16d: {  	v4 =	vperm.xlane v3, v0;
	_ =	sdelay $0x1  }
0x16e: {  	v3 =	vperm.xlane v3, v2;
	v4 =	vadd.s32 v1, v4;
	_ =	sdelay $0x1  }
0x16f: {  	v3 =	vadd.s32 v1, v3;
	_ =	sdelay $0x2  }
0x170: {  	[tilespmem:s15], [sflag:$0x1] =	stream.indirect_vreg.gather [hbm4b:s3+s1], $0x80, v4, vm0, $0xb8;
	[tilespmem:$0x1C880] =	vst v63  }
0x171: {  	_ = 	snop  }
0x172: {  	[tilespmem:s16], [sflag:$0x1] =	stream.indirect_vreg.gather [hbm4b:s3+s1], $0x80, v3, vm0, $0xb8;
	[tilespmem:$0x1C880] =	vst v63  }
0x173: {  	v3 =	vld [tilespmem:$0x630];
	_ =	sdelay $0x4  }
0x174: {  	v59 =	vshll.u32 v3, $0x1  }
0x175: {  	v3 =	vand.u32 $0x7, v3;
	v4 =	vand.u32 $0xFFFFFFF0, v59  }
0x176: {  	v3 =	vor.u32 v3, v4  }
0x177: {  	v4 =	vperm.xlane v3, v0;
	_ =	sdelay $0x1  }
0x178: {  	v3 =	vperm.xlane v3, v2;
	v4 =	vadd.s32 v1, v4;
	_ =	sdelay $0x1  }
0x179: {  	v3 =	vadd.s32 v1, v3;
	_ =	sdelay $0x2  }
0x17a: {  	[tilespmem:s17], [sflag:$0x1] =	stream.indirect_vreg.gather [hbm4b:s3+s1], $0x80, v4, vm0, $0xb8;
	[tilespmem:$0x1C880] =	vst v63  }
0x17b: {  	_ = 	snop  }
0x17c: {  	[tilespmem:s18], [sflag:$0x1] =	stream.indirect_vreg.gather [hbm4b:s3+s1], $0x80, v3, vm0, $0xb8;
	[tilespmem:$0x1C880] =	vst v63  }
0x17d: {  	s9 =	rddreg [dreg:$0xa]  }
0x17e: {  	[tilespmem:s20], [sflag:$0x2] =	stream.indirect.gather [hbm4b:s4+s19], $0x80, s9, s19, $0xb8;
	[tilespmem:$0x1C880] =	vst v63  }
0x17f: {  	_ =	swait.ge [sflag:s31], $0x4000  }
0x180: {  	[sflag:s31] =	ssyncset.done $0x0  }
0x181: {  	[sflag:s31] =	ssyncadd.s32 $0xFFFFC000  }
0x182: {  	_ =	swait.ge [sflag:s0], $0x2000  }
0x183: {  	[sflag:s0] =	ssyncset.done $0x0  }
0x184: {  	s9 =	sadd.s32 $0x2800, s5;
	[sflag:s0] =	ssyncadd.s32 $0xFFFFE000  }
0x185: {  	[hbm4b:s9+s1] =	stream.linear.scatter [tilespmem:s21], [sflag:$0x3], $0x4000, $0x38;
	[tilespmem:$0x1C880] =	vst v63  }
0x186: {  	_ =	swait.ge [sflag:s10], $0x4000  }
0x187: {  	[sflag:s10] =	ssyncset.done $0x0  }
0x188: {  	[sflag:s10] =	ssyncadd.s32 $0xFFFFC000  }
0x189: {  	v3 =	vld [tilespmem:$0x700];
	_ =	sdelay $0x4  }
0x18a: {  	v60 =	vshll.u32 v3, $0x1  }
0x18b: {  	v3 =	vand.u32 $0x7, v3;
	v4 =	vand.u32 $0xFFFFFFF0, v60  }
0x18c: {  	v3 =	vor.u32 v3, v4  }
0x18d: {  	v4 =	vperm.xlane v3, v0;
	_ =	sdelay $0x1  }
0x18e: {  	v3 =	vperm.xlane v3, v2;
	v4 =	vadd.s32 v1, v4;
	_ =	sdelay $0x1  }
0x18f: {  	v3 =	vadd.s32 v1, v3;
	_ =	sdelay $0x2  }
0x190: {  	[tilespmem:s21], [sflag:$0x1] =	stream.indirect_vreg.gather [hbm4b:s3+s1], $0x80, v4, vm0, $0xb8;
	[tilespmem:$0x1C880] =	vst v63  }
0x191: {  	_ = 	snop  }
0x192: {  	[tilespmem:s22], [sflag:$0x1] =	stream.indirect_vreg.gather [hbm4b:s3+s1], $0x80, v3, vm0, $0xb8;
	[tilespmem:$0x1C880] =	vst v63  }
0x193: {  	v3 =	vld [tilespmem:$0x710];
	_ =	sdelay $0x4  }
0x194: {  	v61 =	vshll.u32 v3, $0x1  }
0x195: {  	v3 =	vand.u32 $0x7, v3;
	v4 =	vand.u32 $0xFFFFFFF0, v61  }
0x196: {  	v3 =	vor.u32 v3, v4  }
0x197: {  	v4 =	vperm.xlane v3, v0;
	_ =	sdelay $0x1  }
0x198: {  	v3 =	vperm.xlane v3, v2;
	v4 =	vadd.s32 v1, v4;
	_ =	sdelay $0x1  }
0x199: {  	v3 =	vadd.s32 v1, v3;
	_ =	sdelay $0x2  }
0x19a: {  	[tilespmem:s23], [sflag:$0x1] =	stream.indirect_vreg.gather [hbm4b:s3+s1], $0x80, v4, vm0, $0xb8;
	[tilespmem:$0x1C880] =	vst v63  }
0x19b: {  	_ = 	snop  }
0x19c: {  	[tilespmem:s24], [sflag:$0x1] =	stream.indirect_vreg.gather [hbm4b:s3+s1], $0x80, v3, vm0, $0xb8;
	[tilespmem:$0x1C880] =	vst v63  }
0x19d: {  	v3 =	vld [tilespmem:$0x720];
	_ =	sdelay $0x4  }
0x19e: {  	v62 =	vshll.u32 v3, $0x1  }
0x19f: {  	v3 =	vand.u32 $0x7, v3;
	v4 =	vand.u32 $0xFFFFFFF0, v62  }
0x1a0: {  	v3 =	vor.u32 v3, v4  }
0x1a1: {  	v4 =	vperm.xlane v3, v0;
	_ =	sdelay $0x1  }
0x1a2: {  	v3 =	vperm.xlane v3, v2;
	v4 =	vadd.s32 v1, v4;
	_ =	sdelay $0x1  }
0x1a3: {  	v3 =	vadd.s32 v1, v3;
	_ =	sdelay $0x2  }
0x1a4: {  	[tilespmem:s25], [sflag:$0x1] =	stream.indirect_vreg.gather [hbm4b:s3+s1], $0x80, v4, vm0, $0xb8;
	[tilespmem:$0x1C880] =	vst v63  }
0x1a5: {  	_ = 	snop  }
0x1a6: {  	[tilespmem:s26], [sflag:$0x1] =	stream.indirect_vreg.gather [hbm4b:s3+s1], $0x80, v3, vm0, $0xb8;
	[tilespmem:$0x1C880] =	vst v63  }
0x1a7: {  	v3 =	vld [tilespmem:$0x730];
	_ =	sdelay $0x4  }
0x1a8: {  	v63 =	vshll.u32 v3, $0x1  }
0x1a9: {  	v3 =	vand.u32 $0x7, v3;
	v4 =	vand.u32 $0xFFFFFFF0, v63  }
0x1aa: {  	v3 =	vor.u32 v3, v4  }
0x1ab: {  	v4 =	vperm.xlane v3, v0;
	_ =	sdelay $0x1  }
0x1ac: {  	v3 =	vperm.xlane v3, v2;
	v4 =	vadd.s32 v1, v4;
	_ =	sdelay $0x1  }
0x1ad: {  	v3 =	vadd.s32 v1, v3;
	_ =	sdelay $0x2  }
0x1ae: {  	[tilespmem:s28], [sflag:$0x1] =	stream.indirect_vreg.gather [hbm4b:s3+s1], $0x80, v4, vm0, $0xb8;
	[tilespmem:$0x1C880] =	vst v63  }
0x1af: {  	_ = 	snop  }
0x1b0: {  	[tilespmem:s29], [sflag:$0x1] =	stream.indirect_vreg.gather [hbm4b:s3+s1], $0x80, v3, vm0, $0xb8;
	[tilespmem:$0x1C880] =	vst v63  }
0x1b1: {  	s9 =	rddreg [dreg:$0xb]  }
0x1b2: {  	[tilespmem:s30], [sflag:$0x2] =	stream.indirect.gather [hbm4b:s4+s19], $0x80, s9, s19, $0xb8;
	[tilespmem:$0x1C880] =	vst v63  }
0x1b3: {  	_ =	swait.ge [sflag:s31], $0x4000  }
0x1b4: {  	[sflag:s31] =	ssyncset.done $0x0  }
0x1b5: {  	[sflag:s31] =	ssyncadd.s32 $0xFFFFC000  }
0x1b6: {  	_ =	swait.ge [sflag:s0], $0x2000  }
0x1b7: {  	[sflag:s0] =	ssyncset.done $0x0  }
0x1b8: {  	s9 =	sadd.s32 $0x3000, s5;
	[sflag:s0] =	ssyncadd.s32 $0xFFFFE000  }
0x1b9: {  	[hbm4b:s9+s1] =	stream.linear.scatter [tilespmem:s11], [sflag:$0x3], $0x4000, $0x38;
	[tilespmem:$0x1C880] =	vst v63  }
0x1ba: {  	_ =	swait.ge [sflag:s10], $0x4000  }
0x1bb: {  	[sflag:s10] =	ssyncset.done $0x0  }
0x1bc: {  	[sflag:s10] =	ssyncadd.s32 $0xFFFFC000  }
0x1bd: {  	_ =	swait.ge [sflag:s31], $0x4000  }
0x1be: {  	[sflag:s31] =	ssyncset.done $0x0  }
0x1bf: {  	[sflag:s31] =	ssyncadd.s32 $0xFFFFC000  }
0x1c0: {  	_ =	swait.ge [sflag:s0], $0x2000  }
0x1c1: {  	p0 =	sne.s32 s6, $0x3C000;
	[sflag:s0] =	ssyncset.done $0x0  }
.Ltmp0:
0x1c2: {  	s5 =	sadd.s32 $0x3800, s5;
	[sflag:s0] =	ssyncadd.s32 $0xFFFFE000;
	(pc) =	sbr.rel @p0 .LBB2_2-.Ltmp0, $4  }
0x1c3: {  	[hbm4b:s5+s1] =	stream.linear.scatter [tilespmem:s21], [sflag:$0x3], $0x4000, $0x38;
	[tilespmem:$0x1C880] =	vst v63  }
0x1c4: {  	_ =	swait.ge [sflag:s10], $0x4000  }
0x1c5: {  	s8 =	sadd.s32 $0x100, s8;
	[sflag:s10] =	ssyncset.done $0x0  }
0x1c6: {  	s7 =	sadd.s32 $0x2000, s7;
	s6 =	sadd.s32 $0x4000, s6;
	[sflag:s10] =	ssyncadd.s32 $0xFFFFC000  }
0x1c7: {  	s2 =	sadd.s32 $0x1, s2;
	s5 =	rddreg [dreg:$0xd]  }
0x1c8: {  	p0 =	sne.s32 s2, s5  }
.Ltmp1:
0x1c9: {  	_ = 	snop;
	(pc) =	sbr.rel @p0 .LBB2_1-.Ltmp1, $1  }
0x1ca: {  	_ =	sdelay $0x3  }
0x1cb: {  	_ =	sfence.sel $0x180000  }
0x1cc: {  	[bflag:$0x0] =	sbarrier.arrive $0xFFFF  }
0x1cd: {  	_ =	strace $0x9000004D  }
0x1ce: {  	s0 =	stileid.u32;
	[bflag:$0x2] =	sbarrier.arrive $0xFFFF  }
0x1cf: {  	p0 =	sne.s32 s0, $0x0;
	s0 =	rddreg [dreg:$0x1]  }
0x1d0: {  	s0 =	sadd.s32 @!p0 $0x100000, s0  }
0x1d1: {  	[sflag:s0] =	ssyncadd.tile.s32 @!p0 $0x1;
	_ =	shalt  }
.Lfunc_end2:
_tile_overlayer_lowered:
.L_overlay_start_2:
0x1d2: {  	(tag) =	ssettag $0x2  }
0x1d3: {  	s0 =	rddreg [dreg:$0x0];
	s2 =	stileid.u32  }
0x1d4: {  	s1 =	rddreg [dreg:$0x1];
	p0 =	sne.s32 s2, $0x0  }
0x1d5: {  	s3 =	rddreg [dreg:$0x2];
	[bflag:$0x3] =	sbarrier.arrive $0xFFFF;
	s2 =	simm.s32 @!p0 $0x1C03  }
0x1d6: {  	[timem:s3], [sflag:s2] =	dma.local @!p0 [hbm:s0], s1  }
0x1d7: {  	s0 =	simm.s32 @!p0 $0x3  }
0x1d8: {  	_ =	swait.ge @!p0 [sflag:s0], s1  }
0x1d9: {  	s1 =	ssub.s32 @!p0 $0x0, s1;
	[sflag:s0] =	ssyncset.done @!p0 $0x0  }
0x1da: {  	[sflag:s0] =	ssyncadd.s32 @!p0 s1  }
0x1db: {  	[bflag:$0x3] =	sbarrier.arrive $0xFFFF  }
0x1dc: {  	_ =	shalt  }

// kernel: kernel.9.cloned.1.call-start
scs
__scs_entry_jumppad:
0x0: {  	(pc) =	sbr.rel $0x88, $3  }
0x1: {  	(tag) =	ssettag $0x0;
	lr =	simm.s32 $0x1  }
0x2: {  	[smem:$0x3F8A] =	sst lr;
	_ =	strace $0xD0000000  }
0x3: {  	_ = 	snop  }
0x4: {  	_ = 	snop  }
0x5: {  	_ = 	snop  }
0x6: {  	_ = 	snop  }
0x7: {  	_ = 	snop  }
__scs_overlays_trampoline_lowered:
0x8: {  	[smem:$0x3F99] =	sst s0  }
0x9: {  	[smem:$0x3F9A] =	sst s1  }
0xa: {  	[smem:$0x3F9B] =	sst s2  }
0xb: {  	[smem:$0x3F9C] =	sst s3  }
0xc: {  	[smem:$0x3F9D] =	sst s4  }
0xd: {  	[smem:$0x3F9E] =	sst s5  }
0xe: {  	[smem:$0x3F9F] =	sst s6  }
0xf: {  	[smem:$0x3FA0] =	sst s7  }
0x10: {  	[smem:$0x3FA1] =	sst s8  }
0x11: {  	[smem:$0x3FA2] =	sst s9;
	s0 =	simm.s32 @!p0 $0x0  }
0x12: {  	s1 =	sld [smem:$0x3F88];
	s0 =	simm.s32 @p0 $0x1  }
0x13: {  	[smem:$0x3FA3] =	sst s0;
	s0 =	simm.s32 @!p1 $0x0  }
0x14: {  	s2 =	sld [smem:$0x3F87];
	s0 =	simm.s32 @p1 $0x1  }
0x15: {  	[smem:$0x3FA4] =	sst s0;
	s0 =	simm.s32 @!p2 $0x0  }
0x16: {  	s3 =	sld [smem:$0x3FDB];
	s0 =	simm.s32 @p2 $0x1  }
0x17: {  	s4 =	simm.s32 $0x1BF5;
	[smem:$0x3FA6] =	sst s0  }
0x18: {  	s0 =	sld [smem:$0x3F89];
	_ =	swait.ge [sflag:s4], $0x0  }
0x19: {  	s7 =	sld [smem:$0x3F8A]  }
0x1a: {  	s8 =	sadd.s32 $0xFFFFE003, lr  }
0x1b: {  	s9 =	sadd.s32 $0xFFFFFEF7, lr;
	s5 =	simm.s32 $0xFFFFFFFF;
	p2 =	slt.u32 s8, $0xFFFFF086  }
0x1c: {  	p1 =	slt.u32 s9, $0xF7A;
	s5 =	simm.s32 @!p2 $0x0  }
0x1d: {  	s5 =	simm.s32 @p1 $0x1;
	p0 =	seq.s32 s7, s2  }
0x1e: {  	s7 =	smul.u32 @!p0 $0xF7A, s2;
	p2 =	seq.s32 @!p0 s5, $0x0  }
0x1f: {  	s9 =	smul.u32 $0xF7A, s1;
	s8 =	simm.s32 @!p0 $0x1BF5;
	p2 =	por !p2, p0  }
0x20: {  	[sflag:s8] =	ssyncset.s32 @!p0 $0xFFFFF086;
	s6 =	sadd.s32 @!p0 s3, s7;
	s7 =	simm.s32 @!p0 $0x108  }
0x21: {  	s3 =	sadd.s32 s3, s9;
	s6 =	sadd.s32 @!p0 $0x88, s6;
	s7 =	simm.s32 @p2 $0x1082  }
0x22: {  	[simem:s7], [sflag:s8] =	dma.local @!p0 [hbm:s6], $0xF7A  }
0x23: {  	s9 =	sor.u32 $0xD0000000, s2;
	s6 =	simm.s32 $0x108;
	_ =	swait.ge @!p0 [sflag:s8], $0x0  }
0x24: {  	s3 =	sadd.s32 $0x88, s3;
	s6 =	simm.s32 @!p1 $0x1082;
	[sflag:s4] =	ssyncset.s32 $0xFFFFF086  }
0x25: {  	[simem:s6], [sflag:s4] =	dma.local [hbm:s3], $0xF7A  }
0x26: {  	[smem:$0x3F8A] =	sst s1;
	(tag) =	ssettag s2;
	_ =	strace s9  }
0x27: {  	s1 =	sld [smem:$0x3F9A]  }
0x28: {  	s2 =	sld [smem:$0x3F9B]  }
0x29: {  	s4 =	sld [smem:$0x3F9D]  }
0x2a: {  	p0 =	seq.s32 s5, $0x0;
	s5 =	sld [smem:$0x3F9E]  }
0x2b: {  	s6 =	sld [smem:$0x3F9F]  }
0x2c: {  	s7 =	sld [smem:$0x3FA0]  }
0x2d: {  	s3 =	simm.s32 $0x108;
	s8 =	sld [smem:$0x3FA1]  }
0x2e: {  	s3 =	simm.s32 @!p0 $0x1082;
	s9 =	sld [smem:$0x3FA2]  }
0x2f: {  	lr =	sadd.s32 s0, s3;
	s0 =	sld [smem:$0x3F99]  }
0x30: {  	s3 =	sld [smem:$0x3F9C]  }
0x31: {  	[smem:$0x3FA5] =	sst s10  }
0x32: {  	s10 =	sld [smem:$0x3FA3];
	_ =	sdelay $0x3  }
0x33: {  	p0 =	seq.s32 s10, $0x1;
	s10 =	sld [smem:$0x3FA5];
	_ =	sdelay $0x3  }
0x34: {  	[smem:$0x3FA5] =	sst s10  }
0x35: {  	s10 =	sld [smem:$0x3FA4];
	_ =	sdelay $0x3  }
0x36: {  	p1 =	seq.s32 s10, $0x1;
	s10 =	sld [smem:$0x3FA5];
	_ =	sdelay $0x3  }
0x37: {  	[smem:$0x3FA5] =	sst s10  }
0x38: {  	s10 =	sld [smem:$0x3FA6]  }
0x39: {  	_ = 	snop;
	(pc) =	sbr.ind lr, $3  }
0x3a: {  	_ = 	snop  }
0x3b: {  	_ = 	snop  }
0x3c: {  	p2 =	seq.s32 s10, $0x1;
	s10 =	sld [smem:$0x3FA5]  }
0x3d: {  	_ =	shalt  }
0x3e: {  	_ =	shalt  }
0x3f: {  	_ =	shalt  }
0x40: {  	_ =	shalt  }
0x41: {  	_ =	shalt  }
0x42: {  	_ =	shalt  }
0x43: {  	_ =	shalt  }
0x44: {  	_ =	shalt  }
0x45: {  	_ =	shalt  }
0x46: {  	_ =	shalt  }
0x47: {  	_ =	shalt  }
0x48: {  	_ =	shalt  }
0x49: {  	_ =	shalt  }
0x4a: {  	_ =	shalt  }
0x4b: {  	_ =	shalt  }
0x4c: {  	_ =	shalt  }
0x4d: {  	_ =	shalt  }
0x4e: {  	_ =	shalt  }
0x4f: {  	_ =	shalt  }
0x50: {  	_ =	shalt  }
0x51: {  	_ =	shalt  }
0x52: {  	_ =	shalt  }
0x53: {  	_ =	shalt  }
0x54: {  	_ =	shalt  }
0x55: {  	_ =	shalt  }
0x56: {  	_ =	shalt  }
0x57: {  	_ =	shalt  }
0x58: {  	_ =	shalt  }
0x59: {  	_ =	shalt  }
0x5a: {  	_ =	shalt  }
0x5b: {  	_ =	shalt  }
0x5c: {  	_ =	shalt  }
0x5d: {  	_ =	shalt  }
0x5e: {  	_ =	shalt  }
0x5f: {  	_ =	shalt  }
0x60: {  	_ =	shalt  }
0x61: {  	_ =	shalt  }
0x62: {  	_ =	shalt  }
0x63: {  	_ =	shalt  }
0x64: {  	_ =	shalt  }
0x65: {  	_ =	shalt  }
0x66: {  	_ =	shalt  }
0x67: {  	_ =	shalt  }
0x68: {  	_ =	shalt  }
0x69: {  	_ =	shalt  }
0x6a: {  	_ =	shalt  }
0x6b: {  	_ =	shalt  }
0x6c: {  	_ =	shalt  }
0x6d: {  	_ =	shalt  }
0x6e: {  	_ =	shalt  }
0x6f: {  	_ =	shalt  }
0x70: {  	_ =	shalt  }
0x71: {  	_ =	shalt  }
0x72: {  	_ =	shalt  }
0x73: {  	_ =	shalt  }
0x74: {  	_ =	shalt  }
0x75: {  	_ =	shalt  }
0x76: {  	_ =	shalt  }
0x77: {  	_ =	shalt  }
0x78: {  	_ =	shalt  }
0x79: {  	_ =	shalt  }
0x7a: {  	_ =	shalt  }
0x7b: {  	_ =	shalt  }
0x7c: {  	_ =	shalt  }
0x7d: {  	_ =	shalt  }
0x7e: {  	_ =	shalt  }
0x7f: {  	_ =	shalt  }
0x80: {  	_ =	shalt  }
0x81: {  	_ =	shalt  }
0x82: {  	_ =	shalt  }
0x83: {  	_ =	shalt  }
0x84: {  	_ =	shalt  }
0x85: {  	_ =	shalt  }
0x86: {  	_ =	shalt  }
0x87: {  	_ =	shalt  }
.Lfunc_end0:
.L_simem_size_0:
called_computation_lowered:
.L_overlay_start_0:
0x88: {  	s2 =	sld [smem:$0x3FD9]  }
0x89: {  	s3 =	sld [smem:$0x3FFE];
	_ =	sdelay $0x1  }
0x8a: {  	s1 =	srdreg.scid  }
0x8b: {  	s0 =	sand.u32 $0x1, s1  }
0x8c: {  	s16 =	sshll.u32 s0, $0xA;
	s2 =	sadd.s32 s3, s2  }
0x8d: {  	s2 =	sadd.s32 s2, s16  }
0x8e: {  	[smem:$0x3FB1] =	sst s2  }
0x8f: {  	_ = 	snop  }
0x90: {  	(tm) =	ssettm $0x1  }
0x91: {  	s17 =	sld [smem:$0x3FFB];
	_ =	sdelay $0x3  }
0x92: {  	_ =	strace s17  }
0x93: {  	s2 =	sld [smem:$0x3FFC];
	_ =	sdelay $0x3  }
0x94: {  	_ =	strace s2  }
0x95: {  	s2 =	sld [smem:$0x3FFD];
	_ =	sdelay $0x3  }
0x96: {  	_ =	strace s2  }
0x97: {  	_ =	strace $0x8FFFFFFF  }
0x98: {  	s18 =	sld [smem:$0x3FDB];
	_ =	sdelay $0x1  }
0x99: {  	s19 =	simm.s32 $_scs_section_size  }
0x9a: {  	s4 =	simm.s32 $_size__tile_overlayer_lowered;
	s5 =	simm.s32 $_tile_overlayer_lowered  }
0x9b: {  	s22 =	simm.s32 $0x1BFF;
	s21 =	sshll.u32 s5, $0x1;
	s2 =	sadd.s32 s19, s18  }
0x9c: {  	s6 =	simm.s32 $0x0;
	s20 =	sshll.u32 s4, $0x1;
	s4 =	sadd.s32 s21, s2  }
0x9d: {  	[timem:s6], [sflag:s22] =	dma.local [hbm:s4], s20  }
0x9e: {  	_ =	swait.ge [sflag:s22], s20  }
0x9f: {  	s3 =	ssub.s32 $0x0, s20;
	[sflag:s22] =	ssyncset.done $0x0  }
0xa0: {  	[sflag:s22] =	ssyncadd.s32 s3;
	_ =	sdelay $0x1  }
0xa1: {  	s23 =	simm.s32 $0x1B8B  }
0xa2: {  	_ =	swait.ge [sflag:s23], $0x1  }
0xa3: {  	[sflag:s23] =	ssyncset.done $0x0  }
0xa4: {  	s25 =	simm.s32 $0x1B8E;
	s24 =	sld [smem:$0x3FFE];
	[sflag:s23] =	ssyncadd.s32 $0xFFFFFFFF  }
0xa5: {  	s26 =	simm.s32 $execute0_lowered;
	[smem:$0x3FD2] =	sst s25  }
0xa6: {  	s4 =	sshll.u32 s26, $0x1;
	_ =	strace $0x80000046;
	[dreg:$0x1] =	wrdreg $0xFFFFFFFF  }
0xa7: {  	s28 =	simm.s32 $_size_execute0_lowered;
	s2 =	sadd.s32 s2, s4;
	[dreg:$0x0] =	wrdreg $0x0  }
0xa8: {  	s4 =	sshll.u32 s28, $0x1;
	[dreg:$0x2] =	wrdreg s2  }
0xa9: {  	[dreg:$0x3] =	wrdreg s4  }
0xaa: {  	[dreg:$0x4] =	wrdreg $0xC0  }
0xab: {  	_ =	task [dreg:s6], $0x5FFFF  }
0xac: {  	[dreg:$0x1] =	wrdreg $0xFFFFFFFF  }
0xad: {  	[dreg:$0x0] =	wrdreg $0x60  }
0xae: {  	[dreg:$0x2] =	wrdreg s24  }
0xaf: {  	[dreg:$0x3] =	wrdreg $0x9  }
0xb0: {  	_ =	task.clear_ibuf [dreg:s6], $0x4FFFF;
	_ =	strace $0x90000046  }
0xb1: {  	s29 =	simm.s32 $0x9;
	_ =	strace $0x80000048  }
0xb2: {  	_ =	swait.ge [sflag:s29], $0x1  }
0xb3: {  	[sflag:s29] =	ssyncadd.s32 $0xFFFFFFFF  }
0xb4: {  	_ =	strace $0x90000048  }
0xb5: {  	_ =	sfence  }
0xb6: {  	s30 =	sld [smem:$0x0];
	_ =	sdelay $0x2  }
0xb7: {  	s31 =	sshll.u32 s1, $0xD;
	s1 =	sshrl.u32 s1, $0x2  }
0xb8: {  	s3 =	sand.u32 $0x4000, s31;
	s1 =	sadd.s32 s1, s30  }
0xb9: {  	s0 =	sor.u32 s3, s0;
	s1 =	sshll.u32 s1, $0x11  }
0xba: {  	s0 =	sor.u32 s1, s0  }
0xbb: {  	s0 =	sadd.s32 $0x8F2B, s0  }
0xbc: {  	[sflag:s0] =	ssyncadd.remote.s32 $0x1  }
0xbd: {  	_ =	sfence.sel $0xFFFF  }
0xbe: {  	[dreg:$0x0] =	wrdreg $0xFFFFFFFF;
	(pc) =	sbr.abs _section_cstart, $3  }
0xbf: {  	[dreg:$0x1] =	wrdreg $0xFFFFFFFF  }
0xc0: {  	_ =	task.clear_ibuf [dreg:s6], $0x2FFFF;
	_ =	strace $0x9FFFFFFF  }
0xc1: {  	(tm) =	ssettm $0x7FFFFFFF  }
tec
execute0_lowered:
.L_overlay_start_1:
0x0: {  	(tag) =	ssettag $0x1  }
0x1: {  	s0 =	rddreg [dreg:$0x0];
	s1 =	simm.s32 $0x0;
	s2 =	srdreg.scid  }
0x2: {  	s9 =	stileid.u32;
	s18 =	simm.s32 $0x800;
	s11 =	simm.s32 $0x10800  }
0x3: {  	s12 =	simm.s32 $0x11000;
	s13 =	simm.s32 $0x11800;
	s14 =	simm.s32 $0x12000  }
0x4: {  	s19 =	simm.s32 $0x80;
	s20 =	simm.s32 $0x180;
	s21 =	simm.s32 $0x280  }
0x5: {  	s22 =	simm.s32 $0x380;
	s23 =	simm.s32 $0x480;
	s24 =	simm.s32 $0x580  }
0x6: {  	s25 =	simm.s32 $0x680;
	s26 =	simm.s32 $0x780;
	s28 =	simm.s32 $0x17800  }
0x7: {  	s29 =	simm.s32 $0x18000;
	s30 =	simm.s32 $0x1A800;
	[smem:$0x7FF] =	sst s1  }
0x8: {  	s31 =	simm.s32 $0x1;
	s3 =	sadd.s32 $0x41DA00, s0;
	s4 =	sadd.s32 $0xBEDA00, s0  }
0x9: {  	s2 =	sand.u32 $0x1, s2;
	s5 =	sshll.u32 s9, $0xD;
	s10 =	sadd.s32 $0x3FB800, s0  }
0xa: {  	s6 =	sshll.u32 s9, $0x12;
	_ =	strace $0x80000047;
	[dreg:$0xc] =	wrdreg s10  }
0xb: {  	s9 =	sshll.u32 s9, $0x13;
	s7 =	ssub.s32 $0x2, s2;
	[dreg:$0x3] =	wrdreg s18  }
0xc: {  	s5 =	sadd.s32 s5, s0;
	s6 =	sadd.s32 s6, s0;
	[dreg:$0x4] =	wrdreg s19  }
0xd: {  	s0 =	sadd.s32 s9, s0;
	s15 =	sshll.u32 s2, $0x12;
	[dreg:$0x5] =	wrdreg s20  }
0xe: {  	s16 =	sshll.u32 s2, $0x11;
	s2 =	sshll.u32 s2, $0xC;
	[dreg:$0x6] =	wrdreg s21  }
0xf: {  	s10 =	simm.s32 $0x3;
	s18 =	simm.s32 $0x14000;
	[dreg:$0x7] =	wrdreg s22  }
0x10: {  	s19 =	simm.s32 $0x40;
	s20 =	simm.s32 $0x18800;
	[dreg:$0x8] =	wrdreg s23  }
0x11: {  	s21 =	simm.s32 $0x14800;
	s22 =	simm.s32 $0x15000;
	[dreg:$0x9] =	wrdreg s24  }
0x12: {  	s23 =	simm.s32 $0x15800;
	s24 =	simm.s32 $0x16000;
	[dreg:$0xa] =	wrdreg s25  }
0x13: {  	[dreg:$0xb] =	wrdreg s26;
	s25 =	simm.s32 $0x16800;
	s26 =	simm.s32 $0x17000  }
0x14: {  	s8 =	sshrl.u32 s7, $0x1;
	s0 =	sadd.s32 s15, s0;
	s6 =	sadd.s32 s16, s6  }
0x15: {  	s2 =	sadd.s32 s2, s5;
	s15 =	simm.s32 $0x12800;
	s17 =	sadd.s32 $0xFD5A00, s6  }
0x16: {  	s16 =	simm.s32 $0x13000;
	s2 =	sadd.s32 $0x3FBA00, s2;
	[dreg:$0xe] =	wrdreg s17  }
0x17: {  	v2 =	vlaneseq.u32;
	s7 =	ssub.s32 s7, s8;
	s0 =	sadd.s32 $0x13D5A00, s0;
	[dreg:$0xf] =	wrdreg s2  }
0x18: {  	vm0 =	vmmov $0xffff;
	v1 =	vshrl.u32 v2, $0x3;
	s7 =	smax.u32 s7, $0x1;
	[dreg:$0x2] =	wrdreg s0;
	s17 =	simm.s32 $0x13800  }
0x19: {  	v0 =	vand.u32 $0x7, v2;
	v2 =	vor.u32 $0x8, v2;
	v1 =	vmul.u32 $0x8, v1;
	s0 =	simm.s32 $0x2;
	s2 =	simm.s32 $0x0;
	[dreg:$0xd] =	wrdreg s7  }
.LBB2_1:
0x1a: {  	s5 =	rddreg [dreg:$0xc];
	s6 =	simm.s32 $0x1C800  }
0x1b: {  	[tilespmem:s6], [sflag:$0x3] =	stream.linear.gather [hbm4b:s5+s1], $0x80, $0x38;
	[tilespmem:$0x1C880] =	vst v63  }
0x1c: {  	_ =	swait.ge [sflag:s10], $0x80  }
0x1d: {  	[sflag:s10] =	ssyncset.done $0x0;
	s8 =	rddreg [dreg:$0xf]  }
0x1e: {  	s6 =	simm.s32 $0x0;
	s7 =	rddreg [dreg:$0xe];
	[sflag:s10] =	ssyncadd.s32 $0xFFFFFF80  }
.LBB2_2:
0x1f: {  	[tilespmem:s1], [sflag:$0x3] =	stream.linear.gather [hbm4b:s8+s1], $0x800, $0x38;
	[tilespmem:$0x1C880] =	vst v63  }
0x20: {  	_ =	swait.ge [sflag:s10], $0x800  }
0x21: {  	[sflag:s10] =	ssyncset.done $0x0  }
0x22: {  	s5 =	rddreg [dreg:$0x3];
	[sflag:s10] =	ssyncadd.s32 $0xFFFFF800  }
0x23: {  	[tilespmem:s5], [sflag:$0x3] =	stream.linear.gather [hbm4b:s7+s1], $0x10000, $0x38;
	[tilespmem:$0x1C880] =	vst v63  }
0x24: {  	_ =	swait.ge [sflag:s10], $0x10000  }
0x25: {  	[sflag:s10] =	ssyncset.done $0x0  }
0x26: {  	[sflag:s10] =	ssyncadd.s32 $0xFFFF0000  }
0x27: {  	v3 =	vld [tilespmem:$0x0];
	_ =	sdelay $0x4  }
0x28: {  	v4 =	vshll.u32 v3, $0x1  }
0x29: {  	v3 =	vand.u32 $0x7, v3;
	v4 =	vand.u32 $0xFFFFFFF0, v4  }
0x2a: {  	v3 =	vor.u32 v3, v4  }
0x2b: {  	v4 =	vperm.xlane v3, v0;
	_ =	sdelay $0x1  }
0x2c: {  	v3 =	vperm.xlane v3, v2;
	v4 =	vadd.s32 v1, v4;
	_ =	sdelay $0x1  }
0x2d: {  	v3 =	vadd.s32 v1, v3;
	_ =	sdelay $0x2  }
0x2e: {  	[tilespmem:s11], [sflag:$0x1] =	stream.indirect_vreg.gather [hbm4b:s3+s1], $0x80, v4, vm0, $0xb8;
	[tilespmem:$0x1C880] =	vst v63  }
0x2f: {  	_ = 	snop  }
0x30: {  	[tilespmem:s12], [sflag:$0x1] =	stream.indirect_vreg.gather [hbm4b:s3+s1], $0x80, v3, vm0, $0xb8;
	[tilespmem:$0x1C880] =	vst v63  }
0x31: {  	v3 =	vld [tilespmem:$0x10];
	_ =	sdelay $0x4  }
0x32: {  	v33 =	vshll.u32 v3, $0x1  }
0x33: {  	v3 =	vand.u32 $0x7, v3;
	v4 =	vand.u32 $0xFFFFFFF0, v33  }
0x34: {  	v3 =	vor.u32 v3, v4  }
0x35: {  	v4 =	vperm.xlane v3, v0;
	_ =	sdelay $0x1  }
0x36: {  	v3 =	vperm.xlane v3, v2;
	v4 =	vadd.s32 v1, v4;
	_ =	sdelay $0x1  }
0x37: {  	v3 =	vadd.s32 v1, v3;
	_ =	sdelay $0x2  }
0x38: {  	[tilespmem:s13], [sflag:$0x1] =	stream.indirect_vreg.gather [hbm4b:s3+s1], $0x80, v4, vm0, $0xb8;
	[tilespmem:$0x1C880] =	vst v63  }
0x39: {  	_ = 	snop  }
0x3a: {  	[tilespmem:s14], [sflag:$0x1] =	stream.indirect_vreg.gather [hbm4b:s3+s1], $0x80, v3, vm0, $0xb8;
	[tilespmem:$0x1C880] =	vst v63  }
0x3b: {  	v3 =	vld [tilespmem:$0x20];
	_ =	sdelay $0x4  }
0x3c: {  	v34 =	vshll.u32 v3, $0x1  }
0x3d: {  	v3 =	vand.u32 $0x7, v3;
	v4 =	vand.u32 $0xFFFFFFF0, v34  }
0x3e: {  	v3 =	vor.u32 v3, v4  }
0x3f: {  	v4 =	vperm.xlane v3, v0;
	_ =	sdelay $0x1  }
0x40: {  	v3 =	vperm.xlane v3, v2;
	v4 =	vadd.s32 v1, v4;
	_ =	sdelay $0x1  }
0x41: {  	v3 =	vadd.s32 v1, v3;
	_ =	sdelay $0x2  }
0x42: {  	[tilespmem:s15], [sflag:$0x1] =	stream.indirect_vreg.gather [hbm4b:s3+s1], $0x80, v4, vm0, $0xb8;
	[tilespmem:$0x1C880] =	vst v63  }
0x43: {  	_ = 	snop  }
0x44: {  	[tilespmem:s16], [sflag:$0x1] =	stream.indirect_vreg.gather [hbm4b:s3+s1], $0x80, v3, vm0, $0xb8;
	[tilespmem:$0x1C880] =	vst v63  }
0x45: {  	v3 =	vld [tilespmem:$0x30];
	_ =	sdelay $0x4  }
0x46: {  	v35 =	vshll.u32 v3, $0x1  }
0x47: {  	v3 =	vand.u32 $0x7, v3;
	v4 =	vand.u32 $0xFFFFFFF0, v35  }
0x48: {  	v3 =	vor.u32 v3, v4  }
0x49: {  	v4 =	vperm.xlane v3, v0;
	_ =	sdelay $0x1  }
0x4a: {  	v3 =	vperm.xlane v3, v2;
	v4 =	vadd.s32 v1, v4;
	_ =	sdelay $0x1  }
0x4b: {  	v3 =	vadd.s32 v1, v3;
	_ =	sdelay $0x2  }
0x4c: {  	[tilespmem:s17], [sflag:$0x1] =	stream.indirect_vreg.gather [hbm4b:s3+s1], $0x80, v4, vm0, $0xb8;
	[tilespmem:$0x1C880] =	vst v63  }
0x4d: {  	_ = 	snop  }
0x4e: {  	[tilespmem:s18], [sflag:$0x1] =	stream.indirect_vreg.gather [hbm4b:s3+s1], $0x80, v3, vm0, $0xb8;
	[tilespmem:$0x1C880] =	vst v63  }
0x4f: {  	s9 =	rddreg [dreg:$0x4]  }
0x50: {  	[tilespmem:s20], [sflag:$0x2] =	stream.indirect.gather [hbm4b:s4+s19], $0x80, s9, s19, $0xb8;
	[tilespmem:$0x1C880] =	vst v63  }
0x51: {  	v3 =	vld [tilespmem:$0x100];
	_ =	sdelay $0x4  }
0x52: {  	v36 =	vshll.u32 v3, $0x1  }
0x53: {  	v3 =	vand.u32 $0x7, v3;
	v4 =	vand.u32 $0xFFFFFFF0, v36  }
0x54: {  	v3 =	vor.u32 v3, v4  }
0x55: {  	v4 =	vperm.xlane v3, v0;
	_ =	sdelay $0x1  }
0x56: {  	v3 =	vperm.xlane v3, v2;
	v4 =	vadd.s32 v1, v4;
	_ =	sdelay $0x1  }
0x57: {  	v3 =	vadd.s32 v1, v3;
	_ =	sdelay $0x2  }
0x58: {  	[tilespmem:s21], [sflag:$0x1] =	stream.indirect_vreg.gather [hbm4b:s3+s1], $0x80, v4, vm0, $0xb8;
	[tilespmem:$0x1C880] =	vst v63  }
0x59: {  	_ = 	snop  }
0x5a: {  	[tilespmem:s22], [sflag:$0x1] =	stream.indirect_vreg.gather [hbm4b:s3+s1], $0x80, v3, vm0, $0xb8;
	[tilespmem:$0x1C880] =	vst v63  }
0x5b: {  	v3 =	vld [tilespmem:$0x110];
	_ =	sdelay $0x4  }
0x5c: {  	v37 =	vshll.u32 v3, $0x1  }
0x5d: {  	v3 =	vand.u32 $0x7, v3;
	v4 =	vand.u32 $0xFFFFFFF0, v37  }
0x5e: {  	v3 =	vor.u32 v3, v4  }
0x5f: {  	v4 =	vperm.xlane v3, v0;
	_ =	sdelay $0x1  }
0x60: {  	v3 =	vperm.xlane v3, v2;
	v4 =	vadd.s32 v1, v4;
	_ =	sdelay $0x1  }
0x61: {  	v3 =	vadd.s32 v1, v3;
	_ =	sdelay $0x2  }
0x62: {  	[tilespmem:s23], [sflag:$0x1] =	stream.indirect_vreg.gather [hbm4b:s3+s1], $0x80, v4, vm0, $0xb8;
	[tilespmem:$0x1C880] =	vst v63  }
0x63: {  	_ = 	snop  }
0x64: {  	[tilespmem:s24], [sflag:$0x1] =	stream.indirect_vreg.gather [hbm4b:s3+s1], $0x80, v3, vm0, $0xb8;
	[tilespmem:$0x1C880] =	vst v63  }
0x65: {  	v3 =	vld [tilespmem:$0x120];
	_ =	sdelay $0x4  }
0x66: {  	v38 =	vshll.u32 v3, $0x1  }
0x67: {  	v3 =	vand.u32 $0x7, v3;
	v4 =	vand.u32 $0xFFFFFFF0, v38  }
0x68: {  	v3 =	vor.u32 v3, v4  }
0x69: {  	v4 =	vperm.xlane v3, v0;
	_ =	sdelay $0x1  }
0x6a: {  	v3 =	vperm.xlane v3, v2;
	v4 =	vadd.s32 v1, v4;
	_ =	sdelay $0x1  }
0x6b: {  	v3 =	vadd.s32 v1, v3;
	_ =	sdelay $0x2  }
0x6c: {  	[tilespmem:s25], [sflag:$0x1] =	stream.indirect_vreg.gather [hbm4b:s3+s1], $0x80, v4, vm0, $0xb8;
	[tilespmem:$0x1C880] =	vst v63  }
0x6d: {  	_ = 	snop  }
0x6e: {  	[tilespmem:s26], [sflag:$0x1] =	stream.indirect_vreg.gather [hbm4b:s3+s1], $0x80, v3, vm0, $0xb8;
	[tilespmem:$0x1C880] =	vst v63  }
0x6f: {  	v3 =	vld [tilespmem:$0x130];
	_ =	sdelay $0x4  }
0x70: {  	v39 =	vshll.u32 v3, $0x1  }
0x71: {  	v3 =	vand.u32 $0x7, v3;
	v4 =	vand.u32 $0xFFFFFFF0, v39  }
0x72: {  	v3 =	vor.u32 v3, v4  }
0x73: {  	v4 =	vperm.xlane v3, v0;
	_ =	sdelay $0x1  }
0x74: {  	v3 =	vperm.xlane v3, v2;
	v4 =	vadd.s32 v1, v4;
	_ =	sdelay $0x1  }
0x75: {  	v3 =	vadd.s32 v1, v3;
	_ =	sdelay $0x2  }
0x76: {  	[tilespmem:s28], [sflag:$0x1] =	stream.indirect_vreg.gather [hbm4b:s3+s1], $0x80, v4, vm0, $0xb8;
	[tilespmem:$0x1C880] =	vst v63  }
0x77: {  	_ = 	snop  }
0x78: {  	[tilespmem:s29], [sflag:$0x1] =	stream.indirect_vreg.gather [hbm4b:s3+s1], $0x80, v3, vm0, $0xb8;
	[tilespmem:$0x1C880] =	vst v63  }
0x79: {  	s9 =	rddreg [dreg:$0x5]  }
0x7a: {  	[tilespmem:s30], [sflag:$0x2] =	stream.indirect.gather [hbm4b:s4+s19], $0x80, s9, s19, $0xb8;
	[tilespmem:$0x1C880] =	vst v63  }
0x7b: {  	_ =	swait.ge [sflag:s31], $0x4000  }
0x7c: {  	[sflag:s31] =	ssyncset.done $0x0  }
0x7d: {  	[sflag:s31] =	ssyncadd.s32 $0xFFFFC000  }
0x7e: {  	_ =	swait.ge [sflag:s0], $0x2000  }
0x7f: {  	s9 =	rddreg [dreg:$0x2];
	[sflag:s0] =	ssyncset.done $0x0  }
0x80: {  	[sflag:s0] =	ssyncadd.s32 $0xFFFFE000;
	s5 =	sadd.s32 s6, s9  }
0x81: {  	[hbm4b:s5+s1] =	stream.linear.scatter [tilespmem:s11], [sflag:$0x3], $0x4000, $0x38;
	[tilespmem:$0x1C880] =	vst v63  }
0x82: {  	_ =	swait.ge [sflag:s10], $0x4000  }
0x83: {  	[sflag:s10] =	ssyncset.done $0x0  }
0x84: {  	[sflag:s10] =	ssyncadd.s32 $0xFFFFC000  }
0x85: {  	v3 =	vld [tilespmem:$0x200];
	_ =	sdelay $0x4  }
0x86: {  	v40 =	vshll.u32 v3, $0x1  }
0x87: {  	v3 =	vand.u32 $0x7, v3;
	v4 =	vand.u32 $0xFFFFFFF0, v40  }
0x88: {  	v3 =	vor.u32 v3, v4  }
0x89: {  	v4 =	vperm.xlane v3, v0;
	_ =	sdelay $0x1  }
0x8a: {  	v3 =	vperm.xlane v3, v2;
	v4 =	vadd.s32 v1, v4;
	_ =	sdelay $0x1  }
0x8b: {  	v3 =	vadd.s32 v1, v3;
	_ =	sdelay $0x2  }
0x8c: {  	[tilespmem:s11], [sflag:$0x1] =	stream.indirect_vreg.gather [hbm4b:s3+s1], $0x80, v4, vm0, $0xb8;
	[tilespmem:$0x1C880] =	vst v63  }
0x8d: {  	_ = 	snop  }
0x8e: {  	[tilespmem:s12], [sflag:$0x1] =	stream.indirect_vreg.gather [hbm4b:s3+s1], $0x80, v3, vm0, $0xb8;
	[tilespmem:$0x1C880] =	vst v63  }
0x8f: {  	v3 =	vld [tilespmem:$0x210];
	_ =	sdelay $0x4  }
0x90: {  	v41 =	vshll.u32 v3, $0x1  }
0x91: {  	v3 =	vand.u32 $0x7, v3;
	v4 =	vand.u32 $0xFFFFFFF0, v41  }
0x92: {  	v3 =	vor.u32 v3, v4  }
0x93: {  	v4 =	vperm.xlane v3, v0;
	_ =	sdelay $0x1  }
0x94: {  	v3 =	vperm.xlane v3, v2;
	v4 =	vadd.s32 v1, v4;
	_ =	sdelay $0x1  }
0x95: {  	v3 =	vadd.s32 v1, v3;
	_ =	sdelay $0x2  }
0x96: {  	[tilespmem:s13], [sflag:$0x1] =	stream.indirect_vreg.gather [hbm4b:s3+s1], $0x80, v4, vm0, $0xb8;
	[tilespmem:$0x1C880] =	vst v63  }
0x97: {  	_ = 	snop  }
0x98: {  	[tilespmem:s14], [sflag:$0x1] =	stream.indirect_vreg.gather [hbm4b:s3+s1], $0x80, v3, vm0, $0xb8;
	[tilespmem:$0x1C880] =	vst v63  }
0x99: {  	v3 =	vld [tilespmem:$0x220];
	_ =	sdelay $0x4  }
0x9a: {  	v42 =	vshll.u32 v3, $0x1  }
0x9b: {  	v3 =	vand.u32 $0x7, v3;
	v4 =	vand.u32 $0xFFFFFFF0, v42  }
0x9c: {  	v3 =	vor.u32 v3, v4  }
0x9d: {  	v4 =	vperm.xlane v3, v0;
	_ =	sdelay $0x1  }
0x9e: {  	v3 =	vperm.xlane v3, v2;
	v4 =	vadd.s32 v1, v4;
	_ =	sdelay $0x1  }
0x9f: {  	v3 =	vadd.s32 v1, v3;
	_ =	sdelay $0x2  }
0xa0: {  	[tilespmem:s15], [sflag:$0x1] =	stream.indirect_vreg.gather [hbm4b:s3+s1], $0x80, v4, vm0, $0xb8;
	[tilespmem:$0x1C880] =	vst v63  }
0xa1: {  	_ = 	snop  }
0xa2: {  	[tilespmem:s16], [sflag:$0x1] =	stream.indirect_vreg.gather [hbm4b:s3+s1], $0x80, v3, vm0, $0xb8;
	[tilespmem:$0x1C880] =	vst v63  }
0xa3: {  	v3 =	vld [tilespmem:$0x230];
	_ =	sdelay $0x4  }
0xa4: {  	v43 =	vshll.u32 v3, $0x1  }
0xa5: {  	v3 =	vand.u32 $0x7, v3;
	v4 =	vand.u32 $0xFFFFFFF0, v43  }
0xa6: {  	v3 =	vor.u32 v3, v4  }
0xa7: {  	v4 =	vperm.xlane v3, v0;
	_ =	sdelay $0x1  }
0xa8: {  	v3 =	vperm.xlane v3, v2;
	v4 =	vadd.s32 v1, v4;
	_ =	sdelay $0x1  }
0xa9: {  	v3 =	vadd.s32 v1, v3;
	_ =	sdelay $0x2  }
0xaa: {  	[tilespmem:s17], [sflag:$0x1] =	stream.indirect_vreg.gather [hbm4b:s3+s1], $0x80, v4, vm0, $0xb8;
	[tilespmem:$0x1C880] =	vst v63  }
0xab: {  	_ = 	snop  }
0xac: {  	[tilespmem:s18], [sflag:$0x1] =	stream.indirect_vreg.gather [hbm4b:s3+s1], $0x80, v3, vm0, $0xb8;
	[tilespmem:$0x1C880] =	vst v63  }
0xad: {  	s9 =	rddreg [dreg:$0x6]  }
0xae: {  	[tilespmem:s20], [sflag:$0x2] =	stream.indirect.gather [hbm4b:s4+s19], $0x80, s9, s19, $0xb8;
	[tilespmem:$0x1C880] =	vst v63  }
0xaf: {  	_ =	swait.ge [sflag:s31], $0x4000  }
0xb0: {  	[sflag:s31] =	ssyncset.done $0x0  }
0xb1: {  	[sflag:s31] =	ssyncadd.s32 $0xFFFFC000  }
0xb2: {  	_ =	swait.ge [sflag:s0], $0x2000  }
0xb3: {  	[sflag:s0] =	ssyncset.done $0x0  }
0xb4: {  	s9 =	sadd.s32 $0x800, s5;
	[sflag:s0] =	ssyncadd.s32 $0xFFFFE000  }
0xb5: {  	[hbm4b:s9+s1] =	stream.linear.scatter [tilespmem:s21], [sflag:$0x3], $0x4000, $0x38;
	[tilespmem:$0x1C880] =	vst v63  }
0xb6: {  	_ =	swait.ge [sflag:s10], $0x4000  }
0xb7: {  	[sflag:s10] =	ssyncset.done $0x0  }
0xb8: {  	[sflag:s10] =	ssyncadd.s32 $0xFFFFC000  }
0xb9: {  	v3 =	vld [tilespmem:$0x300];
	_ =	sdelay $0x4  }
0xba: {  	v44 =	vshll.u32 v3, $0x1  }
0xbb: {  	v3 =	vand.u32 $0x7, v3;
	v4 =	vand.u32 $0xFFFFFFF0, v44  }
0xbc: {  	v3 =	vor.u32 v3, v4  }
0xbd: {  	v4 =	vperm.xlane v3, v0;
	_ =	sdelay $0x1  }
0xbe: {  	v3 =	vperm.xlane v3, v2;
	v4 =	vadd.s32 v1, v4;
	_ =	sdelay $0x1  }
0xbf: {  	v3 =	vadd.s32 v1, v3;
	_ =	sdelay $0x2  }
0xc0: {  	[tilespmem:s21], [sflag:$0x1] =	stream.indirect_vreg.gather [hbm4b:s3+s1], $0x80, v4, vm0, $0xb8;
	[tilespmem:$0x1C880] =	vst v63  }
0xc1: {  	_ = 	snop  }
0xc2: {  	[tilespmem:s22], [sflag:$0x1] =	stream.indirect_vreg.gather [hbm4b:s3+s1], $0x80, v3, vm0, $0xb8;
	[tilespmem:$0x1C880] =	vst v63  }
0xc3: {  	v3 =	vld [tilespmem:$0x310];
	_ =	sdelay $0x4  }
0xc4: {  	v45 =	vshll.u32 v3, $0x1  }
0xc5: {  	v3 =	vand.u32 $0x7, v3;
	v4 =	vand.u32 $0xFFFFFFF0, v45  }
0xc6: {  	v3 =	vor.u32 v3, v4  }
0xc7: {  	v4 =	vperm.xlane v3, v0;
	_ =	sdelay $0x1  }
0xc8: {  	v3 =	vperm.xlane v3, v2;
	v4 =	vadd.s32 v1, v4;
	_ =	sdelay $0x1  }
0xc9: {  	v3 =	vadd.s32 v1, v3;
	_ =	sdelay $0x2  }
0xca: {  	[tilespmem:s23], [sflag:$0x1] =	stream.indirect_vreg.gather [hbm4b:s3+s1], $0x80, v4, vm0, $0xb8;
	[tilespmem:$0x1C880] =	vst v63  }
0xcb: {  	_ = 	snop  }
0xcc: {  	[tilespmem:s24], [sflag:$0x1] =	stream.indirect_vreg.gather [hbm4b:s3+s1], $0x80, v3, vm0, $0xb8;
	[tilespmem:$0x1C880] =	vst v63  }
0xcd: {  	v3 =	vld [tilespmem:$0x320];
	_ =	sdelay $0x4  }
0xce: {  	v46 =	vshll.u32 v3, $0x1  }
0xcf: {  	v3 =	vand.u32 $0x7, v3;
	v4 =	vand.u32 $0xFFFFFFF0, v46  }
0xd0: {  	v3 =	vor.u32 v3, v4  }
0xd1: {  	v4 =	vperm.xlane v3, v0;
	_ =	sdelay $0x1  }
0xd2: {  	v3 =	vperm.xlane v3, v2;
	v4 =	vadd.s32 v1, v4;
	_ =	sdelay $0x1  }
0xd3: {  	v3 =	vadd.s32 v1, v3;
	_ =	sdelay $0x2  }
0xd4: {  	[tilespmem:s25], [sflag:$0x1] =	stream.indirect_vreg.gather [hbm4b:s3+s1], $0x80, v4, vm0, $0xb8;
	[tilespmem:$0x1C880] =	vst v63  }
0xd5: {  	_ = 	snop  }
0xd6: {  	[tilespmem:s26], [sflag:$0x1] =	stream.indirect_vreg.gather [hbm4b:s3+s1], $0x80, v3, vm0, $0xb8;
	[tilespmem:$0x1C880] =	vst v63  }
0xd7: {  	v3 =	vld [tilespmem:$0x330];
	_ =	sdelay $0x4  }
0xd8: {  	v47 =	vshll.u32 v3, $0x1  }
0xd9: {  	v3 =	vand.u32 $0x7, v3;
	v4 =	vand.u32 $0xFFFFFFF0, v47  }
0xda: {  	v3 =	vor.u32 v3, v4  }
0xdb: {  	v4 =	vperm.xlane v3, v0;
	_ =	sdelay $0x1  }
0xdc: {  	v3 =	vperm.xlane v3, v2;
	v4 =	vadd.s32 v1, v4;
	_ =	sdelay $0x1  }
0xdd: {  	v3 =	vadd.s32 v1, v3;
	_ =	sdelay $0x2  }
0xde: {  	[tilespmem:s28], [sflag:$0x1] =	stream.indirect_vreg.gather [hbm4b:s3+s1], $0x80, v4, vm0, $0xb8;
	[tilespmem:$0x1C880] =	vst v63  }
0xdf: {  	_ = 	snop  }
0xe0: {  	[tilespmem:s29], [sflag:$0x1] =	stream.indirect_vreg.gather [hbm4b:s3+s1], $0x80, v3, vm0, $0xb8;
	[tilespmem:$0x1C880] =	vst v63  }
0xe1: {  	s9 =	rddreg [dreg:$0x7]  }
0xe2: {  	[tilespmem:s30], [sflag:$0x2] =	stream.indirect.gather [hbm4b:s4+s19], $0x80, s9, s19, $0xb8;
	[tilespmem:$0x1C880] =	vst v63  }
0xe3: {  	_ =	swait.ge [sflag:s31], $0x4000  }
0xe4: {  	[sflag:s31] =	ssyncset.done $0x0  }
0xe5: {  	[sflag:s31] =	ssyncadd.s32 $0xFFFFC000  }
0xe6: {  	_ =	swait.ge [sflag:s0], $0x2000  }
0xe7: {  	[sflag:s0] =	ssyncset.done $0x0  }
0xe8: {  	s9 =	sadd.s32 $0x1000, s5;
	[sflag:s0] =	ssyncadd.s32 $0xFFFFE000  }
0xe9: {  	[hbm4b:s9+s1] =	stream.linear.scatter [tilespmem:s11], [sflag:$0x3], $0x4000, $0x38;
	[tilespmem:$0x1C880] =	vst v63  }
0xea: {  	_ =	swait.ge [sflag:s10], $0x4000  }
0xeb: {  	[sflag:s10] =	ssyncset.done $0x0  }
0xec: {  	[sflag:s10] =	ssyncadd.s32 $0xFFFFC000  }
0xed: {  	v3 =	vld [tilespmem:$0x400];
	_ =	sdelay $0x4  }
0xee: {  	v48 =	vshll.u32 v3, $0x1  }
0xef: {  	v3 =	vand.u32 $0x7, v3;
	v4 =	vand.u32 $0xFFFFFFF0, v48  }
0xf0: {  	v3 =	vor.u32 v3, v4  }
0xf1: {  	v4 =	vperm.xlane v3, v0;
	_ =	sdelay $0x1  }
0xf2: {  	v3 =	vperm.xlane v3, v2;
	v4 =	vadd.s32 v1, v4;
	_ =	sdelay $0x1  }
0xf3: {  	v3 =	vadd.s32 v1, v3;
	_ =	sdelay $0x2  }
0xf4: {  	[tilespmem:s11], [sflag:$0x1] =	stream.indirect_vreg.gather [hbm4b:s3+s1], $0x80, v4, vm0, $0xb8;
	[tilespmem:$0x1C880] =	vst v63  }
0xf5: {  	_ = 	snop  }
0xf6: {  	[tilespmem:s12], [sflag:$0x1] =	stream.indirect_vreg.gather [hbm4b:s3+s1], $0x80, v3, vm0, $0xb8;
	[tilespmem:$0x1C880] =	vst v63  }
0xf7: {  	v3 =	vld [tilespmem:$0x410];
	_ =	sdelay $0x4  }
0xf8: {  	v49 =	vshll.u32 v3, $0x1  }
0xf9: {  	v3 =	vand.u32 $0x7, v3;
	v4 =	vand.u32 $0xFFFFFFF0, v49  }
0xfa: {  	v3 =	vor.u32 v3, v4  }
0xfb: {  	v4 =	vperm.xlane v3, v0;
	_ =	sdelay $0x1  }
0xfc: {  	v3 =	vperm.xlane v3, v2;
	v4 =	vadd.s32 v1, v4;
	_ =	sdelay $0x1  }
0xfd: {  	v3 =	vadd.s32 v1, v3;
	_ =	sdelay $0x2  }
0xfe: {  	[tilespmem:s13], [sflag:$0x1] =	stream.indirect_vreg.gather [hbm4b:s3+s1], $0x80, v4, vm0, $0xb8;
	[tilespmem:$0x1C880] =	vst v63  }
0xff: {  	_ = 	snop  }
0x100: {  	[tilespmem:s14], [sflag:$0x1] =	stream.indirect_vreg.gather [hbm4b:s3+s1], $0x80, v3, vm0, $0xb8;
	[tilespmem:$0x1C880] =	vst v63  }
0x101: {  	v3 =	vld [tilespmem:$0x420];
	_ =	sdelay $0x4  }
0x102: {  	v50 =	vshll.u32 v3, $0x1  }
0x103: {  	v3 =	vand.u32 $0x7, v3;
	v4 =	vand.u32 $0xFFFFFFF0, v50  }
0x104: {  	v3 =	vor.u32 v3, v4  }
0x105: {  	v4 =	vperm.xlane v3, v0;
	_ =	sdelay $0x1  }
0x106: {  	v3 =	vperm.xlane v3, v2;
	v4 =	vadd.s32 v1, v4;
	_ =	sdelay $0x1  }
0x107: {  	v3 =	vadd.s32 v1, v3;
	_ =	sdelay $0x2  }
0x108: {  	[tilespmem:s15], [sflag:$0x1] =	stream.indirect_vreg.gather [hbm4b:s3+s1], $0x80, v4, vm0, $0xb8;
	[tilespmem:$0x1C880] =	vst v63  }
0x109: {  	_ = 	snop  }
0x10a: {  	[tilespmem:s16], [sflag:$0x1] =	stream.indirect_vreg.gather [hbm4b:s3+s1], $0x80, v3, vm0, $0xb8;
	[tilespmem:$0x1C880] =	vst v63  }
0x10b: {  	v3 =	vld [tilespmem:$0x430];
	_ =	sdelay $0x4  }
0x10c: {  	v51 =	vshll.u32 v3, $0x1  }
0x10d: {  	v3 =	vand.u32 $0x7, v3;
	v4 =	vand.u32 $0xFFFFFFF0, v51  }
0x10e: {  	v3 =	vor.u32 v3, v4  }
0x10f: {  	v4 =	vperm.xlane v3, v0;
	_ =	sdelay $0x1  }
0x110: {  	v3 =	vperm.xlane v3, v2;
	v4 =	vadd.s32 v1, v4;
	_ =	sdelay $0x1  }
0x111: {  	v3 =	vadd.s32 v1, v3;
	_ =	sdelay $0x2  }
0x112: {  	[tilespmem:s17], [sflag:$0x1] =	stream.indirect_vreg.gather [hbm4b:s3+s1], $0x80, v4, vm0, $0xb8;
	[tilespmem:$0x1C880] =	vst v63  }
0x113: {  	_ = 	snop  }
0x114: {  	[tilespmem:s18], [sflag:$0x1] =	stream.indirect_vreg.gather [hbm4b:s3+s1], $0x80, v3, vm0, $0xb8;
	[tilespmem:$0x1C880] =	vst v63  }
0x115: {  	s9 =	rddreg [dreg:$0x8]  }
0x116: {  	[tilespmem:s20], [sflag:$0x2] =	stream.indirect.gather [hbm4b:s4+s19], $0x80, s9, s19, $0xb8;
	[tilespmem:$0x1C880] =	vst v63  }
0x117: {  	_ =	swait.ge [sflag:s31], $0x4000  }
0x118: {  	[sflag:s31] =	ssyncset.done $0x0  }
0x119: {  	[sflag:s31] =	ssyncadd.s32 $0xFFFFC000  }
0x11a: {  	_ =	swait.ge [sflag:s0], $0x2000  }
0x11b: {  	[sflag:s0] =	ssyncset.done $0x0  }
0x11c: {  	s9 =	sadd.s32 $0x1800, s5;
	[sflag:s0] =	ssyncadd.s32 $0xFFFFE000  }
0x11d: {  	[hbm4b:s9+s1] =	stream.linear.scatter [tilespmem:s21], [sflag:$0x3], $0x4000, $0x38;
	[tilespmem:$0x1C880] =	vst v63  }
0x11e: {  	_ =	swait.ge [sflag:s10], $0x4000  }
0x11f: {  	[sflag:s10] =	ssyncset.done $0x0  }
0x120: {  	[sflag:s10] =	ssyncadd.s32 $0xFFFFC000  }
0x121: {  	v3 =	vld [tilespmem:$0x500];
	_ =	sdelay $0x4  }
0x122: {  	v52 =	vshll.u32 v3, $0x1  }
0x123: {  	v3 =	vand.u32 $0x7, v3;
	v4 =	vand.u32 $0xFFFFFFF0, v52  }
0x124: {  	v3 =	vor.u32 v3, v4  }
0x125: {  	v4 =	vperm.xlane v3, v0;
	_ =	sdelay $0x1  }
0x126: {  	v3 =	vperm.xlane v3, v2;
	v4 =	vadd.s32 v1, v4;
	_ =	sdelay $0x1  }
0x127: {  	v3 =	vadd.s32 v1, v3;
	_ =	sdelay $0x2  }
0x128: {  	[tilespmem:s21], [sflag:$0x1] =	stream.indirect_vreg.gather [hbm4b:s3+s1], $0x80, v4, vm0, $0xb8;
	[tilespmem:$0x1C880] =	vst v63  }
0x129: {  	_ = 	snop  }
0x12a: {  	[tilespmem:s22], [sflag:$0x1] =	stream.indirect_vreg.gather [hbm4b:s3+s1], $0x80, v3, vm0, $0xb8;
	[tilespmem:$0x1C880] =	vst v63  }
0x12b: {  	v3 =	vld [tilespmem:$0x510];
	_ =	sdelay $0x4  }
0x12c: {  	v53 =	vshll.u32 v3, $0x1  }
0x12d: {  	v3 =	vand.u32 $0x7, v3;
	v4 =	vand.u32 $0xFFFFFFF0, v53  }
0x12e: {  	v3 =	vor.u32 v3, v4  }
0x12f: {  	v4 =	vperm.xlane v3, v0;
	_ =	sdelay $0x1  }
0x130: {  	v3 =	vperm.xlane v3, v2;
	v4 =	vadd.s32 v1, v4;
	_ =	sdelay $0x1  }
0x131: {  	v3 =	vadd.s32 v1, v3;
	_ =	sdelay $0x2  }
0x132: {  	[tilespmem:s23], [sflag:$0x1] =	stream.indirect_vreg.gather [hbm4b:s3+s1], $0x80, v4, vm0, $0xb8;
	[tilespmem:$0x1C880] =	vst v63  }
0x133: {  	_ = 	snop  }
0x134: {  	[tilespmem:s24], [sflag:$0x1] =	stream.indirect_vreg.gather [hbm4b:s3+s1], $0x80, v3, vm0, $0xb8;
	[tilespmem:$0x1C880] =	vst v63  }
0x135: {  	v3 =	vld [tilespmem:$0x520];
	_ =	sdelay $0x4  }
0x136: {  	v54 =	vshll.u32 v3, $0x1  }
0x137: {  	v3 =	vand.u32 $0x7, v3;
	v4 =	vand.u32 $0xFFFFFFF0, v54  }
0x138: {  	v3 =	vor.u32 v3, v4  }
0x139: {  	v4 =	vperm.xlane v3, v0;
	_ =	sdelay $0x1  }
0x13a: {  	v3 =	vperm.xlane v3, v2;
	v4 =	vadd.s32 v1, v4;
	_ =	sdelay $0x1  }
0x13b: {  	v3 =	vadd.s32 v1, v3;
	_ =	sdelay $0x2  }
0x13c: {  	[tilespmem:s25], [sflag:$0x1] =	stream.indirect_vreg.gather [hbm4b:s3+s1], $0x80, v4, vm0, $0xb8;
	[tilespmem:$0x1C880] =	vst v63  }
0x13d: {  	_ = 	snop  }
0x13e: {  	[tilespmem:s26], [sflag:$0x1] =	stream.indirect_vreg.gather [hbm4b:s3+s1], $0x80, v3, vm0, $0xb8;
	[tilespmem:$0x1C880] =	vst v63  }
0x13f: {  	v3 =	vld [tilespmem:$0x530];
	_ =	sdelay $0x4  }
0x140: {  	v55 =	vshll.u32 v3, $0x1  }
0x141: {  	v3 =	vand.u32 $0x7, v3;
	v4 =	vand.u32 $0xFFFFFFF0, v55  }
0x142: {  	v3 =	vor.u32 v3, v4  }
0x143: {  	v4 =	vperm.xlane v3, v0;
	_ =	sdelay $0x1  }
0x144: {  	v3 =	vperm.xlane v3, v2;
	v4 =	vadd.s32 v1, v4;
	_ =	sdelay $0x1  }
0x145: {  	v3 =	vadd.s32 v1, v3;
	_ =	sdelay $0x2  }
0x146: {  	[tilespmem:s28], [sflag:$0x1] =	stream.indirect_vreg.gather [hbm4b:s3+s1], $0x80, v4, vm0, $0xb8;
	[tilespmem:$0x1C880] =	vst v63  }
0x147: {  	_ = 	snop  }
0x148: {  	[tilespmem:s29], [sflag:$0x1] =	stream.indirect_vreg.gather [hbm4b:s3+s1], $0x80, v3, vm0, $0xb8;
	[tilespmem:$0x1C880] =	vst v63  }
0x149: {  	s9 =	rddreg [dreg:$0x9]  }
0x14a: {  	[tilespmem:s30], [sflag:$0x2] =	stream.indirect.gather [hbm4b:s4+s19], $0x80, s9, s19, $0xb8;
	[tilespmem:$0x1C880] =	vst v63  }
0x14b: {  	_ =	swait.ge [sflag:s31], $0x4000  }
0x14c: {  	[sflag:s31] =	ssyncset.done $0x0  }
0x14d: {  	[sflag:s31] =	ssyncadd.s32 $0xFFFFC000  }
0x14e: {  	_ =	swait.ge [sflag:s0], $0x2000  }
0x14f: {  	[sflag:s0] =	ssyncset.done $0x0  }
0x150: {  	s9 =	sadd.s32 $0x2000, s5;
	[sflag:s0] =	ssyncadd.s32 $0xFFFFE000  }
0x151: {  	[hbm4b:s9+s1] =	stream.linear.scatter [tilespmem:s11], [sflag:$0x3], $0x4000, $0x38;
	[tilespmem:$0x1C880] =	vst v63  }
0x152: {  	_ =	swait.ge [sflag:s10], $0x4000  }
0x153: {  	[sflag:s10] =	ssyncset.done $0x0  }
0x154: {  	[sflag:s10] =	ssyncadd.s32 $0xFFFFC000  }
0x155: {  	v3 =	vld [tilespmem:$0x600];
	_ =	sdelay $0x4  }
0x156: {  	v56 =	vshll.u32 v3, $0x1  }
0x157: {  	v3 =	vand.u32 $0x7, v3;
	v4 =	vand.u32 $0xFFFFFFF0, v56  }
0x158: {  	v3 =	vor.u32 v3, v4  }
0x159: {  	v4 =	vperm.xlane v3, v0;
	_ =	sdelay $0x1  }
0x15a: {  	v3 =	vperm.xlane v3, v2;
	v4 =	vadd.s32 v1, v4;
	_ =	sdelay $0x1  }
0x15b: {  	v3 =	vadd.s32 v1, v3;
	_ =	sdelay $0x2  }
0x15c: {  	[tilespmem:s11], [sflag:$0x1] =	stream.indirect_vreg.gather [hbm4b:s3+s1], $0x80, v4, vm0, $0xb8;
	[tilespmem:$0x1C880] =	vst v63  }
0x15d: {  	_ = 	snop  }
0x15e: {  	[tilespmem:s12], [sflag:$0x1] =	stream.indirect_vreg.gather [hbm4b:s3+s1], $0x80, v3, vm0, $0xb8;
	[tilespmem:$0x1C880] =	vst v63  }
0x15f: {  	v3 =	vld [tilespmem:$0x610];
	_ =	sdelay $0x4  }
0x160: {  	v57 =	vshll.u32 v3, $0x1  }
0x161: {  	v3 =	vand.u32 $0x7, v3;
	v4 =	vand.u32 $0xFFFFFFF0, v57  }
0x162: {  	v3 =	vor.u32 v3, v4  }
0x163: {  	v4 =	vperm.xlane v3, v0;
	_ =	sdelay $0x1  }
0x164: {  	v3 =	vperm.xlane v3, v2;
	v4 =	vadd.s32 v1, v4;
	_ =	sdelay $0x1  }
0x165: {  	v3 =	vadd.s32 v1, v3;
	_ =	sdelay $0x2  }
0x166: {  	[tilespmem:s13], [sflag:$0x1] =	stream.indirect_vreg.gather [hbm4b:s3+s1], $0x80, v4, vm0, $0xb8;
	[tilespmem:$0x1C880] =	vst v63  }
0x167: {  	_ = 	snop  }
0x168: {  	[tilespmem:s14], [sflag:$0x1] =	stream.indirect_vreg.gather [hbm4b:s3+s1], $0x80, v3, vm0, $0xb8;
	[tilespmem:$0x1C880] =	vst v63  }
0x169: {  	v3 =	vld [tilespmem:$0x620];
	_ =	sdelay $0x4  }
0x16a: {  	v58 =	vshll.u32 v3, $0x1  }
0x16b: {  	v3 =	vand.u32 $0x7, v3;
	v4 =	vand.u32 $0xFFFFFFF0, v58  }
0x16c: {  	v3 =	vor.u32 v3, v4  }
0x16d: {  	v4 =	vperm.xlane v3, v0;
	_ =	sdelay $0x1  }
0x16e: {  	v3 =	vperm.xlane v3, v2;
	v4 =	vadd.s32 v1, v4;
	_ =	sdelay $0x1  }
0x16f: {  	v3 =	vadd.s32 v1, v3;
	_ =	sdelay $0x2  }
0x170: {  	[tilespmem:s15], [sflag:$0x1] =	stream.indirect_vreg.gather [hbm4b:s3+s1], $0x80, v4, vm0, $0xb8;
	[tilespmem:$0x1C880] =	vst v63  }
0x171: {  	_ = 	snop  }
0x172: {  	[tilespmem:s16], [sflag:$0x1] =	stream.indirect_vreg.gather [hbm4b:s3+s1], $0x80, v3, vm0, $0xb8;
	[tilespmem:$0x1C880] =	vst v63  }
0x173: {  	v3 =	vld [tilespmem:$0x630];
	_ =	sdelay $0x4  }
0x174: {  	v59 =	vshll.u32 v3, $0x1  }
0x175: {  	v3 =	vand.u32 $0x7, v3;
	v4 =	vand.u32 $0xFFFFFFF0, v59  }
0x176: {  	v3 =	vor.u32 v3, v4  }
0x177: {  	v4 =	vperm.xlane v3, v0;
	_ =	sdelay $0x1  }
0x178: {  	v3 =	vperm.xlane v3, v2;
	v4 =	vadd.s32 v1, v4;
	_ =	sdelay $0x1  }
0x179: {  	v3 =	vadd.s32 v1, v3;
	_ =	sdelay $0x2  }
0x17a: {  	[tilespmem:s17], [sflag:$0x1] =	stream.indirect_vreg.gather [hbm4b:s3+s1], $0x80, v4, vm0, $0xb8;
	[tilespmem:$0x1C880] =	vst v63  }
0x17b: {  	_ = 	snop  }
0x17c: {  	[tilespmem:s18], [sflag:$0x1] =	stream.indirect_vreg.gather [hbm4b:s3+s1], $0x80, v3, vm0, $0xb8;
	[tilespmem:$0x1C880] =	vst v63  }
0x17d: {  	s9 =	rddreg [dreg:$0xa]  }
0x17e: {  	[tilespmem:s20], [sflag:$0x2] =	stream.indirect.gather [hbm4b:s4+s19], $0x80, s9, s19, $0xb8;
	[tilespmem:$0x1C880] =	vst v63  }
0x17f: {  	_ =	swait.ge [sflag:s31], $0x4000  }
0x180: {  	[sflag:s31] =	ssyncset.done $0x0  }
0x181: {  	[sflag:s31] =	ssyncadd.s32 $0xFFFFC000  }
0x182: {  	_ =	swait.ge [sflag:s0], $0x2000  }
0x183: {  	[sflag:s0] =	ssyncset.done $0x0  }
0x184: {  	s9 =	sadd.s32 $0x2800, s5;
	[sflag:s0] =	ssyncadd.s32 $0xFFFFE000  }
0x185: {  	[hbm4b:s9+s1] =	stream.linear.scatter [tilespmem:s21], [sflag:$0x3], $0x4000, $0x38;
	[tilespmem:$0x1C880] =	vst v63  }
0x186: {  	_ =	swait.ge [sflag:s10], $0x4000  }
0x187: {  	[sflag:s10] =	ssyncset.done $0x0  }
0x188: {  	[sflag:s10] =	ssyncadd.s32 $0xFFFFC000  }
0x189: {  	v3 =	vld [tilespmem:$0x700];
	_ =	sdelay $0x4  }
0x18a: {  	v60 =	vshll.u32 v3, $0x1  }
0x18b: {  	v3 =	vand.u32 $0x7, v3;
	v4 =	vand.u32 $0xFFFFFFF0, v60  }
0x18c: {  	v3 =	vor.u32 v3, v4  }
0x18d: {  	v4 =	vperm.xlane v3, v0;
	_ =	sdelay $0x1  }
0x18e: {  	v3 =	vperm.xlane v3, v2;
	v4 =	vadd.s32 v1, v4;
	_ =	sdelay $0x1  }
0x18f: {  	v3 =	vadd.s32 v1, v3;
	_ =	sdelay $0x2  }
0x190: {  	[tilespmem:s21], [sflag:$0x1] =	stream.indirect_vreg.gather [hbm4b:s3+s1], $0x80, v4, vm0, $0xb8;
	[tilespmem:$0x1C880] =	vst v63  }
0x191: {  	_ = 	snop  }
0x192: {  	[tilespmem:s22], [sflag:$0x1] =	stream.indirect_vreg.gather [hbm4b:s3+s1], $0x80, v3, vm0, $0xb8;
	[tilespmem:$0x1C880] =	vst v63  }
0x193: {  	v3 =	vld [tilespmem:$0x710];
	_ =	sdelay $0x4  }
0x194: {  	v61 =	vshll.u32 v3, $0x1  }
0x195: {  	v3 =	vand.u32 $0x7, v3;
	v4 =	vand.u32 $0xFFFFFFF0, v61  }
0x196: {  	v3 =	vor.u32 v3, v4  }
0x197: {  	v4 =	vperm.xlane v3, v0;
	_ =	sdelay $0x1  }
0x198: {  	v3 =	vperm.xlane v3, v2;
	v4 =	vadd.s32 v1, v4;
	_ =	sdelay $0x1  }
0x199: {  	v3 =	vadd.s32 v1, v3;
	_ =	sdelay $0x2  }
0x19a: {  	[tilespmem:s23], [sflag:$0x1] =	stream.indirect_vreg.gather [hbm4b:s3+s1], $0x80, v4, vm0, $0xb8;
	[tilespmem:$0x1C880] =	vst v63  }
0x19b: {  	_ = 	snop  }
0x19c: {  	[tilespmem:s24], [sflag:$0x1] =	stream.indirect_vreg.gather [hbm4b:s3+s1], $0x80, v3, vm0, $0xb8;
	[tilespmem:$0x1C880] =	vst v63  }
0x19d: {  	v3 =	vld [tilespmem:$0x720];
	_ =	sdelay $0x4  }
0x19e: {  	v62 =	vshll.u32 v3, $0x1  }
0x19f: {  	v3 =	vand.u32 $0x7, v3;
	v4 =	vand.u32 $0xFFFFFFF0, v62  }
0x1a0: {  	v3 =	vor.u32 v3, v4  }
0x1a1: {  	v4 =	vperm.xlane v3, v0;
	_ =	sdelay $0x1  }
0x1a2: {  	v3 =	vperm.xlane v3, v2;
	v4 =	vadd.s32 v1, v4;
	_ =	sdelay $0x1  }
0x1a3: {  	v3 =	vadd.s32 v1, v3;
	_ =	sdelay $0x2  }
0x1a4: {  	[tilespmem:s25], [sflag:$0x1] =	stream.indirect_vreg.gather [hbm4b:s3+s1], $0x80, v4, vm0, $0xb8;
	[tilespmem:$0x1C880] =	vst v63  }
0x1a5: {  	_ = 	snop  }
0x1a6: {  	[tilespmem:s26], [sflag:$0x1] =	stream.indirect_vreg.gather [hbm4b:s3+s1], $0x80, v3, vm0, $0xb8;
	[tilespmem:$0x1C880] =	vst v63  }
0x1a7: {  	v3 =	vld [tilespmem:$0x730];
	_ =	sdelay $0x4  }
0x1a8: {  	v63 =	vshll.u32 v3, $0x1  }
0x1a9: {  	v3 =	vand.u32 $0x7, v3;
	v4 =	vand.u32 $0xFFFFFFF0, v63  }
0x1aa: {  	v3 =	vor.u32 v3, v4  }
0x1ab: {  	v4 =	vperm.xlane v3, v0;
	_ =	sdelay $0x1  }
0x1ac: {  	v3 =	vperm.xlane v3, v2;
	v4 =	vadd.s32 v1, v4;
	_ =	sdelay $0x1  }
0x1ad: {  	v3 =	vadd.s32 v1, v3;
	_ =	sdelay $0x2  }
0x1ae: {  	[tilespmem:s28], [sflag:$0x1] =	stream.indirect_vreg.gather [hbm4b:s3+s1], $0x80, v4, vm0, $0xb8;
	[tilespmem:$0x1C880] =	vst v63  }
0x1af: {  	_ = 	snop  }
0x1b0: {  	[tilespmem:s29], [sflag:$0x1] =	stream.indirect_vreg.gather [hbm4b:s3+s1], $0x80, v3, vm0, $0xb8;
	[tilespmem:$0x1C880] =	vst v63  }
0x1b1: {  	s9 =	rddreg [dreg:$0xb]  }
0x1b2: {  	[tilespmem:s30], [sflag:$0x2] =	stream.indirect.gather [hbm4b:s4+s19], $0x80, s9, s19, $0xb8;
	[tilespmem:$0x1C880] =	vst v63  }
0x1b3: {  	_ =	swait.ge [sflag:s31], $0x4000  }
0x1b4: {  	[sflag:s31] =	ssyncset.done $0x0  }
0x1b5: {  	[sflag:s31] =	ssyncadd.s32 $0xFFFFC000  }
0x1b6: {  	_ =	swait.ge [sflag:s0], $0x2000  }
0x1b7: {  	[sflag:s0] =	ssyncset.done $0x0  }
0x1b8: {  	s9 =	sadd.s32 $0x3000, s5;
	[sflag:s0] =	ssyncadd.s32 $0xFFFFE000  }
0x1b9: {  	[hbm4b:s9+s1] =	stream.linear.scatter [tilespmem:s11], [sflag:$0x3], $0x4000, $0x38;
	[tilespmem:$0x1C880] =	vst v63  }
0x1ba: {  	_ =	swait.ge [sflag:s10], $0x4000  }
0x1bb: {  	[sflag:s10] =	ssyncset.done $0x0  }
0x1bc: {  	[sflag:s10] =	ssyncadd.s32 $0xFFFFC000  }
0x1bd: {  	_ =	swait.ge [sflag:s31], $0x4000  }
0x1be: {  	[sflag:s31] =	ssyncset.done $0x0  }
0x1bf: {  	[sflag:s31] =	ssyncadd.s32 $0xFFFFC000  }
0x1c0: {  	_ =	swait.ge [sflag:s0], $0x2000  }
0x1c1: {  	p0 =	sne.s32 s6, $0x3C000;
	[sflag:s0] =	ssyncset.done $0x0  }
.Ltmp0:
0x1c2: {  	s5 =	sadd.s32 $0x3800, s5;
	[sflag:s0] =	ssyncadd.s32 $0xFFFFE000;
	(pc) =	sbr.rel @p0 .LBB2_2-.Ltmp0, $4  }
0x1c3: {  	[hbm4b:s5+s1] =	stream.linear.scatter [tilespmem:s21], [sflag:$0x3], $0x4000, $0x38;
	[tilespmem:$0x1C880] =	vst v63  }
0x1c4: {  	_ =	swait.ge [sflag:s10], $0x4000  }
0x1c5: {  	s8 =	sadd.s32 $0x100, s8;
	[sflag:s10] =	ssyncset.done $0x0  }
0x1c6: {  	s7 =	sadd.s32 $0x2000, s7;
	s6 =	sadd.s32 $0x4000, s6;
	[sflag:s10] =	ssyncadd.s32 $0xFFFFC000  }
0x1c7: {  	s2 =	sadd.s32 $0x1, s2;
	s5 =	rddreg [dreg:$0xd]  }
0x1c8: {  	p0 =	sne.s32 s2, s5  }
.Ltmp1:
0x1c9: {  	_ = 	snop;
	(pc) =	sbr.rel @p0 .LBB2_1-.Ltmp1, $1  }
0x1ca: {  	_ =	sdelay $0x3  }
0x1cb: {  	_ =	sfence.sel $0x180000  }
0x1cc: {  	[bflag:$0x0] =	sbarrier.arrive $0xFFFF  }
0x1cd: {  	_ =	strace $0x90000047  }
0x1ce: {  	s0 =	stileid.u32;
	[bflag:$0x2] =	sbarrier.arrive $0xFFFF  }
0x1cf: {  	p0 =	sne.s32 s0, $0x0;
	s0 =	rddreg [dreg:$0x1]  }
0x1d0: {  	s0 =	sadd.s32 @!p0 $0x100000, s0  }
0x1d1: {  	[sflag:s0] =	ssyncadd.tile.s32 @!p0 $0x1;
	_ =	shalt  }
.Lfunc_end2:
_tile_overlayer_lowered:
.L_overlay_start_2:
0x1d2: {  	(tag) =	ssettag $0x2  }
0x1d3: {  	s0 =	rddreg [dreg:$0x0];
	s2 =	stileid.u32  }
0x1d4: {  	s1 =	rddreg [dreg:$0x1];
	p0 =	sne.s32 s2, $0x0  }
0x1d5: {  	s3 =	rddreg [dreg:$0x2];
	[bflag:$0x3] =	sbarrier.arrive $0xFFFF;
	s2 =	simm.s32 @!p0 $0x1C03  }
0x1d6: {  	[timem:s3], [sflag:s2] =	dma.local @!p0 [hbm:s0], s1  }
0x1d7: {  	s0 =	simm.s32 @!p0 $0x3  }
0x1d8: {  	_ =	swait.ge @!p0 [sflag:s0], s1  }
0x1d9: {  	s1 =	ssub.s32 @!p0 $0x0, s1;
	[sflag:s0] =	ssyncset.done @!p0 $0x0  }
0x1da: {  	[sflag:s0] =	ssyncadd.s32 @!p0 s1  }
0x1db: {  	[bflag:$0x3] =	sbarrier.arrive $0xFFFF  }
0x1dc: {  	_ =	shalt  }

</sc_bundles>
